<compile_context>
chip_gen: v7x
topology: tpu7x:2x2x1
jax: 0.10.2.dev20260603
libtpu: 0.0.44.dev20260713+nightly
codegen_flags: <defaults>
</compile_context>

<pallas_src>
import functools

import jax
import jax.numpy as jnp
from jax import lax
from jax.experimental import pallas as pl
from jax.experimental.pallas import tpu as pltpu
from jax.experimental.pallas import tpu_sc as plsc

_N = 10000
_NP = 10240
_E = 640000
_H = 128
_G = 512

_NC = 2
_NS = 16
_NW = _NC * _NS

_CS = 160
_CG = 160
_CX = 400

_GP = 640
_BE = 1024
_BN = 1000

_sc_mesh = plsc.VectorSubcoreMesh(core_axis_name="c", subcore_axis_name="s")



def _gather_pipe(table, row_hbm, out_hbm, base, nch, csz,
                 idx, rows, isem, gsem, ssem):

    def istart(c, b):
        pltpu.async_copy(row_hbm.at[pl.ds(base + c * csz, csz)], idx[b], isem[b])

    def iwait(b):
        pltpu.make_async_copy(row_hbm.at[pl.ds(base, csz)], idx[b], isem[b]).wait()

    def swait(b):
        pltpu.make_async_copy(rows[b], out_hbm.at[pl.ds(base, csz), :], ssem[b]).wait()

    def halfstep(c, b, k2):
        @pl.when(c < nch)
        def _():
            iwait(b)
            @pl.when(k2 >= 1)
            def _():
                swait(b)
            pltpu.async_copy(table.at[idx[b]], rows[b], gsem).wait()
            @pl.when(c + 2 < nch)
            def _():
                istart(c + 2, b)
            pltpu.async_copy(rows[b], out_hbm.at[pl.ds(base + c * csz, csz), :],
                             ssem[b])

    istart(0, 0)
    @pl.when(nch > 1)
    def _():
        istart(1, 1)

    def body(k2, _):
        halfstep(2 * k2, 0, k2)
        halfstep(2 * k2 + 1, 1, k2)
        return _

    lax.fori_loop(0, (nch + 1) // 2, body, 0)
    swait(0)
    @pl.when(nch > 1)
    def _():
        swait(1)


def _scatter_pipe(h_hbm, col_hbm, table_sh, base, nch, csz,
                  idx, rows, isem):

    def start(c, b):
        off = base + c * csz
        pltpu.async_copy(col_hbm.at[pl.ds(off, csz)], idx[b], isem[b])
        pltpu.async_copy(h_hbm.at[pl.ds(off, csz), :], rows[b], isem[b])

    def wait(b):
        pltpu.make_async_copy(col_hbm.at[pl.ds(base, csz)], idx[b], isem[b]).wait()
        pltpu.make_async_copy(h_hbm.at[pl.ds(base, csz), :], rows[b], isem[b]).wait()

    def halfstep(c, b):
        @pl.when(c < nch)
        def _():
            wait(b)
            pltpu.sync_copy(rows[b], table_sh.at[idx[b]], add=True)
            @pl.when(c + 2 < nch)
            def _():
                start(c + 2, b)

    start(0, 0)
    @pl.when(nch > 1)
    def _():
        start(1, 1)

    def body(k2, _):
        halfstep(2 * k2, 0)
        halfstep(2 * k2 + 1, 1)
        return _

    lax.fori_loop(0, (nch + 1) // 2, body, 0)


def _gather_x_body(x_hbm, row_hbm, out_hbm, idx0, idx1, rows0, rows1,
                   isem0, isem1, gsem, ssem0, ssem1):
    wid = lax.axis_index("s") * _NC + lax.axis_index("c")
    per_w = _E // _NW
    _gather_pipe(x_hbm, row_hbm, out_hbm, wid * per_w, per_w // _CX, _CX,
                 (idx0, idx1), (rows0, rows1), (isem0, isem1), gsem,
                 (ssem0, ssem1))


_gather_x = functools.partial(
    pl.kernel,
    out_type=jax.ShapeDtypeStruct((_E, _H), jnp.float32),
    mesh=_sc_mesh,
    scratch_types=[
        pltpu.VMEM((_CX,), jnp.int32),
        pltpu.VMEM((_CX,), jnp.int32),
        pltpu.VMEM((_CX, _H), jnp.float32),
        pltpu.VMEM((_CX, _H), jnp.float32),
        pltpu.SemaphoreType.DMA,
        pltpu.SemaphoreType.DMA,
        pltpu.SemaphoreType.DMA,
        pltpu.SemaphoreType.DMA,
        pltpu.SemaphoreType.DMA,
    ],
)(_gather_x_body)


def _sc_layer_body(h_hbm, col_hbm, row_hbm, zeros_hbm, m_hbm,
                   table_sh, idx0, idx1, rows0, rows1,
                   isem0, isem1, gsem, ssem0, ssem1):
    cid = lax.axis_index("c")
    sid = lax.axis_index("s")

    rows_per_tile = _NP // _NS
    pltpu.sync_copy(zeros_hbm.at[pl.ds(sid * rows_per_tile, rows_per_tile), :],
                    table_sh.at[pl.ds(sid * rows_per_tile, rows_per_tile), :])
    plsc.subcore_barrier()

    per_tile = _E // _NS
    _scatter_pipe(h_hbm, col_hbm, table_sh, sid * per_tile, per_tile // _CS,
                  _CS, (idx0, idx1), (rows0, rows1), (isem0, isem1))
    plsc.subcore_barrier()

    wid = sid * _NC + cid
    per_w = _E // _NW
    _gather_pipe(table_sh, row_hbm, m_hbm, wid * per_w, per_w // _CG, _CG,
                 (idx0, idx1), (rows0, rows1), (isem0, isem1), gsem,
                 (ssem0, ssem1))


_sc_layer = functools.partial(
    pl.kernel,
    out_type=jax.ShapeDtypeStruct((_E, _H), jnp.float32),
    mesh=_sc_mesh,
    scratch_types=[
        pltpu.VMEM_SHARED((_NP, _H), jnp.float32),
        pltpu.VMEM((_CS,), jnp.int32),
        pltpu.VMEM((_CS,), jnp.int32),
        pltpu.VMEM((_CS, _H), jnp.float32),
        pltpu.VMEM((_CS, _H), jnp.float32),
        pltpu.SemaphoreType.DMA,
        pltpu.SemaphoreType.DMA,
        pltpu.SemaphoreType.DMA,
        pltpu.SemaphoreType.DMA,
        pltpu.SemaphoreType.DMA,
    ],
)(_sc_layer_body)


def _sc_scatter_body(h_hbm, col_hbm, zeros_hbm, out_hbm, table_sh,
                     idx0, idx1, rows0, rows1, isem0, isem1):
    cid = lax.axis_index("c")
    sid = lax.axis_index("s")

    rows_per_tile = _NP // _NS
    pltpu.sync_copy(zeros_hbm.at[pl.ds(sid * rows_per_tile, rows_per_tile), :],
                    table_sh.at[pl.ds(sid * rows_per_tile, rows_per_tile), :])
    plsc.subcore_barrier()

    wid = sid * _NC + cid
    per_w = _E // _NW
    _scatter_pipe(h_hbm, col_hbm, table_sh, wid * per_w, per_w // _CS, _CS,
                  (idx0, idx1), (rows0, rows1), (isem0, isem1))
    plsc.subcore_barrier()

    pltpu.sync_copy(table_sh.at[pl.ds(sid * rows_per_tile, rows_per_tile), :],
                    out_hbm.at[cid, pl.ds(sid * rows_per_tile, rows_per_tile), :])


def _sc_gather2_body(p_hbm, row_hbm, m_hbm, table_sh,
                     idx0, idx1, rows0, rows1,
                     isem0, isem1, gsem, ssem0, ssem1):
    cid = lax.axis_index("c")
    sid = lax.axis_index("s")
    rpt = _NP // _NS

    lane = lax.iota(jnp.int32, 16)

    def cstep(j, _):
        off = sid * rpt + j * _CS
        pltpu.sync_copy(p_hbm.at[0, pl.ds(off, _CS), :],
                        table_sh.at[pl.ds(off, _CS), :])
        pltpu.sync_copy(p_hbm.at[1, pl.ds(off, _CS), :], rows1)

        def fill(t, _2):
            idx0[pl.ds(t * 16, 16)] = off + t * 16 + lane
            return _2

        lax.fori_loop(0, _CS // 16, fill, 0)
        pltpu.sync_copy(rows1, table_sh.at[idx0], add=True)
        return _

    lax.fori_loop(0, rpt // _CS, cstep, 0)
    plsc.subcore_barrier()

    wid = sid * _NC + cid
    per_w = _E // _NW
    _gather_pipe(table_sh, row_hbm, m_hbm, wid * per_w, per_w // _CG, _CG,
                 (idx0, idx1), (rows0, rows1), (isem0, isem1), gsem,
                 (ssem0, ssem1))


_sc_gather2 = functools.partial(
    pl.kernel,
    out_type=jax.ShapeDtypeStruct((_E, _H), jnp.float32),
    mesh=_sc_mesh,
    scratch_types=[
        pltpu.VMEM_SHARED((_NP, _H), jnp.float32),
        pltpu.VMEM((_CS,), jnp.int32),
        pltpu.VMEM((_CS,), jnp.int32),
        pltpu.VMEM((_CS, _H), jnp.float32),
        pltpu.VMEM((_CS, _H), jnp.float32),
        pltpu.SemaphoreType.DMA,
        pltpu.SemaphoreType.DMA,
        pltpu.SemaphoreType.DMA,
        pltpu.SemaphoreType.DMA,
        pltpu.SemaphoreType.DMA,
    ],
)(_sc_gather2_body)


_sc_scatter = functools.partial(
    pl.kernel,
    out_type=jax.ShapeDtypeStruct((_NC, _NP, _H), jnp.float32),
    mesh=_sc_mesh,
    scratch_types=[
        pltpu.VMEM_SHARED((_NP, _H), jnp.float32),
        pltpu.VMEM((_CS,), jnp.int32),
        pltpu.VMEM((_CS,), jnp.int32),
        pltpu.VMEM((_CS, _H), jnp.float32),
        pltpu.VMEM((_CS, _H), jnp.float32),
        pltpu.SemaphoreType.DMA,
        pltpu.SemaphoreType.DMA,
    ],
)(_sc_scatter_body)


def _sc_pool_body(hn_hbm, bat_hbm, zeros_hbm, out_hbm, table_sh,
                  idx0, idx1, rows0, rows1, isem0, isem1):
    cid = lax.axis_index("c")
    sid = lax.axis_index("s")

    rpt = _GP // _NS
    pltpu.sync_copy(zeros_hbm.at[pl.ds(sid * rpt, rpt), :],
                    table_sh.at[pl.ds(sid * rpt, rpt), :])
    plsc.subcore_barrier()

    wid = sid * _NC + cid
    per_w = _NP // _NW
    _scatter_pipe(hn_hbm, bat_hbm, table_sh, wid * per_w, per_w // _CS, _CS,
                  (idx0, idx1), (rows0, rows1), (isem0, isem1))
    plsc.subcore_barrier()

    pltpu.sync_copy(table_sh.at[pl.ds(sid * rpt, rpt), :],
                    out_hbm.at[cid, pl.ds(sid * rpt, rpt), :])


_sc_pool = functools.partial(
    pl.kernel,
    out_type=jax.ShapeDtypeStruct((_NC, _GP, _H), jnp.float32),
    mesh=_sc_mesh,
    scratch_types=[
        pltpu.VMEM_SHARED((_GP, _H), jnp.float32),
        pltpu.VMEM((_CS,), jnp.int32),
        pltpu.VMEM((_CS,), jnp.int32),
        pltpu.VMEM((_CS, _H), jnp.float32),
        pltpu.VMEM((_CS, _H), jnp.float32),
        pltpu.SemaphoreType.DMA,
        pltpu.SemaphoreType.DMA,
    ],
)(_sc_pool_body)



def _edge_init_body(xg_ref, ea_ref, w_ref, b_ref, out_ref):
    q = jnp.concatenate([xg_ref[...], ea_ref[...]], axis=1)
    acc = jnp.dot(q, w_ref[...], preferred_element_type=jnp.float32)
    out_ref[...] = jnp.maximum(acc + b_ref[...], 0.0)


def _conv_body(m_ref, h_ref, h0_ref, w_ref, b_ref, out_ref):
    h = h_ref[...]
    up = pltpu.roll(h, _BE - 1, 0)
    dn = pltpu.roll(h, 1, 0)
    par = lax.broadcasted_iota(jnp.int32, h.shape, 0) % 2
    rev = jnp.where(par == 0, up, dn)
    t = m_ref[...] - rev
    acc = jnp.dot(t, w_ref[...], preferred_element_type=jnp.float32)
    out_ref[...] = jnp.maximum(acc + b_ref[...] + h0_ref[...], 0.0)


def _hn_body(x_ref, p0_ref, p1_ref, w_ref, be_ref, out_ref):
    s = p0_ref[...] + p1_ref[...]
    q = jnp.concatenate([x_ref[...], s], axis=1)
    acc = jnp.dot(q, w_ref[...], preferred_element_type=jnp.float32)
    out_ref[...] = jnp.maximum(acc + be_ref[...], 0.0)


def _out_body(a_ref, b_ref, wf_ref, bff_ref, out_ref):
    pooled = a_ref[...] + b_ref[...]
    out_ref[...] = (jnp.dot(pooled, wf_ref[...],
                            preferred_element_type=jnp.float32) + bff_ref[...])


def _edge_block(i):
    return (i, 0)


def _fixed(i):
    return (0, 0)


_eb_spec = pl.BlockSpec((_BE, _H), _edge_block)


def _tc_edge_init(xg, ea, w, b):
    return pl.pallas_call(
        _edge_init_body,
        grid=(_E // _BE,),
        in_specs=[
            _eb_spec,
            pl.BlockSpec((_BE, 16), _edge_block),
            pl.BlockSpec((_H + 16, _H), _fixed),
            pl.BlockSpec((1, _H), _fixed),
        ],
        out_specs=_eb_spec,
        out_shape=jax.ShapeDtypeStruct((_E, _H), jnp.float32),
    )(xg, ea, w, b)


def _tc_conv(m, h, h0, w, b):
    return pl.pallas_call(
        _conv_body,
        grid=(_E // _BE,),
        in_specs=[
            _eb_spec, _eb_spec, _eb_spec,
            pl.BlockSpec((_H, _H), _fixed),
            pl.BlockSpec((1, _H), _fixed),
        ],
        out_specs=_eb_spec,
        out_shape=jax.ShapeDtypeStruct((_E, _H), jnp.float32),
    )(m, h, h0, w, b)


def _tc_hn(x, p0, p1, w, be):
    return pl.pallas_call(
        _hn_body,
        grid=(_NP // _BE,),
        in_specs=[
            _eb_spec, _eb_spec, _eb_spec,
            pl.BlockSpec((2 * _H, _H), _fixed),
            pl.BlockSpec((1, _H), _fixed),
        ],
        out_specs=_eb_spec,
        out_shape=jax.ShapeDtypeStruct((_NP, _H), jnp.float32),
    )(x, p0, p1, w, be)


def _tc_out(a, b, wf, bff):
    out = pl.pallas_call(
        _out_body,
        grid=(1,),
        in_specs=[
            pl.BlockSpec((_G, _H), _fixed),
            pl.BlockSpec((_G, _H), _fixed),
            pl.BlockSpec((_H, 1), _fixed),
            pl.BlockSpec((1, 1), _fixed),
        ],
        out_specs=pl.BlockSpec((_G, 1), _fixed),
        out_shape=jax.ShapeDtypeStruct((_G, 1), jnp.float32),
    )(a, b, wf, bff)
    return out.reshape(_G)



def kernel(x, edge_index, edge_attr, batch,
           W_edge_init, b_edge_init,
           W_conv0, b_conv0, W_conv1, b_conv1, W_conv2, b_conv2,
           W_e2n, b_e2n, W_ffn, b_ffn):
    row = edge_index[0]
    col = edge_index[1]
    zeros_n = jnp.zeros((_NP, _H), jnp.float32)

    be0 = b_edge_init.reshape(1, _H)

    x_pad = jnp.concatenate(
        [x, jnp.zeros((_NP - _N, _H), jnp.float32)], axis=0)
    xg = _sc_gather2(jnp.stack([x_pad, jnp.zeros((_NP, _H), jnp.float32)]), row)
    h0 = _tc_edge_init(xg, edge_attr, W_edge_init.T, be0)

    h = h0
    for w, b in ((W_conv0, b_conv0), (W_conv1, b_conv1), (W_conv2, b_conv2)):
        parts_l = _sc_scatter(h, col, zeros_n)
        m = _sc_gather2(parts_l, row)
        h = _tc_conv(m, h, h0, w.T, b.reshape(1, _H))

    parts = _sc_scatter(h, col, zeros_n)

    hn = _tc_hn(x_pad, parts[0], parts[1], W_e2n.T, b_e2n.reshape(1, _H))
    batch_pad = jnp.concatenate(
        [batch, jnp.full((_NP - _N,), _G, jnp.int32)])
    pparts = _sc_pool(hn, batch_pad, jnp.zeros((_GP, _H), jnp.float32))
    out = _tc_out(pparts[0, :_G], pparts[1, :_G], W_ffn.reshape(_H, 1),
                  b_ffn.reshape(1, 1))
    return out

# --- scband reference (transcript-rebuilt; emitter-appended) ---
"""Pipeline reference for scband-gnn-72121090835168 (READ-ONLY COPY).

The authoritative reference and input builder live on the scoring server;
editing this copy changes nothing except your own understanding.
"""

import jax, jax.numpy as jnp
import numpy as np

N = 10000
E = 640000
F_NODE = 128
F_EDGE = 16
H = 128
G = 512
DEPTH = 3


def setup_inputs(seed: int = 0) -> dict:
    key = jax.random.key(seed)
    ks = jax.random.split(key, 16)
    x = jax.random.normal(ks[0], (N, F_NODE), dtype=jnp.float32)
    edge_index = jax.random.randint(ks[1], (2, E), 0, N, dtype=jnp.int32)
    edge_attr = jax.random.normal(ks[2], (E, F_EDGE), dtype=jnp.float32)
    batch = jnp.sort(jax.random.randint(ks[3], (N,), 0, G, dtype=jnp.int32))
    s = 0.05
    W_edge_init = jax.random.normal(ks[4], (H, F_NODE + F_EDGE), dtype=jnp.float32) * s
    b_edge_init = jnp.zeros((H,), dtype=jnp.float32)
    W_conv0 = jax.random.normal(ks[5], (H, H), dtype=jnp.float32) * s
    b_conv0 = jnp.zeros((H,), dtype=jnp.float32)
    W_conv1 = jax.random.normal(ks[6], (H, H), dtype=jnp.float32) * s
    b_conv1 = jnp.zeros((H,), dtype=jnp.float32)
    W_conv2 = jax.random.normal(ks[7], (H, H), dtype=jnp.float32) * s
    b_conv2 = jnp.zeros((H,), dtype=jnp.float32)
    W_e2n = jax.random.normal(ks[8], (H, F_NODE + H), dtype=jnp.float32) * s
    b_e2n = jnp.zeros((H,), dtype=jnp.float32)
    W_ffn = jax.random.normal(ks[9], (1, H), dtype=jnp.float32) * s
    b_ffn = jnp.zeros((1,), dtype=jnp.float32)
    return {
        "x": x, "edge_index": edge_index, "edge_attr": edge_attr, "batch": batch,
        "W_edge_init": W_edge_init, "b_edge_init": b_edge_init,
        "W_conv0": W_conv0, "b_conv0": b_conv0,
        "W_conv1": W_conv1, "b_conv1": b_conv1,
        "W_conv2": W_conv2, "b_conv2": b_conv2,
        "W_e2n": W_e2n, "b_e2n": b_e2n,
        "W_ffn": W_ffn, "b_ffn": b_ffn,
    }


def reference(x, edge_index, edge_attr, batch,
              W_edge_init, b_edge_init,
              W_conv0, b_conv0, W_conv1, b_conv1, W_conv2, b_conv2,
              W_e2n, b_e2n, W_ffn, b_ffn):
    row = edge_index[0]
    col = edge_index[1]
    # edge_init: h_0 = relu(Linear(cat([x[row], edge_attr])))
    h0 = jax.nn.relu(jnp.concatenate([x[row], edge_attr], axis=1) @ W_edge_init.T + b_edge_init)
    h = h0
    convs = [(W_conv0, b_conv0), (W_conv1, b_conv1), (W_conv2, b_conv2)]
    for (W, b) in convs:
        # DMPNNConv with aggr='add': a_message[n] = sum of edge_attr over edges with dst n
        a_message = jax.ops.segment_sum(h, col, num_segments=N)
        # reverse-edge message: flip within consecutive pairs
        rev = h.reshape(E // 2, 2, -1)[:, ::-1, :].reshape(E, -1)
        h_new = (a_message[row] - rev) @ W.T + b
        # residual with h_0, relu (dropout p=0.0 -> identity)
        h = jax.nn.relu(h_new + h0)
    # final conv call: only a_message (s) is used
    s = jax.ops.segment_sum(h, col, num_segments=N)
    q = jnp.concatenate([x, s], axis=1)
    hn = jax.nn.relu(q @ W_e2n.T + b_e2n)
    # global_add_pool over batch segment ids
    pooled = jax.ops.segment_sum(hn, batch, num_segments=G)
    out = (pooled @ W_ffn.T + b_ffn).squeeze(-1)
    return out

if __name__ == "__main__":
    import jax
    _d = setup_inputs()
    print(jax.jit(kernel)(*tuple(_d.values())))

</pallas_src>

<mosaic_0001>
#map = affine_map<(d0, d1) -> (0, 0)>
#map1 = affine_map<(d0, d1) -> (0)>
#map2 = affine_map<(d0, d1) -> (0, 0, 0)>
module attributes {stable_mosaic.version = 14 : i64} {
  func.func @_sc_scatter_body(%arg0: i32, %arg1: i32, %arg2: memref<640000x128xf32, #tpu.memory_space<hbm>>, %arg3: memref<640000xi32, #tpu.memory_space<hbm>>, %arg4: memref<10240x128xf32, #tpu.memory_space<hbm>>, %arg5: memref<2x10240x128xf32, #tpu.memory_space<hbm>>, %arg6: memref<10240x128xf32, #tpu.memory_space<vmem_shared>>, %arg7: memref<160xi32, #tpu.memory_space<vmem>>, %arg8: memref<160xi32, #tpu.memory_space<vmem>>, %arg9: memref<160x128xf32, #tpu.memory_space<vmem>>, %arg10: memref<160x128xf32, #tpu.memory_space<vmem>>, %arg11: memref<!tpu.dma_semaphore, #tpu.memory_space<semaphore_mem>>, %arg12: memref<!tpu.dma_semaphore, #tpu.memory_space<semaphore_mem>>) attributes {dimension_semantics = [#tpu.dimension_semantics<core_parallel>, #tpu.dimension_semantics<subcore_parallel>], iteration_bounds = array<i64: 2, 16>, scalar_prefetch = 0 : i64, scratch_operands = 7 : i64, tpu.core_type = #tpu.core_type<sc_vector_subcore>, window_params = [{transform_indices = #map}, {transform_indices = #map1}, {transform_indices = #map}, {transform_indices = #map2}]} {
    %mul3A = arith.constant 640 : i32
    %mul3A_0 = arith.muli %arg1, %mul3A : i32
    %mul3A_1 = arith.constant 640 : i32
    %mul3A_2 = arith.muli %arg1, %mul3A_1 : i32
    "tpu.region"() ({
      %run_scoped3A = tpu.sem_alloc : memref<!tpu.dma_semaphore, #tpu.memory_space<semaphore_mem>>
      %dma_start3A_32 = arith.constant 0 : i32
      %dma_start3A_33 = tpu.memref_slice %arg6[%mul3A_2, %dma_start3A_32] : memref<10240x128xf32, #tpu.memory_space<vmem_shared>> -> memref<640x128xf32, #tpu.memory_space<vmem_shared>>
      %dma_start3A_34 = arith.constant 0 : i32
      %dma_start3A_35 = tpu.memref_slice %arg4[%mul3A_0, %dma_start3A_34] : memref<10240x128xf32, #tpu.memory_space<hbm>> -> memref<640x128xf32, #tpu.memory_space<hbm>>
      tpu.enqueue_dma source(%dma_start3A_35 : memref<640x128xf32, #tpu.memory_space<hbm>>) target(%dma_start3A_33 : memref<640x128xf32, #tpu.memory_space<vmem_shared>>) target_semaphore(%run_scoped3A : memref<!tpu.dma_semaphore, #tpu.memory_space<semaphore_mem>>)
      %dma_wait3A = arith.constant 0 : i32
      %dma_wait3A_36 = tpu.memref_slice %arg6[%mul3A_2, %dma_wait3A] : memref<10240x128xf32, #tpu.memory_space<vmem_shared>> -> memref<640x128xf32, #tpu.memory_space<vmem_shared>>
      %dma_wait3A_37 = arith.constant 0 : i32
      %dma_wait3A_38 = tpu.memref_slice %arg4[%mul3A_0, %dma_wait3A_37] : memref<10240x128xf32, #tpu.memory_space<hbm>> -> memref<640x128xf32, #tpu.memory_space<hbm>>
      tpu.wait_dma2 semaphore(%run_scoped3A : memref<!tpu.dma_semaphore, #tpu.memory_space<semaphore_mem>>) src(%dma_wait3A_38 : memref<640x128xf32, #tpu.memory_space<hbm>>) dst(%dma_wait3A_36 : memref<640x128xf32, #tpu.memory_space<vmem_shared>>)
      tpu.yield
    }) : () -> ()
    %barrier3A = arith.constant 0 : index
    tpu.barrier barrier_id(%barrier3A)
    %mul3A_3 = arith.constant 2 : i32
    %mul3A_4 = arith.muli %arg1, %mul3A_3 : i32
    %add3A = arith.addi %mul3A_4, %arg0 : i32
    %mul3A_5 = arith.constant 20000 : i32
    %mul3A_6 = arith.muli %add3A, %mul3A_5 : i32
    %add3A_7 = arith.constant 0 : i32
    %add3A_8 = arith.addi %mul3A_6, %add3A_7 : i32
    %dma_start3A = tpu.memref_slice %arg3[%add3A_8] : memref<640000xi32, #tpu.memory_space<hbm>> -> memref<160xi32, #tpu.memory_space<hbm>>
    %dma_start3A_9 = tpu.memref_slice %arg3[%add3A_8] : memref<640000xi32, #tpu.memory_space<hbm>> -> memref<160xi32, #tpu.memory_space<hbm>>
    tpu.enqueue_dma source(%dma_start3A_9 : memref<160xi32, #tpu.memory_space<hbm>>) target(%arg7 : memref<160xi32, #tpu.memory_space<vmem>>) target_semaphore(%arg11 : memref<!tpu.dma_semaphore, #tpu.memory_space<semaphore_mem>>)
    %dma_start3A_10 = arith.constant 0 : i32
    %dma_start3A_11 = tpu.memref_slice %arg2[%add3A_8, %dma_start3A_10] : memref<640000x128xf32, #tpu.memory_space<hbm>> -> memref<160x128xf32, #tpu.memory_space<hbm>>
    %dma_start3A_12 = arith.constant 0 : i32
    %dma_start3A_13 = tpu.memref_slice %arg2[%add3A_8, %dma_start3A_12] : memref<640000x128xf32, #tpu.memory_space<hbm>> -> memref<160x128xf32, #tpu.memory_space<hbm>>
    tpu.enqueue_dma source(%dma_start3A_13 : memref<160x128xf32, #tpu.memory_space<hbm>>) target(%arg9 : memref<160x128xf32, #tpu.memory_space<vmem>>) target_semaphore(%arg11 : memref<!tpu.dma_semaphore, #tpu.memory_space<semaphore_mem>>)
    %add3A_14 = arith.constant 160 : i32
    %add3A_15 = arith.addi %mul3A_6, %add3A_14 : i32
    %dma_start3A_16 = tpu.memref_slice %arg3[%add3A_15] : memref<640000xi32, #tpu.memory_space<hbm>> -> memref<160xi32, #tpu.memory_space<hbm>>
    %dma_start3A_17 = tpu.memref_slice %arg3[%add3A_15] : memref<640000xi32, #tpu.memory_space<hbm>> -> memref<160xi32, #tpu.memory_space<hbm>>
    tpu.enqueue_dma source(%dma_start3A_17 : memref<160xi32, #tpu.memory_space<hbm>>) target(%arg8 : memref<160xi32, #tpu.memory_space<vmem>>) target_semaphore(%arg12 : memref<!tpu.dma_semaphore, #tpu.memory_space<semaphore_mem>>)
    %dma_start3A_18 = arith.constant 0 : i32
    %dma_start3A_19 = tpu.memref_slice %arg2[%add3A_15, %dma_start3A_18] : memref<640000x128xf32, #tpu.memory_space<hbm>> -> memref<160x128xf32, #tpu.memory_space<hbm>>
    %dma_start3A_20 = arith.constant 0 : i32
    %dma_start3A_21 = tpu.memref_slice %arg2[%add3A_15, %dma_start3A_20] : memref<640000x128xf32, #tpu.memory_space<hbm>> -> memref<160x128xf32, #tpu.memory_space<hbm>>
    tpu.enqueue_dma source(%dma_start3A_21 : memref<160x128xf32, #tpu.memory_space<hbm>>) target(%arg10 : memref<160x128xf32, #tpu.memory_space<vmem>>) target_semaphore(%arg12 : memref<!tpu.dma_semaphore, #tpu.memory_space<semaphore_mem>>)
    %scan3A = arith.constant 0 : i32
    %scan3A_22 = arith.constant 0 : i32
    %scan3A_23 = arith.constant 63 : i32
    %scan3A_24 = arith.addi %scan3A_22, %scan3A_23 : i32
    %scan3A_25 = arith.constant 1 : i32
    scf.for %scan3A_32 = %scan3A_22 to %scan3A_24 step %scan3A_25  : i32 {
      %mul3A_33 = arith.constant 2 : i32
      %mul3A_34 = arith.muli %mul3A_33, %scan3A_32 : i32
      %lt3A = arith.constant 125 : i32
      %lt3A_35 = arith.cmpi slt, %mul3A_34, %lt3A : i32
      %convert_element_type3A = arith.extui %lt3A_35 : i1 to i32
      %cond3A = arith.constant 0 : i32
      %cond3A_36 = arith.cmpi ne, %convert_element_type3A, %cond3A : i32
      scf.if %cond3A_36 {
        %dma_wait3A = tpu.memref_slice %arg3[%mul3A_6] : memref<640000xi32, #tpu.memory_space<hbm>> -> memref<160xi32, #tpu.memory_space<hbm>>
        %dma_wait3A_46 = tpu.memref_slice %arg3[%mul3A_6] : memref<640000xi32, #tpu.memory_space<hbm>> -> memref<160xi32, #tpu.memory_space<hbm>>
        tpu.wait_dma2 semaphore(%arg11 : memref<!tpu.dma_semaphore, #tpu.memory_space<semaphore_mem>>) src(%dma_wait3A_46 : memref<160xi32, #tpu.memory_space<hbm>>) dst(%arg7 : memref<160xi32, #tpu.memory_space<vmem>>)
        %dma_wait3A_47 = arith.constant 0 : i32
        %dma_wait3A_48 = tpu.memref_slice %arg2[%mul3A_6, %dma_wait3A_47] : memref<640000x128xf32, #tpu.memory_space<hbm>> -> memref<160x128xf32, #tpu.memory_space<hbm>>
        %dma_wait3A_49 = arith.constant 0 : i32
        %dma_wait3A_50 = tpu.memref_slice %arg2[%mul3A_6, %dma_wait3A_49] : memref<640000x128xf32, #tpu.memory_space<hbm>> -> memref<160x128xf32, #tpu.memory_space<hbm>>
        tpu.wait_dma2 semaphore(%arg11 : memref<!tpu.dma_semaphore, #tpu.memory_space<semaphore_mem>>) src(%dma_wait3A_50 : memref<160x128xf32, #tpu.memory_space<hbm>>) dst(%arg9 : memref<160x128xf32, #tpu.memory_space<vmem>>)
        "tpu.region"() ({
          %run_scoped3A = tpu.sem_alloc : memref<!tpu.dma_semaphore, #tpu.memory_space<semaphore_mem>>
          %dma_start3A_58 = arith.constant 0 : i32
          %dma_start3A_59 = arith.constant 0 : i32
          %dma_start3A_60 = tpu.memref_slice %arg6[%dma_start3A_58, %dma_start3A_59] : memref<10240x128xf32, #tpu.memory_space<vmem_shared>> -> memref<10240x128xf32, #tpu.memory_space<vmem_shared>>
          tpu.enqueue_indirect_dma source(%arg9 : memref<160x128xf32, #tpu.memory_space<vmem>>) target(%dma_start3A_60 : memref<10240x128xf32, #tpu.memory_space<vmem_shared>>) offsets(%arg7 : memref<160xi32, #tpu.memory_space<vmem>>) semaphore(%run_scoped3A : memref<!tpu.dma_semaphore, #tpu.memory_space<semaphore_mem>>) {add = true}
          %dma_wait3A_61 = arith.constant 0 : i32
          %dma_wait3A_62 = arith.constant 0 : i32
          %dma_wait3A_63 = tpu.memref_slice %arg6[%dma_wait3A_61, %dma_wait3A_62] : memref<10240x128xf32, #tpu.memory_space<vmem_shared>> -> memref<10240x128xf32, #tpu.memory_space<vmem_shared>>
          tpu.wait_indirect_dma semaphore(%run_scoped3A : memref<!tpu.dma_semaphore, #tpu.memory_space<semaphore_mem>>) src(%arg9 : memref<160x128xf32, #tpu.memory_space<vmem>>) dst(%dma_wait3A_63 : memref<10240x128xf32, #tpu.memory_space<vmem_shared>>)
          tpu.yield
        }) : () -> ()
        %add3A_51 = arith.constant 2 : i32
        %add3A_52 = arith.addi %mul3A_34, %add3A_51 : i32
        %lt3A_53 = arith.constant 125 : i32
        %lt3A_54 = arith.cmpi slt, %add3A_52, %lt3A_53 : i32
        %convert_element_type3A_55 = arith.extui %lt3A_54 : i1 to i32
        %cond3A_56 = arith.constant 0 : i32
        %cond3A_57 = arith.cmpi ne, %convert_element_type3A_55, %cond3A_56 : i32
        scf.if %cond3A_57 {
          %add3A_58 = arith.constant 2 : i32
          %add3A_59 = arith.addi %mul3A_34, %add3A_58 : i32
          %mul3A_60 = arith.constant 160 : i32
          %mul3A_61 = arith.muli %add3A_59, %mul3A_60 : i32
          %add3A_62 = arith.addi %mul3A_6, %mul3A_61 : i32
          %dma_start3A_63 = tpu.memref_slice %arg3[%add3A_62] : memref<640000xi32, #tpu.memory_space<hbm>> -> memref<160xi32, #tpu.memory_space<hbm>>
          %dma_start3A_64 = tpu.memref_slice %arg3[%add3A_62] : memref<640000xi32, #tpu.memory_space<hbm>> -> memref<160xi32, #tpu.memory_space<hbm>>
          tpu.enqueue_dma source(%dma_start3A_64 : memref<160xi32, #tpu.memory_space<hbm>>) target(%arg7 : memref<160xi32, #tpu.memory_space<vmem>>) target_semaphore(%arg11 : memref<!tpu.dma_semaphore, #tpu.memory_space<semaphore_mem>>)
          %dma_start3A_65 = arith.constant 0 : i32
          %dma_start3A_66 = tpu.memref_slice %arg2[%add3A_62, %dma_start3A_65] : memref<640000x128xf32, #tpu.memory_space<hbm>> -> memref<160x128xf32, #tpu.memory_space<hbm>>
          %dma_start3A_67 = arith.constant 0 : i32
          %dma_start3A_68 = tpu.memref_slice %arg2[%add3A_62, %dma_start3A_67] : memref<640000x128xf32, #tpu.memory_space<hbm>> -> memref<160x128xf32, #tpu.memory_space<hbm>>
          tpu.enqueue_dma source(%dma_start3A_68 : memref<160x128xf32, #tpu.memory_space<hbm>>) target(%arg9 : memref<160x128xf32, #tpu.memory_space<vmem>>) target_semaphore(%arg11 : memref<!tpu.dma_semaphore, #tpu.memory_space<semaphore_mem>>)
        } else {
        }
      } else {
      }
      %mul3A_37 = arith.constant 2 : i32
      %mul3A_38 = arith.muli %mul3A_37, %scan3A_32 : i32
      %add3A_39 = arith.constant 1 : i32
      %add3A_40 = arith.addi %mul3A_38, %add3A_39 : i32
      %lt3A_41 = arith.constant 125 : i32
      %lt3A_42 = arith.cmpi slt, %add3A_40, %lt3A_41 : i32
      %convert_element_type3A_43 = arith.extui %lt3A_42 : i1 to i32
      %cond3A_44 = arith.constant 0 : i32
      %cond3A_45 = arith.cmpi ne, %convert_element_type3A_43, %cond3A_44 : i32
      scf.if %cond3A_45 {
        %dma_wait3A = tpu.memref_slice %arg3[%mul3A_6] : memref<640000xi32, #tpu.memory_space<hbm>> -> memref<160xi32, #tpu.memory_space<hbm>>
        %dma_wait3A_46 = tpu.memref_slice %arg3[%mul3A_6] : memref<640000xi32, #tpu.memory_space<hbm>> -> memref<160xi32, #tpu.memory_space<hbm>>
        tpu.wait_dma2 semaphore(%arg12 : memref<!tpu.dma_semaphore, #tpu.memory_space<semaphore_mem>>) src(%dma_wait3A_46 : memref<160xi32, #tpu.memory_space<hbm>>) dst(%arg8 : memref<160xi32, #tpu.memory_space<vmem>>)
        %dma_wait3A_47 = arith.constant 0 : i32
        %dma_wait3A_48 = tpu.memref_slice %arg2[%mul3A_6, %dma_wait3A_47] : memref<640000x128xf32, #tpu.memory_space<hbm>> -> memref<160x128xf32, #tpu.memory_space<hbm>>
        %dma_wait3A_49 = arith.constant 0 : i32
        %dma_wait3A_50 = tpu.memref_slice %arg2[%mul3A_6, %dma_wait3A_49] : memref<640000x128xf32, #tpu.memory_space<hbm>> -> memref<160x128xf32, #tpu.memory_space<hbm>>
        tpu.wait_dma2 semaphore(%arg12 : memref<!tpu.dma_semaphore, #tpu.memory_space<semaphore_mem>>) src(%dma_wait3A_50 : memref<160x128xf32, #tpu.memory_space<hbm>>) dst(%arg10 : memref<160x128xf32, #tpu.memory_space<vmem>>)
        "tpu.region"() ({
          %run_scoped3A = tpu.sem_alloc : memref<!tpu.dma_semaphore, #tpu.memory_space<semaphore_mem>>
          %dma_start3A_58 = arith.constant 0 : i32
          %dma_start3A_59 = arith.constant 0 : i32
          %dma_start3A_60 = tpu.memref_slice %arg6[%dma_start3A_58, %dma_start3A_59] : memref<10240x128xf32, #tpu.memory_space<vmem_shared>> -> memref<10240x128xf32, #tpu.memory_space<vmem_shared>>
          tpu.enqueue_indirect_dma source(%arg10 : memref<160x128xf32, #tpu.memory_space<vmem>>) target(%dma_start3A_60 : memref<10240x128xf32, #tpu.memory_space<vmem_shared>>) offsets(%arg8 : memref<160xi32, #tpu.memory_space<vmem>>) semaphore(%run_scoped3A : memref<!tpu.dma_semaphore, #tpu.memory_space<semaphore_mem>>) {add = true}
          %dma_wait3A_61 = arith.constant 0 : i32
          %dma_wait3A_62 = arith.constant 0 : i32
          %dma_wait3A_63 = tpu.memref_slice %arg6[%dma_wait3A_61, %dma_wait3A_62] : memref<10240x128xf32, #tpu.memory_space<vmem_shared>> -> memref<10240x128xf32, #tpu.memory_space<vmem_shared>>
          tpu.wait_indirect_dma semaphore(%run_scoped3A : memref<!tpu.dma_semaphore, #tpu.memory_space<semaphore_mem>>) src(%arg10 : memref<160x128xf32, #tpu.memory_space<vmem>>) dst(%dma_wait3A_63 : memref<10240x128xf32, #tpu.memory_space<vmem_shared>>)
          tpu.yield
        }) : () -> ()
        %add3A_51 = arith.constant 2 : i32
        %add3A_52 = arith.addi %add3A_40, %add3A_51 : i32
        %lt3A_53 = arith.constant 125 : i32
        %lt3A_54 = arith.cmpi slt, %add3A_52, %lt3A_53 : i32
        %convert_element_type3A_55 = arith.extui %lt3A_54 : i1 to i32
        %cond3A_56 = arith.constant 0 : i32
        %cond3A_57 = arith.cmpi ne, %convert_element_type3A_55, %cond3A_56 : i32
        scf.if %cond3A_57 {
          %add3A_58 = arith.constant 2 : i32
          %add3A_59 = arith.addi %add3A_40, %add3A_58 : i32
          %mul3A_60 = arith.constant 160 : i32
          %mul3A_61 = arith.muli %add3A_59, %mul3A_60 : i32
          %add3A_62 = arith.addi %mul3A_6, %mul3A_61 : i32
          %dma_start3A_63 = tpu.memref_slice %arg3[%add3A_62] : memref<640000xi32, #tpu.memory_space<hbm>> -> memref<160xi32, #tpu.memory_space<hbm>>
          %dma_start3A_64 = tpu.memref_slice %arg3[%add3A_62] : memref<640000xi32, #tpu.memory_space<hbm>> -> memref<160xi32, #tpu.memory_space<hbm>>
          tpu.enqueue_dma source(%dma_start3A_64 : memref<160xi32, #tpu.memory_space<hbm>>) target(%arg8 : memref<160xi32, #tpu.memory_space<vmem>>) target_semaphore(%arg12 : memref<!tpu.dma_semaphore, #tpu.memory_space<semaphore_mem>>)
          %dma_start3A_65 = arith.constant 0 : i32
          %dma_start3A_66 = tpu.memref_slice %arg2[%add3A_62, %dma_start3A_65] : memref<640000x128xf32, #tpu.memory_space<hbm>> -> memref<160x128xf32, #tpu.memory_space<hbm>>
          %dma_start3A_67 = arith.constant 0 : i32
          %dma_start3A_68 = tpu.memref_slice %arg2[%add3A_62, %dma_start3A_67] : memref<640000x128xf32, #tpu.memory_space<hbm>> -> memref<160x128xf32, #tpu.memory_space<hbm>>
          tpu.enqueue_dma source(%dma_start3A_68 : memref<160x128xf32, #tpu.memory_space<hbm>>) target(%arg10 : memref<160x128xf32, #tpu.memory_space<vmem>>) target_semaphore(%arg12 : memref<!tpu.dma_semaphore, #tpu.memory_space<semaphore_mem>>)
        } else {
        }
      } else {
      }
    }
    %scan3A_26 = arith.constant 63 : i32
    %barrier3A_27 = arith.constant 0 : index
    tpu.barrier barrier_id(%barrier3A_27)
    %mul3A_28 = arith.constant 640 : i32
    %mul3A_29 = arith.muli %arg1, %mul3A_28 : i32
    %mul3A_30 = arith.constant 640 : i32
    %mul3A_31 = arith.muli %arg1, %mul3A_30 : i32
    "tpu.region"() ({
      %run_scoped3A = tpu.sem_alloc : memref<!tpu.dma_semaphore, #tpu.memory_space<semaphore_mem>>
      %dma_start3A_32 = arith.constant 0 : i32
      %dma_start3A_33 = tpu.memref_slice %arg5[%arg0, %mul3A_31, %dma_start3A_32] : memref<2x10240x128xf32, #tpu.memory_space<hbm>> -> memref<1x640x128xf32, #tpu.memory_space<hbm>>
      %dma_start3A_34 = tpu.memref_squeeze %dma_start3A_33 : memref<1x640x128xf32, #tpu.memory_space<hbm>> -> memref<640x128xf32, #tpu.memory_space<hbm>>
      %dma_start3A_35 = arith.constant 0 : i32
      %dma_start3A_36 = tpu.memref_slice %arg6[%mul3A_29, %dma_start3A_35] : memref<10240x128xf32, #tpu.memory_space<vmem_shared>> -> memref<640x128xf32, #tpu.memory_space<vmem_shared>>
      tpu.enqueue_dma source(%dma_start3A_36 : memref<640x128xf32, #tpu.memory_space<vmem_shared>>) target(%dma_start3A_34 : memref<640x128xf32, #tpu.memory_space<hbm>>) target_semaphore(%run_scoped3A : memref<!tpu.dma_semaphore, #tpu.memory_space<semaphore_mem>>)
      %dma_wait3A = arith.constant 0 : i32
      %dma_wait3A_37 = tpu.memref_slice %arg5[%arg0, %mul3A_31, %dma_wait3A] : memref<2x10240x128xf32, #tpu.memory_space<hbm>> -> memref<1x640x128xf32, #tpu.memory_space<hbm>>
      %dma_wait3A_38 = tpu.memref_squeeze %dma_wait3A_37 : memref<1x640x128xf32, #tpu.memory_space<hbm>> -> memref<640x128xf32, #tpu.memory_space<hbm>>
      %dma_wait3A_39 = arith.constant 0 : i32
      %dma_wait3A_40 = tpu.memref_slice %arg6[%mul3A_29, %dma_wait3A_39] : memref<10240x128xf32, #tpu.memory_space<vmem_shared>> -> memref<640x128xf32, #tpu.memory_space<vmem_shared>>
      tpu.wait_dma2 semaphore(%run_scoped3A : memref<!tpu.dma_semaphore, #tpu.memory_space<semaphore_mem>>) src(%dma_wait3A_40 : memref<640x128xf32, #tpu.memory_space<vmem_shared>>) dst(%dma_wait3A_38 : memref<640x128xf32, #tpu.memory_space<hbm>>)
      tpu.yield
    }) : () -> ()
    return
  }
}

#map = affine_map<(d0, d1) -> (0, 0)>
#map1 = affine_map<(d0, d1) -> (0)>
#map2 = affine_map<(d0, d1) -> (0, 0, 0)>
module attributes {stable_mosaic.version = 14 : i64} {
  func.func @_sc_scatter_body(%arg0: i32, %arg1: i32, %arg2: memref<640000x128xf32, #tpu.memory_space<hbm>>, %arg3: memref<640000xi32, #tpu.memory_space<hbm>>, %arg4: memref<10240x128xf32, #tpu.memory_space<hbm>>, %arg5: memref<2x10240x128xf32, #tpu.memory_space<hbm>>, %arg6: memref<10240x128xf32, #tpu.memory_space<vmem_shared>>, %arg7: memref<160xi32, #tpu.memory_space<vmem>>, %arg8: memref<160xi32, #tpu.memory_space<vmem>>, %arg9: memref<160x128xf32, #tpu.memory_space<vmem>>, %arg10: memref<160x128xf32, #tpu.memory_space<vmem>>, %arg11: memref<!tpu.dma_semaphore, #tpu.memory_space<semaphore_mem>>, %arg12: memref<!tpu.dma_semaphore, #tpu.memory_space<semaphore_mem>>) attributes {dimension_semantics = [#tpu.dimension_semantics<core_parallel>, #tpu.dimension_semantics<subcore_parallel>], iteration_bounds = array<i64: 2, 16>, scalar_prefetch = 0 : i64, scratch_operands = 7 : i64, tpu.core_type = #tpu.core_type<sc_vector_subcore>, window_params = [{transform_indices = #map}, {transform_indices = #map1}, {transform_indices = #map}, {transform_indices = #map2}]} {
    %mul3A = arith.constant 640 : i32
    %mul3A_0 = arith.muli %arg1, %mul3A : i32
    %mul3A_1 = arith.constant 640 : i32
    %mul3A_2 = arith.muli %arg1, %mul3A_1 : i32
    "tpu.region"() ({
      %run_scoped3A = tpu.sem_alloc : memref<!tpu.dma_semaphore, #tpu.memory_space<semaphore_mem>>
      %dma_start3A_32 = arith.constant 0 : i32
      %dma_start3A_33 = tpu.memref_slice %arg6[%mul3A_2, %dma_start3A_32] : memref<10240x128xf32, #tpu.memory_space<vmem_shared>> -> memref<640x128xf32, #tpu.memory_space<vmem_shared>>
      %dma_start3A_34 = arith.constant 0 : i32
      %dma_start3A_35 = tpu.memref_slice %arg4[%mul3A_0, %dma_start3A_34] : memref<10240x128xf32, #tpu.memory_space<hbm>> -> memref<640x128xf32, #tpu.memory_space<hbm>>
      tpu.enqueue_dma source(%dma_start3A_35 : memref<640x128xf32, #tpu.memory_space<hbm>>) target(%dma_start3A_33 : memref<640x128xf32, #tpu.memory_space<vmem_shared>>) target_semaphore(%run_scoped3A : memref<!tpu.dma_semaphore, #tpu.memory_space<semaphore_mem>>)
      %dma_wait3A = arith.constant 0 : i32
      %dma_wait3A_36 = tpu.memref_slice %arg6[%mul3A_2, %dma_wait3A] : memref<10240x128xf32, #tpu.memory_space<vmem_shared>> -> memref<640x128xf32, #tpu.memory_space<vmem_shared>>
      %dma_wait3A_37 = arith.constant 0 : i32
      %dma_wait3A_38 = tpu.memref_slice %arg4[%mul3A_0, %dma_wait3A_37] : memref<10240x128xf32, #tpu.memory_space<hbm>> -> memref<640x128xf32, #tpu.memory_space<hbm>>
      tpu.wait_dma2 semaphore(%run_scoped3A : memref<!tpu.dma_semaphore, #tpu.memory_space<semaphore_mem>>) src(%dma_wait3A_38 : memref<640x128xf32, #tpu.memory_space<hbm>>) dst(%dma_wait3A_36 : memref<640x128xf32, #tpu.memory_space<vmem_shared>>)
      tpu.yield
    }) : () -> ()
    %barrier3A = arith.constant 0 : index
    tpu.barrier barrier_id(%barrier3A)
    %mul3A_3 = arith.constant 2 : i32
    %mul3A_4 = arith.muli %arg1, %mul3A_3 : i32
    %add3A = arith.addi %mul3A_4, %arg0 : i32
    %mul3A_5 = arith.constant 20000 : i32
    %mul3A_6 = arith.muli %add3A, %mul3A_5 : i32
    %add3A_7 = arith.constant 0 : i32
    %add3A_8 = arith.addi %mul3A_6, %add3A_7 : i32
    %dma_start3A = tpu.memref_slice %arg3[%add3A_8] : memref<640000xi32, #tpu.memory_space<hbm>> -> memref<160xi32, #tpu.memory_space<hbm>>
    %dma_start3A_9 = tpu.memref_slice %arg3[%add3A_8] : memref<640000xi32, #tpu.memory_space<hbm>> -> memref<160xi32, #tpu.memory_space<hbm>>
    tpu.enqueue_dma source(%dma_start3A_9 : memref<160xi32, #tpu.memory_space<hbm>>) target(%arg7 : memref<160xi32, #tpu.memory_space<vmem>>) target_semaphore(%arg11 : memref<!tpu.dma_semaphore, #tpu.memory_space<semaphore_mem>>)
    %dma_start3A_10 = arith.constant 0 : i32
    %dma_start3A_11 = tpu.memref_slice %arg2[%add3A_8, %dma_start3A_10] : memref<640000x128xf32, #tpu.memory_space<hbm>> -> memref<160x128xf32, #tpu.memory_space<hbm>>
    %dma_start3A_12 = arith.constant 0 : i32
    %dma_start3A_13 = tpu.memref_slice %arg2[%add3A_8, %dma_start3A_12] : memref<640000x128xf32, #tpu.memory_space<hbm>> -> memref<160x128xf32, #tpu.memory_space<hbm>>
    tpu.enqueue_dma source(%dma_start3A_13 : memref<160x128xf32, #tpu.memory_space<hbm>>) target(%arg9 : memref<160x128xf32, #tpu.memory_space<vmem>>) target_semaphore(%arg11 : memref<!tpu.dma_semaphore, #tpu.memory_space<semaphore_mem>>)
    %add3A_14 = arith.constant 160 : i32
    %add3A_15 = arith.addi %mul3A_6, %add3A_14 : i32
    %dma_start3A_16 = tpu.memref_slice %arg3[%add3A_15] : memref<640000xi32, #tpu.memory_space<hbm>> -> memref<160xi32, #tpu.memory_space<hbm>>
    %dma_start3A_17 = tpu.memref_slice %arg3[%add3A_15] : memref<640000xi32, #tpu.memory_space<hbm>> -> memref<160xi32, #tpu.memory_space<hbm>>
    tpu.enqueue_dma source(%dma_start3A_17 : memref<160xi32, #tpu.memory_space<hbm>>) target(%arg8 : memref<160xi32, #tpu.memory_space<vmem>>) target_semaphore(%arg12 : memref<!tpu.dma_semaphore, #tpu.memory_space<semaphore_mem>>)
    %dma_start3A_18 = arith.constant 0 : i32
    %dma_start3A_19 = tpu.memref_slice %arg2[%add3A_15, %dma_start3A_18] : memref<640000x128xf32, #tpu.memory_space<hbm>> -> memref<160x128xf32, #tpu.memory_space<hbm>>
    %dma_start3A_20 = arith.constant 0 : i32
    %dma_start3A_21 = tpu.memref_slice %arg2[%add3A_15, %dma_start3A_20] : memref<640000x128xf32, #tpu.memory_space<hbm>> -> memref<160x128xf32, #tpu.memory_space<hbm>>
    tpu.enqueue_dma source(%dma_start3A_21 : memref<160x128xf32, #tpu.memory_space<hbm>>) target(%arg10 : memref<160x128xf32, #tpu.memory_space<vmem>>) target_semaphore(%arg12 : memref<!tpu.dma_semaphore, #tpu.memory_space<semaphore_mem>>)
    %scan3A = arith.constant 0 : i32
    %scan3A_22 = arith.constant 0 : i32
    %scan3A_23 = arith.constant 63 : i32
    %scan3A_24 = arith.addi %scan3A_22, %scan3A_23 : i32
    %scan3A_25 = arith.constant 1 : i32
    scf.for %scan3A_32 = %scan3A_22 to %scan3A_24 step %scan3A_25  : i32 {
      %mul3A_33 = arith.constant 2 : i32
      %mul3A_34 = arith.muli %mul3A_33, %scan3A_32 : i32
      %lt3A = arith.constant 125 : i32
      %lt3A_35 = arith.cmpi slt, %mul3A_34, %lt3A : i32
      %convert_element_type3A = arith.extui %lt3A_35 : i1 to i32
      %cond3A = arith.constant 0 : i32
      %cond3A_36 = arith.cmpi ne, %convert_element_type3A, %cond3A : i32
      scf.if %cond3A_36 {
        %dma_wait3A = tpu.memref_slice %arg3[%mul3A_6] : memref<640000xi32, #tpu.memory_space<hbm>> -> memref<160xi32, #tpu.memory_space<hbm>>
        %dma_wait3A_46 = tpu.memref_slice %arg3[%mul3A_6] : memref<640000xi32, #tpu.memory_space<hbm>> -> memref<160xi32, #tpu.memory_space<hbm>>
        tpu.wait_dma2 semaphore(%arg11 : memref<!tpu.dma_semaphore, #tpu.memory_space<semaphore_mem>>) src(%dma_wait3A_46 : memref<160xi32, #tpu.memory_space<hbm>>) dst(%arg7 : memref<160xi32, #tpu.memory_space<vmem>>)
        %dma_wait3A_47 = arith.constant 0 : i32
        %dma_wait3A_48 = tpu.memref_slice %arg2[%mul3A_6, %dma_wait3A_47] : memref<640000x128xf32, #tpu.memory_space<hbm>> -> memref<160x128xf32, #tpu.memory_space<hbm>>
        %dma_wait3A_49 = arith.constant 0 : i32
        %dma_wait3A_50 = tpu.memref_slice %arg2[%mul3A_6, %dma_wait3A_49] : memref<640000x128xf32, #tpu.memory_space<hbm>> -> memref<160x128xf32, #tpu.memory_space<hbm>>
        tpu.wait_dma2 semaphore(%arg11 : memref<!tpu.dma_semaphore, #tpu.memory_space<semaphore_mem>>) src(%dma_wait3A_50 : memref<160x128xf32, #tpu.memory_space<hbm>>) dst(%arg9 : memref<160x128xf32, #tpu.memory_space<vmem>>)
        "tpu.region"() ({
          %run_scoped3A = tpu.sem_alloc : memref<!tpu.dma_semaphore, #tpu.memory_space<semaphore_mem>>
          %dma_start3A_58 = arith.constant 0 : i32
          %dma_start3A_59 = arith.constant 0 : i32
          %dma_start3A_60 = tpu.memref_slice %arg6[%dma_start3A_58, %dma_start3A_59] : memref<10240x128xf32, #tpu.memory_space<vmem_shared>> -> memref<10240x128xf32, #tpu.memory_space<vmem_shared>>
          tpu.enqueue_indirect_dma source(%arg9 : memref<160x128xf32, #tpu.memory_space<vmem>>) target(%dma_start3A_60 : memref<10240x128xf32, #tpu.memory_space<vmem_shared>>) offsets(%arg7 : memref<160xi32, #tpu.memory_space<vmem>>) semaphore(%run_scoped3A : memref<!tpu.dma_semaphore, #tpu.memory_space<semaphore_mem>>) {add = true}
          %dma_wait3A_61 = arith.constant 0 : i32
          %dma_wait3A_62 = arith.constant 0 : i32
          %dma_wait3A_63 = tpu.memref_slice %arg6[%dma_wait3A_61, %dma_wait3A_62] : memref<10240x128xf32, #tpu.memory_space<vmem_shared>> -> memref<10240x128xf32, #tpu.memory_space<vmem_shared>>
          tpu.wait_indirect_dma semaphore(%run_scoped3A : memref<!tpu.dma_semaphore, #tpu.memory_space<semaphore_mem>>) src(%arg9 : memref<160x128xf32, #tpu.memory_space<vmem>>) dst(%dma_wait3A_63 : memref<10240x128xf32, #tpu.memory_space<vmem_shared>>)
          tpu.yield
        }) : () -> ()
        %add3A_51 = arith.constant 2 : i32
        %add3A_52 = arith.addi %mul3A_34, %add3A_51 : i32
        %lt3A_53 = arith.constant 125 : i32
        %lt3A_54 = arith.cmpi slt, %add3A_52, %lt3A_53 : i32
        %convert_element_type3A_55 = arith.extui %lt3A_54 : i1 to i32
        %cond3A_56 = arith.constant 0 : i32
        %cond3A_57 = arith.cmpi ne, %convert_element_type3A_55, %cond3A_56 : i32
        scf.if %cond3A_57 {
          %add3A_58 = arith.constant 2 : i32
          %add3A_59 = arith.addi %mul3A_34, %add3A_58 : i32
          %mul3A_60 = arith.constant 160 : i32
          %mul3A_61 = arith.muli %add3A_59, %mul3A_60 : i32
          %add3A_62 = arith.addi %mul3A_6, %mul3A_61 : i32
          %dma_start3A_63 = tpu.memref_slice %arg3[%add3A_62] : memref<640000xi32, #tpu.memory_space<hbm>> -> memref<160xi32, #tpu.memory_space<hbm>>
          %dma_start3A_64 = tpu.memref_slice %arg3[%add3A_62] : memref<640000xi32, #tpu.memory_space<hbm>> -> memref<160xi32, #tpu.memory_space<hbm>>
          tpu.enqueue_dma source(%dma_start3A_64 : memref<160xi32, #tpu.memory_space<hbm>>) target(%arg7 : memref<160xi32, #tpu.memory_space<vmem>>) target_semaphore(%arg11 : memref<!tpu.dma_semaphore, #tpu.memory_space<semaphore_mem>>)
          %dma_start3A_65 = arith.constant 0 : i32
          %dma_start3A_66 = tpu.memref_slice %arg2[%add3A_62, %dma_start3A_65] : memref<640000x128xf32, #tpu.memory_space<hbm>> -> memref<160x128xf32, #tpu.memory_space<hbm>>
          %dma_start3A_67 = arith.constant 0 : i32
          %dma_start3A_68 = tpu.memref_slice %arg2[%add3A_62, %dma_start3A_67] : memref<640000x128xf32, #tpu.memory_space<hbm>> -> memref<160x128xf32, #tpu.memory_space<hbm>>
          tpu.enqueue_dma source(%dma_start3A_68 : memref<160x128xf32, #tpu.memory_space<hbm>>) target(%arg9 : memref<160x128xf32, #tpu.memory_space<vmem>>) target_semaphore(%arg11 : memref<!tpu.dma_semaphore, #tpu.memory_space<semaphore_mem>>)
        } else {
        }
      } else {
      }
      %mul3A_37 = arith.constant 2 : i32
      %mul3A_38 = arith.muli %mul3A_37, %scan3A_32 : i32
      %add3A_39 = arith.constant 1 : i32
      %add3A_40 = arith.addi %mul3A_38, %add3A_39 : i32
      %lt3A_41 = arith.constant 125 : i32
      %lt3A_42 = arith.cmpi slt, %add3A_40, %lt3A_41 : i32
      %convert_element_type3A_43 = arith.extui %lt3A_42 : i1 to i32
      %cond3A_44 = arith.constant 0 : i32
      %cond3A_45 = arith.cmpi ne, %convert_element_type3A_43, %cond3A_44 : i32
      scf.if %cond3A_45 {
        %dma_wait3A = tpu.memref_slice %arg3[%mul3A_6] : memref<640000xi32, #tpu.memory_space<hbm>> -> memref<160xi32, #tpu.memory_space<hbm>>
        %dma_wait3A_46 = tpu.memref_slice %arg3[%mul3A_6] : memref<640000xi32, #tpu.memory_space<hbm>> -> memref<160xi32, #tpu.memory_space<hbm>>
        tpu.wait_dma2 semaphore(%arg12 : memref<!tpu.dma_semaphore, #tpu.memory_space<semaphore_mem>>) src(%dma_wait3A_46 : memref<160xi32, #tpu.memory_space<hbm>>) dst(%arg8 : memref<160xi32, #tpu.memory_space<vmem>>)
        %dma_wait3A_47 = arith.constant 0 : i32
        %dma_wait3A_48 = tpu.memref_slice %arg2[%mul3A_6, %dma_wait3A_47] : memref<640000x128xf32, #tpu.memory_space<hbm>> -> memref<160x128xf32, #tpu.memory_space<hbm>>
        %dma_wait3A_49 = arith.constant 0 : i32
        %dma_wait3A_50 = tpu.memref_slice %arg2[%mul3A_6, %dma_wait3A_49] : memref<640000x128xf32, #tpu.memory_space<hbm>> -> memref<160x128xf32, #tpu.memory_space<hbm>>
        tpu.wait_dma2 semaphore(%arg12 : memref<!tpu.dma_semaphore, #tpu.memory_space<semaphore_mem>>) src(%dma_wait3A_50 : memref<160x128xf32, #tpu.memory_space<hbm>>) dst(%arg10 : memref<160x128xf32, #tpu.memory_space<vmem>>)
        "tpu.region"() ({
          %run_scoped3A = tpu.sem_alloc : memref<!tpu.dma_semaphore, #tpu.memory_space<semaphore_mem>>
          %dma_start3A_58 = arith.constant 0 : i32
          %dma_start3A_59 = arith.constant 0 : i32
          %dma_start3A_60 = tpu.memref_slice %arg6[%dma_start3A_58, %dma_start3A_59] : memref<10240x128xf32, #tpu.memory_space<vmem_shared>> -> memref<10240x128xf32, #tpu.memory_space<vmem_shared>>
          tpu.enqueue_indirect_dma source(%arg10 : memref<160x128xf32, #tpu.memory_space<vmem>>) target(%dma_start3A_60 : memref<10240x128xf32, #tpu.memory_space<vmem_shared>>) offsets(%arg8 : memref<160xi32, #tpu.memory_space<vmem>>) semaphore(%run_scoped3A : memref<!tpu.dma_semaphore, #tpu.memory_space<semaphore_mem>>) {add = true}
          %dma_wait3A_61 = arith.constant 0 : i32
          %dma_wait3A_62 = arith.constant 0 : i32
          %dma_wait3A_63 = tpu.memref_slice %arg6[%dma_wait3A_61, %dma_wait3A_62] : memref<10240x128xf32, #tpu.memory_space<vmem_shared>> -> memref<10240x128xf32, #tpu.memory_space<vmem_shared>>
          tpu.wait_indirect_dma semaphore(%run_scoped3A : memref<!tpu.dma_semaphore, #tpu.memory_space<semaphore_mem>>) src(%arg10 : memref<160x128xf32, #tpu.memory_space<vmem>>) dst(%dma_wait3A_63 : memref<10240x128xf32, #tpu.memory_space<vmem_shared>>)
          tpu.yield
        }) : () -> ()
        %add3A_51 = arith.constant 2 : i32
        %add3A_52 = arith.addi %add3A_40, %add3A_51 : i32
        %lt3A_53 = arith.constant 125 : i32
        %lt3A_54 = arith.cmpi slt, %add3A_52, %lt3A_53 : i32
        %convert_element_type3A_55 = arith.extui %lt3A_54 : i1 to i32
        %cond3A_56 = arith.constant 0 : i32
        %cond3A_57 = arith.cmpi ne, %convert_element_type3A_55, %cond3A_56 : i32
        scf.if %cond3A_57 {
          %add3A_58 = arith.constant 2 : i32
          %add3A_59 = arith.addi %add3A_40, %add3A_58 : i32
          %mul3A_60 = arith.constant 160 : i32
          %mul3A_61 = arith.muli %add3A_59, %mul3A_60 : i32
          %add3A_62 = arith.addi %mul3A_6, %mul3A_61 : i32
          %dma_start3A_63 = tpu.memref_slice %arg3[%add3A_62] : memref<640000xi32, #tpu.memory_space<hbm>> -> memref<160xi32, #tpu.memory_space<hbm>>
          %dma_start3A_64 = tpu.memref_slice %arg3[%add3A_62] : memref<640000xi32, #tpu.memory_space<hbm>> -> memref<160xi32, #tpu.memory_space<hbm>>
          tpu.enqueue_dma source(%dma_start3A_64 : memref<160xi32, #tpu.memory_space<hbm>>) target(%arg8 : memref<160xi32, #tpu.memory_space<vmem>>) target_semaphore(%arg12 : memref<!tpu.dma_semaphore, #tpu.memory_space<semaphore_mem>>)
          %dma_start3A_65 = arith.constant 0 : i32
          %dma_start3A_66 = tpu.memref_slice %arg2[%add3A_62, %dma_start3A_65] : memref<640000x128xf32, #tpu.memory_space<hbm>> -> memref<160x128xf32, #tpu.memory_space<hbm>>
          %dma_start3A_67 = arith.constant 0 : i32
          %dma_start3A_68 = tpu.memref_slice %arg2[%add3A_62, %dma_start3A_67] : memref<640000x128xf32, #tpu.memory_space<hbm>> -> memref<160x128xf32, #tpu.memory_space<hbm>>
          tpu.enqueue_dma source(%dma_start3A_68 : memref<160x128xf32, #tpu.memory_space<hbm>>) target(%arg10 : memref<160x128xf32, #tpu.memory_space<vmem>>) target_semaphore(%arg12 : memref<!tpu.dma_semaphore, #tpu.memory_space<semaphore_mem>>)
        } else {
        }
      } else {
      }
    }
    %scan3A_26 = arith.constant 63 : i32
    %barrier3A_27 = arith.constant 0 : index
    tpu.barrier barrier_id(%barrier3A_27)
    %mul3A_28 = arith.constant 640 : i32
    %mul3A_29 = arith.muli %arg1, %mul3A_28 : i32
    %mul3A_30 = arith.constant 640 : i32
    %mul3A_31 = arith.muli %arg1, %mul3A_30 : i32
    "tpu.region"() ({
      %run_scoped3A = tpu.sem_alloc : memref<!tpu.dma_semaphore, #tpu.memory_space<semaphore_mem>>
      %dma_start3A_32 = arith.constant 0 : i32
      %dma_start3A_33 = tpu.memref_slice %arg5[%arg0, %mul3A_31, %dma_start3A_32] : memref<2x10240x128xf32, #tpu.memory_space<hbm>> -> memref<1x640x128xf32, #tpu.memory_space<hbm>>
      %dma_start3A_34 = tpu.memref_squeeze %dma_start3A_33 : memref<1x640x128xf32, #tpu.memory_space<hbm>> -> memref<640x128xf32, #tpu.memory_space<hbm>>
      %dma_start3A_35 = arith.constant 0 : i32
      %dma_start3A_36 = tpu.memref_slice %arg6[%mul3A_29, %dma_start3A_35] : memref<10240x128xf32, #tpu.memory_space<vmem_shared>> -> memref<640x128xf32, #tpu.memory_space<vmem_shared>>
      tpu.enqueue_dma source(%dma_start3A_36 : memref<640x128xf32, #tpu.memory_space<vmem_shared>>) target(%dma_start3A_34 : memref<640x128xf32, #tpu.memory_space<hbm>>) target_semaphore(%run_scoped3A : memref<!tpu.dma_semaphore, #tpu.memory_space<semaphore_mem>>)
      %dma_wait3A = arith.constant 0 : i32
      %dma_wait3A_37 = tpu.memref_slice %arg5[%arg0, %mul3A_31, %dma_wait3A] : memref<2x10240x128xf32, #tpu.memory_space<hbm>> -> memref<1x640x128xf32, #tpu.memory_space<hbm>>
      %dma_wait3A_38 = tpu.memref_squeeze %dma_wait3A_37 : memref<1x640x128xf32, #tpu.memory_space<hbm>> -> memref<640x128xf32, #tpu.memory_space<hbm>>
      %dma_wait3A_39 = arith.constant 0 : i32
      %dma_wait3A_40 = tpu.memref_slice %arg6[%mul3A_29, %dma_wait3A_39] : memref<10240x128xf32, #tpu.memory_space<vmem_shared>> -> memref<640x128xf32, #tpu.memory_space<vmem_shared>>
      tpu.wait_dma2 semaphore(%run_scoped3A : memref<!tpu.dma_semaphore, #tpu.memory_space<semaphore_mem>>) src(%dma_wait3A_40 : memref<640x128xf32, #tpu.memory_space<vmem_shared>>) dst(%dma_wait3A_38 : memref<640x128xf32, #tpu.memory_space<hbm>>)
      tpu.yield
    }) : () -> ()
    return
  }
}

#map = affine_map<(d0, d1) -> (0, 0, 0)>
#map1 = affine_map<(d0, d1) -> (0)>
#map2 = affine_map<(d0, d1) -> (0, 0)>
module attributes {stable_mosaic.version = 14 : i64} {
  func.func @_sc_gather2_body(%arg0: i32, %arg1: i32, %arg2: memref<2x10240x128xf32, #tpu.memory_space<hbm>>, %arg3: memref<640000xi32, #tpu.memory_space<hbm>>, %arg4: memref<640000x128xf32, #tpu.memory_space<hbm>>, %arg5: memref<10240x128xf32, #tpu.memory_space<vmem_shared>>, %arg6: memref<160xi32, #tpu.memory_space<vmem>>, %arg7: memref<160xi32, #tpu.memory_space<vmem>>, %arg8: memref<160x128xf32, #tpu.memory_space<vmem>>, %arg9: memref<160x128xf32, #tpu.memory_space<vmem>>, %arg10: memref<!tpu.dma_semaphore, #tpu.memory_space<semaphore_mem>>, %arg11: memref<!tpu.dma_semaphore, #tpu.memory_space<semaphore_mem>>, %arg12: memref<!tpu.dma_semaphore, #tpu.memory_space<semaphore_mem>>, %arg13: memref<!tpu.dma_semaphore, #tpu.memory_space<semaphore_mem>>, %arg14: memref<!tpu.dma_semaphore, #tpu.memory_space<semaphore_mem>>) attributes {dimension_semantics = [#tpu.dimension_semantics<core_parallel>, #tpu.dimension_semantics<subcore_parallel>], iteration_bounds = array<i64: 2, 16>, scalar_prefetch = 0 : i64, scratch_operands = 10 : i64, tpu.core_type = #tpu.core_type<sc_vector_subcore>, window_params = [{transform_indices = #map}, {transform_indices = #map1}, {transform_indices = #map2}]} {
    %iota3A = tpu.iota {dimensions = array<i32: 0>} : vector<16xi32>
    %scan3A = arith.constant 0 : i32
    %scan3A_0 = arith.constant 0 : i32
    %scan3A_1 = arith.constant 4 : i32
    %scan3A_2 = arith.addi %scan3A_0, %scan3A_1 : i32
    %scan3A_3 = arith.constant 1 : i32
    scf.for %scan3A_28 = %scan3A_0 to %scan3A_2 step %scan3A_3  : i32 {
      %mul3A_29 = arith.constant 640 : i32
      %mul3A_30 = arith.muli %arg1, %mul3A_29 : i32
      %mul3A_31 = arith.constant 160 : i32
      %mul3A_32 = arith.muli %scan3A_28, %mul3A_31 : i32
      %add3A_33 = arith.addi %mul3A_30, %mul3A_32 : i32
      %run_scoped3A = arith.constant 0 : i32
      "tpu.region"() ({
        %run_scoped3A_41 = tpu.sem_alloc : memref<!tpu.dma_semaphore, #tpu.memory_space<semaphore_mem>>
        %dma_start3A_42 = arith.constant 0 : i32
        %dma_start3A_43 = tpu.memref_slice %arg5[%add3A_33, %dma_start3A_42] : memref<10240x128xf32, #tpu.memory_space<vmem_shared>> -> memref<160x128xf32, #tpu.memory_space<vmem_shared>>
        %dma_start3A_44 = arith.constant 0 : i32
        %dma_start3A_45 = tpu.memref_slice %arg2[%run_scoped3A, %add3A_33, %dma_start3A_44] : memref<2x10240x128xf32, #tpu.memory_space<hbm>> -> memref<1x160x128xf32, #tpu.memory_space<hbm>>
        %dma_start3A_46 = tpu.memref_squeeze %dma_start3A_45 : memref<1x160x128xf32, #tpu.memory_space<hbm>> -> memref<160x128xf32, #tpu.memory_space<hbm>>
        tpu.enqueue_dma source(%dma_start3A_46 : memref<160x128xf32, #tpu.memory_space<hbm>>) target(%dma_start3A_43 : memref<160x128xf32, #tpu.memory_space<vmem_shared>>) target_semaphore(%run_scoped3A_41 : memref<!tpu.dma_semaphore, #tpu.memory_space<semaphore_mem>>)
        %dma_wait3A_47 = arith.constant 0 : i32
        %dma_wait3A_48 = tpu.memref_slice %arg5[%add3A_33, %dma_wait3A_47] : memref<10240x128xf32, #tpu.memory_space<vmem_shared>> -> memref<160x128xf32, #tpu.memory_space<vmem_shared>>
        %dma_wait3A_49 = arith.constant 0 : i32
        %dma_wait3A_50 = tpu.memref_slice %arg2[%run_scoped3A, %add3A_33, %dma_wait3A_49] : memref<2x10240x128xf32, #tpu.memory_space<hbm>> -> memref<1x160x128xf32, #tpu.memory_space<hbm>>
        %dma_wait3A_51 = tpu.memref_squeeze %dma_wait3A_50 : memref<1x160x128xf32, #tpu.memory_space<hbm>> -> memref<160x128xf32, #tpu.memory_space<hbm>>
        tpu.wait_dma2 semaphore(%run_scoped3A_41 : memref<!tpu.dma_semaphore, #tpu.memory_space<semaphore_mem>>) src(%dma_wait3A_51 : memref<160x128xf32, #tpu.memory_space<hbm>>) dst(%dma_wait3A_48 : memref<160x128xf32, #tpu.memory_space<vmem_shared>>)
        tpu.yield
      }) : () -> ()
      %run_scoped3A_34 = arith.constant 1 : i32
      "tpu.region"() ({
        %run_scoped3A_41 = tpu.sem_alloc : memref<!tpu.dma_semaphore, #tpu.memory_space<semaphore_mem>>
        %dma_start3A_42 = arith.constant 0 : i32
        %dma_start3A_43 = tpu.memref_slice %arg2[%run_scoped3A_34, %add3A_33, %dma_start3A_42] : memref<2x10240x128xf32, #tpu.memory_space<hbm>> -> memref<1x160x128xf32, #tpu.memory_space<hbm>>
        %dma_start3A_44 = tpu.memref_squeeze %dma_start3A_43 : memref<1x160x128xf32, #tpu.memory_space<hbm>> -> memref<160x128xf32, #tpu.memory_space<hbm>>
        %dma_start3A_45 = arith.constant 0 : i32
        %dma_start3A_46 = tpu.memref_slice %arg2[%run_scoped3A_34, %add3A_33, %dma_start3A_45] : memref<2x10240x128xf32, #tpu.memory_space<hbm>> -> memref<1x160x128xf32, #tpu.memory_space<hbm>>
        %dma_start3A_47 = tpu.memref_squeeze %dma_start3A_46 : memref<1x160x128xf32, #tpu.memory_space<hbm>> -> memref<160x128xf32, #tpu.memory_space<hbm>>
        tpu.enqueue_dma source(%dma_start3A_47 : memref<160x128xf32, #tpu.memory_space<hbm>>) target(%arg9 : memref<160x128xf32, #tpu.memory_space<vmem>>) target_semaphore(%run_scoped3A_41 : memref<!tpu.dma_semaphore, #tpu.memory_space<semaphore_mem>>)
        %dma_wait3A_48 = arith.constant 0 : i32
        %dma_wait3A_49 = tpu.memref_slice %arg2[%run_scoped3A_34, %add3A_33, %dma_wait3A_48] : memref<2x10240x128xf32, #tpu.memory_space<hbm>> -> memref<1x160x128xf32, #tpu.memory_space<hbm>>
        %dma_wait3A_50 = tpu.memref_squeeze %dma_wait3A_49 : memref<1x160x128xf32, #tpu.memory_space<hbm>> -> memref<160x128xf32, #tpu.memory_space<hbm>>
        %dma_wait3A_51 = arith.constant 0 : i32
        %dma_wait3A_52 = tpu.memref_slice %arg2[%run_scoped3A_34, %add3A_33, %dma_wait3A_51] : memref<2x10240x128xf32, #tpu.memory_space<hbm>> -> memref<1x160x128xf32, #tpu.memory_space<hbm>>
        %dma_wait3A_53 = tpu.memref_squeeze %dma_wait3A_52 : memref<1x160x128xf32, #tpu.memory_space<hbm>> -> memref<160x128xf32, #tpu.memory_space<hbm>>
        tpu.wait_dma2 semaphore(%run_scoped3A_41 : memref<!tpu.dma_semaphore, #tpu.memory_space<semaphore_mem>>) src(%dma_wait3A_53 : memref<160x128xf32, #tpu.memory_space<hbm>>) dst(%arg9 : memref<160x128xf32, #tpu.memory_space<vmem>>)
        tpu.yield
      }) : () -> ()
      %scan3A_35 = arith.constant 0 : i32
      %scan3A_36 = arith.constant 0 : i32
      %scan3A_37 = arith.constant 10 : i32
      %scan3A_38 = arith.addi %scan3A_36, %scan3A_37 : i32
      %scan3A_39 = arith.constant 1 : i32
      scf.for %scan3A_41 = %scan3A_36 to %scan3A_38 step %scan3A_39  : i32 {
        %mul3A_42 = arith.constant 16 : i32
        %mul3A_43 = arith.muli %scan3A_41, %mul3A_42 : i32
        %add3A_44 = arith.addi %add3A_33, %mul3A_43 : i32
        %add3A_45 = vector.broadcast %add3A_44 : i32 to vector<16xi32>
        %add3A_46 = arith.addi %add3A_45, %iota3A : vector<16xi32>
        %mul3A_47 = arith.constant 16 : i32
        %mul3A_48 = arith.muli %scan3A_41, %mul3A_47 : i32
        %swap3A = arith.index_cast %mul3A_48 : i32 to index
        %swap3A_49 = tpu.vector_load %arg6[%swap3A] {strides = array<i32>} : memref<160xi32, #tpu.memory_space<vmem>>, vector<16xi32>,
        %swap3A_50 = vector.shape_cast %swap3A_49 : vector<16xi32> to vector<16xi32>
        %swap3A_51 = vector.shape_cast %add3A_46 : vector<16xi32> to vector<16xi32>
        tpu.vector_store %arg6[%swap3A], %swap3A_51 {strides = array<i32>} : memref<160xi32, #tpu.memory_space<vmem>>, vector<16xi32>,
      }
      %scan3A_40 = arith.constant 10 : i32
      "tpu.region"() ({
        %run_scoped3A_41 = tpu.sem_alloc : memref<!tpu.dma_semaphore, #tpu.memory_space<semaphore_mem>>
        %dma_start3A_42 = arith.constant 0 : i32
        %dma_start3A_43 = arith.constant 0 : i32
        %dma_start3A_44 = tpu.memref_slice %arg5[%dma_start3A_42, %dma_start3A_43] : memref<10240x128xf32, #tpu.memory_space<vmem_shared>> -> memref<10240x128xf32, #tpu.memory_space<vmem_shared>>
        tpu.enqueue_indirect_dma source(%arg9 : memref<160x128xf32, #tpu.memory_space<vmem>>) target(%dma_start3A_44 : memref<10240x128xf32, #tpu.memory_space<vmem_shared>>) offsets(%arg6 : memref<160xi32, #tpu.memory_space<vmem>>) semaphore(%run_scoped3A_41 : memref<!tpu.dma_semaphore, #tpu.memory_space<semaphore_mem>>) {add = true}
        %dma_wait3A_45 = arith.constant 0 : i32
        %dma_wait3A_46 = arith.constant 0 : i32
        %dma_wait3A_47 = tpu.memref_slice %arg5[%dma_wait3A_45, %dma_wait3A_46] : memref<10240x128xf32, #tpu.memory_space<vmem_shared>> -> memref<10240x128xf32, #tpu.memory_space<vmem_shared>>
        tpu.wait_indirect_dma semaphore(%run_scoped3A_41 : memref<!tpu.dma_semaphore, #tpu.memory_space<semaphore_mem>>) src(%arg9 : memref<160x128xf32, #tpu.memory_space<vmem>>) dst(%dma_wait3A_47 : memref<10240x128xf32, #tpu.memory_space<vmem_shared>>)
        tpu.yield
      }) : () -> ()
    }
    %scan3A_4 = arith.constant 4 : i32
    %barrier3A = arith.constant 0 : index
    tpu.barrier barrier_id(%barrier3A)
    %mul3A = arith.constant 2 : i32
    %mul3A_5 = arith.muli %arg1, %mul3A : i32
    %add3A = arith.addi %mul3A_5, %arg0 : i32
    %mul3A_6 = arith.constant 20000 : i32
    %mul3A_7 = arith.muli %add3A, %mul3A_6 : i32
    %add3A_8 = arith.constant 0 : i32
    %add3A_9 = arith.addi %mul3A_7, %add3A_8 : i32
    %dma_start3A = tpu.memref_slice %arg3[%add3A_9] : memref<640000xi32, #tpu.memory_space<hbm>> -> memref<160xi32, #tpu.memory_space<hbm>>
    %dma_start3A_10 = tpu.memref_slice %arg3[%add3A_9] : memref<640000xi32, #tpu.memory_space<hbm>> -> memref<160xi32, #tpu.memory_space<hbm>>
    tpu.enqueue_dma source(%dma_start3A_10 : memref<160xi32, #tpu.memory_space<hbm>>) target(%arg6 : memref<160xi32, #tpu.memory_space<vmem>>) target_semaphore(%arg10 : memref<!tpu.dma_semaphore, #tpu.memory_space<semaphore_mem>>)
    %add3A_11 = arith.constant 160 : i32
    %add3A_12 = arith.addi %mul3A_7, %add3A_11 : i32
    %dma_start3A_13 = tpu.memref_slice %arg3[%add3A_12] : memref<640000xi32, #tpu.memory_space<hbm>> -> memref<160xi32, #tpu.memory_space<hbm>>
    %dma_start3A_14 = tpu.memref_slice %arg3[%add3A_12] : memref<640000xi32, #tpu.memory_space<hbm>> -> memref<160xi32, #tpu.memory_space<hbm>>
    tpu.enqueue_dma source(%dma_start3A_14 : memref<160xi32, #tpu.memory_space<hbm>>) target(%arg7 : memref<160xi32, #tpu.memory_space<vmem>>) target_semaphore(%arg11 : memref<!tpu.dma_semaphore, #tpu.memory_space<semaphore_mem>>)
    %scan3A_15 = arith.constant 0 : i32
    %scan3A_16 = arith.constant 0 : i32
    %scan3A_17 = arith.constant 63 : i32
    %scan3A_18 = arith.addi %scan3A_16, %scan3A_17 : i32
    %scan3A_19 = arith.constant 1 : i32
    scf.for %scan3A_28 = %scan3A_16 to %scan3A_18 step %scan3A_19  : i32 {
      %mul3A_29 = arith.constant 2 : i32
      %mul3A_30 = arith.muli %mul3A_29, %scan3A_28 : i32
      %lt3A = arith.constant 125 : i32
      %lt3A_31 = arith.cmpi slt, %mul3A_30, %lt3A : i32
      %convert_element_type3A = arith.extui %lt3A_31 : i1 to i32
      %cond3A = arith.constant 0 : i32
      %cond3A_32 = arith.cmpi ne, %convert_element_type3A, %cond3A : i32
      scf.if %cond3A_32 {
        %dma_wait3A_42 = tpu.memref_slice %arg3[%mul3A_7] : memref<640000xi32, #tpu.memory_space<hbm>> -> memref<160xi32, #tpu.memory_space<hbm>>
        %dma_wait3A_43 = tpu.memref_slice %arg3[%mul3A_7] : memref<640000xi32, #tpu.memory_space<hbm>> -> memref<160xi32, #tpu.memory_space<hbm>>
        tpu.wait_dma2 semaphore(%arg10 : memref<!tpu.dma_semaphore, #tpu.memory_space<semaphore_mem>>) src(%dma_wait3A_43 : memref<160xi32, #tpu.memory_space<hbm>>) dst(%arg6 : memref<160xi32, #tpu.memory_space<vmem>>)
        %ge3A = arith.constant 1 : i32
        %ge3A_44 = arith.cmpi sge, %scan3A_28, %ge3A : i32
        %convert_element_type3A_45 = arith.extui %ge3A_44 : i1 to i32
        %cond3A_46 = arith.constant 0 : i32
        %cond3A_47 = arith.cmpi ne, %convert_element_type3A_45, %cond3A_46 : i32
        scf.if %cond3A_47 {
          %dma_wait3A_68 = arith.constant 0 : i32
          %dma_wait3A_69 = tpu.memref_slice %arg4[%mul3A_7, %dma_wait3A_68] : memref<640000x128xf32, #tpu.memory_space<hbm>> -> memref<160x128xf32, #tpu.memory_space<hbm>>
          %dma_wait3A_70 = arith.constant 0 : i32
          %dma_wait3A_71 = tpu.memref_slice %arg4[%mul3A_7, %dma_wait3A_70] : memref<640000x128xf32, #tpu.memory_space<hbm>> -> memref<160x128xf32, #tpu.memory_space<hbm>>
          tpu.wait_dma2 semaphore(%arg13 : memref<!tpu.dma_semaphore, #tpu.memory_space<semaphore_mem>>) src(%arg8 : memref<160x128xf32, #tpu.memory_space<vmem>>) dst(%dma_wait3A_71 : memref<160x128xf32, #tpu.memory_space<hbm>>)
        } else {
        }
        %dma_start3A_48 = arith.constant 0 : i32
        %dma_start3A_49 = arith.constant 0 : i32
        %dma_start3A_50 = tpu.memref_slice %arg5[%dma_start3A_48, %dma_start3A_49] : memref<10240x128xf32, #tpu.memory_space<vmem_shared>> -> memref<10240x128xf32, #tpu.memory_space<vmem_shared>>
        tpu.enqueue_indirect_dma source(%dma_start3A_50 : memref<10240x128xf32, #tpu.memory_space<vmem_shared>>) target(%arg8 : memref<160x128xf32, #tpu.memory_space<vmem>>) offsets(%arg6 : memref<160xi32, #tpu.memory_space<vmem>>) semaphore(%arg12 : memref<!tpu.dma_semaphore, #tpu.memory_space<semaphore_mem>>)
        %dma_wait3A_51 = arith.constant 0 : i32
        %dma_wait3A_52 = arith.constant 0 : i32
        %dma_wait3A_53 = tpu.memref_slice %arg5[%dma_wait3A_51, %dma_wait3A_52] : memref<10240x128xf32, #tpu.memory_space<vmem_shared>> -> memref<10240x128xf32, #tpu.memory_space<vmem_shared>>
        tpu.wait_indirect_dma semaphore(%arg12 : memref<!tpu.dma_semaphore, #tpu.memory_space<semaphore_mem>>) src(%dma_wait3A_53 : memref<10240x128xf32, #tpu.memory_space<vmem_shared>>) dst(%arg8 : memref<160x128xf32, #tpu.memory_space<vmem>>)
        %add3A_54 = arith.constant 2 : i32
        %add3A_55 = arith.addi %mul3A_30, %add3A_54 : i32
        %lt3A_56 = arith.constant 125 : i32
        %lt3A_57 = arith.cmpi slt, %add3A_55, %lt3A_56 : i32
        %convert_element_type3A_58 = arith.extui %lt3A_57 : i1 to i32
        %cond3A_59 = arith.constant 0 : i32
        %cond3A_60 = arith.cmpi ne, %convert_element_type3A_58, %cond3A_59 : i32
        scf.if %cond3A_60 {
          %add3A_68 = arith.constant 2 : i32
          %add3A_69 = arith.addi %mul3A_30, %add3A_68 : i32
          %mul3A_70 = arith.constant 160 : i32
          %mul3A_71 = arith.muli %add3A_69, %mul3A_70 : i32
          %add3A_72 = arith.addi %mul3A_7, %mul3A_71 : i32
          %dma_start3A_73 = tpu.memref_slice %arg3[%add3A_72] : memref<640000xi32, #tpu.memory_space<hbm>> -> memref<160xi32, #tpu.memory_space<hbm>>
          %dma_start3A_74 = tpu.memref_slice %arg3[%add3A_72] : memref<640000xi32, #tpu.memory_space<hbm>> -> memref<160xi32, #tpu.memory_space<hbm>>
          tpu.enqueue_dma source(%dma_start3A_74 : memref<160xi32, #tpu.memory_space<hbm>>) target(%arg6 : memref<160xi32, #tpu.memory_space<vmem>>) target_semaphore(%arg10 : memref<!tpu.dma_semaphore, #tpu.memory_space<semaphore_mem>>)
        } else {
        }
        %mul3A_61 = arith.constant 160 : i32
        %mul3A_62 = arith.muli %mul3A_30, %mul3A_61 : i32
        %add3A_63 = arith.addi %mul3A_7, %mul3A_62 : i32
        %dma_start3A_64 = arith.constant 0 : i32
        %dma_start3A_65 = tpu.memref_slice %arg4[%add3A_63, %dma_start3A_64] : memref<640000x128xf32, #tpu.memory_space<hbm>> -> memref<160x128xf32, #tpu.memory_space<hbm>>
        %dma_start3A_66 = arith.constant 0 : i32
        %dma_start3A_67 = tpu.memref_slice %arg4[%add3A_63, %dma_start3A_66] : memref<640000x128xf32, #tpu.memory_space<hbm>> -> memref<160x128xf32, #tpu.memory_space<hbm>>
        tpu.enqueue_dma source(%arg8 : memref<160x128xf32, #tpu.memory_space<vmem>>) target(%dma_start3A_67 : memref<160x128xf32, #tpu.memory_space<hbm>>) target_semaphore(%arg13 : memref<!tpu.dma_semaphore, #tpu.memory_space<semaphore_mem>>)
      } else {
      }
      %mul3A_33 = arith.constant 2 : i32
      %mul3A_34 = arith.muli %mul3A_33, %scan3A_28 : i32
      %add3A_35 = arith.constant 1 : i32
      %add3A_36 = arith.addi %mul3A_34, %add3A_35 : i32
      %lt3A_37 = arith.constant 125 : i32
      %lt3A_38 = arith.cmpi slt, %add3A_36, %lt3A_37 : i32
      %convert_element_type3A_39 = arith.extui %lt3A_38 : i1 to i32
      %cond3A_40 = arith.constant 0 : i32
      %cond3A_41 = arith.cmpi ne, %convert_element_type3A_39, %cond3A_40 : i32
      scf.if %cond3A_41 {
        %dma_wait3A_42 = tpu.memref_slice %arg3[%mul3A_7] : memref<640000xi32, #tpu.memory_space<hbm>> -> memref<160xi32, #tpu.memory_space<hbm>>
        %dma_wait3A_43 = tpu.memref_slice %arg3[%mul3A_7] : memref<640000xi32, #tpu.memory_space<hbm>> -> memref<160xi32, #tpu.memory_space<hbm>>
        tpu.wait_dma2 semaphore(%arg11 : memref<!tpu.dma_semaphore, #tpu.memory_space<semaphore_mem>>) src(%dma_wait3A_43 : memref<160xi32, #tpu.memory_space<hbm>>) dst(%arg7 : memref<160xi32, #tpu.memory_space<vmem>>)
        %ge3A = arith.constant 1 : i32
        %ge3A_44 = arith.cmpi sge, %scan3A_28, %ge3A : i32
        %convert_element_type3A_45 = arith.extui %ge3A_44 : i1 to i32
        %cond3A_46 = arith.constant 0 : i32
        %cond3A_47 = arith.cmpi ne, %convert_element_type3A_45, %cond3A_46 : i32
        scf.if %cond3A_47 {
          %dma_wait3A_68 = arith.constant 0 : i32
          %dma_wait3A_69 = tpu.memref_slice %arg4[%mul3A_7, %dma_wait3A_68] : memref<640000x128xf32, #tpu.memory_space<hbm>> -> memref<160x128xf32, #tpu.memory_space<hbm>>
          %dma_wait3A_70 = arith.constant 0 : i32
          %dma_wait3A_71 = tpu.memref_slice %arg4[%mul3A_7, %dma_wait3A_70] : memref<640000x128xf32, #tpu.memory_space<hbm>> -> memref<160x128xf32, #tpu.memory_space<hbm>>
          tpu.wait_dma2 semaphore(%arg14 : memref<!tpu.dma_semaphore, #tpu.memory_space<semaphore_mem>>) src(%arg9 : memref<160x128xf32, #tpu.memory_space<vmem>>) dst(%dma_wait3A_71 : memref<160x128xf32, #tpu.memory_space<hbm>>)
        } else {
        }
        %dma_start3A_48 = arith.constant 0 : i32
        %dma_start3A_49 = arith.constant 0 : i32
        %dma_start3A_50 = tpu.memref_slice %arg5[%dma_start3A_48, %dma_start3A_49] : memref<10240x128xf32, #tpu.memory_space<vmem_shared>> -> memref<10240x128xf32, #tpu.memory_space<vmem_shared>>
        tpu.enqueue_indirect_dma source(%dma_start3A_50 : memref<10240x128xf32, #tpu.memory_space<vmem_shared>>) target(%arg9 : memref<160x128xf32, #tpu.memory_space<vmem>>) offsets(%arg7 : memref<160xi32, #tpu.memory_space<vmem>>) semaphore(%arg12 : memref<!tpu.dma_semaphore, #tpu.memory_space<semaphore_mem>>)
        %dma_wait3A_51 = arith.constant 0 : i32
        %dma_wait3A_52 = arith.constant 0 : i32
        %dma_wait3A_53 = tpu.memref_slice %arg5[%dma_wait3A_51, %dma_wait3A_52] : memref<10240x128xf32, #tpu.memory_space<vmem_shared>> -> memref<10240x128xf32, #tpu.memory_space<vmem_shared>>
        tpu.wait_indirect_dma semaphore(%arg12 : memref<!tpu.dma_semaphore, #tpu.memory_space<semaphore_mem>>) src(%dma_wait3A_53 : memref<10240x128xf32, #tpu.memory_space<vmem_shared>>) dst(%arg9 : memref<160x128xf32, #tpu.memory_space<vmem>>)
        %add3A_54 = arith.constant 2 : i32
        %add3A_55 = arith.addi %add3A_36, %add3A_54 : i32
        %lt3A_56 = arith.constant 125 : i32
        %lt3A_57 = arith.cmpi slt, %add3A_55, %lt3A_56 : i32
        %convert_element_type3A_58 = arith.extui %lt3A_57 : i1 to i32
        %cond3A_59 = arith.constant 0 : i32
        %cond3A_60 = arith.cmpi ne, %convert_element_type3A_58, %cond3A_59 : i32
        scf.if %cond3A_60 {
          %add3A_68 = arith.constant 2 : i32
          %add3A_69 = arith.addi %add3A_36, %add3A_68 : i32
          %mul3A_70 = arith.constant 160 : i32
          %mul3A_71 = arith.muli %add3A_69, %mul3A_70 : i32
          %add3A_72 = arith.addi %mul3A_7, %mul3A_71 : i32
          %dma_start3A_73 = tpu.memref_slice %arg3[%add3A_72] : memref<640000xi32, #tpu.memory_space<hbm>> -> memref<160xi32, #tpu.memory_space<hbm>>
          %dma_start3A_74 = tpu.memref_slice %arg3[%add3A_72] : memref<640000xi32, #tpu.memory_space<hbm>> -> memref<160xi32, #tpu.memory_space<hbm>>
          tpu.enqueue_dma source(%dma_start3A_74 : memref<160xi32, #tpu.memory_space<hbm>>) target(%arg7 : memref<160xi32, #tpu.memory_space<vmem>>) target_semaphore(%arg11 : memref<!tpu.dma_semaphore, #tpu.memory_space<semaphore_mem>>)
        } else {
        }
        %mul3A_61 = arith.constant 160 : i32
        %mul3A_62 = arith.muli %add3A_36, %mul3A_61 : i32
        %add3A_63 = arith.addi %mul3A_7, %mul3A_62 : i32
        %dma_start3A_64 = arith.constant 0 : i32
        %dma_start3A_65 = tpu.memref_slice %arg4[%add3A_63, %dma_start3A_64] : memref<640000x128xf32, #tpu.memory_space<hbm>> -> memref<160x128xf32, #tpu.memory_space<hbm>>
        %dma_start3A_66 = arith.constant 0 : i32
        %dma_start3A_67 = tpu.memref_slice %arg4[%add3A_63, %dma_start3A_66] : memref<640000x128xf32, #tpu.memory_space<hbm>> -> memref<160x128xf32, #tpu.memory_space<hbm>>
        tpu.enqueue_dma source(%arg9 : memref<160x128xf32, #tpu.memory_space<vmem>>) target(%dma_start3A_67 : memref<160x128xf32, #tpu.memory_space<hbm>>) target_semaphore(%arg14 : memref<!tpu.dma_semaphore, #tpu.memory_space<semaphore_mem>>)
      } else {
      }
    }
    %scan3A_20 = arith.constant 63 : i32
    %dma_wait3A = arith.constant 0 : i32
    %dma_wait3A_21 = tpu.memref_slice %arg4[%mul3A_7, %dma_wait3A] : memref<640000x128xf32, #tpu.memory_space<hbm>> -> memref<160x128xf32, #tpu.memory_space<hbm>>
    %dma_wait3A_22 = arith.constant 0 : i32
    %dma_wait3A_23 = tpu.memref_slice %arg4[%mul3A_7, %dma_wait3A_22] : memref<640000x128xf32, #tpu.memory_space<hbm>> -> memref<160x128xf32, #tpu.memory_space<hbm>>
    tpu.wait_dma2 semaphore(%arg13 : memref<!tpu.dma_semaphore, #tpu.memory_space<semaphore_mem>>) src(%arg8 : memref<160x128xf32, #tpu.memory_space<vmem>>) dst(%dma_wait3A_23 : memref<160x128xf32, #tpu.memory_space<hbm>>)
    %dma_wait3A_24 = arith.constant 0 : i32
    %dma_wait3A_25 = tpu.memref_slice %arg4[%mul3A_7, %dma_wait3A_24] : memref<640000x128xf32, #tpu.memory_space<hbm>> -> memref<160x128xf32, #tpu.memory_space<hbm>>
    %dma_wait3A_26 = arith.constant 0 : i32
    %dma_wait3A_27 = tpu.memref_slice %arg4[%mul3A_7, %dma_wait3A_26] : memref<640000x128xf32, #tpu.memory_space<hbm>> -> memref<160x128xf32, #tpu.memory_space<hbm>>
    tpu.wait_dma2 semaphore(%arg14 : memref<!tpu.dma_semaphore, #tpu.memory_space<semaphore_mem>>) src(%arg9 : memref<160x128xf32, #tpu.memory_space<vmem>>) dst(%dma_wait3A_27 : memref<160x128xf32, #tpu.memory_space<hbm>>)
    return
  }
}

#map = affine_map<(d0, d1) -> (0, 0, 0)>
#map1 = affine_map<(d0, d1) -> (0)>
#map2 = affine_map<(d0, d1) -> (0, 0)>
module attributes {stable_mosaic.version = 14 : i64} {
  func.func @_sc_gather2_body(%arg0: i32, %arg1: i32, %arg2: memref<2x10240x128xf32, #tpu.memory_space<hbm>>, %arg3: memref<640000xi32, #tpu.memory_space<hbm>>, %arg4: memref<640000x128xf32, #tpu.memory_space<hbm>>, %arg5: memref<10240x128xf32, #tpu.memory_space<vmem_shared>>, %arg6: memref<160xi32, #tpu.memory_space<vmem>>, %arg7: memref<160xi32, #tpu.memory_space<vmem>>, %arg8: memref<160x128xf32, #tpu.memory_space<vmem>>, %arg9: memref<160x128xf32, #tpu.memory_space<vmem>>, %arg10: memref<!tpu.dma_semaphore, #tpu.memory_space<semaphore_mem>>, %arg11: memref<!tpu.dma_semaphore, #tpu.memory_space<semaphore_mem>>, %arg12: memref<!tpu.dma_semaphore, #tpu.memory_space<semaphore_mem>>, %arg13: memref<!tpu.dma_semaphore, #tpu.memory_space<semaphore_mem>>, %arg14: memref<!tpu.dma_semaphore, #tpu.memory_space<semaphore_mem>>) attributes {dimension_semantics = [#tpu.dimension_semantics<core_parallel>, #tpu.dimension_semantics<subcore_parallel>], iteration_bounds = array<i64: 2, 16>, scalar_prefetch = 0 : i64, scratch_operands = 10 : i64, tpu.core_type = #tpu.core_type<sc_vector_subcore>, window_params = [{transform_indices = #map}, {transform_indices = #map1}, {transform_indices = #map2}]} {
    %iota3A = tpu.iota {dimensions = array<i32: 0>} : vector<16xi32>
    %scan3A = arith.constant 0 : i32
    %scan3A_0 = arith.constant 0 : i32
    %scan3A_1 = arith.constant 4 : i32
    %scan3A_2 = arith.addi %scan3A_0, %scan3A_1 : i32
    %scan3A_3 = arith.constant 1 : i32
    scf.for %scan3A_28 = %scan3A_0 to %scan3A_2 step %scan3A_3  : i32 {
      %mul3A_29 = arith.constant 640 : i32
      %mul3A_30 = arith.muli %arg1, %mul3A_29 : i32
      %mul3A_31 = arith.constant 160 : i32
      %mul3A_32 = arith.muli %scan3A_28, %mul3A_31 : i32
      %add3A_33 = arith.addi %mul3A_30, %mul3A_32 : i32
      %run_scoped3A = arith.constant 0 : i32
      "tpu.region"() ({
        %run_scoped3A_41 = tpu.sem_alloc : memref<!tpu.dma_semaphore, #tpu.memory_space<semaphore_mem>>
        %dma_start3A_42 = arith.constant 0 : i32
        %dma_start3A_43 = tpu.memref_slice %arg5[%add3A_33, %dma_start3A_42] : memref<10240x128xf32, #tpu.memory_space<vmem_shared>> -> memref<160x128xf32, #tpu.memory_space<vmem_shared>>
        %dma_start3A_44 = arith.constant 0 : i32
        %dma_start3A_45 = tpu.memref_slice %arg2[%run_scoped3A, %add3A_33, %dma_start3A_44] : memref<2x10240x128xf32, #tpu.memory_space<hbm>> -> memref<1x160x128xf32, #tpu.memory_space<hbm>>
        %dma_start3A_46 = tpu.memref_squeeze %dma_start3A_45 : memref<1x160x128xf32, #tpu.memory_space<hbm>> -> memref<160x128xf32, #tpu.memory_space<hbm>>
        tpu.enqueue_dma source(%dma_start3A_46 : memref<160x128xf32, #tpu.memory_space<hbm>>) target(%dma_start3A_43 : memref<160x128xf32, #tpu.memory_space<vmem_shared>>) target_semaphore(%run_scoped3A_41 : memref<!tpu.dma_semaphore, #tpu.memory_space<semaphore_mem>>)
        %dma_wait3A_47 = arith.constant 0 : i32
        %dma_wait3A_48 = tpu.memref_slice %arg5[%add3A_33, %dma_wait3A_47] : memref<10240x128xf32, #tpu.memory_space<vmem_shared>> -> memref<160x128xf32, #tpu.memory_space<vmem_shared>>
        %dma_wait3A_49 = arith.constant 0 : i32
        %dma_wait3A_50 = tpu.memref_slice %arg2[%run_scoped3A, %add3A_33, %dma_wait3A_49] : memref<2x10240x128xf32, #tpu.memory_space<hbm>> -> memref<1x160x128xf32, #tpu.memory_space<hbm>>
        %dma_wait3A_51 = tpu.memref_squeeze %dma_wait3A_50 : memref<1x160x128xf32, #tpu.memory_space<hbm>> -> memref<160x128xf32, #tpu.memory_space<hbm>>
        tpu.wait_dma2 semaphore(%run_scoped3A_41 : memref<!tpu.dma_semaphore, #tpu.memory_space<semaphore_mem>>) src(%dma_wait3A_51 : memref<160x128xf32, #tpu.memory_space<hbm>>) dst(%dma_wait3A_48 : memref<160x128xf32, #tpu.memory_space<vmem_shared>>)
        tpu.yield
      }) : () -> ()
      %run_scoped3A_34 = arith.constant 1 : i32
      "tpu.region"() ({
        %run_scoped3A_41 = tpu.sem_alloc : memref<!tpu.dma_semaphore, #tpu.memory_space<semaphore_mem>>
        %dma_start3A_42 = arith.constant 0 : i32
        %dma_start3A_43 = tpu.memref_slice %arg2[%run_scoped3A_34, %add3A_33, %dma_start3A_42] : memref<2x10240x128xf32, #tpu.memory_space<hbm>> -> memref<1x160x128xf32, #tpu.memory_space<hbm>>
        %dma_start3A_44 = tpu.memref_squeeze %dma_start3A_43 : memref<1x160x128xf32, #tpu.memory_space<hbm>> -> memref<160x128xf32, #tpu.memory_space<hbm>>
        %dma_start3A_45 = arith.constant 0 : i32
        %dma_start3A_46 = tpu.memref_slice %arg2[%run_scoped3A_34, %add3A_33, %dma_start3A_45] : memref<2x10240x128xf32, #tpu.memory_space<hbm>> -> memref<1x160x128xf32, #tpu.memory_space<hbm>>
        %dma_start3A_47 = tpu.memref_squeeze %dma_start3A_46 : memref<1x160x128xf32, #tpu.memory_space<hbm>> -> memref<160x128xf32, #tpu.memory_space<hbm>>
        tpu.enqueue_dma source(%dma_start3A_47 : memref<160x128xf32, #tpu.memory_space<hbm>>) target(%arg9 : memref<160x128xf32, #tpu.memory_space<vmem>>) target_semaphore(%run_scoped3A_41 : memref<!tpu.dma_semaphore, #tpu.memory_space<semaphore_mem>>)
        %dma_wait3A_48 = arith.constant 0 : i32
        %dma_wait3A_49 = tpu.memref_slice %arg2[%run_scoped3A_34, %add3A_33, %dma_wait3A_48] : memref<2x10240x128xf32, #tpu.memory_space<hbm>> -> memref<1x160x128xf32, #tpu.memory_space<hbm>>
        %dma_wait3A_50 = tpu.memref_squeeze %dma_wait3A_49 : memref<1x160x128xf32, #tpu.memory_space<hbm>> -> memref<160x128xf32, #tpu.memory_space<hbm>>
        %dma_wait3A_51 = arith.constant 0 : i32
        %dma_wait3A_52 = tpu.memref_slice %arg2[%run_scoped3A_34, %add3A_33, %dma_wait3A_51] : memref<2x10240x128xf32, #tpu.memory_space<hbm>> -> memref<1x160x128xf32, #tpu.memory_space<hbm>>
        %dma_wait3A_53 = tpu.memref_squeeze %dma_wait3A_52 : memref<1x160x128xf32, #tpu.memory_space<hbm>> -> memref<160x128xf32, #tpu.memory_space<hbm>>
        tpu.wait_dma2 semaphore(%run_scoped3A_41 : memref<!tpu.dma_semaphore, #tpu.memory_space<semaphore_mem>>) src(%dma_wait3A_53 : memref<160x128xf32, #tpu.memory_space<hbm>>) dst(%arg9 : memref<160x128xf32, #tpu.memory_space<vmem>>)
        tpu.yield
      }) : () -> ()
      %scan3A_35 = arith.constant 0 : i32
      %scan3A_36 = arith.constant 0 : i32
      %scan3A_37 = arith.constant 10 : i32
      %scan3A_38 = arith.addi %scan3A_36, %scan3A_37 : i32
      %scan3A_39 = arith.constant 1 : i32
      scf.for %scan3A_41 = %scan3A_36 to %scan3A_38 step %scan3A_39  : i32 {
        %mul3A_42 = arith.constant 16 : i32
        %mul3A_43 = arith.muli %scan3A_41, %mul3A_42 : i32
        %add3A_44 = arith.addi %add3A_33, %mul3A_43 : i32
        %add3A_45 = vector.broadcast %add3A_44 : i32 to vector<16xi32>
        %add3A_46 = arith.addi %add3A_45, %iota3A : vector<16xi32>
        %mul3A_47 = arith.constant 16 : i32
        %mul3A_48 = arith.muli %scan3A_41, %mul3A_47 : i32
        %swap3A = arith.index_cast %mul3A_48 : i32 to index
        %swap3A_49 = tpu.vector_load %arg6[%swap3A] {strides = array<i32>} : memref<160xi32, #tpu.memory_space<vmem>>, vector<16xi32>,
        %swap3A_50 = vector.shape_cast %swap3A_49 : vector<16xi32> to vector<16xi32>
        %swap3A_51 = vector.shape_cast %add3A_46 : vector<16xi32> to vector<16xi32>
        tpu.vector_store %arg6[%swap3A], %swap3A_51 {strides = array<i32>} : memref<160xi32, #tpu.memory_space<vmem>>, vector<16xi32>,
      }
      %scan3A_40 = arith.constant 10 : i32
      "tpu.region"() ({
        %run_scoped3A_41 = tpu.sem_alloc : memref<!tpu.dma_semaphore, #tpu.memory_space<semaphore_mem>>
        %dma_start3A_42 = arith.constant 0 : i32
        %dma_start3A_43 = arith.constant 0 : i32
        %dma_start3A_44 = tpu.memref_slice %arg5[%dma_start3A_42, %dma_start3A_43] : memref<10240x128xf32, #tpu.memory_space<vmem_shared>> -> memref<10240x128xf32, #tpu.memory_space<vmem_shared>>
        tpu.enqueue_indirect_dma source(%arg9 : memref<160x128xf32, #tpu.memory_space<vmem>>) target(%dma_start3A_44 : memref<10240x128xf32, #tpu.memory_space<vmem_shared>>) offsets(%arg6 : memref<160xi32, #tpu.memory_space<vmem>>) semaphore(%run_scoped3A_41 : memref<!tpu.dma_semaphore, #tpu.memory_space<semaphore_mem>>) {add = true}
        %dma_wait3A_45 = arith.constant 0 : i32
        %dma_wait3A_46 = arith.constant 0 : i32
        %dma_wait3A_47 = tpu.memref_slice %arg5[%dma_wait3A_45, %dma_wait3A_46] : memref<10240x128xf32, #tpu.memory_space<vmem_shared>> -> memref<10240x128xf32, #tpu.memory_space<vmem_shared>>
        tpu.wait_indirect_dma semaphore(%run_scoped3A_41 : memref<!tpu.dma_semaphore, #tpu.memory_space<semaphore_mem>>) src(%arg9 : memref<160x128xf32, #tpu.memory_space<vmem>>) dst(%dma_wait3A_47 : memref<10240x128xf32, #tpu.memory_space<vmem_shared>>)
        tpu.yield
      }) : () -> ()
    }
    %scan3A_4 = arith.constant 4 : i32
    %barrier3A = arith.constant 0 : index
    tpu.barrier barrier_id(%barrier3A)
    %mul3A = arith.constant 2 : i32
    %mul3A_5 = arith.muli %arg1, %mul3A : i32
    %add3A = arith.addi %mul3A_5, %arg0 : i32
    %mul3A_6 = arith.constant 20000 : i32
    %mul3A_7 = arith.muli %add3A, %mul3A_6 : i32
    %add3A_8 = arith.constant 0 : i32
    %add3A_9 = arith.addi %mul3A_7, %add3A_8 : i32
    %dma_start3A = tpu.memref_slice %arg3[%add3A_9] : memref<640000xi32, #tpu.memory_space<hbm>> -> memref<160xi32, #tpu.memory_space<hbm>>
    %dma_start3A_10 = tpu.memref_slice %arg3[%add3A_9] : memref<640000xi32, #tpu.memory_space<hbm>> -> memref<160xi32, #tpu.memory_space<hbm>>
    tpu.enqueue_dma source(%dma_start3A_10 : memref<160xi32, #tpu.memory_space<hbm>>) target(%arg6 : memref<160xi32, #tpu.memory_space<vmem>>) target_semaphore(%arg10 : memref<!tpu.dma_semaphore, #tpu.memory_space<semaphore_mem>>)
    %add3A_11 = arith.constant 160 : i32
    %add3A_12 = arith.addi %mul3A_7, %add3A_11 : i32
    %dma_start3A_13 = tpu.memref_slice %arg3[%add3A_12] : memref<640000xi32, #tpu.memory_space<hbm>> -> memref<160xi32, #tpu.memory_space<hbm>>
    %dma_start3A_14 = tpu.memref_slice %arg3[%add3A_12] : memref<640000xi32, #tpu.memory_space<hbm>> -> memref<160xi32, #tpu.memory_space<hbm>>
    tpu.enqueue_dma source(%dma_start3A_14 : memref<160xi32, #tpu.memory_space<hbm>>) target(%arg7 : memref<160xi32, #tpu.memory_space<vmem>>) target_semaphore(%arg11 : memref<!tpu.dma_semaphore, #tpu.memory_space<semaphore_mem>>)
    %scan3A_15 = arith.constant 0 : i32
    %scan3A_16 = arith.constant 0 : i32
    %scan3A_17 = arith.constant 63 : i32
    %scan3A_18 = arith.addi %scan3A_16, %scan3A_17 : i32
    %scan3A_19 = arith.constant 1 : i32
    scf.for %scan3A_28 = %scan3A_16 to %scan3A_18 step %scan3A_19  : i32 {
      %mul3A_29 = arith.constant 2 : i32
      %mul3A_30 = arith.muli %mul3A_29, %scan3A_28 : i32
      %lt3A = arith.constant 125 : i32
      %lt3A_31 = arith.cmpi slt, %mul3A_30, %lt3A : i32
      %convert_element_type3A = arith.extui %lt3A_31 : i1 to i32
      %cond3A = arith.constant 0 : i32
      %cond3A_32 = arith.cmpi ne, %convert_element_type3A, %cond3A : i32
      scf.if %cond3A_32 {
        %dma_wait3A_42 = tpu.memref_slice %arg3[%mul3A_7] : memref<640000xi32, #tpu.memory_space<hbm>> -> memref<160xi32, #tpu.memory_space<hbm>>
        %dma_wait3A_43 = tpu.memref_slice %arg3[%mul3A_7] : memref<640000xi32, #tpu.memory_space<hbm>> -> memref<160xi32, #tpu.memory_space<hbm>>
        tpu.wait_dma2 semaphore(%arg10 : memref<!tpu.dma_semaphore, #tpu.memory_space<semaphore_mem>>) src(%dma_wait3A_43 : memref<160xi32, #tpu.memory_space<hbm>>) dst(%arg6 : memref<160xi32, #tpu.memory_space<vmem>>)
        %ge3A = arith.constant 1 : i32
        %ge3A_44 = arith.cmpi sge, %scan3A_28, %ge3A : i32
        %convert_element_type3A_45 = arith.extui %ge3A_44 : i1 to i32
        %cond3A_46 = arith.constant 0 : i32
        %cond3A_47 = arith.cmpi ne, %convert_element_type3A_45, %cond3A_46 : i32
        scf.if %cond3A_47 {
          %dma_wait3A_68 = arith.constant 0 : i32
          %dma_wait3A_69 = tpu.memref_slice %arg4[%mul3A_7, %dma_wait3A_68] : memref<640000x128xf32, #tpu.memory_space<hbm>> -> memref<160x128xf32, #tpu.memory_space<hbm>>
          %dma_wait3A_70 = arith.constant 0 : i32
          %dma_wait3A_71 = tpu.memref_slice %arg4[%mul3A_7, %dma_wait3A_70] : memref<640000x128xf32, #tpu.memory_space<hbm>> -> memref<160x128xf32, #tpu.memory_space<hbm>>
          tpu.wait_dma2 semaphore(%arg13 : memref<!tpu.dma_semaphore, #tpu.memory_space<semaphore_mem>>) src(%arg8 : memref<160x128xf32, #tpu.memory_space<vmem>>) dst(%dma_wait3A_71 : memref<160x128xf32, #tpu.memory_space<hbm>>)
        } else {
        }
        %dma_start3A_48 = arith.constant 0 : i32
        %dma_start3A_49 = arith.constant 0 : i32
        %dma_start3A_50 = tpu.memref_slice %arg5[%dma_start3A_48, %dma_start3A_49] : memref<10240x128xf32, #tpu.memory_space<vmem_shared>> -> memref<10240x128xf32, #tpu.memory_space<vmem_shared>>
        tpu.enqueue_indirect_dma source(%dma_start3A_50 : memref<10240x128xf32, #tpu.memory_space<vmem_shared>>) target(%arg8 : memref<160x128xf32, #tpu.memory_space<vmem>>) offsets(%arg6 : memref<160xi32, #tpu.memory_space<vmem>>) semaphore(%arg12 : memref<!tpu.dma_semaphore, #tpu.memory_space<semaphore_mem>>)
        %dma_wait3A_51 = arith.constant 0 : i32
        %dma_wait3A_52 = arith.constant 0 : i32
        %dma_wait3A_53 = tpu.memref_slice %arg5[%dma_wait3A_51, %dma_wait3A_52] : memref<10240x128xf32, #tpu.memory_space<vmem_shared>> -> memref<10240x128xf32, #tpu.memory_space<vmem_shared>>
        tpu.wait_indirect_dma semaphore(%arg12 : memref<!tpu.dma_semaphore, #tpu.memory_space<semaphore_mem>>) src(%dma_wait3A_53 : memref<10240x128xf32, #tpu.memory_space<vmem_shared>>) dst(%arg8 : memref<160x128xf32, #tpu.memory_space<vmem>>)
        %add3A_54 = arith.constant 2 : i32
        %add3A_55 = arith.addi %mul3A_30, %add3A_54 : i32
        %lt3A_56 = arith.constant 125 : i32
        %lt3A_57 = arith.cmpi slt, %add3A_55, %lt3A_56 : i32
        %convert_element_type3A_58 = arith.extui %lt3A_57 : i1 to i32
        %cond3A_59 = arith.constant 0 : i32
        %cond3A_60 = arith.cmpi ne, %convert_element_type3A_58, %cond3A_59 : i32
        scf.if %cond3A_60 {
          %add3A_68 = arith.constant 2 : i32
          %add3A_69 = arith.addi %mul3A_30, %add3A_68 : i32
          %mul3A_70 = arith.constant 160 : i32
          %mul3A_71 = arith.muli %add3A_69, %mul3A_70 : i32
          %add3A_72 = arith.addi %mul3A_7, %mul3A_71 : i32
          %dma_start3A_73 = tpu.memref_slice %arg3[%add3A_72] : memref<640000xi32, #tpu.memory_space<hbm>> -> memref<160xi32, #tpu.memory_space<hbm>>
          %dma_start3A_74 = tpu.memref_slice %arg3[%add3A_72] : memref<640000xi32, #tpu.memory_space<hbm>> -> memref<160xi32, #tpu.memory_space<hbm>>
          tpu.enqueue_dma source(%dma_start3A_74 : memref<160xi32, #tpu.memory_space<hbm>>) target(%arg6 : memref<160xi32, #tpu.memory_space<vmem>>) target_semaphore(%arg10 : memref<!tpu.dma_semaphore, #tpu.memory_space<semaphore_mem>>)
        } else {
        }
        %mul3A_61 = arith.constant 160 : i32
        %mul3A_62 = arith.muli %mul3A_30, %mul3A_61 : i32
        %add3A_63 = arith.addi %mul3A_7, %mul3A_62 : i32
        %dma_start3A_64 = arith.constant 0 : i32
        %dma_start3A_65 = tpu.memref_slice %arg4[%add3A_63, %dma_start3A_64] : memref<640000x128xf32, #tpu.memory_space<hbm>> -> memref<160x128xf32, #tpu.memory_space<hbm>>
        %dma_start3A_66 = arith.constant 0 : i32
        %dma_start3A_67 = tpu.memref_slice %arg4[%add3A_63, %dma_start3A_66] : memref<640000x128xf32, #tpu.memory_space<hbm>> -> memref<160x128xf32, #tpu.memory_space<hbm>>
        tpu.enqueue_dma source(%arg8 : memref<160x128xf32, #tpu.memory_space<vmem>>) target(%dma_start3A_67 : memref<160x128xf32, #tpu.memory_space<hbm>>) target_semaphore(%arg13 : memref<!tpu.dma_semaphore, #tpu.memory_space<semaphore_mem>>)
      } else {
      }
      %mul3A_33 = arith.constant 2 : i32
      %mul3A_34 = arith.muli %mul3A_33, %scan3A_28 : i32
      %add3A_35 = arith.constant 1 : i32
      %add3A_36 = arith.addi %mul3A_34, %add3A_35 : i32
      %lt3A_37 = arith.constant 125 : i32
      %lt3A_38 = arith.cmpi slt, %add3A_36, %lt3A_37 : i32
      %convert_element_type3A_39 = arith.extui %lt3A_38 : i1 to i32
      %cond3A_40 = arith.constant 0 : i32
      %cond3A_41 = arith.cmpi ne, %convert_element_type3A_39, %cond3A_40 : i32
      scf.if %cond3A_41 {
        %dma_wait3A_42 = tpu.memref_slice %arg3[%mul3A_7] : memref<640000xi32, #tpu.memory_space<hbm>> -> memref<160xi32, #tpu.memory_space<hbm>>
        %dma_wait3A_43 = tpu.memref_slice %arg3[%mul3A_7] : memref<640000xi32, #tpu.memory_space<hbm>> -> memref<160xi32, #tpu.memory_space<hbm>>
        tpu.wait_dma2 semaphore(%arg11 : memref<!tpu.dma_semaphore, #tpu.memory_space<semaphore_mem>>) src(%dma_wait3A_43 : memref<160xi32, #tpu.memory_space<hbm>>) dst(%arg7 : memref<160xi32, #tpu.memory_space<vmem>>)
        %ge3A = arith.constant 1 : i32
        %ge3A_44 = arith.cmpi sge, %scan3A_28, %ge3A : i32
        %convert_element_type3A_45 = arith.extui %ge3A_44 : i1 to i32
        %cond3A_46 = arith.constant 0 : i32
        %cond3A_47 = arith.cmpi ne, %convert_element_type3A_45, %cond3A_46 : i32
        scf.if %cond3A_47 {
          %dma_wait3A_68 = arith.constant 0 : i32
          %dma_wait3A_69 = tpu.memref_slice %arg4[%mul3A_7, %dma_wait3A_68] : memref<640000x128xf32, #tpu.memory_space<hbm>> -> memref<160x128xf32, #tpu.memory_space<hbm>>
          %dma_wait3A_70 = arith.constant 0 : i32
          %dma_wait3A_71 = tpu.memref_slice %arg4[%mul3A_7, %dma_wait3A_70] : memref<640000x128xf32, #tpu.memory_space<hbm>> -> memref<160x128xf32, #tpu.memory_space<hbm>>
          tpu.wait_dma2 semaphore(%arg14 : memref<!tpu.dma_semaphore, #tpu.memory_space<semaphore_mem>>) src(%arg9 : memref<160x128xf32, #tpu.memory_space<vmem>>) dst(%dma_wait3A_71 : memref<160x128xf32, #tpu.memory_space<hbm>>)
        } else {
        }
        %dma_start3A_48 = arith.constant 0 : i32
        %dma_start3A_49 = arith.constant 0 : i32
        %dma_start3A_50 = tpu.memref_slice %arg5[%dma_start3A_48, %dma_start3A_49] : memref<10240x128xf32, #tpu.memory_space<vmem_shared>> -> memref<10240x128xf32, #tpu.memory_space<vmem_shared>>
        tpu.enqueue_indirect_dma source(%dma_start3A_50 : memref<10240x128xf32, #tpu.memory_space<vmem_shared>>) target(%arg9 : memref<160x128xf32, #tpu.memory_space<vmem>>) offsets(%arg7 : memref<160xi32, #tpu.memory_space<vmem>>) semaphore(%arg12 : memref<!tpu.dma_semaphore, #tpu.memory_space<semaphore_mem>>)
        %dma_wait3A_51 = arith.constant 0 : i32
        %dma_wait3A_52 = arith.constant 0 : i32
        %dma_wait3A_53 = tpu.memref_slice %arg5[%dma_wait3A_51, %dma_wait3A_52] : memref<10240x128xf32, #tpu.memory_space<vmem_shared>> -> memref<10240x128xf32, #tpu.memory_space<vmem_shared>>
        tpu.wait_indirect_dma semaphore(%arg12 : memref<!tpu.dma_semaphore, #tpu.memory_space<semaphore_mem>>) src(%dma_wait3A_53 : memref<10240x128xf32, #tpu.memory_space<vmem_shared>>) dst(%arg9 : memref<160x128xf32, #tpu.memory_space<vmem>>)
        %add3A_54 = arith.constant 2 : i32
        %add3A_55 = arith.addi %add3A_36, %add3A_54 : i32
        %lt3A_56 = arith.constant 125 : i32
        %lt3A_57 = arith.cmpi slt, %add3A_55, %lt3A_56 : i32
        %convert_element_type3A_58 = arith.extui %lt3A_57 : i1 to i32
        %cond3A_59 = arith.constant 0 : i32
        %cond3A_60 = arith.cmpi ne, %convert_element_type3A_58, %cond3A_59 : i32
        scf.if %cond3A_60 {
          %add3A_68 = arith.constant 2 : i32
          %add3A_69 = arith.addi %add3A_36, %add3A_68 : i32
          %mul3A_70 = arith.constant 160 : i32
          %mul3A_71 = arith.muli %add3A_69, %mul3A_70 : i32
          %add3A_72 = arith.addi %mul3A_7, %mul3A_71 : i32
          %dma_start3A_73 = tpu.memref_slice %arg3[%add3A_72] : memref<640000xi32, #tpu.memory_space<hbm>> -> memref<160xi32, #tpu.memory_space<hbm>>
          %dma_start3A_74 = tpu.memref_slice %arg3[%add3A_72] : memref<640000xi32, #tpu.memory_space<hbm>> -> memref<160xi32, #tpu.memory_space<hbm>>
          tpu.enqueue_dma source(%dma_start3A_74 : memref<160xi32, #tpu.memory_space<hbm>>) target(%arg7 : memref<160xi32, #tpu.memory_space<vmem>>) target_semaphore(%arg11 : memref<!tpu.dma_semaphore, #tpu.memory_space<semaphore_mem>>)
        } else {
        }
        %mul3A_61 = arith.constant 160 : i32
        %mul3A_62 = arith.muli %add3A_36, %mul3A_61 : i32
        %add3A_63 = arith.addi %mul3A_7, %mul3A_62 : i32
        %dma_start3A_64 = arith.constant 0 : i32
        %dma_start3A_65 = tpu.memref_slice %arg4[%add3A_63, %dma_start3A_64] : memref<640000x128xf32, #tpu.memory_space<hbm>> -> memref<160x128xf32, #tpu.memory_space<hbm>>
        %dma_start3A_66 = arith.constant 0 : i32
        %dma_start3A_67 = tpu.memref_slice %arg4[%add3A_63, %dma_start3A_66] : memref<640000x128xf32, #tpu.memory_space<hbm>> -> memref<160x128xf32, #tpu.memory_space<hbm>>
        tpu.enqueue_dma source(%arg9 : memref<160x128xf32, #tpu.memory_space<vmem>>) target(%dma_start3A_67 : memref<160x128xf32, #tpu.memory_space<hbm>>) target_semaphore(%arg14 : memref<!tpu.dma_semaphore, #tpu.memory_space<semaphore_mem>>)
      } else {
      }
    }
    %scan3A_20 = arith.constant 63 : i32
    %dma_wait3A = arith.constant 0 : i32
    %dma_wait3A_21 = tpu.memref_slice %arg4[%mul3A_7, %dma_wait3A] : memref<640000x128xf32, #tpu.memory_space<hbm>> -> memref<160x128xf32, #tpu.memory_space<hbm>>
    %dma_wait3A_22 = arith.constant 0 : i32
    %dma_wait3A_23 = tpu.memref_slice %arg4[%mul3A_7, %dma_wait3A_22] : memref<640000x128xf32, #tpu.memory_space<hbm>> -> memref<160x128xf32, #tpu.memory_space<hbm>>
    tpu.wait_dma2 semaphore(%arg13 : memref<!tpu.dma_semaphore, #tpu.memory_space<semaphore_mem>>) src(%arg8 : memref<160x128xf32, #tpu.memory_space<vmem>>) dst(%dma_wait3A_23 : memref<160x128xf32, #tpu.memory_space<hbm>>)
    %dma_wait3A_24 = arith.constant 0 : i32
    %dma_wait3A_25 = tpu.memref_slice %arg4[%mul3A_7, %dma_wait3A_24] : memref<640000x128xf32, #tpu.memory_space<hbm>> -> memref<160x128xf32, #tpu.memory_space<hbm>>
    %dma_wait3A_26 = arith.constant 0 : i32
    %dma_wait3A_27 = tpu.memref_slice %arg4[%mul3A_7, %dma_wait3A_26] : memref<640000x128xf32, #tpu.memory_space<hbm>> -> memref<160x128xf32, #tpu.memory_space<hbm>>
    tpu.wait_dma2 semaphore(%arg14 : memref<!tpu.dma_semaphore, #tpu.memory_space<semaphore_mem>>) src(%arg9 : memref<160x128xf32, #tpu.memory_space<vmem>>) dst(%dma_wait3A_27 : memref<160x128xf32, #tpu.memory_space<hbm>>)
    return
  }
}

#map = affine_map<(d0, d1) -> (0, 0, 0)>
#map1 = affine_map<(d0, d1) -> (0)>
#map2 = affine_map<(d0, d1) -> (0, 0)>
module attributes {stable_mosaic.version = 14 : i64} {
  func.func @_sc_gather2_body(%arg0: i32, %arg1: i32, %arg2: memref<2x10240x128xf32, #tpu.memory_space<hbm>>, %arg3: memref<640000xi32, #tpu.memory_space<hbm>>, %arg4: memref<640000x128xf32, #tpu.memory_space<hbm>>, %arg5: memref<10240x128xf32, #tpu.memory_space<vmem_shared>>, %arg6: memref<160xi32, #tpu.memory_space<vmem>>, %arg7: memref<160xi32, #tpu.memory_space<vmem>>, %arg8: memref<160x128xf32, #tpu.memory_space<vmem>>, %arg9: memref<160x128xf32, #tpu.memory_space<vmem>>, %arg10: memref<!tpu.dma_semaphore, #tpu.memory_space<semaphore_mem>>, %arg11: memref<!tpu.dma_semaphore, #tpu.memory_space<semaphore_mem>>, %arg12: memref<!tpu.dma_semaphore, #tpu.memory_space<semaphore_mem>>, %arg13: memref<!tpu.dma_semaphore, #tpu.memory_space<semaphore_mem>>, %arg14: memref<!tpu.dma_semaphore, #tpu.memory_space<semaphore_mem>>) attributes {dimension_semantics = [#tpu.dimension_semantics<core_parallel>, #tpu.dimension_semantics<subcore_parallel>], iteration_bounds = array<i64: 2, 16>, scalar_prefetch = 0 : i64, scratch_operands = 10 : i64, tpu.core_type = #tpu.core_type<sc_vector_subcore>, window_params = [{transform_indices = #map}, {transform_indices = #map1}, {transform_indices = #map2}]} {
    %iota3A = tpu.iota {dimensions = array<i32: 0>} : vector<16xi32>
    %scan3A = arith.constant 0 : i32
    %scan3A_0 = arith.constant 0 : i32
    %scan3A_1 = arith.constant 4 : i32
    %scan3A_2 = arith.addi %scan3A_0, %scan3A_1 : i32
    %scan3A_3 = arith.constant 1 : i32
    scf.for %scan3A_28 = %scan3A_0 to %scan3A_2 step %scan3A_3  : i32 {
      %mul3A_29 = arith.constant 640 : i32
      %mul3A_30 = arith.muli %arg1, %mul3A_29 : i32
      %mul3A_31 = arith.constant 160 : i32
      %mul3A_32 = arith.muli %scan3A_28, %mul3A_31 : i32
      %add3A_33 = arith.addi %mul3A_30, %mul3A_32 : i32
      %run_scoped3A = arith.constant 0 : i32
      "tpu.region"() ({
        %run_scoped3A_41 = tpu.sem_alloc : memref<!tpu.dma_semaphore, #tpu.memory_space<semaphore_mem>>
        %dma_start3A_42 = arith.constant 0 : i32
        %dma_start3A_43 = tpu.memref_slice %arg5[%add3A_33, %dma_start3A_42] : memref<10240x128xf32, #tpu.memory_space<vmem_shared>> -> memref<160x128xf32, #tpu.memory_space<vmem_shared>>
        %dma_start3A_44 = arith.constant 0 : i32
        %dma_start3A_45 = tpu.memref_slice %arg2[%run_scoped3A, %add3A_33, %dma_start3A_44] : memref<2x10240x128xf32, #tpu.memory_space<hbm>> -> memref<1x160x128xf32, #tpu.memory_space<hbm>>
        %dma_start3A_46 = tpu.memref_squeeze %dma_start3A_45 : memref<1x160x128xf32, #tpu.memory_space<hbm>> -> memref<160x128xf32, #tpu.memory_space<hbm>>
        tpu.enqueue_dma source(%dma_start3A_46 : memref<160x128xf32, #tpu.memory_space<hbm>>) target(%dma_start3A_43 : memref<160x128xf32, #tpu.memory_space<vmem_shared>>) target_semaphore(%run_scoped3A_41 : memref<!tpu.dma_semaphore, #tpu.memory_space<semaphore_mem>>)
        %dma_wait3A_47 = arith.constant 0 : i32
        %dma_wait3A_48 = tpu.memref_slice %arg5[%add3A_33, %dma_wait3A_47] : memref<10240x128xf32, #tpu.memory_space<vmem_shared>> -> memref<160x128xf32, #tpu.memory_space<vmem_shared>>
        %dma_wait3A_49 = arith.constant 0 : i32
        %dma_wait3A_50 = tpu.memref_slice %arg2[%run_scoped3A, %add3A_33, %dma_wait3A_49] : memref<2x10240x128xf32, #tpu.memory_space<hbm>> -> memref<1x160x128xf32, #tpu.memory_space<hbm>>
        %dma_wait3A_51 = tpu.memref_squeeze %dma_wait3A_50 : memref<1x160x128xf32, #tpu.memory_space<hbm>> -> memref<160x128xf32, #tpu.memory_space<hbm>>
        tpu.wait_dma2 semaphore(%run_scoped3A_41 : memref<!tpu.dma_semaphore, #tpu.memory_space<semaphore_mem>>) src(%dma_wait3A_51 : memref<160x128xf32, #tpu.memory_space<hbm>>) dst(%dma_wait3A_48 : memref<160x128xf32, #tpu.memory_space<vmem_shared>>)
        tpu.yield
      }) : () -> ()
      %run_scoped3A_34 = arith.constant 1 : i32
      "tpu.region"() ({
        %run_scoped3A_41 = tpu.sem_alloc : memref<!tpu.dma_semaphore, #tpu.memory_space<semaphore_mem>>
        %dma_start3A_42 = arith.constant 0 : i32
        %dma_start3A_43 = tpu.memref_slice %arg2[%run_scoped3A_34, %add3A_33, %dma_start3A_42] : memref<2x10240x128xf32, #tpu.memory_space<hbm>> -> memref<1x160x128xf32, #tpu.memory_space<hbm>>
        %dma_start3A_44 = tpu.memref_squeeze %dma_start3A_43 : memref<1x160x128xf32, #tpu.memory_space<hbm>> -> memref<160x128xf32, #tpu.memory_space<hbm>>
        %dma_start3A_45 = arith.constant 0 : i32
        %dma_start3A_46 = tpu.memref_slice %arg2[%run_scoped3A_34, %add3A_33, %dma_start3A_45] : memref<2x10240x128xf32, #tpu.memory_space<hbm>> -> memref<1x160x128xf32, #tpu.memory_space<hbm>>
        %dma_start3A_47 = tpu.memref_squeeze %dma_start3A_46 : memref<1x160x128xf32, #tpu.memory_space<hbm>> -> memref<160x128xf32, #tpu.memory_space<hbm>>
        tpu.enqueue_dma source(%dma_start3A_47 : memref<160x128xf32, #tpu.memory_space<hbm>>) target(%arg9 : memref<160x128xf32, #tpu.memory_space<vmem>>) target_semaphore(%run_scoped3A_41 : memref<!tpu.dma_semaphore, #tpu.memory_space<semaphore_mem>>)
        %dma_wait3A_48 = arith.constant 0 : i32
        %dma_wait3A_49 = tpu.memref_slice %arg2[%run_scoped3A_34, %add3A_33, %dma_wait3A_48] : memref<2x10240x128xf32, #tpu.memory_space<hbm>> -> memref<1x160x128xf32, #tpu.memory_space<hbm>>
        %dma_wait3A_50 = tpu.memref_squeeze %dma_wait3A_49 : memref<1x160x128xf32, #tpu.memory_space<hbm>> -> memref<160x128xf32, #tpu.memory_space<hbm>>
        %dma_wait3A_51 = arith.constant 0 : i32
        %dma_wait3A_52 = tpu.memref_slice %arg2[%run_scoped3A_34, %add3A_33, %dma_wait3A_51] : memref<2x10240x128xf32, #tpu.memory_space<hbm>> -> memref<1x160x128xf32, #tpu.memory_space<hbm>>
        %dma_wait3A_53 = tpu.memref_squeeze %dma_wait3A_52 : memref<1x160x128xf32, #tpu.memory_space<hbm>> -> memref<160x128xf32, #tpu.memory_space<hbm>>
        tpu.wait_dma2 semaphore(%run_scoped3A_41 : memref<!tpu.dma_semaphore, #tpu.memory_space<semaphore_mem>>) src(%dma_wait3A_53 : memref<160x128xf32, #tpu.memory_space<hbm>>) dst(%arg9 : memref<160x128xf32, #tpu.memory_space<vmem>>)
        tpu.yield
      }) : () -> ()
      %scan3A_35 = arith.constant 0 : i32
      %scan3A_36 = arith.constant 0 : i32
      %scan3A_37 = arith.constant 10 : i32
      %scan3A_38 = arith.addi %scan3A_36, %scan3A_37 : i32
      %scan3A_39 = arith.constant 1 : i32
      scf.for %scan3A_41 = %scan3A_36 to %scan3A_38 step %scan3A_39  : i32 {
        %mul3A_42 = arith.constant 16 : i32
        %mul3A_43 = arith.muli %scan3A_41, %mul3A_42 : i32
        %add3A_44 = arith.addi %add3A_33, %mul3A_43 : i32
        %add3A_45 = vector.broadcast %add3A_44 : i32 to vector<16xi32>
        %add3A_46 = arith.addi %add3A_45, %iota3A : vector<16xi32>
        %mul3A_47 = arith.constant 16 : i32
        %mul3A_48 = arith.muli %scan3A_41, %mul3A_47 : i32
        %swap3A = arith.index_cast %mul3A_48 : i32 to index
        %swap3A_49 = tpu.vector_load %arg6[%swap3A] {strides = array<i32>} : memref<160xi32, #tpu.memory_space<vmem>>, vector<16xi32>,
        %swap3A_50 = vector.shape_cast %swap3A_49 : vector<16xi32> to vector<16xi32>
        %swap3A_51 = vector.shape_cast %add3A_46 : vector<16xi32> to vector<16xi32>
        tpu.vector_store %arg6[%swap3A], %swap3A_51 {strides = array<i32>} : memref<160xi32, #tpu.memory_space<vmem>>, vector<16xi32>,
      }
      %scan3A_40 = arith.constant 10 : i32
      "tpu.region"() ({
        %run_scoped3A_41 = tpu.sem_alloc : memref<!tpu.dma_semaphore, #tpu.memory_space<semaphore_mem>>
        %dma_start3A_42 = arith.constant 0 : i32
        %dma_start3A_43 = arith.constant 0 : i32
        %dma_start3A_44 = tpu.memref_slice %arg5[%dma_start3A_42, %dma_start3A_43] : memref<10240x128xf32, #tpu.memory_space<vmem_shared>> -> memref<10240x128xf32, #tpu.memory_space<vmem_shared>>
        tpu.enqueue_indirect_dma source(%arg9 : memref<160x128xf32, #tpu.memory_space<vmem>>) target(%dma_start3A_44 : memref<10240x128xf32, #tpu.memory_space<vmem_shared>>) offsets(%arg6 : memref<160xi32, #tpu.memory_space<vmem>>) semaphore(%run_scoped3A_41 : memref<!tpu.dma_semaphore, #tpu.memory_space<semaphore_mem>>) {add = true}
        %dma_wait3A_45 = arith.constant 0 : i32
        %dma_wait3A_46 = arith.constant 0 : i32
        %dma_wait3A_47 = tpu.memref_slice %arg5[%dma_wait3A_45, %dma_wait3A_46] : memref<10240x128xf32, #tpu.memory_space<vmem_shared>> -> memref<10240x128xf32, #tpu.memory_space<vmem_shared>>
        tpu.wait_indirect_dma semaphore(%run_scoped3A_41 : memref<!tpu.dma_semaphore, #tpu.memory_space<semaphore_mem>>) src(%arg9 : memref<160x128xf32, #tpu.memory_space<vmem>>) dst(%dma_wait3A_47 : memref<10240x128xf32, #tpu.memory_space<vmem_shared>>)
        tpu.yield
      }) : () -> ()
    }
    %scan3A_4 = arith.constant 4 : i32
    %barrier3A = arith.constant 0 : index
    tpu.barrier barrier_id(%barrier3A)
    %mul3A = arith.constant 2 : i32
    %mul3A_5 = arith.muli %arg1, %mul3A : i32
    %add3A = arith.addi %mul3A_5, %arg0 : i32
    %mul3A_6 = arith.constant 20000 : i32
    %mul3A_7 = arith.muli %add3A, %mul3A_6 : i32
    %add3A_8 = arith.constant 0 : i32
    %add3A_9 = arith.addi %mul3A_7, %add3A_8 : i32
    %dma_start3A = tpu.memref_slice %arg3[%add3A_9] : memref<640000xi32, #tpu.memory_space<hbm>> -> memref<160xi32, #tpu.memory_space<hbm>>
    %dma_start3A_10 = tpu.memref_slice %arg3[%add3A_9] : memref<640000xi32, #tpu.memory_space<hbm>> -> memref<160xi32, #tpu.memory_space<hbm>>
    tpu.enqueue_dma source(%dma_start3A_10 : memref<160xi32, #tpu.memory_space<hbm>>) target(%arg6 : memref<160xi32, #tpu.memory_space<vmem>>) target_semaphore(%arg10 : memref<!tpu.dma_semaphore, #tpu.memory_space<semaphore_mem>>)
    %add3A_11 = arith.constant 160 : i32
    %add3A_12 = arith.addi %mul3A_7, %add3A_11 : i32
    %dma_start3A_13 = tpu.memref_slice %arg3[%add3A_12] : memref<640000xi32, #tpu.memory_space<hbm>> -> memref<160xi32, #tpu.memory_space<hbm>>
    %dma_start3A_14 = tpu.memref_slice %arg3[%add3A_12] : memref<640000xi32, #tpu.memory_space<hbm>> -> memref<160xi32, #tpu.memory_space<hbm>>
    tpu.enqueue_dma source(%dma_start3A_14 : memref<160xi32, #tpu.memory_space<hbm>>) target(%arg7 : memref<160xi32, #tpu.memory_space<vmem>>) target_semaphore(%arg11 : memref<!tpu.dma_semaphore, #tpu.memory_space<semaphore_mem>>)
    %scan3A_15 = arith.constant 0 : i32
    %scan3A_16 = arith.constant 0 : i32
    %scan3A_17 = arith.constant 63 : i32
    %scan3A_18 = arith.addi %scan3A_16, %scan3A_17 : i32
    %scan3A_19 = arith.constant 1 : i32
    scf.for %scan3A_28 = %scan3A_16 to %scan3A_18 step %scan3A_19  : i32 {
      %mul3A_29 = arith.constant 2 : i32
      %mul3A_30 = arith.muli %mul3A_29, %scan3A_28 : i32
      %lt3A = arith.constant 125 : i32
      %lt3A_31 = arith.cmpi slt, %mul3A_30, %lt3A : i32
      %convert_element_type3A = arith.extui %lt3A_31 : i1 to i32
      %cond3A = arith.constant 0 : i32
      %cond3A_32 = arith.cmpi ne, %convert_element_type3A, %cond3A : i32
      scf.if %cond3A_32 {
        %dma_wait3A_42 = tpu.memref_slice %arg3[%mul3A_7] : memref<640000xi32, #tpu.memory_space<hbm>> -> memref<160xi32, #tpu.memory_space<hbm>>
        %dma_wait3A_43 = tpu.memref_slice %arg3[%mul3A_7] : memref<640000xi32, #tpu.memory_space<hbm>> -> memref<160xi32, #tpu.memory_space<hbm>>
        tpu.wait_dma2 semaphore(%arg10 : memref<!tpu.dma_semaphore, #tpu.memory_space<semaphore_mem>>) src(%dma_wait3A_43 : memref<160xi32, #tpu.memory_space<hbm>>) dst(%arg6 : memref<160xi32, #tpu.memory_space<vmem>>)
        %ge3A = arith.constant 1 : i32
        %ge3A_44 = arith.cmpi sge, %scan3A_28, %ge3A : i32
        %convert_element_type3A_45 = arith.extui %ge3A_44 : i1 to i32
        %cond3A_46 = arith.constant 0 : i32
        %cond3A_47 = arith.cmpi ne, %convert_element_type3A_45, %cond3A_46 : i32
        scf.if %cond3A_47 {
          %dma_wait3A_68 = arith.constant 0 : i32
          %dma_wait3A_69 = tpu.memref_slice %arg4[%mul3A_7, %dma_wait3A_68] : memref<640000x128xf32, #tpu.memory_space<hbm>> -> memref<160x128xf32, #tpu.memory_space<hbm>>
          %dma_wait3A_70 = arith.constant 0 : i32
          %dma_wait3A_71 = tpu.memref_slice %arg4[%mul3A_7, %dma_wait3A_70] : memref<640000x128xf32, #tpu.memory_space<hbm>> -> memref<160x128xf32, #tpu.memory_space<hbm>>
          tpu.wait_dma2 semaphore(%arg13 : memref<!tpu.dma_semaphore, #tpu.memory_space<semaphore_mem>>) src(%arg8 : memref<160x128xf32, #tpu.memory_space<vmem>>) dst(%dma_wait3A_71 : memref<160x128xf32, #tpu.memory_space<hbm>>)
        } else {
        }
        %dma_start3A_48 = arith.constant 0 : i32
        %dma_start3A_49 = arith.constant 0 : i32
        %dma_start3A_50 = tpu.memref_slice %arg5[%dma_start3A_48, %dma_start3A_49] : memref<10240x128xf32, #tpu.memory_space<vmem_shared>> -> memref<10240x128xf32, #tpu.memory_space<vmem_shared>>
        tpu.enqueue_indirect_dma source(%dma_start3A_50 : memref<10240x128xf32, #tpu.memory_space<vmem_shared>>) target(%arg8 : memref<160x128xf32, #tpu.memory_space<vmem>>) offsets(%arg6 : memref<160xi32, #tpu.memory_space<vmem>>) semaphore(%arg12 : memref<!tpu.dma_semaphore, #tpu.memory_space<semaphore_mem>>)
        %dma_wait3A_51 = arith.constant 0 : i32
        %dma_wait3A_52 = arith.constant 0 : i32
        %dma_wait3A_53 = tpu.memref_slice %arg5[%dma_wait3A_51, %dma_wait3A_52] : memref<10240x128xf32, #tpu.memory_space<vmem_shared>> -> memref<10240x128xf32, #tpu.memory_space<vmem_shared>>
        tpu.wait_indirect_dma semaphore(%arg12 : memref<!tpu.dma_semaphore, #tpu.memory_space<semaphore_mem>>) src(%dma_wait3A_53 : memref<10240x128xf32, #tpu.memory_space<vmem_shared>>) dst(%arg8 : memref<160x128xf32, #tpu.memory_space<vmem>>)
        %add3A_54 = arith.constant 2 : i32
        %add3A_55 = arith.addi %mul3A_30, %add3A_54 : i32
        %lt3A_56 = arith.constant 125 : i32
        %lt3A_57 = arith.cmpi slt, %add3A_55, %lt3A_56 : i32
        %convert_element_type3A_58 = arith.extui %lt3A_57 : i1 to i32
        %cond3A_59 = arith.constant 0 : i32
        %cond3A_60 = arith.cmpi ne, %convert_element_type3A_58, %cond3A_59 : i32
        scf.if %cond3A_60 {
          %add3A_68 = arith.constant 2 : i32
          %add3A_69 = arith.addi %mul3A_30, %add3A_68 : i32
          %mul3A_70 = arith.constant 160 : i32
          %mul3A_71 = arith.muli %add3A_69, %mul3A_70 : i32
          %add3A_72 = arith.addi %mul3A_7, %mul3A_71 : i32
          %dma_start3A_73 = tpu.memref_slice %arg3[%add3A_72] : memref<640000xi32, #tpu.memory_space<hbm>> -> memref<160xi32, #tpu.memory_space<hbm>>
          %dma_start3A_74 = tpu.memref_slice %arg3[%add3A_72] : memref<640000xi32, #tpu.memory_space<hbm>> -> memref<160xi32, #tpu.memory_space<hbm>>
          tpu.enqueue_dma source(%dma_start3A_74 : memref<160xi32, #tpu.memory_space<hbm>>) target(%arg6 : memref<160xi32, #tpu.memory_space<vmem>>) target_semaphore(%arg10 : memref<!tpu.dma_semaphore, #tpu.memory_space<semaphore_mem>>)
        } else {
        }
        %mul3A_61 = arith.constant 160 : i32
        %mul3A_62 = arith.muli %mul3A_30, %mul3A_61 : i32
        %add3A_63 = arith.addi %mul3A_7, %mul3A_62 : i32
        %dma_start3A_64 = arith.constant 0 : i32
        %dma_start3A_65 = tpu.memref_slice %arg4[%add3A_63, %dma_start3A_64] : memref<640000x128xf32, #tpu.memory_space<hbm>> -> memref<160x128xf32, #tpu.memory_space<hbm>>
        %dma_start3A_66 = arith.constant 0 : i32
        %dma_start3A_67 = tpu.memref_slice %arg4[%add3A_63, %dma_start3A_66] : memref<640000x128xf32, #tpu.memory_space<hbm>> -> memref<160x128xf32, #tpu.memory_space<hbm>>
        tpu.enqueue_dma source(%arg8 : memref<160x128xf32, #tpu.memory_space<vmem>>) target(%dma_start3A_67 : memref<160x128xf32, #tpu.memory_space<hbm>>) target_semaphore(%arg13 : memref<!tpu.dma_semaphore, #tpu.memory_space<semaphore_mem>>)
      } else {
      }
      %mul3A_33 = arith.constant 2 : i32
      %mul3A_34 = arith.muli %mul3A_33, %scan3A_28 : i32
      %add3A_35 = arith.constant 1 : i32
      %add3A_36 = arith.addi %mul3A_34, %add3A_35 : i32
      %lt3A_37 = arith.constant 125 : i32
      %lt3A_38 = arith.cmpi slt, %add3A_36, %lt3A_37 : i32
      %convert_element_type3A_39 = arith.extui %lt3A_38 : i1 to i32
      %cond3A_40 = arith.constant 0 : i32
      %cond3A_41 = arith.cmpi ne, %convert_element_type3A_39, %cond3A_40 : i32
      scf.if %cond3A_41 {
        %dma_wait3A_42 = tpu.memref_slice %arg3[%mul3A_7] : memref<640000xi32, #tpu.memory_space<hbm>> -> memref<160xi32, #tpu.memory_space<hbm>>
        %dma_wait3A_43 = tpu.memref_slice %arg3[%mul3A_7] : memref<640000xi32, #tpu.memory_space<hbm>> -> memref<160xi32, #tpu.memory_space<hbm>>
        tpu.wait_dma2 semaphore(%arg11 : memref<!tpu.dma_semaphore, #tpu.memory_space<semaphore_mem>>) src(%dma_wait3A_43 : memref<160xi32, #tpu.memory_space<hbm>>) dst(%arg7 : memref<160xi32, #tpu.memory_space<vmem>>)
        %ge3A = arith.constant 1 : i32
        %ge3A_44 = arith.cmpi sge, %scan3A_28, %ge3A : i32
        %convert_element_type3A_45 = arith.extui %ge3A_44 : i1 to i32
        %cond3A_46 = arith.constant 0 : i32
        %cond3A_47 = arith.cmpi ne, %convert_element_type3A_45, %cond3A_46 : i32
        scf.if %cond3A_47 {
          %dma_wait3A_68 = arith.constant 0 : i32
          %dma_wait3A_69 = tpu.memref_slice %arg4[%mul3A_7, %dma_wait3A_68] : memref<640000x128xf32, #tpu.memory_space<hbm>> -> memref<160x128xf32, #tpu.memory_space<hbm>>
          %dma_wait3A_70 = arith.constant 0 : i32
          %dma_wait3A_71 = tpu.memref_slice %arg4[%mul3A_7, %dma_wait3A_70] : memref<640000x128xf32, #tpu.memory_space<hbm>> -> memref<160x128xf32, #tpu.memory_space<hbm>>
          tpu.wait_dma2 semaphore(%arg14 : memref<!tpu.dma_semaphore, #tpu.memory_space<semaphore_mem>>) src(%arg9 : memref<160x128xf32, #tpu.memory_space<vmem>>) dst(%dma_wait3A_71 : memref<160x128xf32, #tpu.memory_space<hbm>>)
        } else {
        }
        %dma_start3A_48 = arith.constant 0 : i32
        %dma_start3A_49 = arith.constant 0 : i32
        %dma_start3A_50 = tpu.memref_slice %arg5[%dma_start3A_48, %dma_start3A_49] : memref<10240x128xf32, #tpu.memory_space<vmem_shared>> -> memref<10240x128xf32, #tpu.memory_space<vmem_shared>>
        tpu.enqueue_indirect_dma source(%dma_start3A_50 : memref<10240x128xf32, #tpu.memory_space<vmem_shared>>) target(%arg9 : memref<160x128xf32, #tpu.memory_space<vmem>>) offsets(%arg7 : memref<160xi32, #tpu.memory_space<vmem>>) semaphore(%arg12 : memref<!tpu.dma_semaphore, #tpu.memory_space<semaphore_mem>>)
        %dma_wait3A_51 = arith.constant 0 : i32
        %dma_wait3A_52 = arith.constant 0 : i32
        %dma_wait3A_53 = tpu.memref_slice %arg5[%dma_wait3A_51, %dma_wait3A_52] : memref<10240x128xf32, #tpu.memory_space<vmem_shared>> -> memref<10240x128xf32, #tpu.memory_space<vmem_shared>>
        tpu.wait_indirect_dma semaphore(%arg12 : memref<!tpu.dma_semaphore, #tpu.memory_space<semaphore_mem>>) src(%dma_wait3A_53 : memref<10240x128xf32, #tpu.memory_space<vmem_shared>>) dst(%arg9 : memref<160x128xf32, #tpu.memory_space<vmem>>)
        %add3A_54 = arith.constant 2 : i32
        %add3A_55 = arith.addi %add3A_36, %add3A_54 : i32
        %lt3A_56 = arith.constant 125 : i32
        %lt3A_57 = arith.cmpi slt, %add3A_55, %lt3A_56 : i32
        %convert_element_type3A_58 = arith.extui %lt3A_57 : i1 to i32
        %cond3A_59 = arith.constant 0 : i32
        %cond3A_60 = arith.cmpi ne, %convert_element_type3A_58, %cond3A_59 : i32
        scf.if %cond3A_60 {
          %add3A_68 = arith.constant 2 : i32
          %add3A_69 = arith.addi %add3A_36, %add3A_68 : i32
          %mul3A_70 = arith.constant 160 : i32
          %mul3A_71 = arith.muli %add3A_69, %mul3A_70 : i32
          %add3A_72 = arith.addi %mul3A_7, %mul3A_71 : i32
          %dma_start3A_73 = tpu.memref_slice %arg3[%add3A_72] : memref<640000xi32, #tpu.memory_space<hbm>> -> memref<160xi32, #tpu.memory_space<hbm>>
          %dma_start3A_74 = tpu.memref_slice %arg3[%add3A_72] : memref<640000xi32, #tpu.memory_space<hbm>> -> memref<160xi32, #tpu.memory_space<hbm>>
          tpu.enqueue_dma source(%dma_start3A_74 : memref<160xi32, #tpu.memory_space<hbm>>) target(%arg7 : memref<160xi32, #tpu.memory_space<vmem>>) target_semaphore(%arg11 : memref<!tpu.dma_semaphore, #tpu.memory_space<semaphore_mem>>)
        } else {
        }
        %mul3A_61 = arith.constant 160 : i32
        %mul3A_62 = arith.muli %add3A_36, %mul3A_61 : i32
        %add3A_63 = arith.addi %mul3A_7, %mul3A_62 : i32
        %dma_start3A_64 = arith.constant 0 : i32
        %dma_start3A_65 = tpu.memref_slice %arg4[%add3A_63, %dma_start3A_64] : memref<640000x128xf32, #tpu.memory_space<hbm>> -> memref<160x128xf32, #tpu.memory_space<hbm>>
        %dma_start3A_66 = arith.constant 0 : i32
        %dma_start3A_67 = tpu.memref_slice %arg4[%add3A_63, %dma_start3A_66] : memref<640000x128xf32, #tpu.memory_space<hbm>> -> memref<160x128xf32, #tpu.memory_space<hbm>>
        tpu.enqueue_dma source(%arg9 : memref<160x128xf32, #tpu.memory_space<vmem>>) target(%dma_start3A_67 : memref<160x128xf32, #tpu.memory_space<hbm>>) target_semaphore(%arg14 : memref<!tpu.dma_semaphore, #tpu.memory_space<semaphore_mem>>)
      } else {
      }
    }
    %scan3A_20 = arith.constant 63 : i32
    %dma_wait3A = arith.constant 0 : i32
    %dma_wait3A_21 = tpu.memref_slice %arg4[%mul3A_7, %dma_wait3A] : memref<640000x128xf32, #tpu.memory_space<hbm>> -> memref<160x128xf32, #tpu.memory_space<hbm>>
    %dma_wait3A_22 = arith.constant 0 : i32
    %dma_wait3A_23 = tpu.memref_slice %arg4[%mul3A_7, %dma_wait3A_22] : memref<640000x128xf32, #tpu.memory_space<hbm>> -> memref<160x128xf32, #tpu.memory_space<hbm>>
    tpu.wait_dma2 semaphore(%arg13 : memref<!tpu.dma_semaphore, #tpu.memory_space<semaphore_mem>>) src(%arg8 : memref<160x128xf32, #tpu.memory_space<vmem>>) dst(%dma_wait3A_23 : memref<160x128xf32, #tpu.memory_space<hbm>>)
    %dma_wait3A_24 = arith.constant 0 : i32
    %dma_wait3A_25 = tpu.memref_slice %arg4[%mul3A_7, %dma_wait3A_24] : memref<640000x128xf32, #tpu.memory_space<hbm>> -> memref<160x128xf32, #tpu.memory_space<hbm>>
    %dma_wait3A_26 = arith.constant 0 : i32
    %dma_wait3A_27 = tpu.memref_slice %arg4[%mul3A_7, %dma_wait3A_26] : memref<640000x128xf32, #tpu.memory_space<hbm>> -> memref<160x128xf32, #tpu.memory_space<hbm>>
    tpu.wait_dma2 semaphore(%arg14 : memref<!tpu.dma_semaphore, #tpu.memory_space<semaphore_mem>>) src(%arg9 : memref<160x128xf32, #tpu.memory_space<vmem>>) dst(%dma_wait3A_27 : memref<160x128xf32, #tpu.memory_space<hbm>>)
    return
  }
}

#map = affine_map<(d0, d1) -> (0, 0)>
#map1 = affine_map<(d0, d1) -> (0)>
#map2 = affine_map<(d0, d1) -> (0, 0, 0)>
module attributes {stable_mosaic.version = 14 : i64} {
  func.func @_sc_scatter_body(%arg0: i32, %arg1: i32, %arg2: memref<640000x128xf32, #tpu.memory_space<hbm>>, %arg3: memref<640000xi32, #tpu.memory_space<hbm>>, %arg4: memref<10240x128xf32, #tpu.memory_space<hbm>>, %arg5: memref<2x10240x128xf32, #tpu.memory_space<hbm>>, %arg6: memref<10240x128xf32, #tpu.memory_space<vmem_shared>>, %arg7: memref<160xi32, #tpu.memory_space<vmem>>, %arg8: memref<160xi32, #tpu.memory_space<vmem>>, %arg9: memref<160x128xf32, #tpu.memory_space<vmem>>, %arg10: memref<160x128xf32, #tpu.memory_space<vmem>>, %arg11: memref<!tpu.dma_semaphore, #tpu.memory_space<semaphore_mem>>, %arg12: memref<!tpu.dma_semaphore, #tpu.memory_space<semaphore_mem>>) attributes {dimension_semantics = [#tpu.dimension_semantics<core_parallel>, #tpu.dimension_semantics<subcore_parallel>], iteration_bounds = array<i64: 2, 16>, scalar_prefetch = 0 : i64, scratch_operands = 7 : i64, tpu.core_type = #tpu.core_type<sc_vector_subcore>, window_params = [{transform_indices = #map}, {transform_indices = #map1}, {transform_indices = #map}, {transform_indices = #map2}]} {
    %mul3A = arith.constant 640 : i32
    %mul3A_0 = arith.muli %arg1, %mul3A : i32
    %mul3A_1 = arith.constant 640 : i32
    %mul3A_2 = arith.muli %arg1, %mul3A_1 : i32
    "tpu.region"() ({
      %run_scoped3A = tpu.sem_alloc : memref<!tpu.dma_semaphore, #tpu.memory_space<semaphore_mem>>
      %dma_start3A_32 = arith.constant 0 : i32
      %dma_start3A_33 = tpu.memref_slice %arg6[%mul3A_2, %dma_start3A_32] : memref<10240x128xf32, #tpu.memory_space<vmem_shared>> -> memref<640x128xf32, #tpu.memory_space<vmem_shared>>
      %dma_start3A_34 = arith.constant 0 : i32
      %dma_start3A_35 = tpu.memref_slice %arg4[%mul3A_0, %dma_start3A_34] : memref<10240x128xf32, #tpu.memory_space<hbm>> -> memref<640x128xf32, #tpu.memory_space<hbm>>
      tpu.enqueue_dma source(%dma_start3A_35 : memref<640x128xf32, #tpu.memory_space<hbm>>) target(%dma_start3A_33 : memref<640x128xf32, #tpu.memory_space<vmem_shared>>) target_semaphore(%run_scoped3A : memref<!tpu.dma_semaphore, #tpu.memory_space<semaphore_mem>>)
      %dma_wait3A = arith.constant 0 : i32
      %dma_wait3A_36 = tpu.memref_slice %arg6[%mul3A_2, %dma_wait3A] : memref<10240x128xf32, #tpu.memory_space<vmem_shared>> -> memref<640x128xf32, #tpu.memory_space<vmem_shared>>
      %dma_wait3A_37 = arith.constant 0 : i32
      %dma_wait3A_38 = tpu.memref_slice %arg4[%mul3A_0, %dma_wait3A_37] : memref<10240x128xf32, #tpu.memory_space<hbm>> -> memref<640x128xf32, #tpu.memory_space<hbm>>
      tpu.wait_dma2 semaphore(%run_scoped3A : memref<!tpu.dma_semaphore, #tpu.memory_space<semaphore_mem>>) src(%dma_wait3A_38 : memref<640x128xf32, #tpu.memory_space<hbm>>) dst(%dma_wait3A_36 : memref<640x128xf32, #tpu.memory_space<vmem_shared>>)
      tpu.yield
    }) : () -> ()
    %barrier3A = arith.constant 0 : index
    tpu.barrier barrier_id(%barrier3A)
    %mul3A_3 = arith.constant 2 : i32
    %mul3A_4 = arith.muli %arg1, %mul3A_3 : i32
    %add3A = arith.addi %mul3A_4, %arg0 : i32
    %mul3A_5 = arith.constant 20000 : i32
    %mul3A_6 = arith.muli %add3A, %mul3A_5 : i32
    %add3A_7 = arith.constant 0 : i32
    %add3A_8 = arith.addi %mul3A_6, %add3A_7 : i32
    %dma_start3A = tpu.memref_slice %arg3[%add3A_8] : memref<640000xi32, #tpu.memory_space<hbm>> -> memref<160xi32, #tpu.memory_space<hbm>>
    %dma_start3A_9 = tpu.memref_slice %arg3[%add3A_8] : memref<640000xi32, #tpu.memory_space<hbm>> -> memref<160xi32, #tpu.memory_space<hbm>>
    tpu.enqueue_dma source(%dma_start3A_9 : memref<160xi32, #tpu.memory_space<hbm>>) target(%arg7 : memref<160xi32, #tpu.memory_space<vmem>>) target_semaphore(%arg11 : memref<!tpu.dma_semaphore, #tpu.memory_space<semaphore_mem>>)
    %dma_start3A_10 = arith.constant 0 : i32
    %dma_start3A_11 = tpu.memref_slice %arg2[%add3A_8, %dma_start3A_10] : memref<640000x128xf32, #tpu.memory_space<hbm>> -> memref<160x128xf32, #tpu.memory_space<hbm>>
    %dma_start3A_12 = arith.constant 0 : i32
    %dma_start3A_13 = tpu.memref_slice %arg2[%add3A_8, %dma_start3A_12] : memref<640000x128xf32, #tpu.memory_space<hbm>> -> memref<160x128xf32, #tpu.memory_space<hbm>>
    tpu.enqueue_dma source(%dma_start3A_13 : memref<160x128xf32, #tpu.memory_space<hbm>>) target(%arg9 : memref<160x128xf32, #tpu.memory_space<vmem>>) target_semaphore(%arg11 : memref<!tpu.dma_semaphore, #tpu.memory_space<semaphore_mem>>)
    %add3A_14 = arith.constant 160 : i32
    %add3A_15 = arith.addi %mul3A_6, %add3A_14 : i32
    %dma_start3A_16 = tpu.memref_slice %arg3[%add3A_15] : memref<640000xi32, #tpu.memory_space<hbm>> -> memref<160xi32, #tpu.memory_space<hbm>>
    %dma_start3A_17 = tpu.memref_slice %arg3[%add3A_15] : memref<640000xi32, #tpu.memory_space<hbm>> -> memref<160xi32, #tpu.memory_space<hbm>>
    tpu.enqueue_dma source(%dma_start3A_17 : memref<160xi32, #tpu.memory_space<hbm>>) target(%arg8 : memref<160xi32, #tpu.memory_space<vmem>>) target_semaphore(%arg12 : memref<!tpu.dma_semaphore, #tpu.memory_space<semaphore_mem>>)
    %dma_start3A_18 = arith.constant 0 : i32
    %dma_start3A_19 = tpu.memref_slice %arg2[%add3A_15, %dma_start3A_18] : memref<640000x128xf32, #tpu.memory_space<hbm>> -> memref<160x128xf32, #tpu.memory_space<hbm>>
    %dma_start3A_20 = arith.constant 0 : i32
    %dma_start3A_21 = tpu.memref_slice %arg2[%add3A_15, %dma_start3A_20] : memref<640000x128xf32, #tpu.memory_space<hbm>> -> memref<160x128xf32, #tpu.memory_space<hbm>>
    tpu.enqueue_dma source(%dma_start3A_21 : memref<160x128xf32, #tpu.memory_space<hbm>>) target(%arg10 : memref<160x128xf32, #tpu.memory_space<vmem>>) target_semaphore(%arg12 : memref<!tpu.dma_semaphore, #tpu.memory_space<semaphore_mem>>)
    %scan3A = arith.constant 0 : i32
    %scan3A_22 = arith.constant 0 : i32
    %scan3A_23 = arith.constant 63 : i32
    %scan3A_24 = arith.addi %scan3A_22, %scan3A_23 : i32
    %scan3A_25 = arith.constant 1 : i32
    scf.for %scan3A_32 = %scan3A_22 to %scan3A_24 step %scan3A_25  : i32 {
      %mul3A_33 = arith.constant 2 : i32
      %mul3A_34 = arith.muli %mul3A_33, %scan3A_32 : i32
      %lt3A = arith.constant 125 : i32
      %lt3A_35 = arith.cmpi slt, %mul3A_34, %lt3A : i32
      %convert_element_type3A = arith.extui %lt3A_35 : i1 to i32
      %cond3A = arith.constant 0 : i32
      %cond3A_36 = arith.cmpi ne, %convert_element_type3A, %cond3A : i32
      scf.if %cond3A_36 {
        %dma_wait3A = tpu.memref_slice %arg3[%mul3A_6] : memref<640000xi32, #tpu.memory_space<hbm>> -> memref<160xi32, #tpu.memory_space<hbm>>
        %dma_wait3A_46 = tpu.memref_slice %arg3[%mul3A_6] : memref<640000xi32, #tpu.memory_space<hbm>> -> memref<160xi32, #tpu.memory_space<hbm>>
        tpu.wait_dma2 semaphore(%arg11 : memref<!tpu.dma_semaphore, #tpu.memory_space<semaphore_mem>>) src(%dma_wait3A_46 : memref<160xi32, #tpu.memory_space<hbm>>) dst(%arg7 : memref<160xi32, #tpu.memory_space<vmem>>)
        %dma_wait3A_47 = arith.constant 0 : i32
        %dma_wait3A_48 = tpu.memref_slice %arg2[%mul3A_6, %dma_wait3A_47] : memref<640000x128xf32, #tpu.memory_space<hbm>> -> memref<160x128xf32, #tpu.memory_space<hbm>>
        %dma_wait3A_49 = arith.constant 0 : i32
        %dma_wait3A_50 = tpu.memref_slice %arg2[%mul3A_6, %dma_wait3A_49] : memref<640000x128xf32, #tpu.memory_space<hbm>> -> memref<160x128xf32, #tpu.memory_space<hbm>>
        tpu.wait_dma2 semaphore(%arg11 : memref<!tpu.dma_semaphore, #tpu.memory_space<semaphore_mem>>) src(%dma_wait3A_50 : memref<160x128xf32, #tpu.memory_space<hbm>>) dst(%arg9 : memref<160x128xf32, #tpu.memory_space<vmem>>)
        "tpu.region"() ({
          %run_scoped3A = tpu.sem_alloc : memref<!tpu.dma_semaphore, #tpu.memory_space<semaphore_mem>>
          %dma_start3A_58 = arith.constant 0 : i32
          %dma_start3A_59 = arith.constant 0 : i32
          %dma_start3A_60 = tpu.memref_slice %arg6[%dma_start3A_58, %dma_start3A_59] : memref<10240x128xf32, #tpu.memory_space<vmem_shared>> -> memref<10240x128xf32, #tpu.memory_space<vmem_shared>>
          tpu.enqueue_indirect_dma source(%arg9 : memref<160x128xf32, #tpu.memory_space<vmem>>) target(%dma_start3A_60 : memref<10240x128xf32, #tpu.memory_space<vmem_shared>>) offsets(%arg7 : memref<160xi32, #tpu.memory_space<vmem>>) semaphore(%run_scoped3A : memref<!tpu.dma_semaphore, #tpu.memory_space<semaphore_mem>>) {add = true}
          %dma_wait3A_61 = arith.constant 0 : i32
          %dma_wait3A_62 = arith.constant 0 : i32
          %dma_wait3A_63 = tpu.memref_slice %arg6[%dma_wait3A_61, %dma_wait3A_62] : memref<10240x128xf32, #tpu.memory_space<vmem_shared>> -> memref<10240x128xf32, #tpu.memory_space<vmem_shared>>
          tpu.wait_indirect_dma semaphore(%run_scoped3A : memref<!tpu.dma_semaphore, #tpu.memory_space<semaphore_mem>>) src(%arg9 : memref<160x128xf32, #tpu.memory_space<vmem>>) dst(%dma_wait3A_63 : memref<10240x128xf32, #tpu.memory_space<vmem_shared>>)
          tpu.yield
        }) : () -> ()
        %add3A_51 = arith.constant 2 : i32
        %add3A_52 = arith.addi %mul3A_34, %add3A_51 : i32
        %lt3A_53 = arith.constant 125 : i32
        %lt3A_54 = arith.cmpi slt, %add3A_52, %lt3A_53 : i32
        %convert_element_type3A_55 = arith.extui %lt3A_54 : i1 to i32
        %cond3A_56 = arith.constant 0 : i32
        %cond3A_57 = arith.cmpi ne, %convert_element_type3A_55, %cond3A_56 : i32
        scf.if %cond3A_57 {
          %add3A_58 = arith.constant 2 : i32
          %add3A_59 = arith.addi %mul3A_34, %add3A_58 : i32
          %mul3A_60 = arith.constant 160 : i32
          %mul3A_61 = arith.muli %add3A_59, %mul3A_60 : i32
          %add3A_62 = arith.addi %mul3A_6, %mul3A_61 : i32
          %dma_start3A_63 = tpu.memref_slice %arg3[%add3A_62] : memref<640000xi32, #tpu.memory_space<hbm>> -> memref<160xi32, #tpu.memory_space<hbm>>
          %dma_start3A_64 = tpu.memref_slice %arg3[%add3A_62] : memref<640000xi32, #tpu.memory_space<hbm>> -> memref<160xi32, #tpu.memory_space<hbm>>
          tpu.enqueue_dma source(%dma_start3A_64 : memref<160xi32, #tpu.memory_space<hbm>>) target(%arg7 : memref<160xi32, #tpu.memory_space<vmem>>) target_semaphore(%arg11 : memref<!tpu.dma_semaphore, #tpu.memory_space<semaphore_mem>>)
          %dma_start3A_65 = arith.constant 0 : i32
          %dma_start3A_66 = tpu.memref_slice %arg2[%add3A_62, %dma_start3A_65] : memref<640000x128xf32, #tpu.memory_space<hbm>> -> memref<160x128xf32, #tpu.memory_space<hbm>>
          %dma_start3A_67 = arith.constant 0 : i32
          %dma_start3A_68 = tpu.memref_slice %arg2[%add3A_62, %dma_start3A_67] : memref<640000x128xf32, #tpu.memory_space<hbm>> -> memref<160x128xf32, #tpu.memory_space<hbm>>
          tpu.enqueue_dma source(%dma_start3A_68 : memref<160x128xf32, #tpu.memory_space<hbm>>) target(%arg9 : memref<160x128xf32, #tpu.memory_space<vmem>>) target_semaphore(%arg11 : memref<!tpu.dma_semaphore, #tpu.memory_space<semaphore_mem>>)
        } else {
        }
      } else {
      }
      %mul3A_37 = arith.constant 2 : i32
      %mul3A_38 = arith.muli %mul3A_37, %scan3A_32 : i32
      %add3A_39 = arith.constant 1 : i32
      %add3A_40 = arith.addi %mul3A_38, %add3A_39 : i32
      %lt3A_41 = arith.constant 125 : i32
      %lt3A_42 = arith.cmpi slt, %add3A_40, %lt3A_41 : i32
      %convert_element_type3A_43 = arith.extui %lt3A_42 : i1 to i32
      %cond3A_44 = arith.constant 0 : i32
      %cond3A_45 = arith.cmpi ne, %convert_element_type3A_43, %cond3A_44 : i32
      scf.if %cond3A_45 {
        %dma_wait3A = tpu.memref_slice %arg3[%mul3A_6] : memref<640000xi32, #tpu.memory_space<hbm>> -> memref<160xi32, #tpu.memory_space<hbm>>
        %dma_wait3A_46 = tpu.memref_slice %arg3[%mul3A_6] : memref<640000xi32, #tpu.memory_space<hbm>> -> memref<160xi32, #tpu.memory_space<hbm>>
        tpu.wait_dma2 semaphore(%arg12 : memref<!tpu.dma_semaphore, #tpu.memory_space<semaphore_mem>>) src(%dma_wait3A_46 : memref<160xi32, #tpu.memory_space<hbm>>) dst(%arg8 : memref<160xi32, #tpu.memory_space<vmem>>)
        %dma_wait3A_47 = arith.constant 0 : i32
        %dma_wait3A_48 = tpu.memref_slice %arg2[%mul3A_6, %dma_wait3A_47] : memref<640000x128xf32, #tpu.memory_space<hbm>> -> memref<160x128xf32, #tpu.memory_space<hbm>>
        %dma_wait3A_49 = arith.constant 0 : i32
        %dma_wait3A_50 = tpu.memref_slice %arg2[%mul3A_6, %dma_wait3A_49] : memref<640000x128xf32, #tpu.memory_space<hbm>> -> memref<160x128xf32, #tpu.memory_space<hbm>>
        tpu.wait_dma2 semaphore(%arg12 : memref<!tpu.dma_semaphore, #tpu.memory_space<semaphore_mem>>) src(%dma_wait3A_50 : memref<160x128xf32, #tpu.memory_space<hbm>>) dst(%arg10 : memref<160x128xf32, #tpu.memory_space<vmem>>)
        "tpu.region"() ({
          %run_scoped3A = tpu.sem_alloc : memref<!tpu.dma_semaphore, #tpu.memory_space<semaphore_mem>>
          %dma_start3A_58 = arith.constant 0 : i32
          %dma_start3A_59 = arith.constant 0 : i32
          %dma_start3A_60 = tpu.memref_slice %arg6[%dma_start3A_58, %dma_start3A_59] : memref<10240x128xf32, #tpu.memory_space<vmem_shared>> -> memref<10240x128xf32, #tpu.memory_space<vmem_shared>>
          tpu.enqueue_indirect_dma source(%arg10 : memref<160x128xf32, #tpu.memory_space<vmem>>) target(%dma_start3A_60 : memref<10240x128xf32, #tpu.memory_space<vmem_shared>>) offsets(%arg8 : memref<160xi32, #tpu.memory_space<vmem>>) semaphore(%run_scoped3A : memref<!tpu.dma_semaphore, #tpu.memory_space<semaphore_mem>>) {add = true}
          %dma_wait3A_61 = arith.constant 0 : i32
          %dma_wait3A_62 = arith.constant 0 : i32
          %dma_wait3A_63 = tpu.memref_slice %arg6[%dma_wait3A_61, %dma_wait3A_62] : memref<10240x128xf32, #tpu.memory_space<vmem_shared>> -> memref<10240x128xf32, #tpu.memory_space<vmem_shared>>
          tpu.wait_indirect_dma semaphore(%run_scoped3A : memref<!tpu.dma_semaphore, #tpu.memory_space<semaphore_mem>>) src(%arg10 : memref<160x128xf32, #tpu.memory_space<vmem>>) dst(%dma_wait3A_63 : memref<10240x128xf32, #tpu.memory_space<vmem_shared>>)
          tpu.yield
        }) : () -> ()
        %add3A_51 = arith.constant 2 : i32
        %add3A_52 = arith.addi %add3A_40, %add3A_51 : i32
        %lt3A_53 = arith.constant 125 : i32
        %lt3A_54 = arith.cmpi slt, %add3A_52, %lt3A_53 : i32
        %convert_element_type3A_55 = arith.extui %lt3A_54 : i1 to i32
        %cond3A_56 = arith.constant 0 : i32
        %cond3A_57 = arith.cmpi ne, %convert_element_type3A_55, %cond3A_56 : i32
        scf.if %cond3A_57 {
          %add3A_58 = arith.constant 2 : i32
          %add3A_59 = arith.addi %add3A_40, %add3A_58 : i32
          %mul3A_60 = arith.constant 160 : i32
          %mul3A_61 = arith.muli %add3A_59, %mul3A_60 : i32
          %add3A_62 = arith.addi %mul3A_6, %mul3A_61 : i32
          %dma_start3A_63 = tpu.memref_slice %arg3[%add3A_62] : memref<640000xi32, #tpu.memory_space<hbm>> -> memref<160xi32, #tpu.memory_space<hbm>>
          %dma_start3A_64 = tpu.memref_slice %arg3[%add3A_62] : memref<640000xi32, #tpu.memory_space<hbm>> -> memref<160xi32, #tpu.memory_space<hbm>>
          tpu.enqueue_dma source(%dma_start3A_64 : memref<160xi32, #tpu.memory_space<hbm>>) target(%arg8 : memref<160xi32, #tpu.memory_space<vmem>>) target_semaphore(%arg12 : memref<!tpu.dma_semaphore, #tpu.memory_space<semaphore_mem>>)
          %dma_start3A_65 = arith.constant 0 : i32
          %dma_start3A_66 = tpu.memref_slice %arg2[%add3A_62, %dma_start3A_65] : memref<640000x128xf32, #tpu.memory_space<hbm>> -> memref<160x128xf32, #tpu.memory_space<hbm>>
          %dma_start3A_67 = arith.constant 0 : i32
          %dma_start3A_68 = tpu.memref_slice %arg2[%add3A_62, %dma_start3A_67] : memref<640000x128xf32, #tpu.memory_space<hbm>> -> memref<160x128xf32, #tpu.memory_space<hbm>>
          tpu.enqueue_dma source(%dma_start3A_68 : memref<160x128xf32, #tpu.memory_space<hbm>>) target(%arg10 : memref<160x128xf32, #tpu.memory_space<vmem>>) target_semaphore(%arg12 : memref<!tpu.dma_semaphore, #tpu.memory_space<semaphore_mem>>)
        } else {
        }
      } else {
      }
    }
    %scan3A_26 = arith.constant 63 : i32
    %barrier3A_27 = arith.constant 0 : index
    tpu.barrier barrier_id(%barrier3A_27)
    %mul3A_28 = arith.constant 640 : i32
    %mul3A_29 = arith.muli %arg1, %mul3A_28 : i32
    %mul3A_30 = arith.constant 640 : i32
    %mul3A_31 = arith.muli %arg1, %mul3A_30 : i32
    "tpu.region"() ({
      %run_scoped3A = tpu.sem_alloc : memref<!tpu.dma_semaphore, #tpu.memory_space<semaphore_mem>>
      %dma_start3A_32 = arith.constant 0 : i32
      %dma_start3A_33 = tpu.memref_slice %arg5[%arg0, %mul3A_31, %dma_start3A_32] : memref<2x10240x128xf32, #tpu.memory_space<hbm>> -> memref<1x640x128xf32, #tpu.memory_space<hbm>>
      %dma_start3A_34 = tpu.memref_squeeze %dma_start3A_33 : memref<1x640x128xf32, #tpu.memory_space<hbm>> -> memref<640x128xf32, #tpu.memory_space<hbm>>
      %dma_start3A_35 = arith.constant 0 : i32
      %dma_start3A_36 = tpu.memref_slice %arg6[%mul3A_29, %dma_start3A_35] : memref<10240x128xf32, #tpu.memory_space<vmem_shared>> -> memref<640x128xf32, #tpu.memory_space<vmem_shared>>
      tpu.enqueue_dma source(%dma_start3A_36 : memref<640x128xf32, #tpu.memory_space<vmem_shared>>) target(%dma_start3A_34 : memref<640x128xf32, #tpu.memory_space<hbm>>) target_semaphore(%run_scoped3A : memref<!tpu.dma_semaphore, #tpu.memory_space<semaphore_mem>>)
      %dma_wait3A = arith.constant 0 : i32
      %dma_wait3A_37 = tpu.memref_slice %arg5[%arg0, %mul3A_31, %dma_wait3A] : memref<2x10240x128xf32, #tpu.memory_space<hbm>> -> memref<1x640x128xf32, #tpu.memory_space<hbm>>
      %dma_wait3A_38 = tpu.memref_squeeze %dma_wait3A_37 : memref<1x640x128xf32, #tpu.memory_space<hbm>> -> memref<640x128xf32, #tpu.memory_space<hbm>>
      %dma_wait3A_39 = arith.constant 0 : i32
      %dma_wait3A_40 = tpu.memref_slice %arg6[%mul3A_29, %dma_wait3A_39] : memref<10240x128xf32, #tpu.memory_space<vmem_shared>> -> memref<640x128xf32, #tpu.memory_space<vmem_shared>>
      tpu.wait_dma2 semaphore(%run_scoped3A : memref<!tpu.dma_semaphore, #tpu.memory_space<semaphore_mem>>) src(%dma_wait3A_40 : memref<640x128xf32, #tpu.memory_space<vmem_shared>>) dst(%dma_wait3A_38 : memref<640x128xf32, #tpu.memory_space<hbm>>)
      tpu.yield
    }) : () -> ()
    return
  }
}

#map = affine_map<(d0, d1) -> (0, 0, 0)>
#map1 = affine_map<(d0, d1) -> (0)>
#map2 = affine_map<(d0, d1) -> (0, 0)>
module attributes {stable_mosaic.version = 14 : i64} {
  func.func @_sc_gather2_body(%arg0: i32, %arg1: i32, %arg2: memref<2x10240x128xf32, #tpu.memory_space<hbm>>, %arg3: memref<640000xi32, #tpu.memory_space<hbm>>, %arg4: memref<640000x128xf32, #tpu.memory_space<hbm>>, %arg5: memref<10240x128xf32, #tpu.memory_space<vmem_shared>>, %arg6: memref<160xi32, #tpu.memory_space<vmem>>, %arg7: memref<160xi32, #tpu.memory_space<vmem>>, %arg8: memref<160x128xf32, #tpu.memory_space<vmem>>, %arg9: memref<160x128xf32, #tpu.memory_space<vmem>>, %arg10: memref<!tpu.dma_semaphore, #tpu.memory_space<semaphore_mem>>, %arg11: memref<!tpu.dma_semaphore, #tpu.memory_space<semaphore_mem>>, %arg12: memref<!tpu.dma_semaphore, #tpu.memory_space<semaphore_mem>>, %arg13: memref<!tpu.dma_semaphore, #tpu.memory_space<semaphore_mem>>, %arg14: memref<!tpu.dma_semaphore, #tpu.memory_space<semaphore_mem>>) attributes {dimension_semantics = [#tpu.dimension_semantics<core_parallel>, #tpu.dimension_semantics<subcore_parallel>], iteration_bounds = array<i64: 2, 16>, scalar_prefetch = 0 : i64, scratch_operands = 10 : i64, tpu.core_type = #tpu.core_type<sc_vector_subcore>, window_params = [{transform_indices = #map}, {transform_indices = #map1}, {transform_indices = #map2}]} {
    %iota3A = tpu.iota {dimensions = array<i32: 0>} : vector<16xi32>
    %scan3A = arith.constant 0 : i32
    %scan3A_0 = arith.constant 0 : i32
    %scan3A_1 = arith.constant 4 : i32
    %scan3A_2 = arith.addi %scan3A_0, %scan3A_1 : i32
    %scan3A_3 = arith.constant 1 : i32
    scf.for %scan3A_28 = %scan3A_0 to %scan3A_2 step %scan3A_3  : i32 {
      %mul3A_29 = arith.constant 640 : i32
      %mul3A_30 = arith.muli %arg1, %mul3A_29 : i32
      %mul3A_31 = arith.constant 160 : i32
      %mul3A_32 = arith.muli %scan3A_28, %mul3A_31 : i32
      %add3A_33 = arith.addi %mul3A_30, %mul3A_32 : i32
      %run_scoped3A = arith.constant 0 : i32
      "tpu.region"() ({
        %run_scoped3A_41 = tpu.sem_alloc : memref<!tpu.dma_semaphore, #tpu.memory_space<semaphore_mem>>
        %dma_start3A_42 = arith.constant 0 : i32
        %dma_start3A_43 = tpu.memref_slice %arg5[%add3A_33, %dma_start3A_42] : memref<10240x128xf32, #tpu.memory_space<vmem_shared>> -> memref<160x128xf32, #tpu.memory_space<vmem_shared>>
        %dma_start3A_44 = arith.constant 0 : i32
        %dma_start3A_45 = tpu.memref_slice %arg2[%run_scoped3A, %add3A_33, %dma_start3A_44] : memref<2x10240x128xf32, #tpu.memory_space<hbm>> -> memref<1x160x128xf32, #tpu.memory_space<hbm>>
        %dma_start3A_46 = tpu.memref_squeeze %dma_start3A_45 : memref<1x160x128xf32, #tpu.memory_space<hbm>> -> memref<160x128xf32, #tpu.memory_space<hbm>>
        tpu.enqueue_dma source(%dma_start3A_46 : memref<160x128xf32, #tpu.memory_space<hbm>>) target(%dma_start3A_43 : memref<160x128xf32, #tpu.memory_space<vmem_shared>>) target_semaphore(%run_scoped3A_41 : memref<!tpu.dma_semaphore, #tpu.memory_space<semaphore_mem>>)
        %dma_wait3A_47 = arith.constant 0 : i32
        %dma_wait3A_48 = tpu.memref_slice %arg5[%add3A_33, %dma_wait3A_47] : memref<10240x128xf32, #tpu.memory_space<vmem_shared>> -> memref<160x128xf32, #tpu.memory_space<vmem_shared>>
        %dma_wait3A_49 = arith.constant 0 : i32
        %dma_wait3A_50 = tpu.memref_slice %arg2[%run_scoped3A, %add3A_33, %dma_wait3A_49] : memref<2x10240x128xf32, #tpu.memory_space<hbm>> -> memref<1x160x128xf32, #tpu.memory_space<hbm>>
        %dma_wait3A_51 = tpu.memref_squeeze %dma_wait3A_50 : memref<1x160x128xf32, #tpu.memory_space<hbm>> -> memref<160x128xf32, #tpu.memory_space<hbm>>
        tpu.wait_dma2 semaphore(%run_scoped3A_41 : memref<!tpu.dma_semaphore, #tpu.memory_space<semaphore_mem>>) src(%dma_wait3A_51 : memref<160x128xf32, #tpu.memory_space<hbm>>) dst(%dma_wait3A_48 : memref<160x128xf32, #tpu.memory_space<vmem_shared>>)
        tpu.yield
      }) : () -> ()
      %run_scoped3A_34 = arith.constant 1 : i32
      "tpu.region"() ({
        %run_scoped3A_41 = tpu.sem_alloc : memref<!tpu.dma_semaphore, #tpu.memory_space<semaphore_mem>>
        %dma_start3A_42 = arith.constant 0 : i32
        %dma_start3A_43 = tpu.memref_slice %arg2[%run_scoped3A_34, %add3A_33, %dma_start3A_42] : memref<2x10240x128xf32, #tpu.memory_space<hbm>> -> memref<1x160x128xf32, #tpu.memory_space<hbm>>
        %dma_start3A_44 = tpu.memref_squeeze %dma_start3A_43 : memref<1x160x128xf32, #tpu.memory_space<hbm>> -> memref<160x128xf32, #tpu.memory_space<hbm>>
        %dma_start3A_45 = arith.constant 0 : i32
        %dma_start3A_46 = tpu.memref_slice %arg2[%run_scoped3A_34, %add3A_33, %dma_start3A_45] : memref<2x10240x128xf32, #tpu.memory_space<hbm>> -> memref<1x160x128xf32, #tpu.memory_space<hbm>>
        %dma_start3A_47 = tpu.memref_squeeze %dma_start3A_46 : memref<1x160x128xf32, #tpu.memory_space<hbm>> -> memref<160x128xf32, #tpu.memory_space<hbm>>
        tpu.enqueue_dma source(%dma_start3A_47 : memref<160x128xf32, #tpu.memory_space<hbm>>) target(%arg9 : memref<160x128xf32, #tpu.memory_space<vmem>>) target_semaphore(%run_scoped3A_41 : memref<!tpu.dma_semaphore, #tpu.memory_space<semaphore_mem>>)
        %dma_wait3A_48 = arith.constant 0 : i32
        %dma_wait3A_49 = tpu.memref_slice %arg2[%run_scoped3A_34, %add3A_33, %dma_wait3A_48] : memref<2x10240x128xf32, #tpu.memory_space<hbm>> -> memref<1x160x128xf32, #tpu.memory_space<hbm>>
        %dma_wait3A_50 = tpu.memref_squeeze %dma_wait3A_49 : memref<1x160x128xf32, #tpu.memory_space<hbm>> -> memref<160x128xf32, #tpu.memory_space<hbm>>
        %dma_wait3A_51 = arith.constant 0 : i32
        %dma_wait3A_52 = tpu.memref_slice %arg2[%run_scoped3A_34, %add3A_33, %dma_wait3A_51] : memref<2x10240x128xf32, #tpu.memory_space<hbm>> -> memref<1x160x128xf32, #tpu.memory_space<hbm>>
        %dma_wait3A_53 = tpu.memref_squeeze %dma_wait3A_52 : memref<1x160x128xf32, #tpu.memory_space<hbm>> -> memref<160x128xf32, #tpu.memory_space<hbm>>
        tpu.wait_dma2 semaphore(%run_scoped3A_41 : memref<!tpu.dma_semaphore, #tpu.memory_space<semaphore_mem>>) src(%dma_wait3A_53 : memref<160x128xf32, #tpu.memory_space<hbm>>) dst(%arg9 : memref<160x128xf32, #tpu.memory_space<vmem>>)
        tpu.yield
      }) : () -> ()
      %scan3A_35 = arith.constant 0 : i32
      %scan3A_36 = arith.constant 0 : i32
      %scan3A_37 = arith.constant 10 : i32
      %scan3A_38 = arith.addi %scan3A_36, %scan3A_37 : i32
      %scan3A_39 = arith.constant 1 : i32
      scf.for %scan3A_41 = %scan3A_36 to %scan3A_38 step %scan3A_39  : i32 {
        %mul3A_42 = arith.constant 16 : i32
        %mul3A_43 = arith.muli %scan3A_41, %mul3A_42 : i32
        %add3A_44 = arith.addi %add3A_33, %mul3A_43 : i32
        %add3A_45 = vector.broadcast %add3A_44 : i32 to vector<16xi32>
        %add3A_46 = arith.addi %add3A_45, %iota3A : vector<16xi32>
        %mul3A_47 = arith.constant 16 : i32
        %mul3A_48 = arith.muli %scan3A_41, %mul3A_47 : i32
        %swap3A = arith.index_cast %mul3A_48 : i32 to index
        %swap3A_49 = tpu.vector_load %arg6[%swap3A] {strides = array<i32>} : memref<160xi32, #tpu.memory_space<vmem>>, vector<16xi32>,
        %swap3A_50 = vector.shape_cast %swap3A_49 : vector<16xi32> to vector<16xi32>
        %swap3A_51 = vector.shape_cast %add3A_46 : vector<16xi32> to vector<16xi32>
        tpu.vector_store %arg6[%swap3A], %swap3A_51 {strides = array<i32>} : memref<160xi32, #tpu.memory_space<vmem>>, vector<16xi32>,
      }
      %scan3A_40 = arith.constant 10 : i32
      "tpu.region"() ({
        %run_scoped3A_41 = tpu.sem_alloc : memref<!tpu.dma_semaphore, #tpu.memory_space<semaphore_mem>>
        %dma_start3A_42 = arith.constant 0 : i32
        %dma_start3A_43 = arith.constant 0 : i32
        %dma_start3A_44 = tpu.memref_slice %arg5[%dma_start3A_42, %dma_start3A_43] : memref<10240x128xf32, #tpu.memory_space<vmem_shared>> -> memref<10240x128xf32, #tpu.memory_space<vmem_shared>>
        tpu.enqueue_indirect_dma source(%arg9 : memref<160x128xf32, #tpu.memory_space<vmem>>) target(%dma_start3A_44 : memref<10240x128xf32, #tpu.memory_space<vmem_shared>>) offsets(%arg6 : memref<160xi32, #tpu.memory_space<vmem>>) semaphore(%run_scoped3A_41 : memref<!tpu.dma_semaphore, #tpu.memory_space<semaphore_mem>>) {add = true}
        %dma_wait3A_45 = arith.constant 0 : i32
        %dma_wait3A_46 = arith.constant 0 : i32
        %dma_wait3A_47 = tpu.memref_slice %arg5[%dma_wait3A_45, %dma_wait3A_46] : memref<10240x128xf32, #tpu.memory_space<vmem_shared>> -> memref<10240x128xf32, #tpu.memory_space<vmem_shared>>
        tpu.wait_indirect_dma semaphore(%run_scoped3A_41 : memref<!tpu.dma_semaphore, #tpu.memory_space<semaphore_mem>>) src(%arg9 : memref<160x128xf32, #tpu.memory_space<vmem>>) dst(%dma_wait3A_47 : memref<10240x128xf32, #tpu.memory_space<vmem_shared>>)
        tpu.yield
      }) : () -> ()
    }
    %scan3A_4 = arith.constant 4 : i32
    %barrier3A = arith.constant 0 : index
    tpu.barrier barrier_id(%barrier3A)
    %mul3A = arith.constant 2 : i32
    %mul3A_5 = arith.muli %arg1, %mul3A : i32
    %add3A = arith.addi %mul3A_5, %arg0 : i32
    %mul3A_6 = arith.constant 20000 : i32
    %mul3A_7 = arith.muli %add3A, %mul3A_6 : i32
    %add3A_8 = arith.constant 0 : i32
    %add3A_9 = arith.addi %mul3A_7, %add3A_8 : i32
    %dma_start3A = tpu.memref_slice %arg3[%add3A_9] : memref<640000xi32, #tpu.memory_space<hbm>> -> memref<160xi32, #tpu.memory_space<hbm>>
    %dma_start3A_10 = tpu.memref_slice %arg3[%add3A_9] : memref<640000xi32, #tpu.memory_space<hbm>> -> memref<160xi32, #tpu.memory_space<hbm>>
    tpu.enqueue_dma source(%dma_start3A_10 : memref<160xi32, #tpu.memory_space<hbm>>) target(%arg6 : memref<160xi32, #tpu.memory_space<vmem>>) target_semaphore(%arg10 : memref<!tpu.dma_semaphore, #tpu.memory_space<semaphore_mem>>)
    %add3A_11 = arith.constant 160 : i32
    %add3A_12 = arith.addi %mul3A_7, %add3A_11 : i32
    %dma_start3A_13 = tpu.memref_slice %arg3[%add3A_12] : memref<640000xi32, #tpu.memory_space<hbm>> -> memref<160xi32, #tpu.memory_space<hbm>>
    %dma_start3A_14 = tpu.memref_slice %arg3[%add3A_12] : memref<640000xi32, #tpu.memory_space<hbm>> -> memref<160xi32, #tpu.memory_space<hbm>>
    tpu.enqueue_dma source(%dma_start3A_14 : memref<160xi32, #tpu.memory_space<hbm>>) target(%arg7 : memref<160xi32, #tpu.memory_space<vmem>>) target_semaphore(%arg11 : memref<!tpu.dma_semaphore, #tpu.memory_space<semaphore_mem>>)
    %scan3A_15 = arith.constant 0 : i32
    %scan3A_16 = arith.constant 0 : i32
    %scan3A_17 = arith.constant 63 : i32
    %scan3A_18 = arith.addi %scan3A_16, %scan3A_17 : i32
    %scan3A_19 = arith.constant 1 : i32
    scf.for %scan3A_28 = %scan3A_16 to %scan3A_18 step %scan3A_19  : i32 {
      %mul3A_29 = arith.constant 2 : i32
      %mul3A_30 = arith.muli %mul3A_29, %scan3A_28 : i32
      %lt3A = arith.constant 125 : i32
      %lt3A_31 = arith.cmpi slt, %mul3A_30, %lt3A : i32
      %convert_element_type3A = arith.extui %lt3A_31 : i1 to i32
      %cond3A = arith.constant 0 : i32
      %cond3A_32 = arith.cmpi ne, %convert_element_type3A, %cond3A : i32
      scf.if %cond3A_32 {
        %dma_wait3A_42 = tpu.memref_slice %arg3[%mul3A_7] : memref<640000xi32, #tpu.memory_space<hbm>> -> memref<160xi32, #tpu.memory_space<hbm>>
        %dma_wait3A_43 = tpu.memref_slice %arg3[%mul3A_7] : memref<640000xi32, #tpu.memory_space<hbm>> -> memref<160xi32, #tpu.memory_space<hbm>>
        tpu.wait_dma2 semaphore(%arg10 : memref<!tpu.dma_semaphore, #tpu.memory_space<semaphore_mem>>) src(%dma_wait3A_43 : memref<160xi32, #tpu.memory_space<hbm>>) dst(%arg6 : memref<160xi32, #tpu.memory_space<vmem>>)
        %ge3A = arith.constant 1 : i32
        %ge3A_44 = arith.cmpi sge, %scan3A_28, %ge3A : i32
        %convert_element_type3A_45 = arith.extui %ge3A_44 : i1 to i32
        %cond3A_46 = arith.constant 0 : i32
        %cond3A_47 = arith.cmpi ne, %convert_element_type3A_45, %cond3A_46 : i32
        scf.if %cond3A_47 {
          %dma_wait3A_68 = arith.constant 0 : i32
          %dma_wait3A_69 = tpu.memref_slice %arg4[%mul3A_7, %dma_wait3A_68] : memref<640000x128xf32, #tpu.memory_space<hbm>> -> memref<160x128xf32, #tpu.memory_space<hbm>>
          %dma_wait3A_70 = arith.constant 0 : i32
          %dma_wait3A_71 = tpu.memref_slice %arg4[%mul3A_7, %dma_wait3A_70] : memref<640000x128xf32, #tpu.memory_space<hbm>> -> memref<160x128xf32, #tpu.memory_space<hbm>>
          tpu.wait_dma2 semaphore(%arg13 : memref<!tpu.dma_semaphore, #tpu.memory_space<semaphore_mem>>) src(%arg8 : memref<160x128xf32, #tpu.memory_space<vmem>>) dst(%dma_wait3A_71 : memref<160x128xf32, #tpu.memory_space<hbm>>)
        } else {
        }
        %dma_start3A_48 = arith.constant 0 : i32
        %dma_start3A_49 = arith.constant 0 : i32
        %dma_start3A_50 = tpu.memref_slice %arg5[%dma_start3A_48, %dma_start3A_49] : memref<10240x128xf32, #tpu.memory_space<vmem_shared>> -> memref<10240x128xf32, #tpu.memory_space<vmem_shared>>
        tpu.enqueue_indirect_dma source(%dma_start3A_50 : memref<10240x128xf32, #tpu.memory_space<vmem_shared>>) target(%arg8 : memref<160x128xf32, #tpu.memory_space<vmem>>) offsets(%arg6 : memref<160xi32, #tpu.memory_space<vmem>>) semaphore(%arg12 : memref<!tpu.dma_semaphore, #tpu.memory_space<semaphore_mem>>)
        %dma_wait3A_51 = arith.constant 0 : i32
        %dma_wait3A_52 = arith.constant 0 : i32
        %dma_wait3A_53 = tpu.memref_slice %arg5[%dma_wait3A_51, %dma_wait3A_52] : memref<10240x128xf32, #tpu.memory_space<vmem_shared>> -> memref<10240x128xf32, #tpu.memory_space<vmem_shared>>
        tpu.wait_indirect_dma semaphore(%arg12 : memref<!tpu.dma_semaphore, #tpu.memory_space<semaphore_mem>>) src(%dma_wait3A_53 : memref<10240x128xf32, #tpu.memory_space<vmem_shared>>) dst(%arg8 : memref<160x128xf32, #tpu.memory_space<vmem>>)
        %add3A_54 = arith.constant 2 : i32
        %add3A_55 = arith.addi %mul3A_30, %add3A_54 : i32
        %lt3A_56 = arith.constant 125 : i32
        %lt3A_57 = arith.cmpi slt, %add3A_55, %lt3A_56 : i32
        %convert_element_type3A_58 = arith.extui %lt3A_57 : i1 to i32
        %cond3A_59 = arith.constant 0 : i32
        %cond3A_60 = arith.cmpi ne, %convert_element_type3A_58, %cond3A_59 : i32
        scf.if %cond3A_60 {
          %add3A_68 = arith.constant 2 : i32
          %add3A_69 = arith.addi %mul3A_30, %add3A_68 : i32
          %mul3A_70 = arith.constant 160 : i32
          %mul3A_71 = arith.muli %add3A_69, %mul3A_70 : i32
          %add3A_72 = arith.addi %mul3A_7, %mul3A_71 : i32
          %dma_start3A_73 = tpu.memref_slice %arg3[%add3A_72] : memref<640000xi32, #tpu.memory_space<hbm>> -> memref<160xi32, #tpu.memory_space<hbm>>
          %dma_start3A_74 = tpu.memref_slice %arg3[%add3A_72] : memref<640000xi32, #tpu.memory_space<hbm>> -> memref<160xi32, #tpu.memory_space<hbm>>
          tpu.enqueue_dma source(%dma_start3A_74 : memref<160xi32, #tpu.memory_space<hbm>>) target(%arg6 : memref<160xi32, #tpu.memory_space<vmem>>) target_semaphore(%arg10 : memref<!tpu.dma_semaphore, #tpu.memory_space<semaphore_mem>>)
        } else {
        }
        %mul3A_61 = arith.constant 160 : i32
        %mul3A_62 = arith.muli %mul3A_30, %mul3A_61 : i32
        %add3A_63 = arith.addi %mul3A_7, %mul3A_62 : i32
        %dma_start3A_64 = arith.constant 0 : i32
        %dma_start3A_65 = tpu.memref_slice %arg4[%add3A_63, %dma_start3A_64] : memref<640000x128xf32, #tpu.memory_space<hbm>> -> memref<160x128xf32, #tpu.memory_space<hbm>>
        %dma_start3A_66 = arith.constant 0 : i32
        %dma_start3A_67 = tpu.memref_slice %arg4[%add3A_63, %dma_start3A_66] : memref<640000x128xf32, #tpu.memory_space<hbm>> -> memref<160x128xf32, #tpu.memory_space<hbm>>
        tpu.enqueue_dma source(%arg8 : memref<160x128xf32, #tpu.memory_space<vmem>>) target(%dma_start3A_67 : memref<160x128xf32, #tpu.memory_space<hbm>>) target_semaphore(%arg13 : memref<!tpu.dma_semaphore, #tpu.memory_space<semaphore_mem>>)
      } else {
      }
      %mul3A_33 = arith.constant 2 : i32
      %mul3A_34 = arith.muli %mul3A_33, %scan3A_28 : i32
      %add3A_35 = arith.constant 1 : i32
      %add3A_36 = arith.addi %mul3A_34, %add3A_35 : i32
      %lt3A_37 = arith.constant 125 : i32
      %lt3A_38 = arith.cmpi slt, %add3A_36, %lt3A_37 : i32
      %convert_element_type3A_39 = arith.extui %lt3A_38 : i1 to i32
      %cond3A_40 = arith.constant 0 : i32
      %cond3A_41 = arith.cmpi ne, %convert_element_type3A_39, %cond3A_40 : i32
      scf.if %cond3A_41 {
        %dma_wait3A_42 = tpu.memref_slice %arg3[%mul3A_7] : memref<640000xi32, #tpu.memory_space<hbm>> -> memref<160xi32, #tpu.memory_space<hbm>>
        %dma_wait3A_43 = tpu.memref_slice %arg3[%mul3A_7] : memref<640000xi32, #tpu.memory_space<hbm>> -> memref<160xi32, #tpu.memory_space<hbm>>
        tpu.wait_dma2 semaphore(%arg11 : memref<!tpu.dma_semaphore, #tpu.memory_space<semaphore_mem>>) src(%dma_wait3A_43 : memref<160xi32, #tpu.memory_space<hbm>>) dst(%arg7 : memref<160xi32, #tpu.memory_space<vmem>>)
        %ge3A = arith.constant 1 : i32
        %ge3A_44 = arith.cmpi sge, %scan3A_28, %ge3A : i32
        %convert_element_type3A_45 = arith.extui %ge3A_44 : i1 to i32
        %cond3A_46 = arith.constant 0 : i32
        %cond3A_47 = arith.cmpi ne, %convert_element_type3A_45, %cond3A_46 : i32
        scf.if %cond3A_47 {
          %dma_wait3A_68 = arith.constant 0 : i32
          %dma_wait3A_69 = tpu.memref_slice %arg4[%mul3A_7, %dma_wait3A_68] : memref<640000x128xf32, #tpu.memory_space<hbm>> -> memref<160x128xf32, #tpu.memory_space<hbm>>
          %dma_wait3A_70 = arith.constant 0 : i32
          %dma_wait3A_71 = tpu.memref_slice %arg4[%mul3A_7, %dma_wait3A_70] : memref<640000x128xf32, #tpu.memory_space<hbm>> -> memref<160x128xf32, #tpu.memory_space<hbm>>
          tpu.wait_dma2 semaphore(%arg14 : memref<!tpu.dma_semaphore, #tpu.memory_space<semaphore_mem>>) src(%arg9 : memref<160x128xf32, #tpu.memory_space<vmem>>) dst(%dma_wait3A_71 : memref<160x128xf32, #tpu.memory_space<hbm>>)
        } else {
        }
        %dma_start3A_48 = arith.constant 0 : i32
        %dma_start3A_49 = arith.constant 0 : i32
        %dma_start3A_50 = tpu.memref_slice %arg5[%dma_start3A_48, %dma_start3A_49] : memref<10240x128xf32, #tpu.memory_space<vmem_shared>> -> memref<10240x128xf32, #tpu.memory_space<vmem_shared>>
        tpu.enqueue_indirect_dma source(%dma_start3A_50 : memref<10240x128xf32, #tpu.memory_space<vmem_shared>>) target(%arg9 : memref<160x128xf32, #tpu.memory_space<vmem>>) offsets(%arg7 : memref<160xi32, #tpu.memory_space<vmem>>) semaphore(%arg12 : memref<!tpu.dma_semaphore, #tpu.memory_space<semaphore_mem>>)
        %dma_wait3A_51 = arith.constant 0 : i32
        %dma_wait3A_52 = arith.constant 0 : i32
        %dma_wait3A_53 = tpu.memref_slice %arg5[%dma_wait3A_51, %dma_wait3A_52] : memref<10240x128xf32, #tpu.memory_space<vmem_shared>> -> memref<10240x128xf32, #tpu.memory_space<vmem_shared>>
        tpu.wait_indirect_dma semaphore(%arg12 : memref<!tpu.dma_semaphore, #tpu.memory_space<semaphore_mem>>) src(%dma_wait3A_53 : memref<10240x128xf32, #tpu.memory_space<vmem_shared>>) dst(%arg9 : memref<160x128xf32, #tpu.memory_space<vmem>>)
        %add3A_54 = arith.constant 2 : i32
        %add3A_55 = arith.addi %add3A_36, %add3A_54 : i32
        %lt3A_56 = arith.constant 125 : i32
        %lt3A_57 = arith.cmpi slt, %add3A_55, %lt3A_56 : i32
        %convert_element_type3A_58 = arith.extui %lt3A_57 : i1 to i32
        %cond3A_59 = arith.constant 0 : i32
        %cond3A_60 = arith.cmpi ne, %convert_element_type3A_58, %cond3A_59 : i32
        scf.if %cond3A_60 {
          %add3A_68 = arith.constant 2 : i32
          %add3A_69 = arith.addi %add3A_36, %add3A_68 : i32
          %mul3A_70 = arith.constant 160 : i32
          %mul3A_71 = arith.muli %add3A_69, %mul3A_70 : i32
          %add3A_72 = arith.addi %mul3A_7, %mul3A_71 : i32
          %dma_start3A_73 = tpu.memref_slice %arg3[%add3A_72] : memref<640000xi32, #tpu.memory_space<hbm>> -> memref<160xi32, #tpu.memory_space<hbm>>
          %dma_start3A_74 = tpu.memref_slice %arg3[%add3A_72] : memref<640000xi32, #tpu.memory_space<hbm>> -> memref<160xi32, #tpu.memory_space<hbm>>
          tpu.enqueue_dma source(%dma_start3A_74 : memref<160xi32, #tpu.memory_space<hbm>>) target(%arg7 : memref<160xi32, #tpu.memory_space<vmem>>) target_semaphore(%arg11 : memref<!tpu.dma_semaphore, #tpu.memory_space<semaphore_mem>>)
        } else {
        }
        %mul3A_61 = arith.constant 160 : i32
        %mul3A_62 = arith.muli %add3A_36, %mul3A_61 : i32
        %add3A_63 = arith.addi %mul3A_7, %mul3A_62 : i32
        %dma_start3A_64 = arith.constant 0 : i32
        %dma_start3A_65 = tpu.memref_slice %arg4[%add3A_63, %dma_start3A_64] : memref<640000x128xf32, #tpu.memory_space<hbm>> -> memref<160x128xf32, #tpu.memory_space<hbm>>
        %dma_start3A_66 = arith.constant 0 : i32
        %dma_start3A_67 = tpu.memref_slice %arg4[%add3A_63, %dma_start3A_66] : memref<640000x128xf32, #tpu.memory_space<hbm>> -> memref<160x128xf32, #tpu.memory_space<hbm>>
        tpu.enqueue_dma source(%arg9 : memref<160x128xf32, #tpu.memory_space<vmem>>) target(%dma_start3A_67 : memref<160x128xf32, #tpu.memory_space<hbm>>) target_semaphore(%arg14 : memref<!tpu.dma_semaphore, #tpu.memory_space<semaphore_mem>>)
      } else {
      }
    }
    %scan3A_20 = arith.constant 63 : i32
    %dma_wait3A = arith.constant 0 : i32
    %dma_wait3A_21 = tpu.memref_slice %arg4[%mul3A_7, %dma_wait3A] : memref<640000x128xf32, #tpu.memory_space<hbm>> -> memref<160x128xf32, #tpu.memory_space<hbm>>
    %dma_wait3A_22 = arith.constant 0 : i32
    %dma_wait3A_23 = tpu.memref_slice %arg4[%mul3A_7, %dma_wait3A_22] : memref<640000x128xf32, #tpu.memory_space<hbm>> -> memref<160x128xf32, #tpu.memory_space<hbm>>
    tpu.wait_dma2 semaphore(%arg13 : memref<!tpu.dma_semaphore, #tpu.memory_space<semaphore_mem>>) src(%arg8 : memref<160x128xf32, #tpu.memory_space<vmem>>) dst(%dma_wait3A_23 : memref<160x128xf32, #tpu.memory_space<hbm>>)
    %dma_wait3A_24 = arith.constant 0 : i32
    %dma_wait3A_25 = tpu.memref_slice %arg4[%mul3A_7, %dma_wait3A_24] : memref<640000x128xf32, #tpu.memory_space<hbm>> -> memref<160x128xf32, #tpu.memory_space<hbm>>
    %dma_wait3A_26 = arith.constant 0 : i32
    %dma_wait3A_27 = tpu.memref_slice %arg4[%mul3A_7, %dma_wait3A_26] : memref<640000x128xf32, #tpu.memory_space<hbm>> -> memref<160x128xf32, #tpu.memory_space<hbm>>
    tpu.wait_dma2 semaphore(%arg14 : memref<!tpu.dma_semaphore, #tpu.memory_space<semaphore_mem>>) src(%arg9 : memref<160x128xf32, #tpu.memory_space<vmem>>) dst(%dma_wait3A_27 : memref<160x128xf32, #tpu.memory_space<hbm>>)
    return
  }
}

#map = affine_map<(d0, d1) -> (0, 0)>
#map1 = affine_map<(d0, d1) -> (0)>
#map2 = affine_map<(d0, d1) -> (0, 0, 0)>
module attributes {stable_mosaic.version = 14 : i64} {
  func.func @_sc_scatter_body(%arg0: i32, %arg1: i32, %arg2: memref<640000x128xf32, #tpu.memory_space<hbm>>, %arg3: memref<640000xi32, #tpu.memory_space<hbm>>, %arg4: memref<10240x128xf32, #tpu.memory_space<hbm>>, %arg5: memref<2x10240x128xf32, #tpu.memory_space<hbm>>, %arg6: memref<10240x128xf32, #tpu.memory_space<vmem_shared>>, %arg7: memref<160xi32, #tpu.memory_space<vmem>>, %arg8: memref<160xi32, #tpu.memory_space<vmem>>, %arg9: memref<160x128xf32, #tpu.memory_space<vmem>>, %arg10: memref<160x128xf32, #tpu.memory_space<vmem>>, %arg11: memref<!tpu.dma_semaphore, #tpu.memory_space<semaphore_mem>>, %arg12: memref<!tpu.dma_semaphore, #tpu.memory_space<semaphore_mem>>) attributes {dimension_semantics = [#tpu.dimension_semantics<core_parallel>, #tpu.dimension_semantics<subcore_parallel>], iteration_bounds = array<i64: 2, 16>, scalar_prefetch = 0 : i64, scratch_operands = 7 : i64, tpu.core_type = #tpu.core_type<sc_vector_subcore>, window_params = [{transform_indices = #map}, {transform_indices = #map1}, {transform_indices = #map}, {transform_indices = #map2}]} {
    %mul3A = arith.constant 640 : i32
    %mul3A_0 = arith.muli %arg1, %mul3A : i32
    %mul3A_1 = arith.constant 640 : i32
    %mul3A_2 = arith.muli %arg1, %mul3A_1 : i32
    "tpu.region"() ({
      %run_scoped3A = tpu.sem_alloc : memref<!tpu.dma_semaphore, #tpu.memory_space<semaphore_mem>>
      %dma_start3A_32 = arith.constant 0 : i32
      %dma_start3A_33 = tpu.memref_slice %arg6[%mul3A_2, %dma_start3A_32] : memref<10240x128xf32, #tpu.memory_space<vmem_shared>> -> memref<640x128xf32, #tpu.memory_space<vmem_shared>>
      %dma_start3A_34 = arith.constant 0 : i32
      %dma_start3A_35 = tpu.memref_slice %arg4[%mul3A_0, %dma_start3A_34] : memref<10240x128xf32, #tpu.memory_space<hbm>> -> memref<640x128xf32, #tpu.memory_space<hbm>>
      tpu.enqueue_dma source(%dma_start3A_35 : memref<640x128xf32, #tpu.memory_space<hbm>>) target(%dma_start3A_33 : memref<640x128xf32, #tpu.memory_space<vmem_shared>>) target_semaphore(%run_scoped3A : memref<!tpu.dma_semaphore, #tpu.memory_space<semaphore_mem>>)
      %dma_wait3A = arith.constant 0 : i32
      %dma_wait3A_36 = tpu.memref_slice %arg6[%mul3A_2, %dma_wait3A] : memref<10240x128xf32, #tpu.memory_space<vmem_shared>> -> memref<640x128xf32, #tpu.memory_space<vmem_shared>>
      %dma_wait3A_37 = arith.constant 0 : i32
      %dma_wait3A_38 = tpu.memref_slice %arg4[%mul3A_0, %dma_wait3A_37] : memref<10240x128xf32, #tpu.memory_space<hbm>> -> memref<640x128xf32, #tpu.memory_space<hbm>>
      tpu.wait_dma2 semaphore(%run_scoped3A : memref<!tpu.dma_semaphore, #tpu.memory_space<semaphore_mem>>) src(%dma_wait3A_38 : memref<640x128xf32, #tpu.memory_space<hbm>>) dst(%dma_wait3A_36 : memref<640x128xf32, #tpu.memory_space<vmem_shared>>)
      tpu.yield
    }) : () -> ()
    %barrier3A = arith.constant 0 : index
    tpu.barrier barrier_id(%barrier3A)
    %mul3A_3 = arith.constant 2 : i32
    %mul3A_4 = arith.muli %arg1, %mul3A_3 : i32
    %add3A = arith.addi %mul3A_4, %arg0 : i32
    %mul3A_5 = arith.constant 20000 : i32
    %mul3A_6 = arith.muli %add3A, %mul3A_5 : i32
    %add3A_7 = arith.constant 0 : i32
    %add3A_8 = arith.addi %mul3A_6, %add3A_7 : i32
    %dma_start3A = tpu.memref_slice %arg3[%add3A_8] : memref<640000xi32, #tpu.memory_space<hbm>> -> memref<160xi32, #tpu.memory_space<hbm>>
    %dma_start3A_9 = tpu.memref_slice %arg3[%add3A_8] : memref<640000xi32, #tpu.memory_space<hbm>> -> memref<160xi32, #tpu.memory_space<hbm>>
    tpu.enqueue_dma source(%dma_start3A_9 : memref<160xi32, #tpu.memory_space<hbm>>) target(%arg7 : memref<160xi32, #tpu.memory_space<vmem>>) target_semaphore(%arg11 : memref<!tpu.dma_semaphore, #tpu.memory_space<semaphore_mem>>)
    %dma_start3A_10 = arith.constant 0 : i32
    %dma_start3A_11 = tpu.memref_slice %arg2[%add3A_8, %dma_start3A_10] : memref<640000x128xf32, #tpu.memory_space<hbm>> -> memref<160x128xf32, #tpu.memory_space<hbm>>
    %dma_start3A_12 = arith.constant 0 : i32
    %dma_start3A_13 = tpu.memref_slice %arg2[%add3A_8, %dma_start3A_12] : memref<640000x128xf32, #tpu.memory_space<hbm>> -> memref<160x128xf32, #tpu.memory_space<hbm>>
    tpu.enqueue_dma source(%dma_start3A_13 : memref<160x128xf32, #tpu.memory_space<hbm>>) target(%arg9 : memref<160x128xf32, #tpu.memory_space<vmem>>) target_semaphore(%arg11 : memref<!tpu.dma_semaphore, #tpu.memory_space<semaphore_mem>>)
    %add3A_14 = arith.constant 160 : i32
    %add3A_15 = arith.addi %mul3A_6, %add3A_14 : i32
    %dma_start3A_16 = tpu.memref_slice %arg3[%add3A_15] : memref<640000xi32, #tpu.memory_space<hbm>> -> memref<160xi32, #tpu.memory_space<hbm>>
    %dma_start3A_17 = tpu.memref_slice %arg3[%add3A_15] : memref<640000xi32, #tpu.memory_space<hbm>> -> memref<160xi32, #tpu.memory_space<hbm>>
    tpu.enqueue_dma source(%dma_start3A_17 : memref<160xi32, #tpu.memory_space<hbm>>) target(%arg8 : memref<160xi32, #tpu.memory_space<vmem>>) target_semaphore(%arg12 : memref<!tpu.dma_semaphore, #tpu.memory_space<semaphore_mem>>)
    %dma_start3A_18 = arith.constant 0 : i32
    %dma_start3A_19 = tpu.memref_slice %arg2[%add3A_15, %dma_start3A_18] : memref<640000x128xf32, #tpu.memory_space<hbm>> -> memref<160x128xf32, #tpu.memory_space<hbm>>
    %dma_start3A_20 = arith.constant 0 : i32
    %dma_start3A_21 = tpu.memref_slice %arg2[%add3A_15, %dma_start3A_20] : memref<640000x128xf32, #tpu.memory_space<hbm>> -> memref<160x128xf32, #tpu.memory_space<hbm>>
    tpu.enqueue_dma source(%dma_start3A_21 : memref<160x128xf32, #tpu.memory_space<hbm>>) target(%arg10 : memref<160x128xf32, #tpu.memory_space<vmem>>) target_semaphore(%arg12 : memref<!tpu.dma_semaphore, #tpu.memory_space<semaphore_mem>>)
    %scan3A = arith.constant 0 : i32
    %scan3A_22 = arith.constant 0 : i32
    %scan3A_23 = arith.constant 63 : i32
    %scan3A_24 = arith.addi %scan3A_22, %scan3A_23 : i32
    %scan3A_25 = arith.constant 1 : i32
    scf.for %scan3A_32 = %scan3A_22 to %scan3A_24 step %scan3A_25  : i32 {
      %mul3A_33 = arith.constant 2 : i32
      %mul3A_34 = arith.muli %mul3A_33, %scan3A_32 : i32
      %lt3A = arith.constant 125 : i32
      %lt3A_35 = arith.cmpi slt, %mul3A_34, %lt3A : i32
      %convert_element_type3A = arith.extui %lt3A_35 : i1 to i32
      %cond3A = arith.constant 0 : i32
      %cond3A_36 = arith.cmpi ne, %convert_element_type3A, %cond3A : i32
      scf.if %cond3A_36 {
        %dma_wait3A = tpu.memref_slice %arg3[%mul3A_6] : memref<640000xi32, #tpu.memory_space<hbm>> -> memref<160xi32, #tpu.memory_space<hbm>>
        %dma_wait3A_46 = tpu.memref_slice %arg3[%mul3A_6] : memref<640000xi32, #tpu.memory_space<hbm>> -> memref<160xi32, #tpu.memory_space<hbm>>
        tpu.wait_dma2 semaphore(%arg11 : memref<!tpu.dma_semaphore, #tpu.memory_space<semaphore_mem>>) src(%dma_wait3A_46 : memref<160xi32, #tpu.memory_space<hbm>>) dst(%arg7 : memref<160xi32, #tpu.memory_space<vmem>>)
        %dma_wait3A_47 = arith.constant 0 : i32
        %dma_wait3A_48 = tpu.memref_slice %arg2[%mul3A_6, %dma_wait3A_47] : memref<640000x128xf32, #tpu.memory_space<hbm>> -> memref<160x128xf32, #tpu.memory_space<hbm>>
        %dma_wait3A_49 = arith.constant 0 : i32
        %dma_wait3A_50 = tpu.memref_slice %arg2[%mul3A_6, %dma_wait3A_49] : memref<640000x128xf32, #tpu.memory_space<hbm>> -> memref<160x128xf32, #tpu.memory_space<hbm>>
        tpu.wait_dma2 semaphore(%arg11 : memref<!tpu.dma_semaphore, #tpu.memory_space<semaphore_mem>>) src(%dma_wait3A_50 : memref<160x128xf32, #tpu.memory_space<hbm>>) dst(%arg9 : memref<160x128xf32, #tpu.memory_space<vmem>>)
        "tpu.region"() ({
          %run_scoped3A = tpu.sem_alloc : memref<!tpu.dma_semaphore, #tpu.memory_space<semaphore_mem>>
          %dma_start3A_58 = arith.constant 0 : i32
          %dma_start3A_59 = arith.constant 0 : i32
          %dma_start3A_60 = tpu.memref_slice %arg6[%dma_start3A_58, %dma_start3A_59] : memref<10240x128xf32, #tpu.memory_space<vmem_shared>> -> memref<10240x128xf32, #tpu.memory_space<vmem_shared>>
          tpu.enqueue_indirect_dma source(%arg9 : memref<160x128xf32, #tpu.memory_space<vmem>>) target(%dma_start3A_60 : memref<10240x128xf32, #tpu.memory_space<vmem_shared>>) offsets(%arg7 : memref<160xi32, #tpu.memory_space<vmem>>) semaphore(%run_scoped3A : memref<!tpu.dma_semaphore, #tpu.memory_space<semaphore_mem>>) {add = true}
          %dma_wait3A_61 = arith.constant 0 : i32
          %dma_wait3A_62 = arith.constant 0 : i32
          %dma_wait3A_63 = tpu.memref_slice %arg6[%dma_wait3A_61, %dma_wait3A_62] : memref<10240x128xf32, #tpu.memory_space<vmem_shared>> -> memref<10240x128xf32, #tpu.memory_space<vmem_shared>>
          tpu.wait_indirect_dma semaphore(%run_scoped3A : memref<!tpu.dma_semaphore, #tpu.memory_space<semaphore_mem>>) src(%arg9 : memref<160x128xf32, #tpu.memory_space<vmem>>) dst(%dma_wait3A_63 : memref<10240x128xf32, #tpu.memory_space<vmem_shared>>)
          tpu.yield
        }) : () -> ()
        %add3A_51 = arith.constant 2 : i32
        %add3A_52 = arith.addi %mul3A_34, %add3A_51 : i32
        %lt3A_53 = arith.constant 125 : i32
        %lt3A_54 = arith.cmpi slt, %add3A_52, %lt3A_53 : i32
        %convert_element_type3A_55 = arith.extui %lt3A_54 : i1 to i32
        %cond3A_56 = arith.constant 0 : i32
        %cond3A_57 = arith.cmpi ne, %convert_element_type3A_55, %cond3A_56 : i32
        scf.if %cond3A_57 {
          %add3A_58 = arith.constant 2 : i32
          %add3A_59 = arith.addi %mul3A_34, %add3A_58 : i32
          %mul3A_60 = arith.constant 160 : i32
          %mul3A_61 = arith.muli %add3A_59, %mul3A_60 : i32
          %add3A_62 = arith.addi %mul3A_6, %mul3A_61 : i32
          %dma_start3A_63 = tpu.memref_slice %arg3[%add3A_62] : memref<640000xi32, #tpu.memory_space<hbm>> -> memref<160xi32, #tpu.memory_space<hbm>>
          %dma_start3A_64 = tpu.memref_slice %arg3[%add3A_62] : memref<640000xi32, #tpu.memory_space<hbm>> -> memref<160xi32, #tpu.memory_space<hbm>>
          tpu.enqueue_dma source(%dma_start3A_64 : memref<160xi32, #tpu.memory_space<hbm>>) target(%arg7 : memref<160xi32, #tpu.memory_space<vmem>>) target_semaphore(%arg11 : memref<!tpu.dma_semaphore, #tpu.memory_space<semaphore_mem>>)
          %dma_start3A_65 = arith.constant 0 : i32
          %dma_start3A_66 = tpu.memref_slice %arg2[%add3A_62, %dma_start3A_65] : memref<640000x128xf32, #tpu.memory_space<hbm>> -> memref<160x128xf32, #tpu.memory_space<hbm>>
          %dma_start3A_67 = arith.constant 0 : i32
          %dma_start3A_68 = tpu.memref_slice %arg2[%add3A_62, %dma_start3A_67] : memref<640000x128xf32, #tpu.memory_space<hbm>> -> memref<160x128xf32, #tpu.memory_space<hbm>>
          tpu.enqueue_dma source(%dma_start3A_68 : memref<160x128xf32, #tpu.memory_space<hbm>>) target(%arg9 : memref<160x128xf32, #tpu.memory_space<vmem>>) target_semaphore(%arg11 : memref<!tpu.dma_semaphore, #tpu.memory_space<semaphore_mem>>)
        } else {
        }
      } else {
      }
      %mul3A_37 = arith.constant 2 : i32
      %mul3A_38 = arith.muli %mul3A_37, %scan3A_32 : i32
      %add3A_39 = arith.constant 1 : i32
      %add3A_40 = arith.addi %mul3A_38, %add3A_39 : i32
      %lt3A_41 = arith.constant 125 : i32
      %lt3A_42 = arith.cmpi slt, %add3A_40, %lt3A_41 : i32
      %convert_element_type3A_43 = arith.extui %lt3A_42 : i1 to i32
      %cond3A_44 = arith.constant 0 : i32
      %cond3A_45 = arith.cmpi ne, %convert_element_type3A_43, %cond3A_44 : i32
      scf.if %cond3A_45 {
        %dma_wait3A = tpu.memref_slice %arg3[%mul3A_6] : memref<640000xi32, #tpu.memory_space<hbm>> -> memref<160xi32, #tpu.memory_space<hbm>>
        %dma_wait3A_46 = tpu.memref_slice %arg3[%mul3A_6] : memref<640000xi32, #tpu.memory_space<hbm>> -> memref<160xi32, #tpu.memory_space<hbm>>
        tpu.wait_dma2 semaphore(%arg12 : memref<!tpu.dma_semaphore, #tpu.memory_space<semaphore_mem>>) src(%dma_wait3A_46 : memref<160xi32, #tpu.memory_space<hbm>>) dst(%arg8 : memref<160xi32, #tpu.memory_space<vmem>>)
        %dma_wait3A_47 = arith.constant 0 : i32
        %dma_wait3A_48 = tpu.memref_slice %arg2[%mul3A_6, %dma_wait3A_47] : memref<640000x128xf32, #tpu.memory_space<hbm>> -> memref<160x128xf32, #tpu.memory_space<hbm>>
        %dma_wait3A_49 = arith.constant 0 : i32
        %dma_wait3A_50 = tpu.memref_slice %arg2[%mul3A_6, %dma_wait3A_49] : memref<640000x128xf32, #tpu.memory_space<hbm>> -> memref<160x128xf32, #tpu.memory_space<hbm>>
        tpu.wait_dma2 semaphore(%arg12 : memref<!tpu.dma_semaphore, #tpu.memory_space<semaphore_mem>>) src(%dma_wait3A_50 : memref<160x128xf32, #tpu.memory_space<hbm>>) dst(%arg10 : memref<160x128xf32, #tpu.memory_space<vmem>>)
        "tpu.region"() ({
          %run_scoped3A = tpu.sem_alloc : memref<!tpu.dma_semaphore, #tpu.memory_space<semaphore_mem>>
          %dma_start3A_58 = arith.constant 0 : i32
          %dma_start3A_59 = arith.constant 0 : i32
          %dma_start3A_60 = tpu.memref_slice %arg6[%dma_start3A_58, %dma_start3A_59] : memref<10240x128xf32, #tpu.memory_space<vmem_shared>> -> memref<10240x128xf32, #tpu.memory_space<vmem_shared>>
          tpu.enqueue_indirect_dma source(%arg10 : memref<160x128xf32, #tpu.memory_space<vmem>>) target(%dma_start3A_60 : memref<10240x128xf32, #tpu.memory_space<vmem_shared>>) offsets(%arg8 : memref<160xi32, #tpu.memory_space<vmem>>) semaphore(%run_scoped3A : memref<!tpu.dma_semaphore, #tpu.memory_space<semaphore_mem>>) {add = true}
          %dma_wait3A_61 = arith.constant 0 : i32
          %dma_wait3A_62 = arith.constant 0 : i32
          %dma_wait3A_63 = tpu.memref_slice %arg6[%dma_wait3A_61, %dma_wait3A_62] : memref<10240x128xf32, #tpu.memory_space<vmem_shared>> -> memref<10240x128xf32, #tpu.memory_space<vmem_shared>>
          tpu.wait_indirect_dma semaphore(%run_scoped3A : memref<!tpu.dma_semaphore, #tpu.memory_space<semaphore_mem>>) src(%arg10 : memref<160x128xf32, #tpu.memory_space<vmem>>) dst(%dma_wait3A_63 : memref<10240x128xf32, #tpu.memory_space<vmem_shared>>)
          tpu.yield
        }) : () -> ()
        %add3A_51 = arith.constant 2 : i32
        %add3A_52 = arith.addi %add3A_40, %add3A_51 : i32
        %lt3A_53 = arith.constant 125 : i32
        %lt3A_54 = arith.cmpi slt, %add3A_52, %lt3A_53 : i32
        %convert_element_type3A_55 = arith.extui %lt3A_54 : i1 to i32
        %cond3A_56 = arith.constant 0 : i32
        %cond3A_57 = arith.cmpi ne, %convert_element_type3A_55, %cond3A_56 : i32
        scf.if %cond3A_57 {
          %add3A_58 = arith.constant 2 : i32
          %add3A_59 = arith.addi %add3A_40, %add3A_58 : i32
          %mul3A_60 = arith.constant 160 : i32
          %mul3A_61 = arith.muli %add3A_59, %mul3A_60 : i32
          %add3A_62 = arith.addi %mul3A_6, %mul3A_61 : i32
          %dma_start3A_63 = tpu.memref_slice %arg3[%add3A_62] : memref<640000xi32, #tpu.memory_space<hbm>> -> memref<160xi32, #tpu.memory_space<hbm>>
          %dma_start3A_64 = tpu.memref_slice %arg3[%add3A_62] : memref<640000xi32, #tpu.memory_space<hbm>> -> memref<160xi32, #tpu.memory_space<hbm>>
          tpu.enqueue_dma source(%dma_start3A_64 : memref<160xi32, #tpu.memory_space<hbm>>) target(%arg8 : memref<160xi32, #tpu.memory_space<vmem>>) target_semaphore(%arg12 : memref<!tpu.dma_semaphore, #tpu.memory_space<semaphore_mem>>)
          %dma_start3A_65 = arith.constant 0 : i32
          %dma_start3A_66 = tpu.memref_slice %arg2[%add3A_62, %dma_start3A_65] : memref<640000x128xf32, #tpu.memory_space<hbm>> -> memref<160x128xf32, #tpu.memory_space<hbm>>
          %dma_start3A_67 = arith.constant 0 : i32
          %dma_start3A_68 = tpu.memref_slice %arg2[%add3A_62, %dma_start3A_67] : memref<640000x128xf32, #tpu.memory_space<hbm>> -> memref<160x128xf32, #tpu.memory_space<hbm>>
          tpu.enqueue_dma source(%dma_start3A_68 : memref<160x128xf32, #tpu.memory_space<hbm>>) target(%arg10 : memref<160x128xf32, #tpu.memory_space<vmem>>) target_semaphore(%arg12 : memref<!tpu.dma_semaphore, #tpu.memory_space<semaphore_mem>>)
        } else {
        }
      } else {
      }
    }
    %scan3A_26 = arith.constant 63 : i32
    %barrier3A_27 = arith.constant 0 : index
    tpu.barrier barrier_id(%barrier3A_27)
    %mul3A_28 = arith.constant 640 : i32
    %mul3A_29 = arith.muli %arg1, %mul3A_28 : i32
    %mul3A_30 = arith.constant 640 : i32
    %mul3A_31 = arith.muli %arg1, %mul3A_30 : i32
    "tpu.region"() ({
      %run_scoped3A = tpu.sem_alloc : memref<!tpu.dma_semaphore, #tpu.memory_space<semaphore_mem>>
      %dma_start3A_32 = arith.constant 0 : i32
      %dma_start3A_33 = tpu.memref_slice %arg5[%arg0, %mul3A_31, %dma_start3A_32] : memref<2x10240x128xf32, #tpu.memory_space<hbm>> -> memref<1x640x128xf32, #tpu.memory_space<hbm>>
      %dma_start3A_34 = tpu.memref_squeeze %dma_start3A_33 : memref<1x640x128xf32, #tpu.memory_space<hbm>> -> memref<640x128xf32, #tpu.memory_space<hbm>>
      %dma_start3A_35 = arith.constant 0 : i32
      %dma_start3A_36 = tpu.memref_slice %arg6[%mul3A_29, %dma_start3A_35] : memref<10240x128xf32, #tpu.memory_space<vmem_shared>> -> memref<640x128xf32, #tpu.memory_space<vmem_shared>>
      tpu.enqueue_dma source(%dma_start3A_36 : memref<640x128xf32, #tpu.memory_space<vmem_shared>>) target(%dma_start3A_34 : memref<640x128xf32, #tpu.memory_space<hbm>>) target_semaphore(%run_scoped3A : memref<!tpu.dma_semaphore, #tpu.memory_space<semaphore_mem>>)
      %dma_wait3A = arith.constant 0 : i32
      %dma_wait3A_37 = tpu.memref_slice %arg5[%arg0, %mul3A_31, %dma_wait3A] : memref<2x10240x128xf32, #tpu.memory_space<hbm>> -> memref<1x640x128xf32, #tpu.memory_space<hbm>>
      %dma_wait3A_38 = tpu.memref_squeeze %dma_wait3A_37 : memref<1x640x128xf32, #tpu.memory_space<hbm>> -> memref<640x128xf32, #tpu.memory_space<hbm>>
      %dma_wait3A_39 = arith.constant 0 : i32
      %dma_wait3A_40 = tpu.memref_slice %arg6[%mul3A_29, %dma_wait3A_39] : memref<10240x128xf32, #tpu.memory_space<vmem_shared>> -> memref<640x128xf32, #tpu.memory_space<vmem_shared>>
      tpu.wait_dma2 semaphore(%run_scoped3A : memref<!tpu.dma_semaphore, #tpu.memory_space<semaphore_mem>>) src(%dma_wait3A_40 : memref<640x128xf32, #tpu.memory_space<vmem_shared>>) dst(%dma_wait3A_38 : memref<640x128xf32, #tpu.memory_space<hbm>>)
      tpu.yield
    }) : () -> ()
    return
  }
}

#map = affine_map<(d0, d1) -> (0, 0)>
#map1 = affine_map<(d0, d1) -> (0)>
#map2 = affine_map<(d0, d1) -> (0, 0, 0)>
module attributes {stable_mosaic.version = 14 : i64} {
  func.func @_sc_pool_body(%arg0: i32, %arg1: i32, %arg2: memref<10240x128xf32, #tpu.memory_space<hbm>>, %arg3: memref<10240xi32, #tpu.memory_space<hbm>>, %arg4: memref<640x128xf32, #tpu.memory_space<hbm>>, %arg5: memref<2x640x128xf32, #tpu.memory_space<hbm>>, %arg6: memref<640x128xf32, #tpu.memory_space<vmem_shared>>, %arg7: memref<160xi32, #tpu.memory_space<vmem>>, %arg8: memref<160xi32, #tpu.memory_space<vmem>>, %arg9: memref<160x128xf32, #tpu.memory_space<vmem>>, %arg10: memref<160x128xf32, #tpu.memory_space<vmem>>, %arg11: memref<!tpu.dma_semaphore, #tpu.memory_space<semaphore_mem>>, %arg12: memref<!tpu.dma_semaphore, #tpu.memory_space<semaphore_mem>>) attributes {dimension_semantics = [#tpu.dimension_semantics<core_parallel>, #tpu.dimension_semantics<subcore_parallel>], iteration_bounds = array<i64: 2, 16>, scalar_prefetch = 0 : i64, scratch_operands = 7 : i64, tpu.core_type = #tpu.core_type<sc_vector_subcore>, window_params = [{transform_indices = #map}, {transform_indices = #map1}, {transform_indices = #map}, {transform_indices = #map2}]} {
    %mul3A = arith.constant 40 : i32
    %mul3A_0 = arith.muli %arg1, %mul3A : i32
    %mul3A_1 = arith.constant 40 : i32
    %mul3A_2 = arith.muli %arg1, %mul3A_1 : i32
    "tpu.region"() ({
      %run_scoped3A = tpu.sem_alloc : memref<!tpu.dma_semaphore, #tpu.memory_space<semaphore_mem>>
      %dma_start3A_42 = arith.constant 0 : i32
      %dma_start3A_43 = tpu.memref_slice %arg6[%mul3A_2, %dma_start3A_42] : memref<640x128xf32, #tpu.memory_space<vmem_shared>> -> memref<40x128xf32, #tpu.memory_space<vmem_shared>>
      %dma_start3A_44 = arith.constant 0 : i32
      %dma_start3A_45 = tpu.memref_slice %arg4[%mul3A_0, %dma_start3A_44] : memref<640x128xf32, #tpu.memory_space<hbm>> -> memref<40x128xf32, #tpu.memory_space<hbm>>
      tpu.enqueue_dma source(%dma_start3A_45 : memref<40x128xf32, #tpu.memory_space<hbm>>) target(%dma_start3A_43 : memref<40x128xf32, #tpu.memory_space<vmem_shared>>) target_semaphore(%run_scoped3A : memref<!tpu.dma_semaphore, #tpu.memory_space<semaphore_mem>>)
      %dma_wait3A = arith.constant 0 : i32
      %dma_wait3A_46 = tpu.memref_slice %arg6[%mul3A_2, %dma_wait3A] : memref<640x128xf32, #tpu.memory_space<vmem_shared>> -> memref<40x128xf32, #tpu.memory_space<vmem_shared>>
      %dma_wait3A_47 = arith.constant 0 : i32
      %dma_wait3A_48 = tpu.memref_slice %arg4[%mul3A_0, %dma_wait3A_47] : memref<640x128xf32, #tpu.memory_space<hbm>> -> memref<40x128xf32, #tpu.memory_space<hbm>>
      tpu.wait_dma2 semaphore(%run_scoped3A : memref<!tpu.dma_semaphore, #tpu.memory_space<semaphore_mem>>) src(%dma_wait3A_48 : memref<40x128xf32, #tpu.memory_space<hbm>>) dst(%dma_wait3A_46 : memref<40x128xf32, #tpu.memory_space<vmem_shared>>)
      tpu.yield
    }) : () -> ()
    %barrier3A = arith.constant 0 : index
    tpu.barrier barrier_id(%barrier3A)
    %mul3A_3 = arith.constant 2 : i32
    %mul3A_4 = arith.muli %arg1, %mul3A_3 : i32
    %add3A = arith.addi %mul3A_4, %arg0 : i32
    %mul3A_5 = arith.constant 320 : i32
    %mul3A_6 = arith.muli %add3A, %mul3A_5 : i32
    %add3A_7 = arith.constant 0 : i32
    %add3A_8 = arith.addi %mul3A_6, %add3A_7 : i32
    %dma_start3A = tpu.memref_slice %arg3[%add3A_8] : memref<10240xi32, #tpu.memory_space<hbm>> -> memref<160xi32, #tpu.memory_space<hbm>>
    %dma_start3A_9 = tpu.memref_slice %arg3[%add3A_8] : memref<10240xi32, #tpu.memory_space<hbm>> -> memref<160xi32, #tpu.memory_space<hbm>>
    tpu.enqueue_dma source(%dma_start3A_9 : memref<160xi32, #tpu.memory_space<hbm>>) target(%arg7 : memref<160xi32, #tpu.memory_space<vmem>>) target_semaphore(%arg11 : memref<!tpu.dma_semaphore, #tpu.memory_space<semaphore_mem>>)
    %dma_start3A_10 = arith.constant 0 : i32
    %dma_start3A_11 = tpu.memref_slice %arg2[%add3A_8, %dma_start3A_10] : memref<10240x128xf32, #tpu.memory_space<hbm>> -> memref<160x128xf32, #tpu.memory_space<hbm>>
    %dma_start3A_12 = arith.constant 0 : i32
    %dma_start3A_13 = tpu.memref_slice %arg2[%add3A_8, %dma_start3A_12] : memref<10240x128xf32, #tpu.memory_space<hbm>> -> memref<160x128xf32, #tpu.memory_space<hbm>>
    tpu.enqueue_dma source(%dma_start3A_13 : memref<160x128xf32, #tpu.memory_space<hbm>>) target(%arg9 : memref<160x128xf32, #tpu.memory_space<vmem>>) target_semaphore(%arg11 : memref<!tpu.dma_semaphore, #tpu.memory_space<semaphore_mem>>)
    %add3A_14 = arith.constant 160 : i32
    %add3A_15 = arith.addi %mul3A_6, %add3A_14 : i32
    %dma_start3A_16 = tpu.memref_slice %arg3[%add3A_15] : memref<10240xi32, #tpu.memory_space<hbm>> -> memref<160xi32, #tpu.memory_space<hbm>>
    %dma_start3A_17 = tpu.memref_slice %arg3[%add3A_15] : memref<10240xi32, #tpu.memory_space<hbm>> -> memref<160xi32, #tpu.memory_space<hbm>>
    tpu.enqueue_dma source(%dma_start3A_17 : memref<160xi32, #tpu.memory_space<hbm>>) target(%arg8 : memref<160xi32, #tpu.memory_space<vmem>>) target_semaphore(%arg12 : memref<!tpu.dma_semaphore, #tpu.memory_space<semaphore_mem>>)
    %dma_start3A_18 = arith.constant 0 : i32
    %dma_start3A_19 = tpu.memref_slice %arg2[%add3A_15, %dma_start3A_18] : memref<10240x128xf32, #tpu.memory_space<hbm>> -> memref<160x128xf32, #tpu.memory_space<hbm>>
    %dma_start3A_20 = arith.constant 0 : i32
    %dma_start3A_21 = tpu.memref_slice %arg2[%add3A_15, %dma_start3A_20] : memref<10240x128xf32, #tpu.memory_space<hbm>> -> memref<160x128xf32, #tpu.memory_space<hbm>>
    tpu.enqueue_dma source(%dma_start3A_21 : memref<160x128xf32, #tpu.memory_space<hbm>>) target(%arg10 : memref<160x128xf32, #tpu.memory_space<vmem>>) target_semaphore(%arg12 : memref<!tpu.dma_semaphore, #tpu.memory_space<semaphore_mem>>)
    %scan3A = arith.constant 0 : i32
    %scan3A_22 = arith.constant 0 : i32
    %mul3A_23 = arith.constant 2 : i32
    %mul3A_24 = arith.muli %mul3A_23, %scan3A_22 : i32
    %lt3A = arith.constant 2 : i32
    %lt3A_25 = arith.cmpi slt, %mul3A_24, %lt3A : i32
    %convert_element_type3A = arith.extui %lt3A_25 : i1 to i32
    %cond3A = arith.constant 0 : i32
    %cond3A_26 = arith.cmpi ne, %convert_element_type3A, %cond3A : i32
    scf.if %cond3A_26 {
      %dma_wait3A = tpu.memref_slice %arg3[%mul3A_6] : memref<10240xi32, #tpu.memory_space<hbm>> -> memref<160xi32, #tpu.memory_space<hbm>>
      %dma_wait3A_42 = tpu.memref_slice %arg3[%mul3A_6] : memref<10240xi32, #tpu.memory_space<hbm>> -> memref<160xi32, #tpu.memory_space<hbm>>
      tpu.wait_dma2 semaphore(%arg11 : memref<!tpu.dma_semaphore, #tpu.memory_space<semaphore_mem>>) src(%dma_wait3A_42 : memref<160xi32, #tpu.memory_space<hbm>>) dst(%arg7 : memref<160xi32, #tpu.memory_space<vmem>>)
      %dma_wait3A_43 = arith.constant 0 : i32
      %dma_wait3A_44 = tpu.memref_slice %arg2[%mul3A_6, %dma_wait3A_43] : memref<10240x128xf32, #tpu.memory_space<hbm>> -> memref<160x128xf32, #tpu.memory_space<hbm>>
      %dma_wait3A_45 = arith.constant 0 : i32
      %dma_wait3A_46 = tpu.memref_slice %arg2[%mul3A_6, %dma_wait3A_45] : memref<10240x128xf32, #tpu.memory_space<hbm>> -> memref<160x128xf32, #tpu.memory_space<hbm>>
      tpu.wait_dma2 semaphore(%arg11 : memref<!tpu.dma_semaphore, #tpu.memory_space<semaphore_mem>>) src(%dma_wait3A_46 : memref<160x128xf32, #tpu.memory_space<hbm>>) dst(%arg9 : memref<160x128xf32, #tpu.memory_space<vmem>>)
      "tpu.region"() ({
        %run_scoped3A = tpu.sem_alloc : memref<!tpu.dma_semaphore, #tpu.memory_space<semaphore_mem>>
        %dma_start3A_54 = arith.constant 0 : i32
        %dma_start3A_55 = arith.constant 0 : i32
        %dma_start3A_56 = tpu.memref_slice %arg6[%dma_start3A_54, %dma_start3A_55] : memref<640x128xf32, #tpu.memory_space<vmem_shared>> -> memref<640x128xf32, #tpu.memory_space<vmem_shared>>
        tpu.enqueue_indirect_dma source(%arg9 : memref<160x128xf32, #tpu.memory_space<vmem>>) target(%dma_start3A_56 : memref<640x128xf32, #tpu.memory_space<vmem_shared>>) offsets(%arg7 : memref<160xi32, #tpu.memory_space<vmem>>) semaphore(%run_scoped3A : memref<!tpu.dma_semaphore, #tpu.memory_space<semaphore_mem>>) {add = true}
        %dma_wait3A_57 = arith.constant 0 : i32
        %dma_wait3A_58 = arith.constant 0 : i32
        %dma_wait3A_59 = tpu.memref_slice %arg6[%dma_wait3A_57, %dma_wait3A_58] : memref<640x128xf32, #tpu.memory_space<vmem_shared>> -> memref<640x128xf32, #tpu.memory_space<vmem_shared>>
        tpu.wait_indirect_dma semaphore(%run_scoped3A : memref<!tpu.dma_semaphore, #tpu.memory_space<semaphore_mem>>) src(%arg9 : memref<160x128xf32, #tpu.memory_space<vmem>>) dst(%dma_wait3A_59 : memref<640x128xf32, #tpu.memory_space<vmem_shared>>)
        tpu.yield
      }) : () -> ()
      %add3A_47 = arith.constant 2 : i32
      %add3A_48 = arith.addi %mul3A_24, %add3A_47 : i32
      %lt3A_49 = arith.constant 2 : i32
      %lt3A_50 = arith.cmpi slt, %add3A_48, %lt3A_49 : i32
      %convert_element_type3A_51 = arith.extui %lt3A_50 : i1 to i32
      %cond3A_52 = arith.constant 0 : i32
      %cond3A_53 = arith.cmpi ne, %convert_element_type3A_51, %cond3A_52 : i32
      scf.if %cond3A_53 {
        %add3A_54 = arith.constant 2 : i32
        %add3A_55 = arith.addi %mul3A_24, %add3A_54 : i32
        %mul3A_56 = arith.constant 160 : i32
        %mul3A_57 = arith.muli %add3A_55, %mul3A_56 : i32
        %add3A_58 = arith.addi %mul3A_6, %mul3A_57 : i32
        %dma_start3A_59 = tpu.memref_slice %arg3[%add3A_58] : memref<10240xi32, #tpu.memory_space<hbm>> -> memref<160xi32, #tpu.memory_space<hbm>>
        %dma_start3A_60 = tpu.memref_slice %arg3[%add3A_58] : memref<10240xi32, #tpu.memory_space<hbm>> -> memref<160xi32, #tpu.memory_space<hbm>>
        tpu.enqueue_dma source(%dma_start3A_60 : memref<160xi32, #tpu.memory_space<hbm>>) target(%arg7 : memref<160xi32, #tpu.memory_space<vmem>>) target_semaphore(%arg11 : memref<!tpu.dma_semaphore, #tpu.memory_space<semaphore_mem>>)
        %dma_start3A_61 = arith.constant 0 : i32
        %dma_start3A_62 = tpu.memref_slice %arg2[%add3A_58, %dma_start3A_61] : memref<10240x128xf32, #tpu.memory_space<hbm>> -> memref<160x128xf32, #tpu.memory_space<hbm>>
        %dma_start3A_63 = arith.constant 0 : i32
        %dma_start3A_64 = tpu.memref_slice %arg2[%add3A_58, %dma_start3A_63] : memref<10240x128xf32, #tpu.memory_space<hbm>> -> memref<160x128xf32, #tpu.memory_space<hbm>>
        tpu.enqueue_dma source(%dma_start3A_64 : memref<160x128xf32, #tpu.memory_space<hbm>>) target(%arg9 : memref<160x128xf32, #tpu.memory_space<vmem>>) target_semaphore(%arg11 : memref<!tpu.dma_semaphore, #tpu.memory_space<semaphore_mem>>)
      } else {
      }
    } else {
    }
    %mul3A_27 = arith.constant 2 : i32
    %mul3A_28 = arith.muli %mul3A_27, %scan3A_22 : i32
    %add3A_29 = arith.constant 1 : i32
    %add3A_30 = arith.addi %mul3A_28, %add3A_29 : i32
    %lt3A_31 = arith.constant 2 : i32
    %lt3A_32 = arith.cmpi slt, %add3A_30, %lt3A_31 : i32
    %convert_element_type3A_33 = arith.extui %lt3A_32 : i1 to i32
    %cond3A_34 = arith.constant 0 : i32
    %cond3A_35 = arith.cmpi ne, %convert_element_type3A_33, %cond3A_34 : i32
    scf.if %cond3A_35 {
      %dma_wait3A = tpu.memref_slice %arg3[%mul3A_6] : memref<10240xi32, #tpu.memory_space<hbm>> -> memref<160xi32, #tpu.memory_space<hbm>>
      %dma_wait3A_42 = tpu.memref_slice %arg3[%mul3A_6] : memref<10240xi32, #tpu.memory_space<hbm>> -> memref<160xi32, #tpu.memory_space<hbm>>
      tpu.wait_dma2 semaphore(%arg12 : memref<!tpu.dma_semaphore, #tpu.memory_space<semaphore_mem>>) src(%dma_wait3A_42 : memref<160xi32, #tpu.memory_space<hbm>>) dst(%arg8 : memref<160xi32, #tpu.memory_space<vmem>>)
      %dma_wait3A_43 = arith.constant 0 : i32
      %dma_wait3A_44 = tpu.memref_slice %arg2[%mul3A_6, %dma_wait3A_43] : memref<10240x128xf32, #tpu.memory_space<hbm>> -> memref<160x128xf32, #tpu.memory_space<hbm>>
      %dma_wait3A_45 = arith.constant 0 : i32
      %dma_wait3A_46 = tpu.memref_slice %arg2[%mul3A_6, %dma_wait3A_45] : memref<10240x128xf32, #tpu.memory_space<hbm>> -> memref<160x128xf32, #tpu.memory_space<hbm>>
      tpu.wait_dma2 semaphore(%arg12 : memref<!tpu.dma_semaphore, #tpu.memory_space<semaphore_mem>>) src(%dma_wait3A_46 : memref<160x128xf32, #tpu.memory_space<hbm>>) dst(%arg10 : memref<160x128xf32, #tpu.memory_space<vmem>>)
      "tpu.region"() ({
        %run_scoped3A = tpu.sem_alloc : memref<!tpu.dma_semaphore, #tpu.memory_space<semaphore_mem>>
        %dma_start3A_54 = arith.constant 0 : i32
        %dma_start3A_55 = arith.constant 0 : i32
        %dma_start3A_56 = tpu.memref_slice %arg6[%dma_start3A_54, %dma_start3A_55] : memref<640x128xf32, #tpu.memory_space<vmem_shared>> -> memref<640x128xf32, #tpu.memory_space<vmem_shared>>
        tpu.enqueue_indirect_dma source(%arg10 : memref<160x128xf32, #tpu.memory_space<vmem>>) target(%dma_start3A_56 : memref<640x128xf32, #tpu.memory_space<vmem_shared>>) offsets(%arg8 : memref<160xi32, #tpu.memory_space<vmem>>) semaphore(%run_scoped3A : memref<!tpu.dma_semaphore, #tpu.memory_space<semaphore_mem>>) {add = true}
        %dma_wait3A_57 = arith.constant 0 : i32
        %dma_wait3A_58 = arith.constant 0 : i32
        %dma_wait3A_59 = tpu.memref_slice %arg6[%dma_wait3A_57, %dma_wait3A_58] : memref<640x128xf32, #tpu.memory_space<vmem_shared>> -> memref<640x128xf32, #tpu.memory_space<vmem_shared>>
        tpu.wait_indirect_dma semaphore(%run_scoped3A : memref<!tpu.dma_semaphore, #tpu.memory_space<semaphore_mem>>) src(%arg10 : memref<160x128xf32, #tpu.memory_space<vmem>>) dst(%dma_wait3A_59 : memref<640x128xf32, #tpu.memory_space<vmem_shared>>)
        tpu.yield
      }) : () -> ()
      %add3A_47 = arith.constant 2 : i32
      %add3A_48 = arith.addi %add3A_30, %add3A_47 : i32
      %lt3A_49 = arith.constant 2 : i32
      %lt3A_50 = arith.cmpi slt, %add3A_48, %lt3A_49 : i32
      %convert_element_type3A_51 = arith.extui %lt3A_50 : i1 to i32
      %cond3A_52 = arith.constant 0 : i32
      %cond3A_53 = arith.cmpi ne, %convert_element_type3A_51, %cond3A_52 : i32
      scf.if %cond3A_53 {
        %add3A_54 = arith.constant 2 : i32
        %add3A_55 = arith.addi %add3A_30, %add3A_54 : i32
        %mul3A_56 = arith.constant 160 : i32
        %mul3A_57 = arith.muli %add3A_55, %mul3A_56 : i32
        %add3A_58 = arith.addi %mul3A_6, %mul3A_57 : i32
        %dma_start3A_59 = tpu.memref_slice %arg3[%add3A_58] : memref<10240xi32, #tpu.memory_space<hbm>> -> memref<160xi32, #tpu.memory_space<hbm>>
        %dma_start3A_60 = tpu.memref_slice %arg3[%add3A_58] : memref<10240xi32, #tpu.memory_space<hbm>> -> memref<160xi32, #tpu.memory_space<hbm>>
        tpu.enqueue_dma source(%dma_start3A_60 : memref<160xi32, #tpu.memory_space<hbm>>) target(%arg8 : memref<160xi32, #tpu.memory_space<vmem>>) target_semaphore(%arg12 : memref<!tpu.dma_semaphore, #tpu.memory_space<semaphore_mem>>)
        %dma_start3A_61 = arith.constant 0 : i32
        %dma_start3A_62 = tpu.memref_slice %arg2[%add3A_58, %dma_start3A_61] : memref<10240x128xf32, #tpu.memory_space<hbm>> -> memref<160x128xf32, #tpu.memory_space<hbm>>
        %dma_start3A_63 = arith.constant 0 : i32
        %dma_start3A_64 = tpu.memref_slice %arg2[%add3A_58, %dma_start3A_63] : memref<10240x128xf32, #tpu.memory_space<hbm>> -> memref<160x128xf32, #tpu.memory_space<hbm>>
        tpu.enqueue_dma source(%dma_start3A_64 : memref<160x128xf32, #tpu.memory_space<hbm>>) target(%arg10 : memref<160x128xf32, #tpu.memory_space<vmem>>) target_semaphore(%arg12 : memref<!tpu.dma_semaphore, #tpu.memory_space<semaphore_mem>>)
      } else {
      }
    } else {
    }
    %scan3A_36 = arith.constant 1 : i32
    %barrier3A_37 = arith.constant 0 : index
    tpu.barrier barrier_id(%barrier3A_37)
    %mul3A_38 = arith.constant 40 : i32
    %mul3A_39 = arith.muli %arg1, %mul3A_38 : i32
    %mul3A_40 = arith.constant 40 : i32
    %mul3A_41 = arith.muli %arg1, %mul3A_40 : i32
    "tpu.region"() ({
      %run_scoped3A = tpu.sem_alloc : memref<!tpu.dma_semaphore, #tpu.memory_space<semaphore_mem>>
      %dma_start3A_42 = arith.constant 0 : i32
      %dma_start3A_43 = tpu.memref_slice %arg5[%arg0, %mul3A_41, %dma_start3A_42] : memref<2x640x128xf32, #tpu.memory_space<hbm>> -> memref<1x40x128xf32, #tpu.memory_space<hbm>>
      %dma_start3A_44 = tpu.memref_squeeze %dma_start3A_43 : memref<1x40x128xf32, #tpu.memory_space<hbm>> -> memref<40x128xf32, #tpu.memory_space<hbm>>
      %dma_start3A_45 = arith.constant 0 : i32
      %dma_start3A_46 = tpu.memref_slice %arg6[%mul3A_39, %dma_start3A_45] : memref<640x128xf32, #tpu.memory_space<vmem_shared>> -> memref<40x128xf32, #tpu.memory_space<vmem_shared>>
      tpu.enqueue_dma source(%dma_start3A_46 : memref<40x128xf32, #tpu.memory_space<vmem_shared>>) target(%dma_start3A_44 : memref<40x128xf32, #tpu.memory_space<hbm>>) target_semaphore(%run_scoped3A : memref<!tpu.dma_semaphore, #tpu.memory_space<semaphore_mem>>)
      %dma_wait3A = arith.constant 0 : i32
      %dma_wait3A_47 = tpu.memref_slice %arg5[%arg0, %mul3A_41, %dma_wait3A] : memref<2x640x128xf32, #tpu.memory_space<hbm>> -> memref<1x40x128xf32, #tpu.memory_space<hbm>>
      %dma_wait3A_48 = tpu.memref_squeeze %dma_wait3A_47 : memref<1x40x128xf32, #tpu.memory_space<hbm>> -> memref<40x128xf32, #tpu.memory_space<hbm>>
      %dma_wait3A_49 = arith.constant 0 : i32
      %dma_wait3A_50 = tpu.memref_slice %arg6[%mul3A_39, %dma_wait3A_49] : memref<640x128xf32, #tpu.memory_space<vmem_shared>> -> memref<40x128xf32, #tpu.memory_space<vmem_shared>>
      tpu.wait_dma2 semaphore(%run_scoped3A : memref<!tpu.dma_semaphore, #tpu.memory_space<semaphore_mem>>) src(%dma_wait3A_50 : memref<40x128xf32, #tpu.memory_space<vmem_shared>>) dst(%dma_wait3A_48 : memref<40x128xf32, #tpu.memory_space<hbm>>)
      tpu.yield
    }) : () -> ()
    return
  }
}

module attributes {stable_mosaic.version = 14 : i64} {
  func.func @_edge_init_body(%arg0: i32, %arg1: memref<1024x128xf32, #tpu.memory_space<vmem>>, %arg2: memref<1024x16xf32, #tpu.memory_space<vmem>>, %arg3: memref<144x128xf32, #tpu.memory_space<vmem>>, %arg4: memref<1x128xf32, #tpu.memory_space<vmem>>, %arg5: memref<1024x128xf32, #tpu.memory_space<vmem>>) attributes {dimension_semantics = [#tpu.dimension_semantics<arbitrary>], iteration_bounds = array<i64: 625>, scalar_prefetch = 0 : i64, scratch_operands = 0 : i64, tpu.core_type = #tpu.core_type<tc>, window_params = [{transform_indices = @transform_0, window_bounds = array<i64: 1024, 128>}, {transform_indices = @transform_1, window_bounds = array<i64: 1024, 16>}, {pipeline_mode = #tpu.pipeline_mode<synchronous>, transform_indices = @transform_2, window_bounds = array<i64: 144, 128>}, {pipeline_mode = #tpu.pipeline_mode<synchronous>, transform_indices = @transform_3, window_bounds = array<i64: 1, 128>}, {transform_indices = @transform_4, window_bounds = array<i64: 1024, 128>}]} {
    %get3A = arith.constant 0 : index
    %get3A_0 = arith.constant 0 : index
    %get3A_1 = vector.load %arg1[%get3A, %get3A_0] : memref<1024x128xf32, #tpu.memory_space<vmem>>, vector<1024x128xf32>
    %get3A_2 = arith.constant 0 : index
    %get3A_3 = arith.constant 0 : index
    %get3A_4 = vector.load %arg2[%get3A_2, %get3A_3] : memref<1024x16xf32, #tpu.memory_space<vmem>>, vector<1024x16xf32>
    %concatenate3A = tpu.concatenate %get3A_1, %get3A_4 in 1 : vector<1024x128xf32>, vector<1024x16xf32> -> vector<1024x144xf32>
    %get3A_5 = arith.constant 0 : index
    %get3A_6 = arith.constant 0 : index
    %get3A_7 = vector.load %arg3[%get3A_5, %get3A_6] : memref<144x128xf32, #tpu.memory_space<vmem>>, vector<144x128xf32>
    %dot_general3A = arith.constant dense<0.000000e+00> : vector<1024x128xf32>
    %dot_general3A_8 = tpu.matmul %concatenate3A, %get3A_7, %dot_general3A {dimension_numbers = #tpu.dot_dimension_numbers<[1], [0], [0], [1], [0, 0, 1, 1], [], []>, transpose_lhs_hint = false} : vector<1024x144xf32>, vector<144x128xf32>, vector<1024x128xf32> -> vector<1024x128xf32>
    %get3A_9 = arith.constant 0 : index
    %get3A_10 = arith.constant 0 : index
    %get3A_11 = vector.load %arg4[%get3A_9, %get3A_10] : memref<1x128xf32, #tpu.memory_space<vmem>>, vector<1x128xf32>
    %add3A = vector.broadcast %get3A_11 : vector<1x128xf32> to vector<1024x128xf32>
    %add3A_12 = arith.addf %dot_general3A_8, %add3A : vector<1024x128xf32>
    %max3A = arith.constant 0.000000e+00 : f32
    %max3A_13 = vector.broadcast %max3A : f32 to vector<1024x128xf32>
    %max3A_14 = arith.maximumf %add3A_12, %max3A_13 : vector<1024x128xf32>
    %swap3A = arith.constant 0 : index
    %swap3A_15 = arith.constant 0 : index
    %swap3A_16 = vector.load %arg5[%swap3A, %swap3A_15] : memref<1024x128xf32, #tpu.memory_space<vmem>>, vector<1024x128xf32>
    tpu.vector_store %arg5[%swap3A, %swap3A_15], %max3A_14 {strides = array<i32>} : memref<1024x128xf32, #tpu.memory_space<vmem>>, vector<1024x128xf32>,
    return
  }
  func.func @transform_0(%arg0: i32) -> (i32, i32) {
    %c0_i32 = arith.constant 0 : i32
    %c0_i32_0 = arith.constant 0 : i32
    return %arg0, %c0_i32 : i32, i32
  }
  func.func @transform_1(%arg0: i32) -> (i32, i32) {
    %c0_i32 = arith.constant 0 : i32
    %c0_i32_0 = arith.constant 0 : i32
    return %arg0, %c0_i32 : i32, i32
  }
  func.func @transform_2(%arg0: i32) -> (i32, i32) {
    %c0_i32 = arith.constant 0 : i32
    %c0_i32_0 = arith.constant 0 : i32
    %c0_i32_1 = arith.constant 0 : i32
    return %c0_i32, %c0_i32_0 : i32, i32
  }
  func.func @transform_3(%arg0: i32) -> (i32, i32) {
    %c0_i32 = arith.constant 0 : i32
    %c0_i32_0 = arith.constant 0 : i32
    %c0_i32_1 = arith.constant 0 : i32
    return %c0_i32, %c0_i32_0 : i32, i32
  }
  func.func @transform_4(%arg0: i32) -> (i32, i32) {
    %c0_i32 = arith.constant 0 : i32
    %c0_i32_0 = arith.constant 0 : i32
    return %arg0, %c0_i32 : i32, i32
  }
}

module attributes {stable_mosaic.version = 14 : i64} {
  func.func @_conv_body(%arg0: i32, %arg1: memref<1024x128xf32, #tpu.memory_space<vmem>>, %arg2: memref<1024x128xf32, #tpu.memory_space<vmem>>, %arg3: memref<1024x128xf32, #tpu.memory_space<vmem>>, %arg4: memref<128x128xf32, #tpu.memory_space<vmem>>, %arg5: memref<1x128xf32, #tpu.memory_space<vmem>>, %arg6: memref<1024x128xf32, #tpu.memory_space<vmem>>) attributes {dimension_semantics = [#tpu.dimension_semantics<arbitrary>], iteration_bounds = array<i64: 625>, scalar_prefetch = 0 : i64, scratch_operands = 0 : i64, tpu.core_type = #tpu.core_type<tc>, window_params = [{transform_indices = @transform_0, window_bounds = array<i64: 1024, 128>}, {transform_indices = @transform_1, window_bounds = array<i64: 1024, 128>}, {transform_indices = @transform_2, window_bounds = array<i64: 1024, 128>}, {pipeline_mode = #tpu.pipeline_mode<synchronous>, transform_indices = @transform_3, window_bounds = array<i64: 128, 128>}, {pipeline_mode = #tpu.pipeline_mode<synchronous>, transform_indices = @transform_4, window_bounds = array<i64: 1, 128>}, {transform_indices = @transform_5, window_bounds = array<i64: 1024, 128>}]} {
    %get3A = arith.constant 0 : index
    %get3A_0 = arith.constant 0 : index
    %get3A_1 = vector.load %arg2[%get3A, %get3A_0] : memref<1024x128xf32, #tpu.memory_space<vmem>>, vector<1024x128xf32>
    %roll3A = arith.constant 1023 : i32
    %roll3A_2 = tpu.dynamic_rotate %get3A_1 by %roll3A dim 0 : vector<1024x128xf32>, i32 -> vector<1024x128xf32>
    %roll3A_3 = arith.constant 1 : i32
    %roll3A_4 = tpu.dynamic_rotate %get3A_1 by %roll3A_3 dim 0 : vector<1024x128xf32>, i32 -> vector<1024x128xf32>
    %iota3A = tpu.iota {dimensions = array<i32: 0>} : vector<1024x128xi32>
    %jit3A = arith.constant 2 : i32
    %eq3A = arith.constant 0 : i32
    %eq3A_5 = arith.cmpi eq, %jit3A, %eq3A : i32
    %jit3A_6 = arith.constant 1 : i32
    %select_n3A = arith.select %eq3A_5, %jit3A_6, %jit3A : i32
    %rem3A = vector.broadcast %select_n3A : i32 to vector<1024x128xi32>
    %rem3A_7 = arith.remsi %iota3A, %rem3A : vector<1024x128xi32>
    %ne3A = arith.constant 0 : i32
    %ne3A_8 = vector.broadcast %ne3A : i32 to vector<1024x128xi32>
    %ne3A_9 = arith.cmpi ne, %rem3A_7, %ne3A_8 : vector<1024x128xi32>
    %lt3A = arith.constant 0 : i32
    %lt3A_10 = vector.broadcast %lt3A : i32 to vector<1024x128xi32>
    %lt3A_11 = arith.cmpi slt, %rem3A_7, %lt3A_10 : vector<1024x128xi32>
    %lt3A_12 = arith.constant 0 : i32
    %lt3A_13 = arith.cmpi slt, %select_n3A, %lt3A_12 : i32
    %ne3A_14 = vector.broadcast %lt3A_13 : i1 to vector<1024x128xi1>
    %ne3A_15 = vector.broadcast %ne3A_14 : vector<1024x128xi1> to vector<1024x128xi1>
    %ne3A_16 = arith.xori %lt3A_11, %ne3A_15 : vector<1024x128xi1>
    %and3A = arith.andi %ne3A_16, %ne3A_9 : vector<1024x128xi1>
    %add3A = vector.broadcast %select_n3A : i32 to vector<1024x128xi32>
    %add3A_17 = arith.addi %rem3A_7, %add3A : vector<1024x128xi32>
    %select_n3A_18 = arith.select %and3A, %add3A_17, %rem3A_7 : vector<1024x128xi1>, vector<1024x128xi32>
    %eq3A_19 = arith.constant 0 : i32
    %eq3A_20 = vector.broadcast %eq3A_19 : i32 to vector<1024x128xi32>
    %eq3A_21 = arith.cmpi eq, %select_n3A_18, %eq3A_20 : vector<1024x128xi32>
    %select_n3A_22 = arith.select %eq3A_21, %roll3A_2, %roll3A_4 : vector<1024x128xi1>, vector<1024x128xf32>
    %get3A_23 = arith.constant 0 : index
    %get3A_24 = arith.constant 0 : index
    %get3A_25 = vector.load %arg1[%get3A_23, %get3A_24] : memref<1024x128xf32, #tpu.memory_space<vmem>>, vector<1024x128xf32>
    %sub3A = arith.subf %get3A_25, %select_n3A_22 : vector<1024x128xf32>
    %get3A_26 = arith.constant 0 : index
    %get3A_27 = arith.constant 0 : index
    %get3A_28 = vector.load %arg4[%get3A_26, %get3A_27] : memref<128x128xf32, #tpu.memory_space<vmem>>, vector<128x128xf32>
    %dot_general3A = arith.constant dense<0.000000e+00> : vector<1024x128xf32>
    %dot_general3A_29 = tpu.matmul %sub3A, %get3A_28, %dot_general3A {dimension_numbers = #tpu.dot_dimension_numbers<[1], [0], [0], [1], [0, 0, 1, 1], [], []>, transpose_lhs_hint = false} : vector<1024x128xf32>, vector<128x128xf32>, vector<1024x128xf32> -> vector<1024x128xf32>
    %get3A_30 = arith.constant 0 : index
    %get3A_31 = arith.constant 0 : index
    %get3A_32 = vector.load %arg5[%get3A_30, %get3A_31] : memref<1x128xf32, #tpu.memory_space<vmem>>, vector<1x128xf32>
    %add3A_33 = vector.broadcast %get3A_32 : vector<1x128xf32> to vector<1024x128xf32>
    %add3A_34 = arith.addf %dot_general3A_29, %add3A_33 : vector<1024x128xf32>
    %get3A_35 = arith.constant 0 : index
    %get3A_36 = arith.constant 0 : index
    %get3A_37 = vector.load %arg3[%get3A_35, %get3A_36] : memref<1024x128xf32, #tpu.memory_space<vmem>>, vector<1024x128xf32>
    %add3A_38 = arith.addf %add3A_34, %get3A_37 : vector<1024x128xf32>
    %max3A = arith.constant 0.000000e+00 : f32
    %max3A_39 = vector.broadcast %max3A : f32 to vector<1024x128xf32>
    %max3A_40 = arith.maximumf %add3A_38, %max3A_39 : vector<1024x128xf32>
    %swap3A = arith.constant 0 : index
    %swap3A_41 = arith.constant 0 : index
    %swap3A_42 = vector.load %arg6[%swap3A, %swap3A_41] : memref<1024x128xf32, #tpu.memory_space<vmem>>, vector<1024x128xf32>
    tpu.vector_store %arg6[%swap3A, %swap3A_41], %max3A_40 {strides = array<i32>} : memref<1024x128xf32, #tpu.memory_space<vmem>>, vector<1024x128xf32>,
    return
  }
  func.func @transform_0(%arg0: i32) -> (i32, i32) {
    %c0_i32 = arith.constant 0 : i32
    %c0_i32_0 = arith.constant 0 : i32
    return %arg0, %c0_i32 : i32, i32
  }
  func.func @transform_1(%arg0: i32) -> (i32, i32) {
    %c0_i32 = arith.constant 0 : i32
    %c0_i32_0 = arith.constant 0 : i32
    return %arg0, %c0_i32 : i32, i32
  }
  func.func @transform_2(%arg0: i32) -> (i32, i32) {
    %c0_i32 = arith.constant 0 : i32
    %c0_i32_0 = arith.constant 0 : i32
    return %arg0, %c0_i32 : i32, i32
  }
  func.func @transform_3(%arg0: i32) -> (i32, i32) {
    %c0_i32 = arith.constant 0 : i32
    %c0_i32_0 = arith.constant 0 : i32
    %c0_i32_1 = arith.constant 0 : i32
    return %c0_i32, %c0_i32_0 : i32, i32
  }
  func.func @transform_4(%arg0: i32) -> (i32, i32) {
    %c0_i32 = arith.constant 0 : i32
    %c0_i32_0 = arith.constant 0 : i32
    %c0_i32_1 = arith.constant 0 : i32
    return %c0_i32, %c0_i32_0 : i32, i32
  }
  func.func @transform_5(%arg0: i32) -> (i32, i32) {
    %c0_i32 = arith.constant 0 : i32
    %c0_i32_0 = arith.constant 0 : i32
    return %arg0, %c0_i32 : i32, i32
  }
}

module attributes {stable_mosaic.version = 14 : i64} {
  func.func @_hn_body(%arg0: i32, %arg1: memref<1024x128xf32, #tpu.memory_space<vmem>>, %arg2: memref<1024x128xf32, #tpu.memory_space<vmem>>, %arg3: memref<1024x128xf32, #tpu.memory_space<vmem>>, %arg4: memref<256x128xf32, #tpu.memory_space<vmem>>, %arg5: memref<1x128xf32, #tpu.memory_space<vmem>>, %arg6: memref<1024x128xf32, #tpu.memory_space<vmem>>) attributes {dimension_semantics = [#tpu.dimension_semantics<arbitrary>], iteration_bounds = array<i64: 10>, scalar_prefetch = 0 : i64, scratch_operands = 0 : i64, tpu.core_type = #tpu.core_type<tc>, window_params = [{transform_indices = @transform_0, window_bounds = array<i64: 1024, 128>}, {transform_indices = @transform_1, window_bounds = array<i64: 1024, 128>}, {transform_indices = @transform_2, window_bounds = array<i64: 1024, 128>}, {pipeline_mode = #tpu.pipeline_mode<synchronous>, transform_indices = @transform_3, window_bounds = array<i64: 256, 128>}, {pipeline_mode = #tpu.pipeline_mode<synchronous>, transform_indices = @transform_4, window_bounds = array<i64: 1, 128>}, {transform_indices = @transform_5, window_bounds = array<i64: 1024, 128>}]} {
    %get3A = arith.constant 0 : index
    %get3A_0 = arith.constant 0 : index
    %get3A_1 = vector.load %arg2[%get3A, %get3A_0] : memref<1024x128xf32, #tpu.memory_space<vmem>>, vector<1024x128xf32>
    %get3A_2 = arith.constant 0 : index
    %get3A_3 = arith.constant 0 : index
    %get3A_4 = vector.load %arg3[%get3A_2, %get3A_3] : memref<1024x128xf32, #tpu.memory_space<vmem>>, vector<1024x128xf32>
    %add3A = arith.addf %get3A_1, %get3A_4 : vector<1024x128xf32>
    %get3A_5 = arith.constant 0 : index
    %get3A_6 = arith.constant 0 : index
    %get3A_7 = vector.load %arg1[%get3A_5, %get3A_6] : memref<1024x128xf32, #tpu.memory_space<vmem>>, vector<1024x128xf32>
    %concatenate3A = tpu.concatenate %get3A_7, %add3A in 1 : vector<1024x128xf32>, vector<1024x128xf32> -> vector<1024x256xf32>
    %get3A_8 = arith.constant 0 : index
    %get3A_9 = arith.constant 0 : index
    %get3A_10 = vector.load %arg4[%get3A_8, %get3A_9] : memref<256x128xf32, #tpu.memory_space<vmem>>, vector<256x128xf32>
    %dot_general3A = arith.constant dense<0.000000e+00> : vector<1024x128xf32>
    %dot_general3A_11 = tpu.matmul %concatenate3A, %get3A_10, %dot_general3A {dimension_numbers = #tpu.dot_dimension_numbers<[1], [0], [0], [1], [0, 0, 1, 1], [], []>, transpose_lhs_hint = false} : vector<1024x256xf32>, vector<256x128xf32>, vector<1024x128xf32> -> vector<1024x128xf32>
    %get3A_12 = arith.constant 0 : index
    %get3A_13 = arith.constant 0 : index
    %get3A_14 = vector.load %arg5[%get3A_12, %get3A_13] : memref<1x128xf32, #tpu.memory_space<vmem>>, vector<1x128xf32>
    %add3A_15 = vector.broadcast %get3A_14 : vector<1x128xf32> to vector<1024x128xf32>
    %add3A_16 = arith.addf %dot_general3A_11, %add3A_15 : vector<1024x128xf32>
    %max3A = arith.constant 0.000000e+00 : f32
    %max3A_17 = vector.broadcast %max3A : f32 to vector<1024x128xf32>
    %max3A_18 = arith.maximumf %add3A_16, %max3A_17 : vector<1024x128xf32>
    %swap3A = arith.constant 0 : index
    %swap3A_19 = arith.constant 0 : index
    %swap3A_20 = vector.load %arg6[%swap3A, %swap3A_19] : memref<1024x128xf32, #tpu.memory_space<vmem>>, vector<1024x128xf32>
    tpu.vector_store %arg6[%swap3A, %swap3A_19], %max3A_18 {strides = array<i32>} : memref<1024x128xf32, #tpu.memory_space<vmem>>, vector<1024x128xf32>,
    return
  }
  func.func @transform_0(%arg0: i32) -> (i32, i32) {
    %c0_i32 = arith.constant 0 : i32
    %c0_i32_0 = arith.constant 0 : i32
    return %arg0, %c0_i32 : i32, i32
  }
  func.func @transform_1(%arg0: i32) -> (i32, i32) {
    %c0_i32 = arith.constant 0 : i32
    %c0_i32_0 = arith.constant 0 : i32
    return %arg0, %c0_i32 : i32, i32
  }
  func.func @transform_2(%arg0: i32) -> (i32, i32) {
    %c0_i32 = arith.constant 0 : i32
    %c0_i32_0 = arith.constant 0 : i32
    return %arg0, %c0_i32 : i32, i32
  }
  func.func @transform_3(%arg0: i32) -> (i32, i32) {
    %c0_i32 = arith.constant 0 : i32
    %c0_i32_0 = arith.constant 0 : i32
    %c0_i32_1 = arith.constant 0 : i32
    return %c0_i32, %c0_i32_0 : i32, i32
  }
  func.func @transform_4(%arg0: i32) -> (i32, i32) {
    %c0_i32 = arith.constant 0 : i32
    %c0_i32_0 = arith.constant 0 : i32
    %c0_i32_1 = arith.constant 0 : i32
    return %c0_i32, %c0_i32_0 : i32, i32
  }
  func.func @transform_5(%arg0: i32) -> (i32, i32) {
    %c0_i32 = arith.constant 0 : i32
    %c0_i32_0 = arith.constant 0 : i32
    return %arg0, %c0_i32 : i32, i32
  }
}

module attributes {stable_mosaic.version = 14 : i64} {
  func.func @_out_body(%arg0: i32, %arg1: memref<512x128xf32, #tpu.memory_space<vmem>>, %arg2: memref<512x128xf32, #tpu.memory_space<vmem>>, %arg3: memref<128x1xf32, #tpu.memory_space<vmem>>, %arg4: memref<1x1xf32, #tpu.memory_space<vmem>>, %arg5: memref<512x1xf32, #tpu.memory_space<vmem>>) attributes {dimension_semantics = [#tpu.dimension_semantics<arbitrary>], iteration_bounds = array<i64: 1>, scalar_prefetch = 0 : i64, scratch_operands = 0 : i64, tpu.core_type = #tpu.core_type<tc>, window_params = [{pipeline_mode = #tpu.pipeline_mode<synchronous>, transform_indices = @transform_0, window_bounds = array<i64: 512, 128>}, {pipeline_mode = #tpu.pipeline_mode<synchronous>, transform_indices = @transform_1, window_bounds = array<i64: 512, 128>}, {pipeline_mode = #tpu.pipeline_mode<synchronous>, transform_indices = @transform_2, window_bounds = array<i64: 128, 1>}, {pipeline_mode = #tpu.pipeline_mode<synchronous>, transform_indices = @transform_3, window_bounds = array<i64: 1, 1>}, {pipeline_mode = #tpu.pipeline_mode<synchronous>, transform_indices = @transform_4, window_bounds = array<i64: 512, 1>}]} {
    %get3A = arith.constant 0 : index
    %get3A_0 = arith.constant 0 : index
    %get3A_1 = vector.load %arg1[%get3A, %get3A_0] : memref<512x128xf32, #tpu.memory_space<vmem>>, vector<512x128xf32>
    %get3A_2 = arith.constant 0 : index
    %get3A_3 = arith.constant 0 : index
    %get3A_4 = vector.load %arg2[%get3A_2, %get3A_3] : memref<512x128xf32, #tpu.memory_space<vmem>>, vector<512x128xf32>
    %add3A = arith.addf %get3A_1, %get3A_4 : vector<512x128xf32>
    %get3A_5 = arith.constant 0 : index
    %get3A_6 = arith.constant 0 : index
    %get3A_7 = vector.load %arg3[%get3A_5, %get3A_6] : memref<128x1xf32, #tpu.memory_space<vmem>>, vector<128x1xf32>
    %dot_general3A = arith.constant dense<0.000000e+00> : vector<512x1xf32>
    %dot_general3A_8 = tpu.matmul %add3A, %get3A_7, %dot_general3A {dimension_numbers = #tpu.dot_dimension_numbers<[1], [0], [0], [1], [0, 0, 1, 1], [], []>, transpose_lhs_hint = false} : vector<512x128xf32>, vector<128x1xf32>, vector<512x1xf32> -> vector<512x1xf32>
    %get3A_9 = arith.constant 0 : index
    %get3A_10 = arith.constant 0 : index
    %get3A_11 = vector.load %arg4[%get3A_9, %get3A_10] : memref<1x1xf32, #tpu.memory_space<vmem>>, vector<1x1xf32>
    %add3A_12 = vector.broadcast %get3A_11 : vector<1x1xf32> to vector<512x1xf32>
    %add3A_13 = arith.addf %dot_general3A_8, %add3A_12 : vector<512x1xf32>
    %swap3A = arith.constant 0 : index
    %swap3A_14 = arith.constant 0 : index
    %swap3A_15 = vector.load %arg5[%swap3A, %swap3A_14] : memref<512x1xf32, #tpu.memory_space<vmem>>, vector<512x1xf32>
    tpu.vector_store %arg5[%swap3A, %swap3A_14], %add3A_13 {strides = array<i32>} : memref<512x1xf32, #tpu.memory_space<vmem>>, vector<512x1xf32>,
    return
  }
  func.func @transform_0(%arg0: i32) -> (i32, i32) {
    %c0_i32 = arith.constant 0 : i32
    %c0_i32_0 = arith.constant 0 : i32
    %c0_i32_1 = arith.constant 0 : i32
    return %c0_i32, %c0_i32_0 : i32, i32
  }
  func.func @transform_1(%arg0: i32) -> (i32, i32) {
    %c0_i32 = arith.constant 0 : i32
    %c0_i32_0 = arith.constant 0 : i32
    %c0_i32_1 = arith.constant 0 : i32
    return %c0_i32, %c0_i32_0 : i32, i32
  }
  func.func @transform_2(%arg0: i32) -> (i32, i32) {
    %c0_i32 = arith.constant 0 : i32
    %c0_i32_0 = arith.constant 0 : i32
    %c0_i32_1 = arith.constant 0 : i32
    return %c0_i32, %c0_i32_0 : i32, i32
  }
  func.func @transform_3(%arg0: i32) -> (i32, i32) {
    %c0_i32 = arith.constant 0 : i32
    %c0_i32_0 = arith.constant 0 : i32
    %c0_i32_1 = arith.constant 0 : i32
    return %c0_i32, %c0_i32_0 : i32, i32
  }
  func.func @transform_4(%arg0: i32) -> (i32, i32) {
    %c0_i32 = arith.constant 0 : i32
    %c0_i32_0 = arith.constant 0 : i32
    %c0_i32_1 = arith.constant 0 : i32
    return %c0_i32, %c0_i32_0 : i32, i32
  }
}

</mosaic_0001>

<sc_bundles>
// kernel: kernel.17.cloned.1.call-start
scs
__scs_entry_jumppad:
0x0: {  	(pc) =	sbr.rel $0x88, $3  }
0x1: {  	(tag) =	ssettag $0x0;
	lr =	simm.s32 $0x1  }
0x2: {  	[smem:$0x3F91] =	sst lr;
	_ =	strace $0xD0000000  }
0x3: {  	_ = 	snop  }
0x4: {  	_ = 	snop  }
0x5: {  	_ = 	snop  }
0x6: {  	_ = 	snop  }
0x7: {  	_ = 	snop  }
__scs_overlays_trampoline_lowered:
0x8: {  	[smem:$0x3FA0] =	sst s0  }
0x9: {  	[smem:$0x3FA1] =	sst s1  }
0xa: {  	[smem:$0x3FA2] =	sst s2  }
0xb: {  	[smem:$0x3FA3] =	sst s3  }
0xc: {  	[smem:$0x3FA4] =	sst s4  }
0xd: {  	[smem:$0x3FA5] =	sst s5  }
0xe: {  	[smem:$0x3FA6] =	sst s6  }
0xf: {  	[smem:$0x3FA7] =	sst s7  }
0x10: {  	[smem:$0x3FA8] =	sst s8  }
0x11: {  	[smem:$0x3FA9] =	sst s9;
	s0 =	simm.s32 @!p0 $0x0  }
0x12: {  	s1 =	sld [smem:$0x3F8F];
	s0 =	simm.s32 @p0 $0x1  }
0x13: {  	[smem:$0x3FAA] =	sst s0;
	s0 =	simm.s32 @!p1 $0x0  }
0x14: {  	s2 =	sld [smem:$0x3F8E];
	s0 =	simm.s32 @p1 $0x1  }
0x15: {  	[smem:$0x3FAB] =	sst s0;
	s0 =	simm.s32 @!p2 $0x0  }
0x16: {  	s3 =	sld [smem:$0x3FDB];
	s0 =	simm.s32 @p2 $0x1  }
0x17: {  	s4 =	simm.s32 $0x1BF5;
	[smem:$0x3FAD] =	sst s0  }
0x18: {  	s0 =	sld [smem:$0x3F90];
	_ =	swait.ge [sflag:s4], $0x0  }
0x19: {  	s7 =	sld [smem:$0x3F91]  }
0x1a: {  	s8 =	sadd.s32 $0xFFFFE003, lr  }
0x1b: {  	s9 =	sadd.s32 $0xFFFFFEF7, lr;
	s5 =	simm.s32 $0xFFFFFFFF;
	p2 =	slt.u32 s8, $0xFFFFF086  }
0x1c: {  	p1 =	slt.u32 s9, $0xF7A;
	s5 =	simm.s32 @!p2 $0x0  }
0x1d: {  	s5 =	simm.s32 @p1 $0x1;
	p0 =	seq.s32 s7, s2  }
0x1e: {  	s7 =	smul.u32 @!p0 $0xF7A, s2;
	p2 =	seq.s32 @!p0 s5, $0x0  }
0x1f: {  	s9 =	smul.u32 $0xF7A, s1;
	s8 =	simm.s32 @!p0 $0x1BF5;
	p2 =	por !p2, p0  }
0x20: {  	[sflag:s8] =	ssyncset.s32 @!p0 $0xFFFFF086;
	s6 =	sadd.s32 @!p0 s3, s7;
	s7 =	simm.s32 @!p0 $0x108  }
0x21: {  	s3 =	sadd.s32 s3, s9;
	s6 =	sadd.s32 @!p0 $0x88, s6;
	s7 =	simm.s32 @p2 $0x1082  }
0x22: {  	[simem:s7], [sflag:s8] =	dma.local @!p0 [hbm:s6], $0xF7A  }
0x23: {  	s9 =	sor.u32 $0xD0000000, s2;
	s6 =	simm.s32 $0x108;
	_ =	swait.ge @!p0 [sflag:s8], $0x0  }
0x24: {  	s3 =	sadd.s32 $0x88, s3;
	s6 =	simm.s32 @!p1 $0x1082;
	[sflag:s4] =	ssyncset.s32 $0xFFFFF086  }
0x25: {  	[simem:s6], [sflag:s4] =	dma.local [hbm:s3], $0xF7A  }
0x26: {  	[smem:$0x3F91] =	sst s1;
	(tag) =	ssettag s2;
	_ =	strace s9  }
0x27: {  	s1 =	sld [smem:$0x3FA1]  }
0x28: {  	s2 =	sld [smem:$0x3FA2]  }
0x29: {  	s4 =	sld [smem:$0x3FA4]  }
0x2a: {  	p0 =	seq.s32 s5, $0x0;
	s5 =	sld [smem:$0x3FA5]  }
0x2b: {  	s6 =	sld [smem:$0x3FA6]  }
0x2c: {  	s7 =	sld [smem:$0x3FA7]  }
0x2d: {  	s3 =	simm.s32 $0x108;
	s8 =	sld [smem:$0x3FA8]  }
0x2e: {  	s3 =	simm.s32 @!p0 $0x1082;
	s9 =	sld [smem:$0x3FA9]  }
0x2f: {  	lr =	sadd.s32 s0, s3;
	s0 =	sld [smem:$0x3FA0]  }
0x30: {  	s3 =	sld [smem:$0x3FA3]  }
0x31: {  	[smem:$0x3FAC] =	sst s10  }
0x32: {  	s10 =	sld [smem:$0x3FAA];
	_ =	sdelay $0x3  }
0x33: {  	p0 =	seq.s32 s10, $0x1;
	s10 =	sld [smem:$0x3FAC];
	_ =	sdelay $0x3  }
0x34: {  	[smem:$0x3FAC] =	sst s10  }
0x35: {  	s10 =	sld [smem:$0x3FAB];
	_ =	sdelay $0x3  }
0x36: {  	p1 =	seq.s32 s10, $0x1;
	s10 =	sld [smem:$0x3FAC];
	_ =	sdelay $0x3  }
0x37: {  	[smem:$0x3FAC] =	sst s10  }
0x38: {  	s10 =	sld [smem:$0x3FAD]  }
0x39: {  	_ = 	snop;
	(pc) =	sbr.ind lr, $3  }
0x3a: {  	_ = 	snop  }
0x3b: {  	_ = 	snop  }
0x3c: {  	p2 =	seq.s32 s10, $0x1;
	s10 =	sld [smem:$0x3FAC]  }
0x3d: {  	_ =	shalt  }
0x3e: {  	_ =	shalt  }
0x3f: {  	_ =	shalt  }
0x40: {  	_ =	shalt  }
0x41: {  	_ =	shalt  }
0x42: {  	_ =	shalt  }
0x43: {  	_ =	shalt  }
0x44: {  	_ =	shalt  }
0x45: {  	_ =	shalt  }
0x46: {  	_ =	shalt  }
0x47: {  	_ =	shalt  }
0x48: {  	_ =	shalt  }
0x49: {  	_ =	shalt  }
0x4a: {  	_ =	shalt  }
0x4b: {  	_ =	shalt  }
0x4c: {  	_ =	shalt  }
0x4d: {  	_ =	shalt  }
0x4e: {  	_ =	shalt  }
0x4f: {  	_ =	shalt  }
0x50: {  	_ =	shalt  }
0x51: {  	_ =	shalt  }
0x52: {  	_ =	shalt  }
0x53: {  	_ =	shalt  }
0x54: {  	_ =	shalt  }
0x55: {  	_ =	shalt  }
0x56: {  	_ =	shalt  }
0x57: {  	_ =	shalt  }
0x58: {  	_ =	shalt  }
0x59: {  	_ =	shalt  }
0x5a: {  	_ =	shalt  }
0x5b: {  	_ =	shalt  }
0x5c: {  	_ =	shalt  }
0x5d: {  	_ =	shalt  }
0x5e: {  	_ =	shalt  }
0x5f: {  	_ =	shalt  }
0x60: {  	_ =	shalt  }
0x61: {  	_ =	shalt  }
0x62: {  	_ =	shalt  }
0x63: {  	_ =	shalt  }
0x64: {  	_ =	shalt  }
0x65: {  	_ =	shalt  }
0x66: {  	_ =	shalt  }
0x67: {  	_ =	shalt  }
0x68: {  	_ =	shalt  }
0x69: {  	_ =	shalt  }
0x6a: {  	_ =	shalt  }
0x6b: {  	_ =	shalt  }
0x6c: {  	_ =	shalt  }
0x6d: {  	_ =	shalt  }
0x6e: {  	_ =	shalt  }
0x6f: {  	_ =	shalt  }
0x70: {  	_ =	shalt  }
0x71: {  	_ =	shalt  }
0x72: {  	_ =	shalt  }
0x73: {  	_ =	shalt  }
0x74: {  	_ =	shalt  }
0x75: {  	_ =	shalt  }
0x76: {  	_ =	shalt  }
0x77: {  	_ =	shalt  }
0x78: {  	_ =	shalt  }
0x79: {  	_ =	shalt  }
0x7a: {  	_ =	shalt  }
0x7b: {  	_ =	shalt  }
0x7c: {  	_ =	shalt  }
0x7d: {  	_ =	shalt  }
0x7e: {  	_ =	shalt  }
0x7f: {  	_ =	shalt  }
0x80: {  	_ =	shalt  }
0x81: {  	_ =	shalt  }
0x82: {  	_ =	shalt  }
0x83: {  	_ =	shalt  }
0x84: {  	_ =	shalt  }
0x85: {  	_ =	shalt  }
0x86: {  	_ =	shalt  }
0x87: {  	_ =	shalt  }
.Lfunc_end0:
.L_simem_size_0:
called_computation_lowered:
.L_overlay_start_0:
0x88: {  	s2 =	sld [smem:$0x3FD9]  }
0x89: {  	s3 =	sld [smem:$0x3FFE];
	_ =	sdelay $0x1  }
0x8a: {  	s1 =	srdreg.scid  }
0x8b: {  	s0 =	sand.u32 $0x1, s1  }
0x8c: {  	s16 =	sshll.u32 s0, $0xA;
	s2 =	sadd.s32 s3, s2  }
0x8d: {  	s2 =	sadd.s32 s2, s16  }
0x8e: {  	[smem:$0x3FB8] =	sst s2  }
0x8f: {  	_ = 	snop  }
0x90: {  	(tm) =	ssettm $0x1  }
0x91: {  	s17 =	sld [smem:$0x3FFB];
	_ =	sdelay $0x3  }
0x92: {  	_ =	strace s17  }
0x93: {  	s2 =	sld [smem:$0x3FFC];
	_ =	sdelay $0x3  }
0x94: {  	_ =	strace s2  }
0x95: {  	s2 =	sld [smem:$0x3FFD];
	_ =	sdelay $0x3  }
0x96: {  	_ =	strace s2  }
0x97: {  	_ =	strace $0x8FFFFFFF  }
0x98: {  	s18 =	sld [smem:$0x3FDB];
	_ =	sdelay $0x1  }
0x99: {  	s19 =	simm.s32 $_scs_section_size  }
0x9a: {  	s4 =	simm.s32 $_size__tile_overlayer_lowered;
	s5 =	simm.s32 $_tile_overlayer_lowered  }
0x9b: {  	s22 =	simm.s32 $0x1BFF;
	s21 =	sshll.u32 s5, $0x1;
	s2 =	sadd.s32 s19, s18  }
0x9c: {  	s6 =	simm.s32 $0x0;
	s20 =	sshll.u32 s4, $0x1;
	s4 =	sadd.s32 s21, s2  }
0x9d: {  	[timem:s6], [sflag:s22] =	dma.local [hbm:s4], s20  }
0x9e: {  	_ =	swait.ge [sflag:s22], s20  }
0x9f: {  	s3 =	ssub.s32 $0x0, s20;
	[sflag:s22] =	ssyncset.done $0x0  }
0xa0: {  	[sflag:s22] =	ssyncadd.s32 s3;
	_ =	sdelay $0x1  }
0xa1: {  	s23 =	simm.s32 $0x1B8B  }
0xa2: {  	_ =	swait.ge [sflag:s23], $0x1  }
0xa3: {  	[sflag:s23] =	ssyncset.done $0x0  }
0xa4: {  	s25 =	simm.s32 $0x1B8E;
	s24 =	sld [smem:$0x3FFE];
	[sflag:s23] =	ssyncadd.s32 $0xFFFFFFFF  }
0xa5: {  	s26 =	simm.s32 $execute0_lowered;
	[smem:$0x3FD2] =	sst s25  }
0xa6: {  	s4 =	sshll.u32 s26, $0x1;
	_ =	strace $0x80000046;
	[dreg:$0x1] =	wrdreg $0xFFFFFFFF  }
0xa7: {  	s28 =	simm.s32 $_size_execute0_lowered;
	s2 =	sadd.s32 s2, s4;
	[dreg:$0x0] =	wrdreg $0x0  }
0xa8: {  	s4 =	sshll.u32 s28, $0x1;
	[dreg:$0x2] =	wrdreg s2  }
0xa9: {  	[dreg:$0x3] =	wrdreg s4  }
0xaa: {  	[dreg:$0x4] =	wrdreg $0xC0  }
0xab: {  	_ =	task [dreg:s6], $0x5FFFF  }
0xac: {  	[dreg:$0x1] =	wrdreg $0xFFFFFFFF  }
0xad: {  	[dreg:$0x0] =	wrdreg $0x60  }
0xae: {  	[dreg:$0x2] =	wrdreg s24  }
0xaf: {  	[dreg:$0x3] =	wrdreg $0x0  }
0xb0: {  	[dreg:$0x4] =	wrdreg $0x9  }
0xb1: {  	_ =	task.clear_ibuf [dreg:s6], $0x5FFFF;
	_ =	strace $0x90000046  }
0xb2: {  	s29 =	simm.s32 $0x9;
	_ =	strace $0x80000048  }
0xb3: {  	_ =	swait.ge [sflag:s29], $0x1  }
0xb4: {  	[sflag:s29] =	ssyncadd.s32 $0xFFFFFFFF  }
0xb5: {  	_ =	strace $0x90000048  }
0xb6: {  	_ =	sfence  }
0xb7: {  	s30 =	sld [smem:$0x0];
	_ =	sdelay $0x2  }
0xb8: {  	s31 =	sshll.u32 s1, $0xD;
	s1 =	sshrl.u32 s1, $0x2  }
0xb9: {  	s3 =	sand.u32 $0x4000, s31;
	s1 =	sadd.s32 s1, s30  }
0xba: {  	s0 =	sor.u32 s3, s0;
	s1 =	sshll.u32 s1, $0x11  }
0xbb: {  	s0 =	sor.u32 s1, s0  }
0xbc: {  	s0 =	sadd.s32 $0x8F2B, s0  }
0xbd: {  	[sflag:s0] =	ssyncadd.remote.s32 $0x1  }
0xbe: {  	_ =	sfence.sel $0xFFFF  }
0xbf: {  	[dreg:$0x0] =	wrdreg $0xFFFFFFFF;
	(pc) =	sbr.abs _section_cstart, $3  }
0xc0: {  	[dreg:$0x1] =	wrdreg $0xFFFFFFFF  }
0xc1: {  	_ =	task.clear_ibuf [dreg:s6], $0x2FFFF;
	_ =	strace $0x9FFFFFFF  }
0xc2: {  	(tm) =	ssettm $0x7FFFFFFF  }
0xc3: {  	_ =	shalt  }
tec
execute0_lowered:
.L_overlay_start_1:
0x0: {  	(tag) =	ssettag $0x1  }
0x1: {  	s0 =	rddreg [dreg:$0x0]  }
0x2: {  	s2 =	rddreg [dreg:$0x1];
	s3 =	simm.s32 $0x0;
	s1 =	srdreg.scid  }
0x3: {  	s17 =	stileid.u32;
	s28 =	simm.s32 $0x1;
	s29 =	simm.s32 $0x4  }
0x4: {  	s30 =	simm.s32 $0x5;
	s31 =	simm.s32 $0x0;
	[smem:$0x7FF] =	sst s3  }
0x5: {  	s1 =	sand.u32 $0x1, s1;
	s4 =	sshll.u32 s17, $0x1;
	s18 =	smul.u32 $0x9C400, s17  }
0x6: {  	s9 =	sadd.s32 $0x2CC00, s0;
	s10 =	sadd.s32 $0xA4000, s0;
	s15 =	smul.u32 $0x9C40, s17  }
0x7: {  	s26 =	sshll.u32 s17, $0x6;
	s7 =	sor.u32 s1, s4;
	s21 =	smul.u32 $0x4E200, s1  }
0x8: {  	_ =	strace $0x80000047;
	s5 =	ssub.s32 $0x2, s1;
	s8 =	smul.u32 $0x4E20, s7  }
0x9: {  	s4 =	sadd.s32 $0x54000, s0;
	s6 =	sshrl.u32 s5, $0x1;
	s13 =	smul.u32 $0x4E200, s7  }
0xa: {  	s22 =	sadd.s32 s18, s10;
	s18 =	sor.u32 $0x1C06, s26;
	s26 =	simm.s32 $0x2  }
0xb: {  	s11 =	ssub.s32 s5, s6;
	s6 =	sadd.s32 $0x7C000, s0;
	s14 =	sadd.s32 $0xA0, s8  }
0xc: {  	s8 =	sshrl.u32 s8, $0x3;
	s11 =	smax.u32 s11, $0x1;
	s12 =	sshrl.u32 s14, $0x3  }
0xd: {  	s7 =	sadd.s32 s9, s8;
	[dreg:$0x4] =	wrdreg s11;
	s16 =	sadd.s32 s9, s12  }
0xe: {  	s11 =	sadd.s32 s10, s13;
	s19 =	sadd.s32 $0x28, s7;
	[dreg:$0x3] =	wrdreg s16  }
0xf: {  	s0 =	sshll.u32 s14, $0x4;
	s20 =	sadd.s32 $0x3C, s7;
	[dreg:$0x5] =	wrdreg s19  }
0x10: {  	s0 =	sadd.s32 s10, s0;
	s16 =	smul.u32 $0x4E20, s1;
	[dreg:$0x6] =	wrdreg s20  }
0x11: {  	s5 =	smul.u32 $0x280, s17;
	s14 =	sadd.s32 $0x4D800, s11;
	[dreg:$0x7] =	wrdreg s0  }
0x12: {  	s19 =	simm.s32 $0x6;
	s20 =	simm.s32 $0x19200;
	s23 =	sadd.s32 s16, s15  }
0x13: {  	s15 =	sadd.s32 s21, s22;
	s21 =	simm.s32 $0xA0;
	s22 =	simm.s32 $0x14000  }
0x14: {  	s24 =	sadd.s32 $0x320, s23;
	s25 =	sadd.s32 $0x280, s23;
	s23 =	simm.s32 $0x14100  }
0x15: {  	s0 =	sshrl.u32 s24, $0x3;
	s1 =	sshrl.u32 s25, $0x3;
	s24 =	simm.s32 $0x14200  }
0x16: {  	v0 =	vlaneseq.u32;
	s25 =	simm.s32 $0x3;
	s16 =	sadd.s32 s0, s9;
	s17 =	sadd.s32 s1, s9  }
.LBB2_1:
0x17: {  	s0 =	smov.u32 s5;
	s1 =	simm.s32 $0x0  }
.LBB2_2:
0x18: {  	s8 =	smul.u32 $0xA0, s1;
	_ =	sdelay $0x1  }
0x19: {  	s8 =	sadd.s32 s5, s8  }
0x1a: {  	s9 =	sshll.u32 s8, $0x7  }
0x1b: {  	s9 =	sand.u32 $0x3FFFFF80, s9  }
0x1c: {  	s8 =	sshll.u32 s8, $0x4;
	s9 =	sadd.s32 s9, s2  }
0x1d: {  	s10 =	sadd.s32 s4, s8;
	s9 =	sshrl.u32 s9, $0x3  }
0x1e: {  	[spmem:s9], [sflag:s18] =	dma.local [hbm:s10], $0xA00  }
0x1f: {  	_ =	swait.ge [sflag:s19], $0xA00  }
0x20: {  	[sflag:s19] =	ssyncset.done $0x0  }
0x21: {  	s13 =	simm.s32 $0x0;
	s8 =	sadd.s32 s8, s6;
	[sflag:s19] =	ssyncadd.s32 $0xFFFFF600  }
0x22: {  	[tilespmem:s20], [sflag:$0x6] =	stream.linear.gather [hbm4b:s8+s13], $0x5000, $0x38;
	[tilespmem:$0x1E200] =	vst v63  }
0x23: {  	_ =	swait.ge [sflag:s19], $0x5000  }
0x24: {  	s10 =	simm.s32 $0x0;
	[sflag:s19] =	ssyncset.done $0x0  }
0x25: {  	v1 =	vor.u32 s0, v0;
	s9 =	smov.u32 s0;
	s8 =	simm.s32 $0x40;
	[sflag:s19] =	ssyncadd.s32 $0xFFFFB000  }
.LBB2_3:
0x26: {  	p0 =	sne.s32 s8, $0x240  }
0x27: {  	[tilespmem:s10+$0x14000] =	vst v1;
	s9 =	sadd.s32 $0x10, s9;
	s10 =	smov.u32 s8;
	s8 =	sadd.s32 $0x40, s8  }
.Ltmp0:
0x28: {  	(pc) =	sbr.rel @p0 .LBB2_3-.Ltmp0, $2  }
0x29: {  	_ =	sdelay $0x2  }
0x2a: {  	v1 =	vor.u32 s9, v0;
	s10 =	sshra.s32 s10, $0x2  }
0x2b: {  	s1 =	sadd.s32 $0x1, s1  }
0x2c: {  	p0 =	sne.s32 s1, $0x4  }
.Ltmp1:
0x2d: {  	[tilespmem:s10+$0x14000] =	vst v1;
	(pc) =	sbr.rel @p0 .LBB2_2-.Ltmp1, $4  }
0x2e: {  	[spmem:s2] =	stream.indirect.scatter.add.f32 [tilespmem:s20], [sflag:$0x6], $0x80, s22, s21, $0xb8;
	[tilespmem:$0x1E200] =	vst v63  }
0x2f: {  	_ =	swait.ge [sflag:s19], $0x5000  }
0x30: {  	[sflag:s19] =	ssyncset.done $0x0  }
0x31: {  	s0 =	sadd.s32 $0xA0, s0;
	[sflag:s19] =	ssyncadd.s32 $0xFFFFB000  }
0x32: {  	[bflag:$0x0] =	sbarrier.arrive $0xFFFF;
	s0 =	simm.s32 $0x0  }
0x33: {  	[tilespmem:s22], [sflag:$0x1] =	stream.linear.gather [hbm4b:s7+s0], $0xA0, $0x38;
	[tilespmem:$0x1E200] =	vst v63  }
0x34: {  	s8 =	simm.s32 $0x1;
	s1 =	rddreg [dreg:$0x3]  }
0x35: {  	[tilespmem:s23], [sflag:$0x2] =	stream.linear.gather [hbm4b:s1+s0], $0xA0, $0x38;
	[tilespmem:$0x1E200] =	vst v63  }
0x36: {  	_ =	swait.ge [sflag:s8], $0xA0  }
0x37: {  	[sflag:s8] =	ssyncset.done $0x0  }
0x38: {  	[sflag:s8] =	ssyncadd.s32 $0xFFFFFF60  }
0x39: {  	[tilespmem:s24], [sflag:$0x3] =	stream.indirect.gather [spmem:s2], $0x80, s22, s21, $0xb8;
	[tilespmem:$0x1E200] =	vst v63  }
0x3a: {  	_ =	swait.ge [sflag:s25], $0x5000  }
0x3b: {  	[sflag:s25] =	ssyncset.done $0x0  }
0x3c: {  	s9 =	rddreg [dreg:$0x5];
	[sflag:s25] =	ssyncadd.s32 $0xFFFFB000  }
0x3d: {  	[tilespmem:s22], [sflag:$0x1] =	stream.linear.gather [hbm4b:s9+s0], $0xA0, $0x38;
	[tilespmem:$0x1E200] =	vst v63  }
0x3e: {  	_ = 	snop  }
0x3f: {  	[hbm4b:s11+s0] =	stream.linear.scatter [tilespmem:s24], [sflag:$0x4], $0x5000, $0x38;
	[tilespmem:$0x1E200] =	vst v63  }
0x40: {  	_ =	swait.ge [sflag:s26], $0xA0  }
0x41: {  	[sflag:s26] =	ssyncset.done $0x0  }
0x42: {  	[sflag:s26] =	ssyncadd.s32 $0xFFFFFF60  }
0x43: {  	[tilespmem:s20], [sflag:$0x3] =	stream.indirect.gather [spmem:s2], $0x80, s23, s21, $0xb8;
	[tilespmem:$0x1E200] =	vst v63  }
0x44: {  	_ =	swait.ge [sflag:s25], $0x5000  }
0x45: {  	[sflag:s25] =	ssyncset.done $0x0  }
0x46: {  	s10 =	rddreg [dreg:$0x6];
	[sflag:s25] =	ssyncadd.s32 $0xFFFFB000  }
0x47: {  	[tilespmem:s23], [sflag:$0x2] =	stream.linear.gather [hbm4b:s10+s0], $0xA0, $0x38;
	[tilespmem:$0x1E200] =	vst v63  }
0x48: {  	s12 =	rddreg [dreg:$0x7]  }
0x49: {  	[hbm4b:s12+s0] =	stream.linear.scatter [tilespmem:s20], [sflag:$0x5], $0x5000, $0x38;
	[tilespmem:$0x1E200] =	vst v63  }
0x4a: {  	_ =	swait.ge [sflag:s28], $0xA0  }
0x4b: {  	[sflag:s28] =	ssyncset.done $0x0  }
0x4c: {  	[sflag:s28] =	ssyncadd.s32 $0xFFFFFF60  }
0x4d: {  	_ =	swait.ge [sflag:s29], $0x5000  }
0x4e: {  	[sflag:s29] =	ssyncset.done $0x0  }
0x4f: {  	[sflag:s29] =	ssyncadd.s32 $0xFFFFB000  }
0x50: {  	[tilespmem:s24], [sflag:$0x3] =	stream.indirect.gather [spmem:s2], $0x80, s22, s21, $0xb8;
	[tilespmem:$0x1E200] =	vst v63  }
0x51: {  	_ =	swait.ge [sflag:s25], $0x5000  }
0x52: {  	[sflag:s25] =	ssyncset.done $0x0  }
0x53: {  	s8 =	sadd.s32 $0x0, s15;
	[sflag:s25] =	ssyncadd.s32 $0xFFFFB000  }
0x54: {  	[tilespmem:s22], [sflag:$0x1] =	stream.linear.gather [hbm4b:s17+s3], $0xA0, $0x38;
	[tilespmem:$0x1E200] =	vst v63  }
0x55: {  	s13 =	sadd.s32 $0x1400, s8  }
0x56: {  	[hbm4b:s13+s3] =	stream.linear.scatter [tilespmem:s24], [sflag:$0x4], $0x5000, $0x38;
	[tilespmem:$0x1E200] =	vst v63  }
0x57: {  	_ =	swait.ge [sflag:s26], $0xA0  }
0x58: {  	[sflag:s26] =	ssyncset.done $0x0  }
0x59: {  	[sflag:s26] =	ssyncadd.s32 $0xFFFFFF60  }
0x5a: {  	_ =	swait.ge [sflag:s30], $0x5000  }
0x5b: {  	[sflag:s30] =	ssyncset.done $0x0  }
0x5c: {  	[sflag:s30] =	ssyncadd.s32 $0xFFFFB000  }
0x5d: {  	[tilespmem:s20], [sflag:$0x3] =	stream.indirect.gather [spmem:s2], $0x80, s23, s21, $0xb8;
	[tilespmem:$0x1E200] =	vst v63  }
0x5e: {  	p0 =	por $0x0, $0x0;
	_ =	swait.ge [sflag:s25], $0x5000  }
0x5f: {  	s1 =	simm.s32 @!p0 $0x14100;
	s9 =	sadd.s32 $0x28, s16;
	[sflag:s25] =	ssyncset.done $0x0  }
0x60: {  	s10 =	sadd.s32 $0x1E00, s8;
	s0 =	simm.s32 @!p0 $0x0;
	[sflag:s25] =	ssyncadd.s32 $0xFFFFB000  }
0x61: {  	[tilespmem:s1], [sflag:$0x2] =	stream.linear.gather @!p0 [hbm4b:s16+s0], $0xA0, $0x38;
	[tilespmem:$0x1E200] =	vst v63  }
0x62: {  	s8 =	simm.s32 $0x2;
	s0 =	simm.s32 $0x1400;
	s1 =	sadd.s32 $0x28, s17  }
.LBB2_6:
0x63: {  	[hbm4b:s10+s3] =	stream.linear.scatter [tilespmem:s20], [sflag:$0x5], $0x5000, $0x38;
	[tilespmem:$0x1E200] =	vst v63  }
0x64: {  	s10 =	smov.u32 s0;
	s0 =	sadd.s32 $0x1400, s0;
	_ =	swait.ge [sflag:s28], $0xA0  }
0x65: {  	p0 =	sne.s32 s0, $0x4C400;
	[sflag:s28] =	ssyncset.done $0x0  }
0x66: {  	[sflag:s28] =	ssyncadd.s32 $0xFFFFFF60  }
0x67: {  	_ =	swait.ge [sflag:s29], $0x5000  }
0x68: {  	[sflag:s29] =	ssyncset.done $0x0  }
0x69: {  	[sflag:s29] =	ssyncadd.s32 $0xFFFFB000  }
0x6a: {  	[tilespmem:s24], [sflag:$0x3] =	stream.indirect.gather [spmem:s2], $0x80, s22, s21, $0xb8;
	[tilespmem:$0x1E200] =	vst v63  }
0x6b: {  	_ =	swait.ge [sflag:s25], $0x5000  }
0x6c: {  	[sflag:s25] =	ssyncset.done $0x0  }
0x6d: {  	s10 =	sadd.s32 s10, s15;
	[sflag:s25] =	ssyncadd.s32 $0xFFFFB000  }
0x6e: {  	[tilespmem:s22], [sflag:$0x1] =	stream.linear.gather [hbm4b:s1+s3], $0xA0, $0x38;
	[tilespmem:$0x1E200] =	vst v63  }
0x6f: {  	s12 =	sadd.s32 $0x1400, s10  }
0x70: {  	[hbm4b:s12+s3] =	stream.linear.scatter [tilespmem:s24], [sflag:$0x4], $0x5000, $0x38;
	[tilespmem:$0x1E200] =	vst v63  }
0x71: {  	_ =	swait.ge [sflag:s26], $0xA0  }
0x72: {  	[sflag:s26] =	ssyncset.done $0x0  }
0x73: {  	[sflag:s26] =	ssyncadd.s32 $0xFFFFFF60  }
0x74: {  	_ =	swait.ge [sflag:s30], $0x5000  }
0x75: {  	[sflag:s30] =	ssyncset.done $0x0  }
0x76: {  	[sflag:s30] =	ssyncadd.s32 $0xFFFFB000  }
0x77: {  	[tilespmem:s20], [sflag:$0x3] =	stream.indirect.gather [spmem:s2], $0x80, s23, s21, $0xb8;
	[tilespmem:$0x1E200] =	vst v63  }
.Ltmp2:
0x78: {  	_ =	swait.ge [sflag:s25], $0x5000;
	(pc) =	sbr.rel @p0 .LBB2_6-.Ltmp2, $4  }
0x79: {  	p1 =	sgt.u32 s8, $0x3C;
	s1 =	sadd.s32 $0x28, s1;
	[sflag:s25] =	ssyncset.done $0x0  }
0x7a: {  	s13 =	simm.s32 @!p1 $0x14100;
	s12 =	simm.s32 @!p1 $0x0;
	[sflag:s25] =	ssyncadd.s32 $0xFFFFB000  }
0x7b: {  	[tilespmem:s13], [sflag:$0x2] =	stream.linear.gather @!p1 [hbm4b:s9+s12], $0xA0, $0x38;
	[tilespmem:$0x1E200] =	vst v63  }
0x7c: {  	s8 =	sadd.s32 $0x1, s8;
	s10 =	sadd.s32 $0x1E00, s10;
	s9 =	sadd.s32 $0x28, s9  }
0x7d: {  	[hbm4b:s10+s3] =	stream.linear.scatter [tilespmem:s20], [sflag:$0x5], $0x5000, $0x38;
	[tilespmem:$0x1E200] =	vst v63  }
0x7e: {  	_ =	swait.ge [sflag:s28], $0xA0  }
0x7f: {  	[sflag:s28] =	ssyncset.done $0x0  }
0x80: {  	[sflag:s28] =	ssyncadd.s32 $0xFFFFFF60  }
0x81: {  	_ =	swait.ge [sflag:s29], $0x5000  }
0x82: {  	[sflag:s29] =	ssyncset.done $0x0  }
0x83: {  	[sflag:s29] =	ssyncadd.s32 $0xFFFFB000  }
0x84: {  	[tilespmem:s24], [sflag:$0x3] =	stream.indirect.gather [spmem:s2], $0x80, s22, s21, $0xb8;
	[tilespmem:$0x1E200] =	vst v63  }
0x85: {  	_ =	swait.ge [sflag:s25], $0x5000  }
0x86: {  	[sflag:s25] =	ssyncset.done $0x0  }
0x87: {  	[sflag:s25] =	ssyncadd.s32 $0xFFFFB000  }
0x88: {  	[hbm4b:s14+s3] =	stream.linear.scatter [tilespmem:s24], [sflag:$0x4], $0x5000, $0x38;
	[tilespmem:$0x1E200] =	vst v63  }
0x89: {  	_ =	swait.ge [sflag:s29], $0x5000  }
0x8a: {  	[sflag:s29] =	ssyncset.done $0x0  }
0x8b: {  	[sflag:s29] =	ssyncadd.s32 $0xFFFFB000  }
0x8c: {  	_ =	swait.ge [sflag:s30], $0x5000  }
0x8d: {  	s31 =	sadd.s32 $0x1, s31;
	s0 =	rddreg [dreg:$0x4]  }
0x8e: {  	p0 =	sne.s32 s31, s0  }
.Ltmp3:
0x8f: {  	_ = 	snop;
	(pc) =	sbr.rel @p0 .LBB2_1-.Ltmp3, $3  }
0x90: {  	_ =	sdelay $0x1  }
0x91: {  	[sflag:s30] =	ssyncset.done $0x0  }
0x92: {  	[sflag:s30] =	ssyncadd.s32 $0xFFFFB000  }
0x93: {  	_ =	sfence.sel $0x180000  }
0x94: {  	[bflag:$0x0] =	sbarrier.arrive $0xFFFF  }
0x95: {  	_ =	strace $0x90000047  }
0x96: {  	s0 =	stileid.u32;
	[bflag:$0x2] =	sbarrier.arrive $0xFFFF  }
0x97: {  	p0 =	sne.s32 s0, $0x0;
	s0 =	rddreg [dreg:$0x2]  }
0x98: {  	s0 =	sadd.s32 @!p0 $0x100000, s0  }
0x99: {  	[sflag:s0] =	ssyncadd.tile.s32 @!p0 $0x1;
	_ =	shalt  }
.Lfunc_end2:
_tile_overlayer_lowered:
.L_overlay_start_2:
0x9a: {  	(tag) =	ssettag $0x2  }
0x9b: {  	s0 =	rddreg [dreg:$0x0];
	s2 =	stileid.u32  }
0x9c: {  	s1 =	rddreg [dreg:$0x1];
	p0 =	sne.s32 s2, $0x0  }
0x9d: {  	s3 =	rddreg [dreg:$0x2];
	[bflag:$0x3] =	sbarrier.arrive $0xFFFF;
	s2 =	simm.s32 @!p0 $0x1C06  }
0x9e: {  	[timem:s3], [sflag:s2] =	dma.local @!p0 [hbm:s0], s1  }
0x9f: {  	s0 =	simm.s32 @!p0 $0x6  }
0xa0: {  	_ =	swait.ge @!p0 [sflag:s0], s1  }
0xa1: {  	s1 =	ssub.s32 @!p0 $0x0, s1;
	[sflag:s0] =	ssyncset.done @!p0 $0x0  }
0xa2: {  	[sflag:s0] =	ssyncadd.s32 @!p0 s1  }
0xa3: {  	[bflag:$0x3] =	sbarrier.arrive $0xFFFF  }
0xa4: {  	_ =	shalt  }

// kernel: kernel.20.cloned.1.call-start
scs
__scs_entry_jumppad:
0x0: {  	(pc) =	sbr.rel $0x88, $3  }
0x1: {  	(tag) =	ssettag $0x0;
	lr =	simm.s32 $0x1  }
0x2: {  	[smem:$0x3F91] =	sst lr;
	_ =	strace $0xD0000000  }
0x3: {  	_ = 	snop  }
0x4: {  	_ = 	snop  }
0x5: {  	_ = 	snop  }
0x6: {  	_ = 	snop  }
0x7: {  	_ = 	snop  }
__scs_overlays_trampoline_lowered:
0x8: {  	[smem:$0x3FA0] =	sst s0  }
0x9: {  	[smem:$0x3FA1] =	sst s1  }
0xa: {  	[smem:$0x3FA2] =	sst s2  }
0xb: {  	[smem:$0x3FA3] =	sst s3  }
0xc: {  	[smem:$0x3FA4] =	sst s4  }
0xd: {  	[smem:$0x3FA5] =	sst s5  }
0xe: {  	[smem:$0x3FA6] =	sst s6  }
0xf: {  	[smem:$0x3FA7] =	sst s7  }
0x10: {  	[smem:$0x3FA8] =	sst s8  }
0x11: {  	[smem:$0x3FA9] =	sst s9;
	s0 =	simm.s32 @!p0 $0x0  }
0x12: {  	s1 =	sld [smem:$0x3F8F];
	s0 =	simm.s32 @p0 $0x1  }
0x13: {  	[smem:$0x3FAA] =	sst s0;
	s0 =	simm.s32 @!p1 $0x0  }
0x14: {  	s2 =	sld [smem:$0x3F8E];
	s0 =	simm.s32 @p1 $0x1  }
0x15: {  	[smem:$0x3FAB] =	sst s0;
	s0 =	simm.s32 @!p2 $0x0  }
0x16: {  	s3 =	sld [smem:$0x3FDB];
	s0 =	simm.s32 @p2 $0x1  }
0x17: {  	s4 =	simm.s32 $0x1BF5;
	[smem:$0x3FAD] =	sst s0  }
0x18: {  	s0 =	sld [smem:$0x3F90];
	_ =	swait.ge [sflag:s4], $0x0  }
0x19: {  	s7 =	sld [smem:$0x3F91]  }
0x1a: {  	s8 =	sadd.s32 $0xFFFFE003, lr  }
0x1b: {  	s9 =	sadd.s32 $0xFFFFFEF7, lr;
	s5 =	simm.s32 $0xFFFFFFFF;
	p2 =	slt.u32 s8, $0xFFFFF086  }
0x1c: {  	p1 =	slt.u32 s9, $0xF7A;
	s5 =	simm.s32 @!p2 $0x0  }
0x1d: {  	s5 =	simm.s32 @p1 $0x1;
	p0 =	seq.s32 s7, s2  }
0x1e: {  	s7 =	smul.u32 @!p0 $0xF7A, s2;
	p2 =	seq.s32 @!p0 s5, $0x0  }
0x1f: {  	s9 =	smul.u32 $0xF7A, s1;
	s8 =	simm.s32 @!p0 $0x1BF5;
	p2 =	por !p2, p0  }
0x20: {  	[sflag:s8] =	ssyncset.s32 @!p0 $0xFFFFF086;
	s6 =	sadd.s32 @!p0 s3, s7;
	s7 =	simm.s32 @!p0 $0x108  }
0x21: {  	s3 =	sadd.s32 s3, s9;
	s6 =	sadd.s32 @!p0 $0x88, s6;
	s7 =	simm.s32 @p2 $0x1082  }
0x22: {  	[simem:s7], [sflag:s8] =	dma.local @!p0 [hbm:s6], $0xF7A  }
0x23: {  	s9 =	sor.u32 $0xD0000000, s2;
	s6 =	simm.s32 $0x108;
	_ =	swait.ge @!p0 [sflag:s8], $0x0  }
0x24: {  	s3 =	sadd.s32 $0x88, s3;
	s6 =	simm.s32 @!p1 $0x1082;
	[sflag:s4] =	ssyncset.s32 $0xFFFFF086  }
0x25: {  	[simem:s6], [sflag:s4] =	dma.local [hbm:s3], $0xF7A  }
0x26: {  	[smem:$0x3F91] =	sst s1;
	(tag) =	ssettag s2;
	_ =	strace s9  }
0x27: {  	s1 =	sld [smem:$0x3FA1]  }
0x28: {  	s2 =	sld [smem:$0x3FA2]  }
0x29: {  	s4 =	sld [smem:$0x3FA4]  }
0x2a: {  	p0 =	seq.s32 s5, $0x0;
	s5 =	sld [smem:$0x3FA5]  }
0x2b: {  	s6 =	sld [smem:$0x3FA6]  }
0x2c: {  	s7 =	sld [smem:$0x3FA7]  }
0x2d: {  	s3 =	simm.s32 $0x108;
	s8 =	sld [smem:$0x3FA8]  }
0x2e: {  	s3 =	simm.s32 @!p0 $0x1082;
	s9 =	sld [smem:$0x3FA9]  }
0x2f: {  	lr =	sadd.s32 s0, s3;
	s0 =	sld [smem:$0x3FA0]  }
0x30: {  	s3 =	sld [smem:$0x3FA3]  }
0x31: {  	[smem:$0x3FAC] =	sst s10  }
0x32: {  	s10 =	sld [smem:$0x3FAA];
	_ =	sdelay $0x3  }
0x33: {  	p0 =	seq.s32 s10, $0x1;
	s10 =	sld [smem:$0x3FAC];
	_ =	sdelay $0x3  }
0x34: {  	[smem:$0x3FAC] =	sst s10  }
0x35: {  	s10 =	sld [smem:$0x3FAB];
	_ =	sdelay $0x3  }
0x36: {  	p1 =	seq.s32 s10, $0x1;
	s10 =	sld [smem:$0x3FAC];
	_ =	sdelay $0x3  }
0x37: {  	[smem:$0x3FAC] =	sst s10  }
0x38: {  	s10 =	sld [smem:$0x3FAD]  }
0x39: {  	_ = 	snop;
	(pc) =	sbr.ind lr, $3  }
0x3a: {  	_ = 	snop  }
0x3b: {  	_ = 	snop  }
0x3c: {  	p2 =	seq.s32 s10, $0x1;
	s10 =	sld [smem:$0x3FAC]  }
0x3d: {  	_ =	shalt  }
0x3e: {  	_ =	shalt  }
0x3f: {  	_ =	shalt  }
0x40: {  	_ =	shalt  }
0x41: {  	_ =	shalt  }
0x42: {  	_ =	shalt  }
0x43: {  	_ =	shalt  }
0x44: {  	_ =	shalt  }
0x45: {  	_ =	shalt  }
0x46: {  	_ =	shalt  }
0x47: {  	_ =	shalt  }
0x48: {  	_ =	shalt  }
0x49: {  	_ =	shalt  }
0x4a: {  	_ =	shalt  }
0x4b: {  	_ =	shalt  }
0x4c: {  	_ =	shalt  }
0x4d: {  	_ =	shalt  }
0x4e: {  	_ =	shalt  }
0x4f: {  	_ =	shalt  }
0x50: {  	_ =	shalt  }
0x51: {  	_ =	shalt  }
0x52: {  	_ =	shalt  }
0x53: {  	_ =	shalt  }
0x54: {  	_ =	shalt  }
0x55: {  	_ =	shalt  }
0x56: {  	_ =	shalt  }
0x57: {  	_ =	shalt  }
0x58: {  	_ =	shalt  }
0x59: {  	_ =	shalt  }
0x5a: {  	_ =	shalt  }
0x5b: {  	_ =	shalt  }
0x5c: {  	_ =	shalt  }
0x5d: {  	_ =	shalt  }
0x5e: {  	_ =	shalt  }
0x5f: {  	_ =	shalt  }
0x60: {  	_ =	shalt  }
0x61: {  	_ =	shalt  }
0x62: {  	_ =	shalt  }
0x63: {  	_ =	shalt  }
0x64: {  	_ =	shalt  }
0x65: {  	_ =	shalt  }
0x66: {  	_ =	shalt  }
0x67: {  	_ =	shalt  }
0x68: {  	_ =	shalt  }
0x69: {  	_ =	shalt  }
0x6a: {  	_ =	shalt  }
0x6b: {  	_ =	shalt  }
0x6c: {  	_ =	shalt  }
0x6d: {  	_ =	shalt  }
0x6e: {  	_ =	shalt  }
0x6f: {  	_ =	shalt  }
0x70: {  	_ =	shalt  }
0x71: {  	_ =	shalt  }
0x72: {  	_ =	shalt  }
0x73: {  	_ =	shalt  }
0x74: {  	_ =	shalt  }
0x75: {  	_ =	shalt  }
0x76: {  	_ =	shalt  }
0x77: {  	_ =	shalt  }
0x78: {  	_ =	shalt  }
0x79: {  	_ =	shalt  }
0x7a: {  	_ =	shalt  }
0x7b: {  	_ =	shalt  }
0x7c: {  	_ =	shalt  }
0x7d: {  	_ =	shalt  }
0x7e: {  	_ =	shalt  }
0x7f: {  	_ =	shalt  }
0x80: {  	_ =	shalt  }
0x81: {  	_ =	shalt  }
0x82: {  	_ =	shalt  }
0x83: {  	_ =	shalt  }
0x84: {  	_ =	shalt  }
0x85: {  	_ =	shalt  }
0x86: {  	_ =	shalt  }
0x87: {  	_ =	shalt  }
.Lfunc_end0:
.L_simem_size_0:
called_computation.1_lowered:
.L_overlay_start_0:
0x88: {  	s2 =	sld [smem:$0x3FD9]  }
0x89: {  	s3 =	sld [smem:$0x3FFE];
	_ =	sdelay $0x1  }
0x8a: {  	s1 =	srdreg.scid  }
0x8b: {  	s0 =	sand.u32 $0x1, s1  }
0x8c: {  	s16 =	sshll.u32 s0, $0xA;
	s2 =	sadd.s32 s3, s2  }
0x8d: {  	s2 =	sadd.s32 s2, s16  }
0x8e: {  	[smem:$0x3FB8] =	sst s2  }
0x8f: {  	_ = 	snop  }
0x90: {  	(tm) =	ssettm $0x1  }
0x91: {  	s17 =	sld [smem:$0x3FFB];
	_ =	sdelay $0x3  }
0x92: {  	_ =	strace s17  }
0x93: {  	s2 =	sld [smem:$0x3FFC];
	_ =	sdelay $0x3  }
0x94: {  	_ =	strace s2  }
0x95: {  	s2 =	sld [smem:$0x3FFD];
	_ =	sdelay $0x3  }
0x96: {  	_ =	strace s2  }
0x97: {  	_ =	strace $0x8FFFFFFF  }
0x98: {  	s18 =	sld [smem:$0x3FDB];
	_ =	sdelay $0x1  }
0x99: {  	s19 =	simm.s32 $_scs_section_size  }
0x9a: {  	s4 =	simm.s32 $_size__tile_overlayer_lowered;
	s5 =	simm.s32 $_tile_overlayer_lowered  }
0x9b: {  	s22 =	simm.s32 $0x1BFF;
	s21 =	sshll.u32 s5, $0x1;
	s2 =	sadd.s32 s19, s18  }
0x9c: {  	s6 =	simm.s32 $0x0;
	s20 =	sshll.u32 s4, $0x1;
	s4 =	sadd.s32 s21, s2  }
0x9d: {  	[timem:s6], [sflag:s22] =	dma.local [hbm:s4], s20  }
0x9e: {  	_ =	swait.ge [sflag:s22], s20  }
0x9f: {  	s3 =	ssub.s32 $0x0, s20;
	[sflag:s22] =	ssyncset.done $0x0  }
0xa0: {  	[sflag:s22] =	ssyncadd.s32 s3;
	_ =	sdelay $0x1  }
0xa1: {  	s23 =	simm.s32 $0x1B8B  }
0xa2: {  	_ =	swait.ge [sflag:s23], $0x1  }
0xa3: {  	[sflag:s23] =	ssyncset.done $0x0  }
0xa4: {  	s25 =	simm.s32 $0x1B8E;
	s24 =	sld [smem:$0x3FFE];
	[sflag:s23] =	ssyncadd.s32 $0xFFFFFFFF  }
0xa5: {  	s26 =	simm.s32 $execute0_lowered;
	[smem:$0x3FD2] =	sst s25  }
0xa6: {  	s4 =	sshll.u32 s26, $0x1;
	_ =	strace $0x80000049;
	[dreg:$0x1] =	wrdreg $0xFFFFFFFF  }
0xa7: {  	s28 =	simm.s32 $_size_execute0_lowered;
	s2 =	sadd.s32 s2, s4;
	[dreg:$0x0] =	wrdreg $0x0  }
0xa8: {  	s4 =	sshll.u32 s28, $0x1;
	[dreg:$0x2] =	wrdreg s2  }
0xa9: {  	[dreg:$0x3] =	wrdreg s4  }
0xaa: {  	[dreg:$0x4] =	wrdreg $0xC0  }
0xab: {  	_ =	task [dreg:s6], $0x5FFFF  }
0xac: {  	[dreg:$0x1] =	wrdreg $0xFFFFFFFF  }
0xad: {  	[dreg:$0x0] =	wrdreg $0x60  }
0xae: {  	[dreg:$0x2] =	wrdreg s24  }
0xaf: {  	[dreg:$0x3] =	wrdreg $0x0  }
0xb0: {  	[dreg:$0x4] =	wrdreg $0x9  }
0xb1: {  	_ =	task.clear_ibuf [dreg:s6], $0x5FFFF;
	_ =	strace $0x90000049  }
0xb2: {  	s29 =	simm.s32 $0x9;
	_ =	strace $0x8000004B  }
0xb3: {  	_ =	swait.ge [sflag:s29], $0x1  }
0xb4: {  	[sflag:s29] =	ssyncadd.s32 $0xFFFFFFFF  }
0xb5: {  	_ =	strace $0x9000004B  }
0xb6: {  	_ =	sfence  }
0xb7: {  	s30 =	sld [smem:$0x0];
	_ =	sdelay $0x2  }
0xb8: {  	s31 =	sshll.u32 s1, $0xD;
	s1 =	sshrl.u32 s1, $0x2  }
0xb9: {  	s3 =	sand.u32 $0x4000, s31;
	s1 =	sadd.s32 s1, s30  }
0xba: {  	s0 =	sor.u32 s3, s0;
	s1 =	sshll.u32 s1, $0x11  }
0xbb: {  	s0 =	sor.u32 s1, s0  }
0xbc: {  	s0 =	sadd.s32 $0x8F2B, s0  }
0xbd: {  	[sflag:s0] =	ssyncadd.remote.s32 $0x1  }
0xbe: {  	_ =	sfence.sel $0xFFFF  }
0xbf: {  	[dreg:$0x0] =	wrdreg $0xFFFFFFFF;
	(pc) =	sbr.abs _section_cstart, $3  }
0xc0: {  	[dreg:$0x1] =	wrdreg $0xFFFFFFFF  }
0xc1: {  	_ =	task.clear_ibuf [dreg:s6], $0x2FFFF;
	_ =	strace $0x9FFFFFFF  }
0xc2: {  	(tm) =	ssettm $0x7FFFFFFF  }
0xc3: {  	_ =	shalt  }
tec
execute0_lowered:
.L_overlay_start_1:
0x0: {  	(tag) =	ssettag $0x1  }
0x1: {  	s5 =	rddreg [dreg:$0x0]  }
0x2: {  	s2 =	rddreg [dreg:$0x1];
	s1 =	stileid.u32  }
0x3: {  	s0 =	rddreg [dreg:$0x2];
	s6 =	smul.u32 $0x14000, s1  }
0x4: {  	s4 =	srdreg.scid;
	s21 =	smul.u32 $0x50000, s1  }
0x5: {  	s3 =	simm.s32 $0x0;
	s10 =	sand.u32 $0x1, s4;
	s14 =	smul.u32 $0x9C400, s1  }
0x6: {  	[smem:$0x7FF] =	sst s3;
	s11 =	sadd.s32 $0x142C000, s5;
	s17 =	smul.u32 $0x9C40, s1  }
0x7: {  	s4 =	sadd.s32 $0x40600, s5;
	s23 =	sshll.u32 s1, $0x1;
	s7 =	smul.u32 $0x140000, s10  }
0x8: {  	s25 =	sshll.u32 s1, $0x6;
	_ =	strace $0x8000004A;
	s18 =	smul.u32 $0x4E20, s10  }
0x9: {  	s22 =	ssub.s32 $0x2, s10;
	s19 =	smul.u32 $0x4E200, s10;
	s8 =	sshrl.u32 s6, $0x3  }
0xa: {  	s9 =	sshrl.u32 s22, $0x1;
	s14 =	sadd.s32 s14, s11;
	s6 =	sadd.s32 s6, s7  }
0xb: {  	s20 =	sadd.s32 s8, s5;
	s8 =	sshrl.u32 s21, $0x2;
	s13 =	ssub.s32 s22, s9  }
0xc: {  	s30 =	sadd.s32 s18, s17;
	s14 =	sadd.s32 s19, s14;
	s18 =	simm.s32 $0x14000  }
0xd: {  	s19 =	simm.s32 $0x14200;
	s21 =	simm.s32 $0x19200;
	s22 =	simm.s32 $0x1  }
0xe: {  	s6 =	sshrl.u32 s6, $0x3;
	s16 =	sadd.s32 s8, s2;
	s17 =	sadd.s32 $0x1E0, s30  }
0xf: {  	s12 =	sadd.s32 s6, s5;
	s6 =	sor.u32 s10, s23;
	s5 =	sadd.s32 $0x54000, s20  }
0x10: {  	s31 =	sshrl.u32 s17, $0x3;
	s16 =	sshrl.u32 s16, $0x3;
	s17 =	simm.s32 $0x3  }
0x11: {  	s20 =	simm.s32 $0x14100;
	s23 =	simm.s32 $0xA0;
	s24 =	smul.u32 $0x4E20, s6  }
0x12: {  	s26 =	smul.u32 $0x4E200, s6;
	s6 =	sor.u32 $0x1C03, s25;
	s25 =	simm.s32 $0x0  }
.Ltmp0:
0x13: {  	s28 =	sshrl.u32 s24, $0x3;
	s15 =	sadd.s32 $0xA0, s24;
	(pc) =	sbr.rel .LBB2_1-.Ltmp0, $4  }
0x14: {  	s8 =	sadd.s32 s11, s26;
	s24 =	simm.s32 $0x2;
	s29 =	sshrl.u32 s15, $0x3  }
0x15: {  	s7 =	sadd.s32 s4, s28;
	s15 =	sshll.u32 s15, $0x4;
	s9 =	sadd.s32 s4, s29  }
0x16: {  	s10 =	sadd.s32 s11, s15;
	s11 =	sadd.s32 $0x7C000, s12;
	s12 =	smax.u32 s13, $0x1  }
0x17: {  	s13 =	sadd.s32 $0x1E00, s14;
	s14 =	sadd.s32 s31, s4;
	s15 =	sadd.s32 $0x140, s30  }
.LBB2_4:
0x18: {  	_ =	swait.ge [sflag:s22], $0xA0  }
0x19: {  	[sflag:s22] =	ssyncset.done $0x0  }
0x1a: {  	[sflag:s22] =	ssyncadd.s32 $0xFFFFFF60  }
0x1b: {  	_ =	swait.ge [sflag:s22], $0x5000  }
0x1c: {  	[sflag:s22] =	ssyncset.done $0x0  }
0x1d: {  	[sflag:s22] =	ssyncadd.s32 $0xFFFFB000  }
0x1e: {  	[spmem:s2] =	stream.indirect.scatter.add.f32 [tilespmem:s19], [sflag:$0x3], $0x80, s18, s23, $0xb8;
	[tilespmem:$0x1E200] =	vst v63  }
0x1f: {  	_ =	swait.ge [sflag:s17], $0x5000  }
0x20: {  	s25 =	sadd.s32 $0x1, s25;
	[sflag:s17] =	ssyncset.done $0x0  }
0x21: {  	p0 =	sne.s32 s25, s12;
	[sflag:s17] =	ssyncadd.s32 $0xFFFFB000  }
.Ltmp1:
0x22: {  	[bflag:$0x0] =	sbarrier.arrive $0xFFFF;
	(pc) =	sbr.rel @!p0 .LBB2_5-.Ltmp1, $4  }
0x23: {  	[hbm:s11], [sflag:s6] =	dma.local [spmem:s16], $0x2800  }
0x24: {  	_ =	swait.ge [sflag:s17], $0x2800  }
0x25: {  	[sflag:s17] =	ssyncset.done $0x0  }
0x26: {  	[sflag:s17] =	ssyncadd.s32 $0xFFFFD800  }
.LBB2_1:
0x27: {  	[spmem:s16], [sflag:s6] =	dma.local [hbm:s5], $0x2800  }
0x28: {  	_ =	swait.ge [sflag:s17], $0x2800  }
0x29: {  	[sflag:s17] =	ssyncset.done $0x0  }
0x2a: {  	[sflag:s17] =	ssyncadd.s32 $0xFFFFD800  }
0x2b: {  	[bflag:$0x0] =	sbarrier.arrive $0xFFFF  }
0x2c: {  	[tilespmem:s18], [sflag:$0x1] =	stream.linear.gather [hbm4b:s7+s3], $0xA0, $0x38;
	[tilespmem:$0x1E200] =	vst v63  }
0x2d: {  	_ = 	snop  }
0x2e: {  	[tilespmem:s19], [sflag:$0x1] =	stream.linear.gather [hbm4b:s8+s3], $0x5000, $0x38;
	[tilespmem:$0x1E200] =	vst v63  }
0x2f: {  	_ = 	snop  }
0x30: {  	[tilespmem:s20], [sflag:$0x2] =	stream.linear.gather [hbm4b:s9+s3], $0xA0, $0x38;
	[tilespmem:$0x1E200] =	vst v63  }
0x31: {  	s26 =	smov.u32 s15;
	s28 =	smov.u32 s13;
	s29 =	simm.s32 $0x0  }
0x32: {  	[tilespmem:s21], [sflag:$0x2] =	stream.linear.gather [hbm4b:s10+s3], $0x5000, $0x38;
	[tilespmem:$0x1E200] =	vst v63  }
.LBB2_2:
0x33: {  	_ =	swait.ge [sflag:s22], $0xA0  }
0x34: {  	[sflag:s22] =	ssyncset.done $0x0  }
0x35: {  	[sflag:s22] =	ssyncadd.s32 $0xFFFFFF60  }
0x36: {  	_ =	swait.ge [sflag:s22], $0x5000  }
0x37: {  	[sflag:s22] =	ssyncset.done $0x0  }
0x38: {  	[sflag:s22] =	ssyncadd.s32 $0xFFFFB000  }
0x39: {  	[spmem:s2] =	stream.indirect.scatter.add.f32 [tilespmem:s19], [sflag:$0x3], $0x80, s18, s23, $0xb8;
	[tilespmem:$0x1E200] =	vst v63  }
0x3a: {  	_ =	swait.ge [sflag:s17], $0x5000  }
0x3b: {  	s30 =	sshrl.u32 s26, $0x3;
	[sflag:s17] =	ssyncset.done $0x0  }
0x3c: {  	s30 =	sadd.s32 s4, s30;
	[sflag:s17] =	ssyncadd.s32 $0xFFFFB000  }
0x3d: {  	[tilespmem:s18], [sflag:$0x1] =	stream.linear.gather [hbm4b:s30+s3], $0xA0, $0x38;
	[tilespmem:$0x1E200] =	vst v63  }
0x3e: {  	s31 =	sadd.s32 $0xFFFFF600, s28  }
0x3f: {  	[tilespmem:s19], [sflag:$0x1] =	stream.linear.gather [hbm4b:s31+s3], $0x5000, $0x38;
	[tilespmem:$0x1E200] =	vst v63  }
0x40: {  	_ =	swait.ge [sflag:s24], $0xA0  }
0x41: {  	[sflag:s24] =	ssyncset.done $0x0  }
0x42: {  	[sflag:s24] =	ssyncadd.s32 $0xFFFFFF60  }
0x43: {  	_ =	swait.ge [sflag:s24], $0x5000  }
0x44: {  	p0 =	seq.s32 s29, $0x988;
	[sflag:s24] =	ssyncset.done $0x0  }
.Ltmp2:
0x45: {  	[sflag:s24] =	ssyncadd.s32 $0xFFFFB000;
	(pc) =	sbr.rel @p0 .LBB2_4-.Ltmp2, $4  }
0x46: {  	[spmem:s2] =	stream.indirect.scatter.add.f32 [tilespmem:s21], [sflag:$0x3], $0x80, s20, s23, $0xb8;
	[tilespmem:$0x1E200] =	vst v63  }
0x47: {  	_ =	swait.ge [sflag:s17], $0x5000  }
0x48: {  	[sflag:s17] =	ssyncset.done $0x0  }
0x49: {  	[sflag:s17] =	ssyncadd.s32 $0xFFFFB000  }
.Ltmp3:
0x4a: {  	s30 =	sadd.s32 s29, s14;
	(pc) =	sbr.rel .LBB2_2-.Ltmp3, $4  }
0x4b: {  	[tilespmem:s20], [sflag:$0x2] =	stream.linear.gather [hbm4b:s30+s3], $0xA0, $0x38;
	[tilespmem:$0x1E200] =	vst v63  }
0x4c: {  	_ = 	snop  }
0x4d: {  	[tilespmem:s21], [sflag:$0x2] =	stream.linear.gather [hbm4b:s28+s3], $0x5000, $0x38;
	[tilespmem:$0x1E200] =	vst v63  }
0x4e: {  	s29 =	sadd.s32 $0x28, s29;
	s26 =	sadd.s32 $0x140, s26;
	s28 =	sadd.s32 $0x1400, s28  }
.LBB2_5:
0x4f: {  	_ =	sfence.sel $0x180000  }
0x50: {  	[bflag:$0x0] =	sbarrier.arrive $0xFFFF  }
0x51: {  	p0 =	sne.s32 s1, $0x0;
	_ =	strace $0x9000004A  }
0x52: {  	s0 =	sadd.s32 @!p0 $0x100000, s0;
	[bflag:$0x2] =	sbarrier.arrive $0xFFFF  }
0x53: {  	[sflag:s0] =	ssyncadd.tile.s32 @!p0 $0x1;
	_ =	shalt  }
.Lfunc_end2:
_tile_overlayer_lowered:
.L_overlay_start_2:
0x54: {  	(tag) =	ssettag $0x2  }
0x55: {  	s0 =	rddreg [dreg:$0x0];
	s2 =	stileid.u32  }
0x56: {  	s1 =	rddreg [dreg:$0x1];
	p0 =	sne.s32 s2, $0x0  }
0x57: {  	s3 =	rddreg [dreg:$0x2];
	[bflag:$0x3] =	sbarrier.arrive $0xFFFF;
	s2 =	simm.s32 @!p0 $0x1C03  }
0x58: {  	[timem:s3], [sflag:s2] =	dma.local @!p0 [hbm:s0], s1  }
0x59: {  	s0 =	simm.s32 @!p0 $0x3  }
0x5a: {  	_ =	swait.ge @!p0 [sflag:s0], s1  }
0x5b: {  	s1 =	ssub.s32 @!p0 $0x0, s1;
	[sflag:s0] =	ssyncset.done @!p0 $0x0  }
0x5c: {  	[sflag:s0] =	ssyncadd.s32 @!p0 s1  }
0x5d: {  	[bflag:$0x3] =	sbarrier.arrive $0xFFFF  }
0x5e: {  	_ =	shalt  }

// kernel: kernel.23.cloned.1.call-start
scs
__scs_entry_jumppad:
0x0: {  	(pc) =	sbr.rel $0x88, $3  }
0x1: {  	(tag) =	ssettag $0x0;
	lr =	simm.s32 $0x1  }
0x2: {  	[smem:$0x3F91] =	sst lr;
	_ =	strace $0xD0000000  }
0x3: {  	_ = 	snop  }
0x4: {  	_ = 	snop  }
0x5: {  	_ = 	snop  }
0x6: {  	_ = 	snop  }
0x7: {  	_ = 	snop  }
__scs_overlays_trampoline_lowered:
0x8: {  	[smem:$0x3FA0] =	sst s0  }
0x9: {  	[smem:$0x3FA1] =	sst s1  }
0xa: {  	[smem:$0x3FA2] =	sst s2  }
0xb: {  	[smem:$0x3FA3] =	sst s3  }
0xc: {  	[smem:$0x3FA4] =	sst s4  }
0xd: {  	[smem:$0x3FA5] =	sst s5  }
0xe: {  	[smem:$0x3FA6] =	sst s6  }
0xf: {  	[smem:$0x3FA7] =	sst s7  }
0x10: {  	[smem:$0x3FA8] =	sst s8  }
0x11: {  	[smem:$0x3FA9] =	sst s9;
	s0 =	simm.s32 @!p0 $0x0  }
0x12: {  	s1 =	sld [smem:$0x3F8F];
	s0 =	simm.s32 @p0 $0x1  }
0x13: {  	[smem:$0x3FAA] =	sst s0;
	s0 =	simm.s32 @!p1 $0x0  }
0x14: {  	s2 =	sld [smem:$0x3F8E];
	s0 =	simm.s32 @p1 $0x1  }
0x15: {  	[smem:$0x3FAB] =	sst s0;
	s0 =	simm.s32 @!p2 $0x0  }
0x16: {  	s3 =	sld [smem:$0x3FDB];
	s0 =	simm.s32 @p2 $0x1  }
0x17: {  	s4 =	simm.s32 $0x1BF5;
	[smem:$0x3FAD] =	sst s0  }
0x18: {  	s0 =	sld [smem:$0x3F90];
	_ =	swait.ge [sflag:s4], $0x0  }
0x19: {  	s7 =	sld [smem:$0x3F91]  }
0x1a: {  	s8 =	sadd.s32 $0xFFFFE003, lr  }
0x1b: {  	s9 =	sadd.s32 $0xFFFFFEF7, lr;
	s5 =	simm.s32 $0xFFFFFFFF;
	p2 =	slt.u32 s8, $0xFFFFF086  }
0x1c: {  	p1 =	slt.u32 s9, $0xF7A;
	s5 =	simm.s32 @!p2 $0x0  }
0x1d: {  	s5 =	simm.s32 @p1 $0x1;
	p0 =	seq.s32 s7, s2  }
0x1e: {  	s7 =	smul.u32 @!p0 $0xF7A, s2;
	p2 =	seq.s32 @!p0 s5, $0x0  }
0x1f: {  	s9 =	smul.u32 $0xF7A, s1;
	s8 =	simm.s32 @!p0 $0x1BF5;
	p2 =	por !p2, p0  }
0x20: {  	[sflag:s8] =	ssyncset.s32 @!p0 $0xFFFFF086;
	s6 =	sadd.s32 @!p0 s3, s7;
	s7 =	simm.s32 @!p0 $0x108  }
0x21: {  	s3 =	sadd.s32 s3, s9;
	s6 =	sadd.s32 @!p0 $0x88, s6;
	s7 =	simm.s32 @p2 $0x1082  }
0x22: {  	[simem:s7], [sflag:s8] =	dma.local @!p0 [hbm:s6], $0xF7A  }
0x23: {  	s9 =	sor.u32 $0xD0000000, s2;
	s6 =	simm.s32 $0x108;
	_ =	swait.ge @!p0 [sflag:s8], $0x0  }
0x24: {  	s3 =	sadd.s32 $0x88, s3;
	s6 =	simm.s32 @!p1 $0x1082;
	[sflag:s4] =	ssyncset.s32 $0xFFFFF086  }
0x25: {  	[simem:s6], [sflag:s4] =	dma.local [hbm:s3], $0xF7A  }
0x26: {  	[smem:$0x3F91] =	sst s1;
	(tag) =	ssettag s2;
	_ =	strace s9  }
0x27: {  	s1 =	sld [smem:$0x3FA1]  }
0x28: {  	s2 =	sld [smem:$0x3FA2]  }
0x29: {  	s4 =	sld [smem:$0x3FA4]  }
0x2a: {  	p0 =	seq.s32 s5, $0x0;
	s5 =	sld [smem:$0x3FA5]  }
0x2b: {  	s6 =	sld [smem:$0x3FA6]  }
0x2c: {  	s7 =	sld [smem:$0x3FA7]  }
0x2d: {  	s3 =	simm.s32 $0x108;
	s8 =	sld [smem:$0x3FA8]  }
0x2e: {  	s3 =	simm.s32 @!p0 $0x1082;
	s9 =	sld [smem:$0x3FA9]  }
0x2f: {  	lr =	sadd.s32 s0, s3;
	s0 =	sld [smem:$0x3FA0]  }
0x30: {  	s3 =	sld [smem:$0x3FA3]  }
0x31: {  	[smem:$0x3FAC] =	sst s10  }
0x32: {  	s10 =	sld [smem:$0x3FAA];
	_ =	sdelay $0x3  }
0x33: {  	p0 =	seq.s32 s10, $0x1;
	s10 =	sld [smem:$0x3FAC];
	_ =	sdelay $0x3  }
0x34: {  	[smem:$0x3FAC] =	sst s10  }
0x35: {  	s10 =	sld [smem:$0x3FAB];
	_ =	sdelay $0x3  }
0x36: {  	p1 =	seq.s32 s10, $0x1;
	s10 =	sld [smem:$0x3FAC];
	_ =	sdelay $0x3  }
0x37: {  	[smem:$0x3FAC] =	sst s10  }
0x38: {  	s10 =	sld [smem:$0x3FAD]  }
0x39: {  	_ = 	snop;
	(pc) =	sbr.ind lr, $3  }
0x3a: {  	_ = 	snop  }
0x3b: {  	_ = 	snop  }
0x3c: {  	p2 =	seq.s32 s10, $0x1;
	s10 =	sld [smem:$0x3FAC]  }
0x3d: {  	_ =	shalt  }
0x3e: {  	_ =	shalt  }
0x3f: {  	_ =	shalt  }
0x40: {  	_ =	shalt  }
0x41: {  	_ =	shalt  }
0x42: {  	_ =	shalt  }
0x43: {  	_ =	shalt  }
0x44: {  	_ =	shalt  }
0x45: {  	_ =	shalt  }
0x46: {  	_ =	shalt  }
0x47: {  	_ =	shalt  }
0x48: {  	_ =	shalt  }
0x49: {  	_ =	shalt  }
0x4a: {  	_ =	shalt  }
0x4b: {  	_ =	shalt  }
0x4c: {  	_ =	shalt  }
0x4d: {  	_ =	shalt  }
0x4e: {  	_ =	shalt  }
0x4f: {  	_ =	shalt  }
0x50: {  	_ =	shalt  }
0x51: {  	_ =	shalt  }
0x52: {  	_ =	shalt  }
0x53: {  	_ =	shalt  }
0x54: {  	_ =	shalt  }
0x55: {  	_ =	shalt  }
0x56: {  	_ =	shalt  }
0x57: {  	_ =	shalt  }
0x58: {  	_ =	shalt  }
0x59: {  	_ =	shalt  }
0x5a: {  	_ =	shalt  }
0x5b: {  	_ =	shalt  }
0x5c: {  	_ =	shalt  }
0x5d: {  	_ =	shalt  }
0x5e: {  	_ =	shalt  }
0x5f: {  	_ =	shalt  }
0x60: {  	_ =	shalt  }
0x61: {  	_ =	shalt  }
0x62: {  	_ =	shalt  }
0x63: {  	_ =	shalt  }
0x64: {  	_ =	shalt  }
0x65: {  	_ =	shalt  }
0x66: {  	_ =	shalt  }
0x67: {  	_ =	shalt  }
0x68: {  	_ =	shalt  }
0x69: {  	_ =	shalt  }
0x6a: {  	_ =	shalt  }
0x6b: {  	_ =	shalt  }
0x6c: {  	_ =	shalt  }
0x6d: {  	_ =	shalt  }
0x6e: {  	_ =	shalt  }
0x6f: {  	_ =	shalt  }
0x70: {  	_ =	shalt  }
0x71: {  	_ =	shalt  }
0x72: {  	_ =	shalt  }
0x73: {  	_ =	shalt  }
0x74: {  	_ =	shalt  }
0x75: {  	_ =	shalt  }
0x76: {  	_ =	shalt  }
0x77: {  	_ =	shalt  }
0x78: {  	_ =	shalt  }
0x79: {  	_ =	shalt  }
0x7a: {  	_ =	shalt  }
0x7b: {  	_ =	shalt  }
0x7c: {  	_ =	shalt  }
0x7d: {  	_ =	shalt  }
0x7e: {  	_ =	shalt  }
0x7f: {  	_ =	shalt  }
0x80: {  	_ =	shalt  }
0x81: {  	_ =	shalt  }
0x82: {  	_ =	shalt  }
0x83: {  	_ =	shalt  }
0x84: {  	_ =	shalt  }
0x85: {  	_ =	shalt  }
0x86: {  	_ =	shalt  }
0x87: {  	_ =	shalt  }
.Lfunc_end0:
.L_simem_size_0:
called_computation.2_lowered:
.L_overlay_start_0:
0x88: {  	s2 =	sld [smem:$0x3FD9]  }
0x89: {  	s3 =	sld [smem:$0x3FFE];
	_ =	sdelay $0x1  }
0x8a: {  	s1 =	srdreg.scid  }
0x8b: {  	s0 =	sand.u32 $0x1, s1  }
0x8c: {  	s16 =	sshll.u32 s0, $0xA;
	s2 =	sadd.s32 s3, s2  }
0x8d: {  	s2 =	sadd.s32 s2, s16  }
0x8e: {  	[smem:$0x3FB8] =	sst s2  }
0x8f: {  	_ = 	snop  }
0x90: {  	(tm) =	ssettm $0x1  }
0x91: {  	s17 =	sld [smem:$0x3FFB];
	_ =	sdelay $0x3  }
0x92: {  	_ =	strace s17  }
0x93: {  	s2 =	sld [smem:$0x3FFC];
	_ =	sdelay $0x3  }
0x94: {  	_ =	strace s2  }
0x95: {  	s2 =	sld [smem:$0x3FFD];
	_ =	sdelay $0x3  }
0x96: {  	_ =	strace s2  }
0x97: {  	_ =	strace $0x8FFFFFFF  }
0x98: {  	s18 =	sld [smem:$0x3FDB];
	_ =	sdelay $0x1  }
0x99: {  	s19 =	simm.s32 $_scs_section_size  }
0x9a: {  	s4 =	simm.s32 $_size__tile_overlayer_lowered;
	s5 =	simm.s32 $_tile_overlayer_lowered  }
0x9b: {  	s22 =	simm.s32 $0x1BFF;
	s21 =	sshll.u32 s5, $0x1;
	s2 =	sadd.s32 s19, s18  }
0x9c: {  	s6 =	simm.s32 $0x0;
	s20 =	sshll.u32 s4, $0x1;
	s4 =	sadd.s32 s21, s2  }
0x9d: {  	[timem:s6], [sflag:s22] =	dma.local [hbm:s4], s20  }
0x9e: {  	_ =	swait.ge [sflag:s22], s20  }
0x9f: {  	s3 =	ssub.s32 $0x0, s20;
	[sflag:s22] =	ssyncset.done $0x0  }
0xa0: {  	[sflag:s22] =	ssyncadd.s32 s3;
	_ =	sdelay $0x1  }
0xa1: {  	s23 =	simm.s32 $0x1B8B  }
0xa2: {  	_ =	swait.ge [sflag:s23], $0x1  }
0xa3: {  	[sflag:s23] =	ssyncset.done $0x0  }
0xa4: {  	s25 =	simm.s32 $0x1B8E;
	s24 =	sld [smem:$0x3FFE];
	[sflag:s23] =	ssyncadd.s32 $0xFFFFFFFF  }
0xa5: {  	s26 =	simm.s32 $execute0_lowered;
	[smem:$0x3FD2] =	sst s25  }
0xa6: {  	s4 =	sshll.u32 s26, $0x1;
	_ =	strace $0x8000004C;
	[dreg:$0x1] =	wrdreg $0xFFFFFFFF  }
0xa7: {  	s28 =	simm.s32 $_size_execute0_lowered;
	s2 =	sadd.s32 s2, s4;
	[dreg:$0x0] =	wrdreg $0x0  }
0xa8: {  	s4 =	sshll.u32 s28, $0x1;
	[dreg:$0x2] =	wrdreg s2  }
0xa9: {  	[dreg:$0x3] =	wrdreg s4  }
0xaa: {  	[dreg:$0x4] =	wrdreg $0xC0  }
0xab: {  	_ =	task [dreg:s6], $0x5FFFF  }
0xac: {  	[dreg:$0x1] =	wrdreg $0xFFFFFFFF  }
0xad: {  	[dreg:$0x0] =	wrdreg $0x60  }
0xae: {  	[dreg:$0x2] =	wrdreg s24  }
0xaf: {  	[dreg:$0x3] =	wrdreg $0x0  }
0xb0: {  	[dreg:$0x4] =	wrdreg $0x9  }
0xb1: {  	_ =	task.clear_ibuf [dreg:s6], $0x5FFFF;
	_ =	strace $0x9000004C  }
0xb2: {  	s29 =	simm.s32 $0x9;
	_ =	strace $0x8000004E  }
0xb3: {  	_ =	swait.ge [sflag:s29], $0x1  }
0xb4: {  	[sflag:s29] =	ssyncadd.s32 $0xFFFFFFFF  }
0xb5: {  	_ =	strace $0x9000004E  }
0xb6: {  	_ =	sfence  }
0xb7: {  	s30 =	sld [smem:$0x0];
	_ =	sdelay $0x2  }
0xb8: {  	s31 =	sshll.u32 s1, $0xD;
	s1 =	sshrl.u32 s1, $0x2  }
0xb9: {  	s3 =	sand.u32 $0x4000, s31;
	s1 =	sadd.s32 s1, s30  }
0xba: {  	s0 =	sor.u32 s3, s0;
	s1 =	sshll.u32 s1, $0x11  }
0xbb: {  	s0 =	sor.u32 s1, s0  }
0xbc: {  	s0 =	sadd.s32 $0x8F2B, s0  }
0xbd: {  	[sflag:s0] =	ssyncadd.remote.s32 $0x1  }
0xbe: {  	_ =	sfence.sel $0xFFFF  }
0xbf: {  	[dreg:$0x0] =	wrdreg $0xFFFFFFFF;
	(pc) =	sbr.abs _section_cstart, $3  }
0xc0: {  	[dreg:$0x1] =	wrdreg $0xFFFFFFFF  }
0xc1: {  	_ =	task.clear_ibuf [dreg:s6], $0x2FFFF;
	_ =	strace $0x9FFFFFFF  }
0xc2: {  	(tm) =	ssettm $0x7FFFFFFF  }
0xc3: {  	_ =	shalt  }
tec
execute0_lowered:
.L_overlay_start_1:
0x0: {  	(tag) =	ssettag $0x1  }
0x1: {  	s0 =	rddreg [dreg:$0x0]  }
0x2: {  	s2 =	rddreg [dreg:$0x1];
	s3 =	simm.s32 $0x0;
	s1 =	srdreg.scid  }
0x3: {  	s17 =	stileid.u32;
	s28 =	simm.s32 $0x1;
	s29 =	simm.s32 $0x4  }
0x4: {  	s30 =	simm.s32 $0x5;
	s31 =	simm.s32 $0x0;
	[smem:$0x7FF] =	sst s3  }
0x5: {  	s1 =	sand.u32 $0x1, s1;
	s4 =	sshll.u32 s17, $0x1;
	s18 =	smul.u32 $0x9C400, s17  }
0x6: {  	s9 =	sadd.s32 $0x2CC00, s0;
	s10 =	sadd.s32 $0xCC000, s0;
	s15 =	smul.u32 $0x9C40, s17  }
0x7: {  	s26 =	sshll.u32 s17, $0x6;
	s7 =	sor.u32 s1, s4;
	s21 =	smul.u32 $0x4E200, s1  }
0x8: {  	_ =	strace $0x8000004D;
	s5 =	ssub.s32 $0x2, s1;
	s8 =	smul.u32 $0x4E20, s7  }
0x9: {  	s4 =	sadd.s32 $0x7C000, s0;
	s6 =	sshrl.u32 s5, $0x1;
	s13 =	smul.u32 $0x4E200, s7  }
0xa: {  	s22 =	sadd.s32 s18, s10;
	s18 =	sor.u32 $0x1C06, s26;
	s26 =	simm.s32 $0x2  }
0xb: {  	s11 =	ssub.s32 s5, s6;
	s6 =	sadd.s32 $0xA4000, s0;
	s14 =	sadd.s32 $0xA0, s8  }
0xc: {  	s8 =	sshrl.u32 s8, $0x3;
	s11 =	smax.u32 s11, $0x1;
	s12 =	sshrl.u32 s14, $0x3  }
0xd: {  	s7 =	sadd.s32 s9, s8;
	[dreg:$0x4] =	wrdreg s11;
	s16 =	sadd.s32 s9, s12  }
0xe: {  	s11 =	sadd.s32 s10, s13;
	s19 =	sadd.s32 $0x28, s7;
	[dreg:$0x3] =	wrdreg s16  }
0xf: {  	s0 =	sshll.u32 s14, $0x4;
	s20 =	sadd.s32 $0x3C, s7;
	[dreg:$0x5] =	wrdreg s19  }
0x10: {  	s0 =	sadd.s32 s10, s0;
	s16 =	smul.u32 $0x4E20, s1;
	[dreg:$0x6] =	wrdreg s20  }
0x11: {  	s5 =	smul.u32 $0x280, s17;
	s14 =	sadd.s32 $0x4D800, s11;
	[dreg:$0x7] =	wrdreg s0  }
0x12: {  	s19 =	simm.s32 $0x6;
	s20 =	simm.s32 $0x19200;
	s23 =	sadd.s32 s16, s15  }
0x13: {  	s15 =	sadd.s32 s21, s22;
	s21 =	simm.s32 $0xA0;
	s22 =	simm.s32 $0x14000  }
0x14: {  	s24 =	sadd.s32 $0x320, s23;
	s25 =	sadd.s32 $0x280, s23;
	s23 =	simm.s32 $0x14100  }
0x15: {  	s0 =	sshrl.u32 s24, $0x3;
	s1 =	sshrl.u32 s25, $0x3;
	s24 =	simm.s32 $0x14200  }
0x16: {  	v0 =	vlaneseq.u32;
	s25 =	simm.s32 $0x3;
	s16 =	sadd.s32 s0, s9;
	s17 =	sadd.s32 s1, s9  }
.LBB2_1:
0x17: {  	s0 =	smov.u32 s5;
	s1 =	simm.s32 $0x0  }
.LBB2_2:
0x18: {  	s8 =	smul.u32 $0xA0, s1;
	_ =	sdelay $0x1  }
0x19: {  	s8 =	sadd.s32 s5, s8  }
0x1a: {  	s9 =	sshll.u32 s8, $0x7  }
0x1b: {  	s9 =	sand.u32 $0x3FFFFF80, s9  }
0x1c: {  	s8 =	sshll.u32 s8, $0x4;
	s9 =	sadd.s32 s9, s2  }
0x1d: {  	s10 =	sadd.s32 s4, s8;
	s9 =	sshrl.u32 s9, $0x3  }
0x1e: {  	[spmem:s9], [sflag:s18] =	dma.local [hbm:s10], $0xA00  }
0x1f: {  	_ =	swait.ge [sflag:s19], $0xA00  }
0x20: {  	[sflag:s19] =	ssyncset.done $0x0  }
0x21: {  	s13 =	simm.s32 $0x0;
	s8 =	sadd.s32 s8, s6;
	[sflag:s19] =	ssyncadd.s32 $0xFFFFF600  }
0x22: {  	[tilespmem:s20], [sflag:$0x6] =	stream.linear.gather [hbm4b:s8+s13], $0x5000, $0x38;
	[tilespmem:$0x1E200] =	vst v63  }
0x23: {  	_ =	swait.ge [sflag:s19], $0x5000  }
0x24: {  	s10 =	simm.s32 $0x0;
	[sflag:s19] =	ssyncset.done $0x0  }
0x25: {  	v1 =	vor.u32 s0, v0;
	s9 =	smov.u32 s0;
	s8 =	simm.s32 $0x40;
	[sflag:s19] =	ssyncadd.s32 $0xFFFFB000  }
.LBB2_3:
0x26: {  	p0 =	sne.s32 s8, $0x240  }
0x27: {  	[tilespmem:s10+$0x14000] =	vst v1;
	s9 =	sadd.s32 $0x10, s9;
	s10 =	smov.u32 s8;
	s8 =	sadd.s32 $0x40, s8  }
.Ltmp0:
0x28: {  	(pc) =	sbr.rel @p0 .LBB2_3-.Ltmp0, $2  }
0x29: {  	_ =	sdelay $0x2  }
0x2a: {  	v1 =	vor.u32 s9, v0;
	s10 =	sshra.s32 s10, $0x2  }
0x2b: {  	s1 =	sadd.s32 $0x1, s1  }
0x2c: {  	p0 =	sne.s32 s1, $0x4  }
.Ltmp1:
0x2d: {  	[tilespmem:s10+$0x14000] =	vst v1;
	(pc) =	sbr.rel @p0 .LBB2_2-.Ltmp1, $4  }
0x2e: {  	[spmem:s2] =	stream.indirect.scatter.add.f32 [tilespmem:s20], [sflag:$0x6], $0x80, s22, s21, $0xb8;
	[tilespmem:$0x1E200] =	vst v63  }
0x2f: {  	_ =	swait.ge [sflag:s19], $0x5000  }
0x30: {  	[sflag:s19] =	ssyncset.done $0x0  }
0x31: {  	s0 =	sadd.s32 $0xA0, s0;
	[sflag:s19] =	ssyncadd.s32 $0xFFFFB000  }
0x32: {  	[bflag:$0x0] =	sbarrier.arrive $0xFFFF;
	s0 =	simm.s32 $0x0  }
0x33: {  	[tilespmem:s22], [sflag:$0x1] =	stream.linear.gather [hbm4b:s7+s0], $0xA0, $0x38;
	[tilespmem:$0x1E200] =	vst v63  }
0x34: {  	s8 =	simm.s32 $0x1;
	s1 =	rddreg [dreg:$0x3]  }
0x35: {  	[tilespmem:s23], [sflag:$0x2] =	stream.linear.gather [hbm4b:s1+s0], $0xA0, $0x38;
	[tilespmem:$0x1E200] =	vst v63  }
0x36: {  	_ =	swait.ge [sflag:s8], $0xA0  }
0x37: {  	[sflag:s8] =	ssyncset.done $0x0  }
0x38: {  	[sflag:s8] =	ssyncadd.s32 $0xFFFFFF60  }
0x39: {  	[tilespmem:s24], [sflag:$0x3] =	stream.indirect.gather [spmem:s2], $0x80, s22, s21, $0xb8;
	[tilespmem:$0x1E200] =	vst v63  }
0x3a: {  	_ =	swait.ge [sflag:s25], $0x5000  }
0x3b: {  	[sflag:s25] =	ssyncset.done $0x0  }
0x3c: {  	s9 =	rddreg [dreg:$0x5];
	[sflag:s25] =	ssyncadd.s32 $0xFFFFB000  }
0x3d: {  	[tilespmem:s22], [sflag:$0x1] =	stream.linear.gather [hbm4b:s9+s0], $0xA0, $0x38;
	[tilespmem:$0x1E200] =	vst v63  }
0x3e: {  	_ = 	snop  }
0x3f: {  	[hbm4b:s11+s0] =	stream.linear.scatter [tilespmem:s24], [sflag:$0x4], $0x5000, $0x38;
	[tilespmem:$0x1E200] =	vst v63  }
0x40: {  	_ =	swait.ge [sflag:s26], $0xA0  }
0x41: {  	[sflag:s26] =	ssyncset.done $0x0  }
0x42: {  	[sflag:s26] =	ssyncadd.s32 $0xFFFFFF60  }
0x43: {  	[tilespmem:s20], [sflag:$0x3] =	stream.indirect.gather [spmem:s2], $0x80, s23, s21, $0xb8;
	[tilespmem:$0x1E200] =	vst v63  }
0x44: {  	_ =	swait.ge [sflag:s25], $0x5000  }
0x45: {  	[sflag:s25] =	ssyncset.done $0x0  }
0x46: {  	s10 =	rddreg [dreg:$0x6];
	[sflag:s25] =	ssyncadd.s32 $0xFFFFB000  }
0x47: {  	[tilespmem:s23], [sflag:$0x2] =	stream.linear.gather [hbm4b:s10+s0], $0xA0, $0x38;
	[tilespmem:$0x1E200] =	vst v63  }
0x48: {  	s12 =	rddreg [dreg:$0x7]  }
0x49: {  	[hbm4b:s12+s0] =	stream.linear.scatter [tilespmem:s20], [sflag:$0x5], $0x5000, $0x38;
	[tilespmem:$0x1E200] =	vst v63  }
0x4a: {  	_ =	swait.ge [sflag:s28], $0xA0  }
0x4b: {  	[sflag:s28] =	ssyncset.done $0x0  }
0x4c: {  	[sflag:s28] =	ssyncadd.s32 $0xFFFFFF60  }
0x4d: {  	_ =	swait.ge [sflag:s29], $0x5000  }
0x4e: {  	[sflag:s29] =	ssyncset.done $0x0  }
0x4f: {  	[sflag:s29] =	ssyncadd.s32 $0xFFFFB000  }
0x50: {  	[tilespmem:s24], [sflag:$0x3] =	stream.indirect.gather [spmem:s2], $0x80, s22, s21, $0xb8;
	[tilespmem:$0x1E200] =	vst v63  }
0x51: {  	_ =	swait.ge [sflag:s25], $0x5000  }
0x52: {  	[sflag:s25] =	ssyncset.done $0x0  }
0x53: {  	s8 =	sadd.s32 $0x0, s15;
	[sflag:s25] =	ssyncadd.s32 $0xFFFFB000  }
0x54: {  	[tilespmem:s22], [sflag:$0x1] =	stream.linear.gather [hbm4b:s17+s3], $0xA0, $0x38;
	[tilespmem:$0x1E200] =	vst v63  }
0x55: {  	s13 =	sadd.s32 $0x1400, s8  }
0x56: {  	[hbm4b:s13+s3] =	stream.linear.scatter [tilespmem:s24], [sflag:$0x4], $0x5000, $0x38;
	[tilespmem:$0x1E200] =	vst v63  }
0x57: {  	_ =	swait.ge [sflag:s26], $0xA0  }
0x58: {  	[sflag:s26] =	ssyncset.done $0x0  }
0x59: {  	[sflag:s26] =	ssyncadd.s32 $0xFFFFFF60  }
0x5a: {  	_ =	swait.ge [sflag:s30], $0x5000  }
0x5b: {  	[sflag:s30] =	ssyncset.done $0x0  }
0x5c: {  	[sflag:s30] =	ssyncadd.s32 $0xFFFFB000  }
0x5d: {  	[tilespmem:s20], [sflag:$0x3] =	stream.indirect.gather [spmem:s2], $0x80, s23, s21, $0xb8;
	[tilespmem:$0x1E200] =	vst v63  }
0x5e: {  	p0 =	por $0x0, $0x0;
	_ =	swait.ge [sflag:s25], $0x5000  }
0x5f: {  	s1 =	simm.s32 @!p0 $0x14100;
	s9 =	sadd.s32 $0x28, s16;
	[sflag:s25] =	ssyncset.done $0x0  }
0x60: {  	s10 =	sadd.s32 $0x1E00, s8;
	s0 =	simm.s32 @!p0 $0x0;
	[sflag:s25] =	ssyncadd.s32 $0xFFFFB000  }
0x61: {  	[tilespmem:s1], [sflag:$0x2] =	stream.linear.gather @!p0 [hbm4b:s16+s0], $0xA0, $0x38;
	[tilespmem:$0x1E200] =	vst v63  }
0x62: {  	s8 =	simm.s32 $0x2;
	s0 =	simm.s32 $0x1400;
	s1 =	sadd.s32 $0x28, s17  }
.LBB2_6:
0x63: {  	[hbm4b:s10+s3] =	stream.linear.scatter [tilespmem:s20], [sflag:$0x5], $0x5000, $0x38;
	[tilespmem:$0x1E200] =	vst v63  }
0x64: {  	s10 =	smov.u32 s0;
	s0 =	sadd.s32 $0x1400, s0;
	_ =	swait.ge [sflag:s28], $0xA0  }
0x65: {  	p0 =	sne.s32 s0, $0x4C400;
	[sflag:s28] =	ssyncset.done $0x0  }
0x66: {  	[sflag:s28] =	ssyncadd.s32 $0xFFFFFF60  }
0x67: {  	_ =	swait.ge [sflag:s29], $0x5000  }
0x68: {  	[sflag:s29] =	ssyncset.done $0x0  }
0x69: {  	[sflag:s29] =	ssyncadd.s32 $0xFFFFB000  }
0x6a: {  	[tilespmem:s24], [sflag:$0x3] =	stream.indirect.gather [spmem:s2], $0x80, s22, s21, $0xb8;
	[tilespmem:$0x1E200] =	vst v63  }
0x6b: {  	_ =	swait.ge [sflag:s25], $0x5000  }
0x6c: {  	[sflag:s25] =	ssyncset.done $0x0  }
0x6d: {  	s10 =	sadd.s32 s10, s15;
	[sflag:s25] =	ssyncadd.s32 $0xFFFFB000  }
0x6e: {  	[tilespmem:s22], [sflag:$0x1] =	stream.linear.gather [hbm4b:s1+s3], $0xA0, $0x38;
	[tilespmem:$0x1E200] =	vst v63  }
0x6f: {  	s12 =	sadd.s32 $0x1400, s10  }
0x70: {  	[hbm4b:s12+s3] =	stream.linear.scatter [tilespmem:s24], [sflag:$0x4], $0x5000, $0x38;
	[tilespmem:$0x1E200] =	vst v63  }
0x71: {  	_ =	swait.ge [sflag:s26], $0xA0  }
0x72: {  	[sflag:s26] =	ssyncset.done $0x0  }
0x73: {  	[sflag:s26] =	ssyncadd.s32 $0xFFFFFF60  }
0x74: {  	_ =	swait.ge [sflag:s30], $0x5000  }
0x75: {  	[sflag:s30] =	ssyncset.done $0x0  }
0x76: {  	[sflag:s30] =	ssyncadd.s32 $0xFFFFB000  }
0x77: {  	[tilespmem:s20], [sflag:$0x3] =	stream.indirect.gather [spmem:s2], $0x80, s23, s21, $0xb8;
	[tilespmem:$0x1E200] =	vst v63  }
.Ltmp2:
0x78: {  	_ =	swait.ge [sflag:s25], $0x5000;
	(pc) =	sbr.rel @p0 .LBB2_6-.Ltmp2, $4  }
0x79: {  	p1 =	sgt.u32 s8, $0x3C;
	s1 =	sadd.s32 $0x28, s1;
	[sflag:s25] =	ssyncset.done $0x0  }
0x7a: {  	s13 =	simm.s32 @!p1 $0x14100;
	s12 =	simm.s32 @!p1 $0x0;
	[sflag:s25] =	ssyncadd.s32 $0xFFFFB000  }
0x7b: {  	[tilespmem:s13], [sflag:$0x2] =	stream.linear.gather @!p1 [hbm4b:s9+s12], $0xA0, $0x38;
	[tilespmem:$0x1E200] =	vst v63  }
0x7c: {  	s8 =	sadd.s32 $0x1, s8;
	s10 =	sadd.s32 $0x1E00, s10;
	s9 =	sadd.s32 $0x28, s9  }
0x7d: {  	[hbm4b:s10+s3] =	stream.linear.scatter [tilespmem:s20], [sflag:$0x5], $0x5000, $0x38;
	[tilespmem:$0x1E200] =	vst v63  }
0x7e: {  	_ =	swait.ge [sflag:s28], $0xA0  }
0x7f: {  	[sflag:s28] =	ssyncset.done $0x0  }
0x80: {  	[sflag:s28] =	ssyncadd.s32 $0xFFFFFF60  }
0x81: {  	_ =	swait.ge [sflag:s29], $0x5000  }
0x82: {  	[sflag:s29] =	ssyncset.done $0x0  }
0x83: {  	[sflag:s29] =	ssyncadd.s32 $0xFFFFB000  }
0x84: {  	[tilespmem:s24], [sflag:$0x3] =	stream.indirect.gather [spmem:s2], $0x80, s22, s21, $0xb8;
	[tilespmem:$0x1E200] =	vst v63  }
0x85: {  	_ =	swait.ge [sflag:s25], $0x5000  }
0x86: {  	[sflag:s25] =	ssyncset.done $0x0  }
0x87: {  	[sflag:s25] =	ssyncadd.s32 $0xFFFFB000  }
0x88: {  	[hbm4b:s14+s3] =	stream.linear.scatter [tilespmem:s24], [sflag:$0x4], $0x5000, $0x38;
	[tilespmem:$0x1E200] =	vst v63  }
0x89: {  	_ =	swait.ge [sflag:s29], $0x5000  }
0x8a: {  	[sflag:s29] =	ssyncset.done $0x0  }
0x8b: {  	[sflag:s29] =	ssyncadd.s32 $0xFFFFB000  }
0x8c: {  	_ =	swait.ge [sflag:s30], $0x5000  }
0x8d: {  	s31 =	sadd.s32 $0x1, s31;
	s0 =	rddreg [dreg:$0x4]  }
0x8e: {  	p0 =	sne.s32 s31, s0  }
.Ltmp3:
0x8f: {  	_ = 	snop;
	(pc) =	sbr.rel @p0 .LBB2_1-.Ltmp3, $3  }
0x90: {  	_ =	sdelay $0x1  }
0x91: {  	[sflag:s30] =	ssyncset.done $0x0  }
0x92: {  	[sflag:s30] =	ssyncadd.s32 $0xFFFFB000  }
0x93: {  	_ =	sfence.sel $0x180000  }
0x94: {  	[bflag:$0x0] =	sbarrier.arrive $0xFFFF  }
0x95: {  	_ =	strace $0x9000004D  }
0x96: {  	s0 =	stileid.u32;
	[bflag:$0x2] =	sbarrier.arrive $0xFFFF  }
0x97: {  	p0 =	sne.s32 s0, $0x0;
	s0 =	rddreg [dreg:$0x2]  }
0x98: {  	s0 =	sadd.s32 @!p0 $0x100000, s0  }
0x99: {  	[sflag:s0] =	ssyncadd.tile.s32 @!p0 $0x1;
	_ =	shalt  }
.Lfunc_end2:
_tile_overlayer_lowered:
.L_overlay_start_2:
0x9a: {  	(tag) =	ssettag $0x2  }
0x9b: {  	s0 =	rddreg [dreg:$0x0];
	s2 =	stileid.u32  }
0x9c: {  	s1 =	rddreg [dreg:$0x1];
	p0 =	sne.s32 s2, $0x0  }
0x9d: {  	s3 =	rddreg [dreg:$0x2];
	[bflag:$0x3] =	sbarrier.arrive $0xFFFF;
	s2 =	simm.s32 @!p0 $0x1C06  }
0x9e: {  	[timem:s3], [sflag:s2] =	dma.local @!p0 [hbm:s0], s1  }
0x9f: {  	s0 =	simm.s32 @!p0 $0x6  }
0xa0: {  	_ =	swait.ge @!p0 [sflag:s0], s1  }
0xa1: {  	s1 =	ssub.s32 @!p0 $0x0, s1;
	[sflag:s0] =	ssyncset.done @!p0 $0x0  }
0xa2: {  	[sflag:s0] =	ssyncadd.s32 @!p0 s1  }
0xa3: {  	[bflag:$0x3] =	sbarrier.arrive $0xFFFF  }
0xa4: {  	_ =	shalt  }

// kernel: kernel.26.cloned.1.call-start
scs
__scs_entry_jumppad:
0x0: {  	(pc) =	sbr.rel $0x88, $3  }
0x1: {  	(tag) =	ssettag $0x0;
	lr =	simm.s32 $0x1  }
0x2: {  	[smem:$0x3F91] =	sst lr;
	_ =	strace $0xD0000000  }
0x3: {  	_ = 	snop  }
0x4: {  	_ = 	snop  }
0x5: {  	_ = 	snop  }
0x6: {  	_ = 	snop  }
0x7: {  	_ = 	snop  }
__scs_overlays_trampoline_lowered:
0x8: {  	[smem:$0x3FA0] =	sst s0  }
0x9: {  	[smem:$0x3FA1] =	sst s1  }
0xa: {  	[smem:$0x3FA2] =	sst s2  }
0xb: {  	[smem:$0x3FA3] =	sst s3  }
0xc: {  	[smem:$0x3FA4] =	sst s4  }
0xd: {  	[smem:$0x3FA5] =	sst s5  }
0xe: {  	[smem:$0x3FA6] =	sst s6  }
0xf: {  	[smem:$0x3FA7] =	sst s7  }
0x10: {  	[smem:$0x3FA8] =	sst s8  }
0x11: {  	[smem:$0x3FA9] =	sst s9;
	s0 =	simm.s32 @!p0 $0x0  }
0x12: {  	s1 =	sld [smem:$0x3F8F];
	s0 =	simm.s32 @p0 $0x1  }
0x13: {  	[smem:$0x3FAA] =	sst s0;
	s0 =	simm.s32 @!p1 $0x0  }
0x14: {  	s2 =	sld [smem:$0x3F8E];
	s0 =	simm.s32 @p1 $0x1  }
0x15: {  	[smem:$0x3FAB] =	sst s0;
	s0 =	simm.s32 @!p2 $0x0  }
0x16: {  	s3 =	sld [smem:$0x3FDB];
	s0 =	simm.s32 @p2 $0x1  }
0x17: {  	s4 =	simm.s32 $0x1BF5;
	[smem:$0x3FAD] =	sst s0  }
0x18: {  	s0 =	sld [smem:$0x3F90];
	_ =	swait.ge [sflag:s4], $0x0  }
0x19: {  	s7 =	sld [smem:$0x3F91]  }
0x1a: {  	s8 =	sadd.s32 $0xFFFFE003, lr  }
0x1b: {  	s9 =	sadd.s32 $0xFFFFFEF7, lr;
	s5 =	simm.s32 $0xFFFFFFFF;
	p2 =	slt.u32 s8, $0xFFFFF086  }
0x1c: {  	p1 =	slt.u32 s9, $0xF7A;
	s5 =	simm.s32 @!p2 $0x0  }
0x1d: {  	s5 =	simm.s32 @p1 $0x1;
	p0 =	seq.s32 s7, s2  }
0x1e: {  	s7 =	smul.u32 @!p0 $0xF7A, s2;
	p2 =	seq.s32 @!p0 s5, $0x0  }
0x1f: {  	s9 =	smul.u32 $0xF7A, s1;
	s8 =	simm.s32 @!p0 $0x1BF5;
	p2 =	por !p2, p0  }
0x20: {  	[sflag:s8] =	ssyncset.s32 @!p0 $0xFFFFF086;
	s6 =	sadd.s32 @!p0 s3, s7;
	s7 =	simm.s32 @!p0 $0x108  }
0x21: {  	s3 =	sadd.s32 s3, s9;
	s6 =	sadd.s32 @!p0 $0x88, s6;
	s7 =	simm.s32 @p2 $0x1082  }
0x22: {  	[simem:s7], [sflag:s8] =	dma.local @!p0 [hbm:s6], $0xF7A  }
0x23: {  	s9 =	sor.u32 $0xD0000000, s2;
	s6 =	simm.s32 $0x108;
	_ =	swait.ge @!p0 [sflag:s8], $0x0  }
0x24: {  	s3 =	sadd.s32 $0x88, s3;
	s6 =	simm.s32 @!p1 $0x1082;
	[sflag:s4] =	ssyncset.s32 $0xFFFFF086  }
0x25: {  	[simem:s6], [sflag:s4] =	dma.local [hbm:s3], $0xF7A  }
0x26: {  	[smem:$0x3F91] =	sst s1;
	(tag) =	ssettag s2;
	_ =	strace s9  }
0x27: {  	s1 =	sld [smem:$0x3FA1]  }
0x28: {  	s2 =	sld [smem:$0x3FA2]  }
0x29: {  	s4 =	sld [smem:$0x3FA4]  }
0x2a: {  	p0 =	seq.s32 s5, $0x0;
	s5 =	sld [smem:$0x3FA5]  }
0x2b: {  	s6 =	sld [smem:$0x3FA6]  }
0x2c: {  	s7 =	sld [smem:$0x3FA7]  }
0x2d: {  	s3 =	simm.s32 $0x108;
	s8 =	sld [smem:$0x3FA8]  }
0x2e: {  	s3 =	simm.s32 @!p0 $0x1082;
	s9 =	sld [smem:$0x3FA9]  }
0x2f: {  	lr =	sadd.s32 s0, s3;
	s0 =	sld [smem:$0x3FA0]  }
0x30: {  	s3 =	sld [smem:$0x3FA3]  }
0x31: {  	[smem:$0x3FAC] =	sst s10  }
0x32: {  	s10 =	sld [smem:$0x3FAA];
	_ =	sdelay $0x3  }
0x33: {  	p0 =	seq.s32 s10, $0x1;
	s10 =	sld [smem:$0x3FAC];
	_ =	sdelay $0x3  }
0x34: {  	[smem:$0x3FAC] =	sst s10  }
0x35: {  	s10 =	sld [smem:$0x3FAB];
	_ =	sdelay $0x3  }
0x36: {  	p1 =	seq.s32 s10, $0x1;
	s10 =	sld [smem:$0x3FAC];
	_ =	sdelay $0x3  }
0x37: {  	[smem:$0x3FAC] =	sst s10  }
0x38: {  	s10 =	sld [smem:$0x3FAD]  }
0x39: {  	_ = 	snop;
	(pc) =	sbr.ind lr, $3  }
0x3a: {  	_ = 	snop  }
0x3b: {  	_ = 	snop  }
0x3c: {  	p2 =	seq.s32 s10, $0x1;
	s10 =	sld [smem:$0x3FAC]  }
0x3d: {  	_ =	shalt  }
0x3e: {  	_ =	shalt  }
0x3f: {  	_ =	shalt  }
0x40: {  	_ =	shalt  }
0x41: {  	_ =	shalt  }
0x42: {  	_ =	shalt  }
0x43: {  	_ =	shalt  }
0x44: {  	_ =	shalt  }
0x45: {  	_ =	shalt  }
0x46: {  	_ =	shalt  }
0x47: {  	_ =	shalt  }
0x48: {  	_ =	shalt  }
0x49: {  	_ =	shalt  }
0x4a: {  	_ =	shalt  }
0x4b: {  	_ =	shalt  }
0x4c: {  	_ =	shalt  }
0x4d: {  	_ =	shalt  }
0x4e: {  	_ =	shalt  }
0x4f: {  	_ =	shalt  }
0x50: {  	_ =	shalt  }
0x51: {  	_ =	shalt  }
0x52: {  	_ =	shalt  }
0x53: {  	_ =	shalt  }
0x54: {  	_ =	shalt  }
0x55: {  	_ =	shalt  }
0x56: {  	_ =	shalt  }
0x57: {  	_ =	shalt  }
0x58: {  	_ =	shalt  }
0x59: {  	_ =	shalt  }
0x5a: {  	_ =	shalt  }
0x5b: {  	_ =	shalt  }
0x5c: {  	_ =	shalt  }
0x5d: {  	_ =	shalt  }
0x5e: {  	_ =	shalt  }
0x5f: {  	_ =	shalt  }
0x60: {  	_ =	shalt  }
0x61: {  	_ =	shalt  }
0x62: {  	_ =	shalt  }
0x63: {  	_ =	shalt  }
0x64: {  	_ =	shalt  }
0x65: {  	_ =	shalt  }
0x66: {  	_ =	shalt  }
0x67: {  	_ =	shalt  }
0x68: {  	_ =	shalt  }
0x69: {  	_ =	shalt  }
0x6a: {  	_ =	shalt  }
0x6b: {  	_ =	shalt  }
0x6c: {  	_ =	shalt  }
0x6d: {  	_ =	shalt  }
0x6e: {  	_ =	shalt  }
0x6f: {  	_ =	shalt  }
0x70: {  	_ =	shalt  }
0x71: {  	_ =	shalt  }
0x72: {  	_ =	shalt  }
0x73: {  	_ =	shalt  }
0x74: {  	_ =	shalt  }
0x75: {  	_ =	shalt  }
0x76: {  	_ =	shalt  }
0x77: {  	_ =	shalt  }
0x78: {  	_ =	shalt  }
0x79: {  	_ =	shalt  }
0x7a: {  	_ =	shalt  }
0x7b: {  	_ =	shalt  }
0x7c: {  	_ =	shalt  }
0x7d: {  	_ =	shalt  }
0x7e: {  	_ =	shalt  }
0x7f: {  	_ =	shalt  }
0x80: {  	_ =	shalt  }
0x81: {  	_ =	shalt  }
0x82: {  	_ =	shalt  }
0x83: {  	_ =	shalt  }
0x84: {  	_ =	shalt  }
0x85: {  	_ =	shalt  }
0x86: {  	_ =	shalt  }
0x87: {  	_ =	shalt  }
.Lfunc_end0:
.L_simem_size_0:
called_computation.3_lowered:
.L_overlay_start_0:
0x88: {  	s2 =	sld [smem:$0x3FD9]  }
0x89: {  	s3 =	sld [smem:$0x3FFE];
	_ =	sdelay $0x1  }
0x8a: {  	s1 =	srdreg.scid  }
0x8b: {  	s0 =	sand.u32 $0x1, s1  }
0x8c: {  	s16 =	sshll.u32 s0, $0xA;
	s2 =	sadd.s32 s3, s2  }
0x8d: {  	s2 =	sadd.s32 s2, s16  }
0x8e: {  	[smem:$0x3FB8] =	sst s2  }
0x8f: {  	_ = 	snop  }
0x90: {  	(tm) =	ssettm $0x1  }
0x91: {  	s17 =	sld [smem:$0x3FFB];
	_ =	sdelay $0x3  }
0x92: {  	_ =	strace s17  }
0x93: {  	s2 =	sld [smem:$0x3FFC];
	_ =	sdelay $0x3  }
0x94: {  	_ =	strace s2  }
0x95: {  	s2 =	sld [smem:$0x3FFD];
	_ =	sdelay $0x3  }
0x96: {  	_ =	strace s2  }
0x97: {  	_ =	strace $0x8FFFFFFF  }
0x98: {  	s18 =	sld [smem:$0x3FDB];
	_ =	sdelay $0x1  }
0x99: {  	s19 =	simm.s32 $_scs_section_size  }
0x9a: {  	s4 =	simm.s32 $_size__tile_overlayer_lowered;
	s5 =	simm.s32 $_tile_overlayer_lowered  }
0x9b: {  	s22 =	simm.s32 $0x1BFF;
	s21 =	sshll.u32 s5, $0x1;
	s2 =	sadd.s32 s19, s18  }
0x9c: {  	s6 =	simm.s32 $0x0;
	s20 =	sshll.u32 s4, $0x1;
	s4 =	sadd.s32 s21, s2  }
0x9d: {  	[timem:s6], [sflag:s22] =	dma.local [hbm:s4], s20  }
0x9e: {  	_ =	swait.ge [sflag:s22], s20  }
0x9f: {  	s3 =	ssub.s32 $0x0, s20;
	[sflag:s22] =	ssyncset.done $0x0  }
0xa0: {  	[sflag:s22] =	ssyncadd.s32 s3;
	_ =	sdelay $0x1  }
0xa1: {  	s23 =	simm.s32 $0x1B8B  }
0xa2: {  	_ =	swait.ge [sflag:s23], $0x1  }
0xa3: {  	[sflag:s23] =	ssyncset.done $0x0  }
0xa4: {  	s25 =	simm.s32 $0x1B8E;
	s24 =	sld [smem:$0x3FFE];
	[sflag:s23] =	ssyncadd.s32 $0xFFFFFFFF  }
0xa5: {  	s26 =	simm.s32 $execute0_lowered;
	[smem:$0x3FD2] =	sst s25  }
0xa6: {  	s4 =	sshll.u32 s26, $0x1;
	_ =	strace $0x8000004F;
	[dreg:$0x1] =	wrdreg $0xFFFFFFFF  }
0xa7: {  	s28 =	simm.s32 $_size_execute0_lowered;
	s2 =	sadd.s32 s2, s4;
	[dreg:$0x0] =	wrdreg $0x0  }
0xa8: {  	s4 =	sshll.u32 s28, $0x1;
	[dreg:$0x2] =	wrdreg s2  }
0xa9: {  	[dreg:$0x3] =	wrdreg s4  }
0xaa: {  	[dreg:$0x4] =	wrdreg $0xC0  }
0xab: {  	_ =	task [dreg:s6], $0x5FFFF  }
0xac: {  	[dreg:$0x1] =	wrdreg $0xFFFFFFFF  }
0xad: {  	[dreg:$0x0] =	wrdreg $0x60  }
0xae: {  	[dreg:$0x2] =	wrdreg s24  }
0xaf: {  	[dreg:$0x3] =	wrdreg $0x0  }
0xb0: {  	[dreg:$0x4] =	wrdreg $0x9  }
0xb1: {  	_ =	task.clear_ibuf [dreg:s6], $0x5FFFF;
	_ =	strace $0x9000004F  }
0xb2: {  	s29 =	simm.s32 $0x9;
	_ =	strace $0x80000051  }
0xb3: {  	_ =	swait.ge [sflag:s29], $0x1  }
0xb4: {  	[sflag:s29] =	ssyncadd.s32 $0xFFFFFFFF  }
0xb5: {  	_ =	strace $0x90000051  }
0xb6: {  	_ =	sfence  }
0xb7: {  	s30 =	sld [smem:$0x0];
	_ =	sdelay $0x2  }
0xb8: {  	s31 =	sshll.u32 s1, $0xD;
	s1 =	sshrl.u32 s1, $0x2  }
0xb9: {  	s3 =	sand.u32 $0x4000, s31;
	s1 =	sadd.s32 s1, s30  }
0xba: {  	s0 =	sor.u32 s3, s0;
	s1 =	sshll.u32 s1, $0x11  }
0xbb: {  	s0 =	sor.u32 s1, s0  }
0xbc: {  	s0 =	sadd.s32 $0x8F2B, s0  }
0xbd: {  	[sflag:s0] =	ssyncadd.remote.s32 $0x1  }
0xbe: {  	_ =	sfence.sel $0xFFFF  }
0xbf: {  	[dreg:$0x0] =	wrdreg $0xFFFFFFFF;
	(pc) =	sbr.abs _section_cstart, $3  }
0xc0: {  	[dreg:$0x1] =	wrdreg $0xFFFFFFFF  }
0xc1: {  	_ =	task.clear_ibuf [dreg:s6], $0x2FFFF;
	_ =	strace $0x9FFFFFFF  }
0xc2: {  	(tm) =	ssettm $0x7FFFFFFF  }
0xc3: {  	_ =	shalt  }
tec
execute0_lowered:
.L_overlay_start_1:
0x0: {  	(tag) =	ssettag $0x1  }
0x1: {  	s5 =	rddreg [dreg:$0x0]  }
0x2: {  	s2 =	rddreg [dreg:$0x1];
	s1 =	stileid.u32  }
0x3: {  	s0 =	rddreg [dreg:$0x2];
	s6 =	smul.u32 $0x14000, s1  }
0x4: {  	s4 =	srdreg.scid;
	s21 =	smul.u32 $0x50000, s1  }
0x5: {  	s3 =	simm.s32 $0x0;
	s10 =	sand.u32 $0x1, s4;
	s14 =	smul.u32 $0x9C400, s1  }
0x6: {  	[smem:$0x7FF] =	sst s3;
	s11 =	sadd.s32 $0x1DF0000, s5;
	s17 =	smul.u32 $0x9C40, s1  }
0x7: {  	s4 =	sadd.s32 $0x40600, s5;
	s23 =	sshll.u32 s1, $0x1;
	s7 =	smul.u32 $0x140000, s10  }
0x8: {  	s25 =	sshll.u32 s1, $0x6;
	_ =	strace $0x80000050;
	s18 =	smul.u32 $0x4E20, s10  }
0x9: {  	s22 =	ssub.s32 $0x2, s10;
	s19 =	smul.u32 $0x4E200, s10;
	s8 =	sshrl.u32 s6, $0x3  }
0xa: {  	s9 =	sshrl.u32 s22, $0x1;
	s14 =	sadd.s32 s14, s11;
	s6 =	sadd.s32 s6, s7  }
0xb: {  	s20 =	sadd.s32 s8, s5;
	s8 =	sshrl.u32 s21, $0x2;
	s13 =	ssub.s32 s22, s9  }
0xc: {  	s30 =	sadd.s32 s18, s17;
	s14 =	sadd.s32 s19, s14;
	s18 =	simm.s32 $0x14000  }
0xd: {  	s19 =	simm.s32 $0x14200;
	s21 =	simm.s32 $0x19200;
	s22 =	simm.s32 $0x1  }
0xe: {  	s6 =	sshrl.u32 s6, $0x3;
	s16 =	sadd.s32 s8, s2;
	s17 =	sadd.s32 $0x1E0, s30  }
0xf: {  	s12 =	sadd.s32 s6, s5;
	s6 =	sor.u32 s10, s23;
	s5 =	sadd.s32 $0x54000, s20  }
0x10: {  	s31 =	sshrl.u32 s17, $0x3;
	s16 =	sshrl.u32 s16, $0x3;
	s17 =	simm.s32 $0x3  }
0x11: {  	s20 =	simm.s32 $0x14100;
	s23 =	simm.s32 $0xA0;
	s24 =	smul.u32 $0x4E20, s6  }
0x12: {  	s26 =	smul.u32 $0x4E200, s6;
	s6 =	sor.u32 $0x1C03, s25;
	s25 =	simm.s32 $0x0  }
.Ltmp0:
0x13: {  	s28 =	sshrl.u32 s24, $0x3;
	s15 =	sadd.s32 $0xA0, s24;
	(pc) =	sbr.rel .LBB2_1-.Ltmp0, $4  }
0x14: {  	s8 =	sadd.s32 s11, s26;
	s24 =	simm.s32 $0x2;
	s29 =	sshrl.u32 s15, $0x3  }
0x15: {  	s7 =	sadd.s32 s4, s28;
	s15 =	sshll.u32 s15, $0x4;
	s9 =	sadd.s32 s4, s29  }
0x16: {  	s10 =	sadd.s32 s11, s15;
	s11 =	sadd.s32 $0x7C000, s12;
	s12 =	smax.u32 s13, $0x1  }
0x17: {  	s13 =	sadd.s32 $0x1E00, s14;
	s14 =	sadd.s32 s31, s4;
	s15 =	sadd.s32 $0x140, s30  }
.LBB2_4:
0x18: {  	_ =	swait.ge [sflag:s22], $0xA0  }
0x19: {  	[sflag:s22] =	ssyncset.done $0x0  }
0x1a: {  	[sflag:s22] =	ssyncadd.s32 $0xFFFFFF60  }
0x1b: {  	_ =	swait.ge [sflag:s22], $0x5000  }
0x1c: {  	[sflag:s22] =	ssyncset.done $0x0  }
0x1d: {  	[sflag:s22] =	ssyncadd.s32 $0xFFFFB000  }
0x1e: {  	[spmem:s2] =	stream.indirect.scatter.add.f32 [tilespmem:s19], [sflag:$0x3], $0x80, s18, s23, $0xb8;
	[tilespmem:$0x1E200] =	vst v63  }
0x1f: {  	_ =	swait.ge [sflag:s17], $0x5000  }
0x20: {  	s25 =	sadd.s32 $0x1, s25;
	[sflag:s17] =	ssyncset.done $0x0  }
0x21: {  	p0 =	sne.s32 s25, s12;
	[sflag:s17] =	ssyncadd.s32 $0xFFFFB000  }
.Ltmp1:
0x22: {  	[bflag:$0x0] =	sbarrier.arrive $0xFFFF;
	(pc) =	sbr.rel @!p0 .LBB2_5-.Ltmp1, $4  }
0x23: {  	[hbm:s11], [sflag:s6] =	dma.local [spmem:s16], $0x2800  }
0x24: {  	_ =	swait.ge [sflag:s17], $0x2800  }
0x25: {  	[sflag:s17] =	ssyncset.done $0x0  }
0x26: {  	[sflag:s17] =	ssyncadd.s32 $0xFFFFD800  }
.LBB2_1:
0x27: {  	[spmem:s16], [sflag:s6] =	dma.local [hbm:s5], $0x2800  }
0x28: {  	_ =	swait.ge [sflag:s17], $0x2800  }
0x29: {  	[sflag:s17] =	ssyncset.done $0x0  }
0x2a: {  	[sflag:s17] =	ssyncadd.s32 $0xFFFFD800  }
0x2b: {  	[bflag:$0x0] =	sbarrier.arrive $0xFFFF  }
0x2c: {  	[tilespmem:s18], [sflag:$0x1] =	stream.linear.gather [hbm4b:s7+s3], $0xA0, $0x38;
	[tilespmem:$0x1E200] =	vst v63  }
0x2d: {  	_ = 	snop  }
0x2e: {  	[tilespmem:s19], [sflag:$0x1] =	stream.linear.gather [hbm4b:s8+s3], $0x5000, $0x38;
	[tilespmem:$0x1E200] =	vst v63  }
0x2f: {  	_ = 	snop  }
0x30: {  	[tilespmem:s20], [sflag:$0x2] =	stream.linear.gather [hbm4b:s9+s3], $0xA0, $0x38;
	[tilespmem:$0x1E200] =	vst v63  }
0x31: {  	s26 =	smov.u32 s15;
	s28 =	smov.u32 s13;
	s29 =	simm.s32 $0x0  }
0x32: {  	[tilespmem:s21], [sflag:$0x2] =	stream.linear.gather [hbm4b:s10+s3], $0x5000, $0x38;
	[tilespmem:$0x1E200] =	vst v63  }
.LBB2_2:
0x33: {  	_ =	swait.ge [sflag:s22], $0xA0  }
0x34: {  	[sflag:s22] =	ssyncset.done $0x0  }
0x35: {  	[sflag:s22] =	ssyncadd.s32 $0xFFFFFF60  }
0x36: {  	_ =	swait.ge [sflag:s22], $0x5000  }
0x37: {  	[sflag:s22] =	ssyncset.done $0x0  }
0x38: {  	[sflag:s22] =	ssyncadd.s32 $0xFFFFB000  }
0x39: {  	[spmem:s2] =	stream.indirect.scatter.add.f32 [tilespmem:s19], [sflag:$0x3], $0x80, s18, s23, $0xb8;
	[tilespmem:$0x1E200] =	vst v63  }
0x3a: {  	_ =	swait.ge [sflag:s17], $0x5000  }
0x3b: {  	s30 =	sshrl.u32 s26, $0x3;
	[sflag:s17] =	ssyncset.done $0x0  }
0x3c: {  	s30 =	sadd.s32 s4, s30;
	[sflag:s17] =	ssyncadd.s32 $0xFFFFB000  }
0x3d: {  	[tilespmem:s18], [sflag:$0x1] =	stream.linear.gather [hbm4b:s30+s3], $0xA0, $0x38;
	[tilespmem:$0x1E200] =	vst v63  }
0x3e: {  	s31 =	sadd.s32 $0xFFFFF600, s28  }
0x3f: {  	[tilespmem:s19], [sflag:$0x1] =	stream.linear.gather [hbm4b:s31+s3], $0x5000, $0x38;
	[tilespmem:$0x1E200] =	vst v63  }
0x40: {  	_ =	swait.ge [sflag:s24], $0xA0  }
0x41: {  	[sflag:s24] =	ssyncset.done $0x0  }
0x42: {  	[sflag:s24] =	ssyncadd.s32 $0xFFFFFF60  }
0x43: {  	_ =	swait.ge [sflag:s24], $0x5000  }
0x44: {  	p0 =	seq.s32 s29, $0x988;
	[sflag:s24] =	ssyncset.done $0x0  }
.Ltmp2:
0x45: {  	[sflag:s24] =	ssyncadd.s32 $0xFFFFB000;
	(pc) =	sbr.rel @p0 .LBB2_4-.Ltmp2, $4  }
0x46: {  	[spmem:s2] =	stream.indirect.scatter.add.f32 [tilespmem:s21], [sflag:$0x3], $0x80, s20, s23, $0xb8;
	[tilespmem:$0x1E200] =	vst v63  }
0x47: {  	_ =	swait.ge [sflag:s17], $0x5000  }
0x48: {  	[sflag:s17] =	ssyncset.done $0x0  }
0x49: {  	[sflag:s17] =	ssyncadd.s32 $0xFFFFB000  }
.Ltmp3:
0x4a: {  	s30 =	sadd.s32 s29, s14;
	(pc) =	sbr.rel .LBB2_2-.Ltmp3, $4  }
0x4b: {  	[tilespmem:s20], [sflag:$0x2] =	stream.linear.gather [hbm4b:s30+s3], $0xA0, $0x38;
	[tilespmem:$0x1E200] =	vst v63  }
0x4c: {  	_ = 	snop  }
0x4d: {  	[tilespmem:s21], [sflag:$0x2] =	stream.linear.gather [hbm4b:s28+s3], $0x5000, $0x38;
	[tilespmem:$0x1E200] =	vst v63  }
0x4e: {  	s29 =	sadd.s32 $0x28, s29;
	s26 =	sadd.s32 $0x140, s26;
	s28 =	sadd.s32 $0x1400, s28  }
.LBB2_5:
0x4f: {  	_ =	sfence.sel $0x180000  }
0x50: {  	[bflag:$0x0] =	sbarrier.arrive $0xFFFF  }
0x51: {  	p0 =	sne.s32 s1, $0x0;
	_ =	strace $0x90000050  }
0x52: {  	s0 =	sadd.s32 @!p0 $0x100000, s0;
	[bflag:$0x2] =	sbarrier.arrive $0xFFFF  }
0x53: {  	[sflag:s0] =	ssyncadd.tile.s32 @!p0 $0x1;
	_ =	shalt  }
.Lfunc_end2:
_tile_overlayer_lowered:
.L_overlay_start_2:
0x54: {  	(tag) =	ssettag $0x2  }
0x55: {  	s0 =	rddreg [dreg:$0x0];
	s2 =	stileid.u32  }
0x56: {  	s1 =	rddreg [dreg:$0x1];
	p0 =	sne.s32 s2, $0x0  }
0x57: {  	s3 =	rddreg [dreg:$0x2];
	[bflag:$0x3] =	sbarrier.arrive $0xFFFF;
	s2 =	simm.s32 @!p0 $0x1C03  }
0x58: {  	[timem:s3], [sflag:s2] =	dma.local @!p0 [hbm:s0], s1  }
0x59: {  	s0 =	simm.s32 @!p0 $0x3  }
0x5a: {  	_ =	swait.ge @!p0 [sflag:s0], s1  }
0x5b: {  	s1 =	ssub.s32 @!p0 $0x0, s1;
	[sflag:s0] =	ssyncset.done @!p0 $0x0  }
0x5c: {  	[sflag:s0] =	ssyncadd.s32 @!p0 s1  }
0x5d: {  	[bflag:$0x3] =	sbarrier.arrive $0xFFFF  }
0x5e: {  	_ =	shalt  }

// kernel: kernel.29.cloned.1.call-start
scs
__scs_entry_jumppad:
0x0: {  	(pc) =	sbr.rel $0x88, $3  }
0x1: {  	(tag) =	ssettag $0x0;
	lr =	simm.s32 $0x1  }
0x2: {  	[smem:$0x3F91] =	sst lr;
	_ =	strace $0xD0000000  }
0x3: {  	_ = 	snop  }
0x4: {  	_ = 	snop  }
0x5: {  	_ = 	snop  }
0x6: {  	_ = 	snop  }
0x7: {  	_ = 	snop  }
__scs_overlays_trampoline_lowered:
0x8: {  	[smem:$0x3FA0] =	sst s0  }
0x9: {  	[smem:$0x3FA1] =	sst s1  }
0xa: {  	[smem:$0x3FA2] =	sst s2  }
0xb: {  	[smem:$0x3FA3] =	sst s3  }
0xc: {  	[smem:$0x3FA4] =	sst s4  }
0xd: {  	[smem:$0x3FA5] =	sst s5  }
0xe: {  	[smem:$0x3FA6] =	sst s6  }
0xf: {  	[smem:$0x3FA7] =	sst s7  }
0x10: {  	[smem:$0x3FA8] =	sst s8  }
0x11: {  	[smem:$0x3FA9] =	sst s9;
	s0 =	simm.s32 @!p0 $0x0  }
0x12: {  	s1 =	sld [smem:$0x3F8F];
	s0 =	simm.s32 @p0 $0x1  }
0x13: {  	[smem:$0x3FAA] =	sst s0;
	s0 =	simm.s32 @!p1 $0x0  }
0x14: {  	s2 =	sld [smem:$0x3F8E];
	s0 =	simm.s32 @p1 $0x1  }
0x15: {  	[smem:$0x3FAB] =	sst s0;
	s0 =	simm.s32 @!p2 $0x0  }
0x16: {  	s3 =	sld [smem:$0x3FDB];
	s0 =	simm.s32 @p2 $0x1  }
0x17: {  	s4 =	simm.s32 $0x1BF5;
	[smem:$0x3FAD] =	sst s0  }
0x18: {  	s0 =	sld [smem:$0x3F90];
	_ =	swait.ge [sflag:s4], $0x0  }
0x19: {  	s7 =	sld [smem:$0x3F91]  }
0x1a: {  	s8 =	sadd.s32 $0xFFFFE003, lr  }
0x1b: {  	s9 =	sadd.s32 $0xFFFFFEF7, lr;
	s5 =	simm.s32 $0xFFFFFFFF;
	p2 =	slt.u32 s8, $0xFFFFF086  }
0x1c: {  	p1 =	slt.u32 s9, $0xF7A;
	s5 =	simm.s32 @!p2 $0x0  }
0x1d: {  	s5 =	simm.s32 @p1 $0x1;
	p0 =	seq.s32 s7, s2  }
0x1e: {  	s7 =	smul.u32 @!p0 $0xF7A, s2;
	p2 =	seq.s32 @!p0 s5, $0x0  }
0x1f: {  	s9 =	smul.u32 $0xF7A, s1;
	s8 =	simm.s32 @!p0 $0x1BF5;
	p2 =	por !p2, p0  }
0x20: {  	[sflag:s8] =	ssyncset.s32 @!p0 $0xFFFFF086;
	s6 =	sadd.s32 @!p0 s3, s7;
	s7 =	simm.s32 @!p0 $0x108  }
0x21: {  	s3 =	sadd.s32 s3, s9;
	s6 =	sadd.s32 @!p0 $0x88, s6;
	s7 =	simm.s32 @p2 $0x1082  }
0x22: {  	[simem:s7], [sflag:s8] =	dma.local @!p0 [hbm:s6], $0xF7A  }
0x23: {  	s9 =	sor.u32 $0xD0000000, s2;
	s6 =	simm.s32 $0x108;
	_ =	swait.ge @!p0 [sflag:s8], $0x0  }
0x24: {  	s3 =	sadd.s32 $0x88, s3;
	s6 =	simm.s32 @!p1 $0x1082;
	[sflag:s4] =	ssyncset.s32 $0xFFFFF086  }
0x25: {  	[simem:s6], [sflag:s4] =	dma.local [hbm:s3], $0xF7A  }
0x26: {  	[smem:$0x3F91] =	sst s1;
	(tag) =	ssettag s2;
	_ =	strace s9  }
0x27: {  	s1 =	sld [smem:$0x3FA1]  }
0x28: {  	s2 =	sld [smem:$0x3FA2]  }
0x29: {  	s4 =	sld [smem:$0x3FA4]  }
0x2a: {  	p0 =	seq.s32 s5, $0x0;
	s5 =	sld [smem:$0x3FA5]  }
0x2b: {  	s6 =	sld [smem:$0x3FA6]  }
0x2c: {  	s7 =	sld [smem:$0x3FA7]  }
0x2d: {  	s3 =	simm.s32 $0x108;
	s8 =	sld [smem:$0x3FA8]  }
0x2e: {  	s3 =	simm.s32 @!p0 $0x1082;
	s9 =	sld [smem:$0x3FA9]  }
0x2f: {  	lr =	sadd.s32 s0, s3;
	s0 =	sld [smem:$0x3FA0]  }
0x30: {  	s3 =	sld [smem:$0x3FA3]  }
0x31: {  	[smem:$0x3FAC] =	sst s10  }
0x32: {  	s10 =	sld [smem:$0x3FAA];
	_ =	sdelay $0x3  }
0x33: {  	p0 =	seq.s32 s10, $0x1;
	s10 =	sld [smem:$0x3FAC];
	_ =	sdelay $0x3  }
0x34: {  	[smem:$0x3FAC] =	sst s10  }
0x35: {  	s10 =	sld [smem:$0x3FAB];
	_ =	sdelay $0x3  }
0x36: {  	p1 =	seq.s32 s10, $0x1;
	s10 =	sld [smem:$0x3FAC];
	_ =	sdelay $0x3  }
0x37: {  	[smem:$0x3FAC] =	sst s10  }
0x38: {  	s10 =	sld [smem:$0x3FAD]  }
0x39: {  	_ = 	snop;
	(pc) =	sbr.ind lr, $3  }
0x3a: {  	_ = 	snop  }
0x3b: {  	_ = 	snop  }
0x3c: {  	p2 =	seq.s32 s10, $0x1;
	s10 =	sld [smem:$0x3FAC]  }
0x3d: {  	_ =	shalt  }
0x3e: {  	_ =	shalt  }
0x3f: {  	_ =	shalt  }
0x40: {  	_ =	shalt  }
0x41: {  	_ =	shalt  }
0x42: {  	_ =	shalt  }
0x43: {  	_ =	shalt  }
0x44: {  	_ =	shalt  }
0x45: {  	_ =	shalt  }
0x46: {  	_ =	shalt  }
0x47: {  	_ =	shalt  }
0x48: {  	_ =	shalt  }
0x49: {  	_ =	shalt  }
0x4a: {  	_ =	shalt  }
0x4b: {  	_ =	shalt  }
0x4c: {  	_ =	shalt  }
0x4d: {  	_ =	shalt  }
0x4e: {  	_ =	shalt  }
0x4f: {  	_ =	shalt  }
0x50: {  	_ =	shalt  }
0x51: {  	_ =	shalt  }
0x52: {  	_ =	shalt  }
0x53: {  	_ =	shalt  }
0x54: {  	_ =	shalt  }
0x55: {  	_ =	shalt  }
0x56: {  	_ =	shalt  }
0x57: {  	_ =	shalt  }
0x58: {  	_ =	shalt  }
0x59: {  	_ =	shalt  }
0x5a: {  	_ =	shalt  }
0x5b: {  	_ =	shalt  }
0x5c: {  	_ =	shalt  }
0x5d: {  	_ =	shalt  }
0x5e: {  	_ =	shalt  }
0x5f: {  	_ =	shalt  }
0x60: {  	_ =	shalt  }
0x61: {  	_ =	shalt  }
0x62: {  	_ =	shalt  }
0x63: {  	_ =	shalt  }
0x64: {  	_ =	shalt  }
0x65: {  	_ =	shalt  }
0x66: {  	_ =	shalt  }
0x67: {  	_ =	shalt  }
0x68: {  	_ =	shalt  }
0x69: {  	_ =	shalt  }
0x6a: {  	_ =	shalt  }
0x6b: {  	_ =	shalt  }
0x6c: {  	_ =	shalt  }
0x6d: {  	_ =	shalt  }
0x6e: {  	_ =	shalt  }
0x6f: {  	_ =	shalt  }
0x70: {  	_ =	shalt  }
0x71: {  	_ =	shalt  }
0x72: {  	_ =	shalt  }
0x73: {  	_ =	shalt  }
0x74: {  	_ =	shalt  }
0x75: {  	_ =	shalt  }
0x76: {  	_ =	shalt  }
0x77: {  	_ =	shalt  }
0x78: {  	_ =	shalt  }
0x79: {  	_ =	shalt  }
0x7a: {  	_ =	shalt  }
0x7b: {  	_ =	shalt  }
0x7c: {  	_ =	shalt  }
0x7d: {  	_ =	shalt  }
0x7e: {  	_ =	shalt  }
0x7f: {  	_ =	shalt  }
0x80: {  	_ =	shalt  }
0x81: {  	_ =	shalt  }
0x82: {  	_ =	shalt  }
0x83: {  	_ =	shalt  }
0x84: {  	_ =	shalt  }
0x85: {  	_ =	shalt  }
0x86: {  	_ =	shalt  }
0x87: {  	_ =	shalt  }
.Lfunc_end0:
.L_simem_size_0:
called_computation.4_lowered:
.L_overlay_start_0:
0x88: {  	s2 =	sld [smem:$0x3FD9]  }
0x89: {  	s3 =	sld [smem:$0x3FFE];
	_ =	sdelay $0x1  }
0x8a: {  	s1 =	srdreg.scid  }
0x8b: {  	s0 =	sand.u32 $0x1, s1  }
0x8c: {  	s16 =	sshll.u32 s0, $0xA;
	s2 =	sadd.s32 s3, s2  }
0x8d: {  	s2 =	sadd.s32 s2, s16  }
0x8e: {  	[smem:$0x3FB8] =	sst s2  }
0x8f: {  	_ = 	snop  }
0x90: {  	(tm) =	ssettm $0x1  }
0x91: {  	s17 =	sld [smem:$0x3FFB];
	_ =	sdelay $0x3  }
0x92: {  	_ =	strace s17  }
0x93: {  	s2 =	sld [smem:$0x3FFC];
	_ =	sdelay $0x3  }
0x94: {  	_ =	strace s2  }
0x95: {  	s2 =	sld [smem:$0x3FFD];
	_ =	sdelay $0x3  }
0x96: {  	_ =	strace s2  }
0x97: {  	_ =	strace $0x8FFFFFFF  }
0x98: {  	s18 =	sld [smem:$0x3FDB];
	_ =	sdelay $0x1  }
0x99: {  	s19 =	simm.s32 $_scs_section_size  }
0x9a: {  	s4 =	simm.s32 $_size__tile_overlayer_lowered;
	s5 =	simm.s32 $_tile_overlayer_lowered  }
0x9b: {  	s22 =	simm.s32 $0x1BFF;
	s21 =	sshll.u32 s5, $0x1;
	s2 =	sadd.s32 s19, s18  }
0x9c: {  	s6 =	simm.s32 $0x0;
	s20 =	sshll.u32 s4, $0x1;
	s4 =	sadd.s32 s21, s2  }
0x9d: {  	[timem:s6], [sflag:s22] =	dma.local [hbm:s4], s20  }
0x9e: {  	_ =	swait.ge [sflag:s22], s20  }
0x9f: {  	s3 =	ssub.s32 $0x0, s20;
	[sflag:s22] =	ssyncset.done $0x0  }
0xa0: {  	[sflag:s22] =	ssyncadd.s32 s3;
	_ =	sdelay $0x1  }
0xa1: {  	s23 =	simm.s32 $0x1B8B  }
0xa2: {  	_ =	swait.ge [sflag:s23], $0x1  }
0xa3: {  	[sflag:s23] =	ssyncset.done $0x0  }
0xa4: {  	s25 =	simm.s32 $0x1B8E;
	s24 =	sld [smem:$0x3FFE];
	[sflag:s23] =	ssyncadd.s32 $0xFFFFFFFF  }
0xa5: {  	s26 =	simm.s32 $execute0_lowered;
	[smem:$0x3FD2] =	sst s25  }
0xa6: {  	s4 =	sshll.u32 s26, $0x1;
	_ =	strace $0x80000052;
	[dreg:$0x1] =	wrdreg $0xFFFFFFFF  }
0xa7: {  	s28 =	simm.s32 $_size_execute0_lowered;
	s2 =	sadd.s32 s2, s4;
	[dreg:$0x0] =	wrdreg $0x0  }
0xa8: {  	s4 =	sshll.u32 s28, $0x1;
	[dreg:$0x2] =	wrdreg s2  }
0xa9: {  	[dreg:$0x3] =	wrdreg s4  }
0xaa: {  	[dreg:$0x4] =	wrdreg $0xC0  }
0xab: {  	_ =	task [dreg:s6], $0x5FFFF  }
0xac: {  	[dreg:$0x1] =	wrdreg $0xFFFFFFFF  }
0xad: {  	[dreg:$0x0] =	wrdreg $0x60  }
0xae: {  	[dreg:$0x2] =	wrdreg s24  }
0xaf: {  	[dreg:$0x3] =	wrdreg $0x0  }
0xb0: {  	[dreg:$0x4] =	wrdreg $0x9  }
0xb1: {  	_ =	task.clear_ibuf [dreg:s6], $0x5FFFF;
	_ =	strace $0x90000052  }
0xb2: {  	s29 =	simm.s32 $0x9;
	_ =	strace $0x80000054  }
0xb3: {  	_ =	swait.ge [sflag:s29], $0x1  }
0xb4: {  	[sflag:s29] =	ssyncadd.s32 $0xFFFFFFFF  }
0xb5: {  	_ =	strace $0x90000054  }
0xb6: {  	_ =	sfence  }
0xb7: {  	s30 =	sld [smem:$0x0];
	_ =	sdelay $0x2  }
0xb8: {  	s31 =	sshll.u32 s1, $0xD;
	s1 =	sshrl.u32 s1, $0x2  }
0xb9: {  	s3 =	sand.u32 $0x4000, s31;
	s1 =	sadd.s32 s1, s30  }
0xba: {  	s0 =	sor.u32 s3, s0;
	s1 =	sshll.u32 s1, $0x11  }
0xbb: {  	s0 =	sor.u32 s1, s0  }
0xbc: {  	s0 =	sadd.s32 $0x8F2B, s0  }
0xbd: {  	[sflag:s0] =	ssyncadd.remote.s32 $0x1  }
0xbe: {  	_ =	sfence.sel $0xFFFF  }
0xbf: {  	[dreg:$0x0] =	wrdreg $0xFFFFFFFF;
	(pc) =	sbr.abs _section_cstart, $3  }
0xc0: {  	[dreg:$0x1] =	wrdreg $0xFFFFFFFF  }
0xc1: {  	_ =	task.clear_ibuf [dreg:s6], $0x2FFFF;
	_ =	strace $0x9FFFFFFF  }
0xc2: {  	(tm) =	ssettm $0x7FFFFFFF  }
0xc3: {  	_ =	shalt  }
tec
execute0_lowered:
.L_overlay_start_1:
0x0: {  	(tag) =	ssettag $0x1  }
0x1: {  	s0 =	rddreg [dreg:$0x0]  }
0x2: {  	s2 =	rddreg [dreg:$0x1];
	s3 =	simm.s32 $0x0;
	s1 =	srdreg.scid  }
0x3: {  	s17 =	stileid.u32;
	s28 =	simm.s32 $0x1;
	s29 =	simm.s32 $0x4  }
0x4: {  	s30 =	simm.s32 $0x5;
	s31 =	simm.s32 $0x0;
	[smem:$0x7FF] =	sst s3  }
0x5: {  	s1 =	sand.u32 $0x1, s1;
	s4 =	sshll.u32 s17, $0x1;
	s18 =	smul.u32 $0x9C400, s17  }
0x6: {  	s9 =	sadd.s32 $0x2CC00, s0;
	s10 =	sadd.s32 $0xCC000, s0;
	s15 =	smul.u32 $0x9C40, s17  }
0x7: {  	s26 =	sshll.u32 s17, $0x6;
	s7 =	sor.u32 s1, s4;
	s21 =	smul.u32 $0x4E200, s1  }
0x8: {  	_ =	strace $0x80000053;
	s5 =	ssub.s32 $0x2, s1;
	s8 =	smul.u32 $0x4E20, s7  }
0x9: {  	s4 =	sadd.s32 $0x7C000, s0;
	s6 =	sshrl.u32 s5, $0x1;
	s13 =	smul.u32 $0x4E200, s7  }
0xa: {  	s22 =	sadd.s32 s18, s10;
	s18 =	sor.u32 $0x1C06, s26;
	s26 =	simm.s32 $0x2  }
0xb: {  	s11 =	ssub.s32 s5, s6;
	s6 =	sadd.s32 $0xA4000, s0;
	s14 =	sadd.s32 $0xA0, s8  }
0xc: {  	s8 =	sshrl.u32 s8, $0x3;
	s11 =	smax.u32 s11, $0x1;
	s12 =	sshrl.u32 s14, $0x3  }
0xd: {  	s7 =	sadd.s32 s9, s8;
	[dreg:$0x4] =	wrdreg s11;
	s16 =	sadd.s32 s9, s12  }
0xe: {  	s11 =	sadd.s32 s10, s13;
	s19 =	sadd.s32 $0x28, s7;
	[dreg:$0x3] =	wrdreg s16  }
0xf: {  	s0 =	sshll.u32 s14, $0x4;
	s20 =	sadd.s32 $0x3C, s7;
	[dreg:$0x5] =	wrdreg s19  }
0x10: {  	s0 =	sadd.s32 s10, s0;
	s16 =	smul.u32 $0x4E20, s1;
	[dreg:$0x6] =	wrdreg s20  }
0x11: {  	s5 =	smul.u32 $0x280, s17;
	s14 =	sadd.s32 $0x4D800, s11;
	[dreg:$0x7] =	wrdreg s0  }
0x12: {  	s19 =	simm.s32 $0x6;
	s20 =	simm.s32 $0x19200;
	s23 =	sadd.s32 s16, s15  }
0x13: {  	s15 =	sadd.s32 s21, s22;
	s21 =	simm.s32 $0xA0;
	s22 =	simm.s32 $0x14000  }
0x14: {  	s24 =	sadd.s32 $0x320, s23;
	s25 =	sadd.s32 $0x280, s23;
	s23 =	simm.s32 $0x14100  }
0x15: {  	s0 =	sshrl.u32 s24, $0x3;
	s1 =	sshrl.u32 s25, $0x3;
	s24 =	simm.s32 $0x14200  }
0x16: {  	v0 =	vlaneseq.u32;
	s25 =	simm.s32 $0x3;
	s16 =	sadd.s32 s0, s9;
	s17 =	sadd.s32 s1, s9  }
.LBB2_1:
0x17: {  	s0 =	smov.u32 s5;
	s1 =	simm.s32 $0x0  }
.LBB2_2:
0x18: {  	s8 =	smul.u32 $0xA0, s1;
	_ =	sdelay $0x1  }
0x19: {  	s8 =	sadd.s32 s5, s8  }
0x1a: {  	s9 =	sshll.u32 s8, $0x7  }
0x1b: {  	s9 =	sand.u32 $0x3FFFFF80, s9  }
0x1c: {  	s8 =	sshll.u32 s8, $0x4;
	s9 =	sadd.s32 s9, s2  }
0x1d: {  	s10 =	sadd.s32 s4, s8;
	s9 =	sshrl.u32 s9, $0x3  }
0x1e: {  	[spmem:s9], [sflag:s18] =	dma.local [hbm:s10], $0xA00  }
0x1f: {  	_ =	swait.ge [sflag:s19], $0xA00  }
0x20: {  	[sflag:s19] =	ssyncset.done $0x0  }
0x21: {  	s13 =	simm.s32 $0x0;
	s8 =	sadd.s32 s8, s6;
	[sflag:s19] =	ssyncadd.s32 $0xFFFFF600  }
0x22: {  	[tilespmem:s20], [sflag:$0x6] =	stream.linear.gather [hbm4b:s8+s13], $0x5000, $0x38;
	[tilespmem:$0x1E200] =	vst v63  }
0x23: {  	_ =	swait.ge [sflag:s19], $0x5000  }
0x24: {  	s10 =	simm.s32 $0x0;
	[sflag:s19] =	ssyncset.done $0x0  }
0x25: {  	v1 =	vor.u32 s0, v0;
	s9 =	smov.u32 s0;
	s8 =	simm.s32 $0x40;
	[sflag:s19] =	ssyncadd.s32 $0xFFFFB000  }
.LBB2_3:
0x26: {  	p0 =	sne.s32 s8, $0x240  }
0x27: {  	[tilespmem:s10+$0x14000] =	vst v1;
	s9 =	sadd.s32 $0x10, s9;
	s10 =	smov.u32 s8;
	s8 =	sadd.s32 $0x40, s8  }
.Ltmp0:
0x28: {  	(pc) =	sbr.rel @p0 .LBB2_3-.Ltmp0, $2  }
0x29: {  	_ =	sdelay $0x2  }
0x2a: {  	v1 =	vor.u32 s9, v0;
	s10 =	sshra.s32 s10, $0x2  }
0x2b: {  	s1 =	sadd.s32 $0x1, s1  }
0x2c: {  	p0 =	sne.s32 s1, $0x4  }
.Ltmp1:
0x2d: {  	[tilespmem:s10+$0x14000] =	vst v1;
	(pc) =	sbr.rel @p0 .LBB2_2-.Ltmp1, $4  }
0x2e: {  	[spmem:s2] =	stream.indirect.scatter.add.f32 [tilespmem:s20], [sflag:$0x6], $0x80, s22, s21, $0xb8;
	[tilespmem:$0x1E200] =	vst v63  }
0x2f: {  	_ =	swait.ge [sflag:s19], $0x5000  }
0x30: {  	[sflag:s19] =	ssyncset.done $0x0  }
0x31: {  	s0 =	sadd.s32 $0xA0, s0;
	[sflag:s19] =	ssyncadd.s32 $0xFFFFB000  }
0x32: {  	[bflag:$0x0] =	sbarrier.arrive $0xFFFF;
	s0 =	simm.s32 $0x0  }
0x33: {  	[tilespmem:s22], [sflag:$0x1] =	stream.linear.gather [hbm4b:s7+s0], $0xA0, $0x38;
	[tilespmem:$0x1E200] =	vst v63  }
0x34: {  	s8 =	simm.s32 $0x1;
	s1 =	rddreg [dreg:$0x3]  }
0x35: {  	[tilespmem:s23], [sflag:$0x2] =	stream.linear.gather [hbm4b:s1+s0], $0xA0, $0x38;
	[tilespmem:$0x1E200] =	vst v63  }
0x36: {  	_ =	swait.ge [sflag:s8], $0xA0  }
0x37: {  	[sflag:s8] =	ssyncset.done $0x0  }
0x38: {  	[sflag:s8] =	ssyncadd.s32 $0xFFFFFF60  }
0x39: {  	[tilespmem:s24], [sflag:$0x3] =	stream.indirect.gather [spmem:s2], $0x80, s22, s21, $0xb8;
	[tilespmem:$0x1E200] =	vst v63  }
0x3a: {  	_ =	swait.ge [sflag:s25], $0x5000  }
0x3b: {  	[sflag:s25] =	ssyncset.done $0x0  }
0x3c: {  	s9 =	rddreg [dreg:$0x5];
	[sflag:s25] =	ssyncadd.s32 $0xFFFFB000  }
0x3d: {  	[tilespmem:s22], [sflag:$0x1] =	stream.linear.gather [hbm4b:s9+s0], $0xA0, $0x38;
	[tilespmem:$0x1E200] =	vst v63  }
0x3e: {  	_ = 	snop  }
0x3f: {  	[hbm4b:s11+s0] =	stream.linear.scatter [tilespmem:s24], [sflag:$0x4], $0x5000, $0x38;
	[tilespmem:$0x1E200] =	vst v63  }
0x40: {  	_ =	swait.ge [sflag:s26], $0xA0  }
0x41: {  	[sflag:s26] =	ssyncset.done $0x0  }
0x42: {  	[sflag:s26] =	ssyncadd.s32 $0xFFFFFF60  }
0x43: {  	[tilespmem:s20], [sflag:$0x3] =	stream.indirect.gather [spmem:s2], $0x80, s23, s21, $0xb8;
	[tilespmem:$0x1E200] =	vst v63  }
0x44: {  	_ =	swait.ge [sflag:s25], $0x5000  }
0x45: {  	[sflag:s25] =	ssyncset.done $0x0  }
0x46: {  	s10 =	rddreg [dreg:$0x6];
	[sflag:s25] =	ssyncadd.s32 $0xFFFFB000  }
0x47: {  	[tilespmem:s23], [sflag:$0x2] =	stream.linear.gather [hbm4b:s10+s0], $0xA0, $0x38;
	[tilespmem:$0x1E200] =	vst v63  }
0x48: {  	s12 =	rddreg [dreg:$0x7]  }
0x49: {  	[hbm4b:s12+s0] =	stream.linear.scatter [tilespmem:s20], [sflag:$0x5], $0x5000, $0x38;
	[tilespmem:$0x1E200] =	vst v63  }
0x4a: {  	_ =	swait.ge [sflag:s28], $0xA0  }
0x4b: {  	[sflag:s28] =	ssyncset.done $0x0  }
0x4c: {  	[sflag:s28] =	ssyncadd.s32 $0xFFFFFF60  }
0x4d: {  	_ =	swait.ge [sflag:s29], $0x5000  }
0x4e: {  	[sflag:s29] =	ssyncset.done $0x0  }
0x4f: {  	[sflag:s29] =	ssyncadd.s32 $0xFFFFB000  }
0x50: {  	[tilespmem:s24], [sflag:$0x3] =	stream.indirect.gather [spmem:s2], $0x80, s22, s21, $0xb8;
	[tilespmem:$0x1E200] =	vst v63  }
0x51: {  	_ =	swait.ge [sflag:s25], $0x5000  }
0x52: {  	[sflag:s25] =	ssyncset.done $0x0  }
0x53: {  	s8 =	sadd.s32 $0x0, s15;
	[sflag:s25] =	ssyncadd.s32 $0xFFFFB000  }
0x54: {  	[tilespmem:s22], [sflag:$0x1] =	stream.linear.gather [hbm4b:s17+s3], $0xA0, $0x38;
	[tilespmem:$0x1E200] =	vst v63  }
0x55: {  	s13 =	sadd.s32 $0x1400, s8  }
0x56: {  	[hbm4b:s13+s3] =	stream.linear.scatter [tilespmem:s24], [sflag:$0x4], $0x5000, $0x38;
	[tilespmem:$0x1E200] =	vst v63  }
0x57: {  	_ =	swait.ge [sflag:s26], $0xA0  }
0x58: {  	[sflag:s26] =	ssyncset.done $0x0  }
0x59: {  	[sflag:s26] =	ssyncadd.s32 $0xFFFFFF60  }
0x5a: {  	_ =	swait.ge [sflag:s30], $0x5000  }
0x5b: {  	[sflag:s30] =	ssyncset.done $0x0  }
0x5c: {  	[sflag:s30] =	ssyncadd.s32 $0xFFFFB000  }
0x5d: {  	[tilespmem:s20], [sflag:$0x3] =	stream.indirect.gather [spmem:s2], $0x80, s23, s21, $0xb8;
	[tilespmem:$0x1E200] =	vst v63  }
0x5e: {  	p0 =	por $0x0, $0x0;
	_ =	swait.ge [sflag:s25], $0x5000  }
0x5f: {  	s1 =	simm.s32 @!p0 $0x14100;
	s9 =	sadd.s32 $0x28, s16;
	[sflag:s25] =	ssyncset.done $0x0  }
0x60: {  	s10 =	sadd.s32 $0x1E00, s8;
	s0 =	simm.s32 @!p0 $0x0;
	[sflag:s25] =	ssyncadd.s32 $0xFFFFB000  }
0x61: {  	[tilespmem:s1], [sflag:$0x2] =	stream.linear.gather @!p0 [hbm4b:s16+s0], $0xA0, $0x38;
	[tilespmem:$0x1E200] =	vst v63  }
0x62: {  	s8 =	simm.s32 $0x2;
	s0 =	simm.s32 $0x1400;
	s1 =	sadd.s32 $0x28, s17  }
.LBB2_6:
0x63: {  	[hbm4b:s10+s3] =	stream.linear.scatter [tilespmem:s20], [sflag:$0x5], $0x5000, $0x38;
	[tilespmem:$0x1E200] =	vst v63  }
0x64: {  	s10 =	smov.u32 s0;
	s0 =	sadd.s32 $0x1400, s0;
	_ =	swait.ge [sflag:s28], $0xA0  }
0x65: {  	p0 =	sne.s32 s0, $0x4C400;
	[sflag:s28] =	ssyncset.done $0x0  }
0x66: {  	[sflag:s28] =	ssyncadd.s32 $0xFFFFFF60  }
0x67: {  	_ =	swait.ge [sflag:s29], $0x5000  }
0x68: {  	[sflag:s29] =	ssyncset.done $0x0  }
0x69: {  	[sflag:s29] =	ssyncadd.s32 $0xFFFFB000  }
0x6a: {  	[tilespmem:s24], [sflag:$0x3] =	stream.indirect.gather [spmem:s2], $0x80, s22, s21, $0xb8;
	[tilespmem:$0x1E200] =	vst v63  }
0x6b: {  	_ =	swait.ge [sflag:s25], $0x5000  }
0x6c: {  	[sflag:s25] =	ssyncset.done $0x0  }
0x6d: {  	s10 =	sadd.s32 s10, s15;
	[sflag:s25] =	ssyncadd.s32 $0xFFFFB000  }
0x6e: {  	[tilespmem:s22], [sflag:$0x1] =	stream.linear.gather [hbm4b:s1+s3], $0xA0, $0x38;
	[tilespmem:$0x1E200] =	vst v63  }
0x6f: {  	s12 =	sadd.s32 $0x1400, s10  }
0x70: {  	[hbm4b:s12+s3] =	stream.linear.scatter [tilespmem:s24], [sflag:$0x4], $0x5000, $0x38;
	[tilespmem:$0x1E200] =	vst v63  }
0x71: {  	_ =	swait.ge [sflag:s26], $0xA0  }
0x72: {  	[sflag:s26] =	ssyncset.done $0x0  }
0x73: {  	[sflag:s26] =	ssyncadd.s32 $0xFFFFFF60  }
0x74: {  	_ =	swait.ge [sflag:s30], $0x5000  }
0x75: {  	[sflag:s30] =	ssyncset.done $0x0  }
0x76: {  	[sflag:s30] =	ssyncadd.s32 $0xFFFFB000  }
0x77: {  	[tilespmem:s20], [sflag:$0x3] =	stream.indirect.gather [spmem:s2], $0x80, s23, s21, $0xb8;
	[tilespmem:$0x1E200] =	vst v63  }
.Ltmp2:
0x78: {  	_ =	swait.ge [sflag:s25], $0x5000;
	(pc) =	sbr.rel @p0 .LBB2_6-.Ltmp2, $4  }
0x79: {  	p1 =	sgt.u32 s8, $0x3C;
	s1 =	sadd.s32 $0x28, s1;
	[sflag:s25] =	ssyncset.done $0x0  }
0x7a: {  	s13 =	simm.s32 @!p1 $0x14100;
	s12 =	simm.s32 @!p1 $0x0;
	[sflag:s25] =	ssyncadd.s32 $0xFFFFB000  }
0x7b: {  	[tilespmem:s13], [sflag:$0x2] =	stream.linear.gather @!p1 [hbm4b:s9+s12], $0xA0, $0x38;
	[tilespmem:$0x1E200] =	vst v63  }
0x7c: {  	s8 =	sadd.s32 $0x1, s8;
	s10 =	sadd.s32 $0x1E00, s10;
	s9 =	sadd.s32 $0x28, s9  }
0x7d: {  	[hbm4b:s10+s3] =	stream.linear.scatter [tilespmem:s20], [sflag:$0x5], $0x5000, $0x38;
	[tilespmem:$0x1E200] =	vst v63  }
0x7e: {  	_ =	swait.ge [sflag:s28], $0xA0  }
0x7f: {  	[sflag:s28] =	ssyncset.done $0x0  }
0x80: {  	[sflag:s28] =	ssyncadd.s32 $0xFFFFFF60  }
0x81: {  	_ =	swait.ge [sflag:s29], $0x5000  }
0x82: {  	[sflag:s29] =	ssyncset.done $0x0  }
0x83: {  	[sflag:s29] =	ssyncadd.s32 $0xFFFFB000  }
0x84: {  	[tilespmem:s24], [sflag:$0x3] =	stream.indirect.gather [spmem:s2], $0x80, s22, s21, $0xb8;
	[tilespmem:$0x1E200] =	vst v63  }
0x85: {  	_ =	swait.ge [sflag:s25], $0x5000  }
0x86: {  	[sflag:s25] =	ssyncset.done $0x0  }
0x87: {  	[sflag:s25] =	ssyncadd.s32 $0xFFFFB000  }
0x88: {  	[hbm4b:s14+s3] =	stream.linear.scatter [tilespmem:s24], [sflag:$0x4], $0x5000, $0x38;
	[tilespmem:$0x1E200] =	vst v63  }
0x89: {  	_ =	swait.ge [sflag:s29], $0x5000  }
0x8a: {  	[sflag:s29] =	ssyncset.done $0x0  }
0x8b: {  	[sflag:s29] =	ssyncadd.s32 $0xFFFFB000  }
0x8c: {  	_ =	swait.ge [sflag:s30], $0x5000  }
0x8d: {  	s31 =	sadd.s32 $0x1, s31;
	s0 =	rddreg [dreg:$0x4]  }
0x8e: {  	p0 =	sne.s32 s31, s0  }
.Ltmp3:
0x8f: {  	_ = 	snop;
	(pc) =	sbr.rel @p0 .LBB2_1-.Ltmp3, $3  }
0x90: {  	_ =	sdelay $0x1  }
0x91: {  	[sflag:s30] =	ssyncset.done $0x0  }
0x92: {  	[sflag:s30] =	ssyncadd.s32 $0xFFFFB000  }
0x93: {  	_ =	sfence.sel $0x180000  }
0x94: {  	[bflag:$0x0] =	sbarrier.arrive $0xFFFF  }
0x95: {  	_ =	strace $0x90000053  }
0x96: {  	s0 =	stileid.u32;
	[bflag:$0x2] =	sbarrier.arrive $0xFFFF  }
0x97: {  	p0 =	sne.s32 s0, $0x0;
	s0 =	rddreg [dreg:$0x2]  }
0x98: {  	s0 =	sadd.s32 @!p0 $0x100000, s0  }
0x99: {  	[sflag:s0] =	ssyncadd.tile.s32 @!p0 $0x1;
	_ =	shalt  }
.Lfunc_end2:
_tile_overlayer_lowered:
.L_overlay_start_2:
0x9a: {  	(tag) =	ssettag $0x2  }
0x9b: {  	s0 =	rddreg [dreg:$0x0];
	s2 =	stileid.u32  }
0x9c: {  	s1 =	rddreg [dreg:$0x1];
	p0 =	sne.s32 s2, $0x0  }
0x9d: {  	s3 =	rddreg [dreg:$0x2];
	[bflag:$0x3] =	sbarrier.arrive $0xFFFF;
	s2 =	simm.s32 @!p0 $0x1C06  }
0x9e: {  	[timem:s3], [sflag:s2] =	dma.local @!p0 [hbm:s0], s1  }
0x9f: {  	s0 =	simm.s32 @!p0 $0x6  }
0xa0: {  	_ =	swait.ge @!p0 [sflag:s0], s1  }
0xa1: {  	s1 =	ssub.s32 @!p0 $0x0, s1;
	[sflag:s0] =	ssyncset.done @!p0 $0x0  }
0xa2: {  	[sflag:s0] =	ssyncadd.s32 @!p0 s1  }
0xa3: {  	[bflag:$0x3] =	sbarrier.arrive $0xFFFF  }
0xa4: {  	_ =	shalt  }

// kernel: kernel.32.cloned.1.call-start
scs
__scs_entry_jumppad:
0x0: {  	(pc) =	sbr.rel $0x88, $3  }
0x1: {  	(tag) =	ssettag $0x0;
	lr =	simm.s32 $0x1  }
0x2: {  	[smem:$0x3F91] =	sst lr;
	_ =	strace $0xD0000000  }
0x3: {  	_ = 	snop  }
0x4: {  	_ = 	snop  }
0x5: {  	_ = 	snop  }
0x6: {  	_ = 	snop  }
0x7: {  	_ = 	snop  }
__scs_overlays_trampoline_lowered:
0x8: {  	[smem:$0x3FA0] =	sst s0  }
0x9: {  	[smem:$0x3FA1] =	sst s1  }
0xa: {  	[smem:$0x3FA2] =	sst s2  }
0xb: {  	[smem:$0x3FA3] =	sst s3  }
0xc: {  	[smem:$0x3FA4] =	sst s4  }
0xd: {  	[smem:$0x3FA5] =	sst s5  }
0xe: {  	[smem:$0x3FA6] =	sst s6  }
0xf: {  	[smem:$0x3FA7] =	sst s7  }
0x10: {  	[smem:$0x3FA8] =	sst s8  }
0x11: {  	[smem:$0x3FA9] =	sst s9;
	s0 =	simm.s32 @!p0 $0x0  }
0x12: {  	s1 =	sld [smem:$0x3F8F];
	s0 =	simm.s32 @p0 $0x1  }
0x13: {  	[smem:$0x3FAA] =	sst s0;
	s0 =	simm.s32 @!p1 $0x0  }
0x14: {  	s2 =	sld [smem:$0x3F8E];
	s0 =	simm.s32 @p1 $0x1  }
0x15: {  	[smem:$0x3FAB] =	sst s0;
	s0 =	simm.s32 @!p2 $0x0  }
0x16: {  	s3 =	sld [smem:$0x3FDB];
	s0 =	simm.s32 @p2 $0x1  }
0x17: {  	s4 =	simm.s32 $0x1BF5;
	[smem:$0x3FAD] =	sst s0  }
0x18: {  	s0 =	sld [smem:$0x3F90];
	_ =	swait.ge [sflag:s4], $0x0  }
0x19: {  	s7 =	sld [smem:$0x3F91]  }
0x1a: {  	s8 =	sadd.s32 $0xFFFFE003, lr  }
0x1b: {  	s9 =	sadd.s32 $0xFFFFFEF7, lr;
	s5 =	simm.s32 $0xFFFFFFFF;
	p2 =	slt.u32 s8, $0xFFFFF086  }
0x1c: {  	p1 =	slt.u32 s9, $0xF7A;
	s5 =	simm.s32 @!p2 $0x0  }
0x1d: {  	s5 =	simm.s32 @p1 $0x1;
	p0 =	seq.s32 s7, s2  }
0x1e: {  	s7 =	smul.u32 @!p0 $0xF7A, s2;
	p2 =	seq.s32 @!p0 s5, $0x0  }
0x1f: {  	s9 =	smul.u32 $0xF7A, s1;
	s8 =	simm.s32 @!p0 $0x1BF5;
	p2 =	por !p2, p0  }
0x20: {  	[sflag:s8] =	ssyncset.s32 @!p0 $0xFFFFF086;
	s6 =	sadd.s32 @!p0 s3, s7;
	s7 =	simm.s32 @!p0 $0x108  }
0x21: {  	s3 =	sadd.s32 s3, s9;
	s6 =	sadd.s32 @!p0 $0x88, s6;
	s7 =	simm.s32 @p2 $0x1082  }
0x22: {  	[simem:s7], [sflag:s8] =	dma.local @!p0 [hbm:s6], $0xF7A  }
0x23: {  	s9 =	sor.u32 $0xD0000000, s2;
	s6 =	simm.s32 $0x108;
	_ =	swait.ge @!p0 [sflag:s8], $0x0  }
0x24: {  	s3 =	sadd.s32 $0x88, s3;
	s6 =	simm.s32 @!p1 $0x1082;
	[sflag:s4] =	ssyncset.s32 $0xFFFFF086  }
0x25: {  	[simem:s6], [sflag:s4] =	dma.local [hbm:s3], $0xF7A  }
0x26: {  	[smem:$0x3F91] =	sst s1;
	(tag) =	ssettag s2;
	_ =	strace s9  }
0x27: {  	s1 =	sld [smem:$0x3FA1]  }
0x28: {  	s2 =	sld [smem:$0x3FA2]  }
0x29: {  	s4 =	sld [smem:$0x3FA4]  }
0x2a: {  	p0 =	seq.s32 s5, $0x0;
	s5 =	sld [smem:$0x3FA5]  }
0x2b: {  	s6 =	sld [smem:$0x3FA6]  }
0x2c: {  	s7 =	sld [smem:$0x3FA7]  }
0x2d: {  	s3 =	simm.s32 $0x108;
	s8 =	sld [smem:$0x3FA8]  }
0x2e: {  	s3 =	simm.s32 @!p0 $0x1082;
	s9 =	sld [smem:$0x3FA9]  }
0x2f: {  	lr =	sadd.s32 s0, s3;
	s0 =	sld [smem:$0x3FA0]  }
0x30: {  	s3 =	sld [smem:$0x3FA3]  }
0x31: {  	[smem:$0x3FAC] =	sst s10  }
0x32: {  	s10 =	sld [smem:$0x3FAA];
	_ =	sdelay $0x3  }
0x33: {  	p0 =	seq.s32 s10, $0x1;
	s10 =	sld [smem:$0x3FAC];
	_ =	sdelay $0x3  }
0x34: {  	[smem:$0x3FAC] =	sst s10  }
0x35: {  	s10 =	sld [smem:$0x3FAB];
	_ =	sdelay $0x3  }
0x36: {  	p1 =	seq.s32 s10, $0x1;
	s10 =	sld [smem:$0x3FAC];
	_ =	sdelay $0x3  }
0x37: {  	[smem:$0x3FAC] =	sst s10  }
0x38: {  	s10 =	sld [smem:$0x3FAD]  }
0x39: {  	_ = 	snop;
	(pc) =	sbr.ind lr, $3  }
0x3a: {  	_ = 	snop  }
0x3b: {  	_ = 	snop  }
0x3c: {  	p2 =	seq.s32 s10, $0x1;
	s10 =	sld [smem:$0x3FAC]  }
0x3d: {  	_ =	shalt  }
0x3e: {  	_ =	shalt  }
0x3f: {  	_ =	shalt  }
0x40: {  	_ =	shalt  }
0x41: {  	_ =	shalt  }
0x42: {  	_ =	shalt  }
0x43: {  	_ =	shalt  }
0x44: {  	_ =	shalt  }
0x45: {  	_ =	shalt  }
0x46: {  	_ =	shalt  }
0x47: {  	_ =	shalt  }
0x48: {  	_ =	shalt  }
0x49: {  	_ =	shalt  }
0x4a: {  	_ =	shalt  }
0x4b: {  	_ =	shalt  }
0x4c: {  	_ =	shalt  }
0x4d: {  	_ =	shalt  }
0x4e: {  	_ =	shalt  }
0x4f: {  	_ =	shalt  }
0x50: {  	_ =	shalt  }
0x51: {  	_ =	shalt  }
0x52: {  	_ =	shalt  }
0x53: {  	_ =	shalt  }
0x54: {  	_ =	shalt  }
0x55: {  	_ =	shalt  }
0x56: {  	_ =	shalt  }
0x57: {  	_ =	shalt  }
0x58: {  	_ =	shalt  }
0x59: {  	_ =	shalt  }
0x5a: {  	_ =	shalt  }
0x5b: {  	_ =	shalt  }
0x5c: {  	_ =	shalt  }
0x5d: {  	_ =	shalt  }
0x5e: {  	_ =	shalt  }
0x5f: {  	_ =	shalt  }
0x60: {  	_ =	shalt  }
0x61: {  	_ =	shalt  }
0x62: {  	_ =	shalt  }
0x63: {  	_ =	shalt  }
0x64: {  	_ =	shalt  }
0x65: {  	_ =	shalt  }
0x66: {  	_ =	shalt  }
0x67: {  	_ =	shalt  }
0x68: {  	_ =	shalt  }
0x69: {  	_ =	shalt  }
0x6a: {  	_ =	shalt  }
0x6b: {  	_ =	shalt  }
0x6c: {  	_ =	shalt  }
0x6d: {  	_ =	shalt  }
0x6e: {  	_ =	shalt  }
0x6f: {  	_ =	shalt  }
0x70: {  	_ =	shalt  }
0x71: {  	_ =	shalt  }
0x72: {  	_ =	shalt  }
0x73: {  	_ =	shalt  }
0x74: {  	_ =	shalt  }
0x75: {  	_ =	shalt  }
0x76: {  	_ =	shalt  }
0x77: {  	_ =	shalt  }
0x78: {  	_ =	shalt  }
0x79: {  	_ =	shalt  }
0x7a: {  	_ =	shalt  }
0x7b: {  	_ =	shalt  }
0x7c: {  	_ =	shalt  }
0x7d: {  	_ =	shalt  }
0x7e: {  	_ =	shalt  }
0x7f: {  	_ =	shalt  }
0x80: {  	_ =	shalt  }
0x81: {  	_ =	shalt  }
0x82: {  	_ =	shalt  }
0x83: {  	_ =	shalt  }
0x84: {  	_ =	shalt  }
0x85: {  	_ =	shalt  }
0x86: {  	_ =	shalt  }
0x87: {  	_ =	shalt  }
.Lfunc_end0:
.L_simem_size_0:
called_computation.5_lowered:
.L_overlay_start_0:
0x88: {  	s2 =	sld [smem:$0x3FD9]  }
0x89: {  	s3 =	sld [smem:$0x3FFE];
	_ =	sdelay $0x1  }
0x8a: {  	s1 =	srdreg.scid  }
0x8b: {  	s0 =	sand.u32 $0x1, s1  }
0x8c: {  	s16 =	sshll.u32 s0, $0xA;
	s2 =	sadd.s32 s3, s2  }
0x8d: {  	s2 =	sadd.s32 s2, s16  }
0x8e: {  	[smem:$0x3FB8] =	sst s2  }
0x8f: {  	_ = 	snop  }
0x90: {  	(tm) =	ssettm $0x1  }
0x91: {  	s17 =	sld [smem:$0x3FFB];
	_ =	sdelay $0x3  }
0x92: {  	_ =	strace s17  }
0x93: {  	s2 =	sld [smem:$0x3FFC];
	_ =	sdelay $0x3  }
0x94: {  	_ =	strace s2  }
0x95: {  	s2 =	sld [smem:$0x3FFD];
	_ =	sdelay $0x3  }
0x96: {  	_ =	strace s2  }
0x97: {  	_ =	strace $0x8FFFFFFF  }
0x98: {  	s18 =	sld [smem:$0x3FDB];
	_ =	sdelay $0x1  }
0x99: {  	s19 =	simm.s32 $_scs_section_size  }
0x9a: {  	s4 =	simm.s32 $_size__tile_overlayer_lowered;
	s5 =	simm.s32 $_tile_overlayer_lowered  }
0x9b: {  	s22 =	simm.s32 $0x1BFF;
	s21 =	sshll.u32 s5, $0x1;
	s2 =	sadd.s32 s19, s18  }
0x9c: {  	s6 =	simm.s32 $0x0;
	s20 =	sshll.u32 s4, $0x1;
	s4 =	sadd.s32 s21, s2  }
0x9d: {  	[timem:s6], [sflag:s22] =	dma.local [hbm:s4], s20  }
0x9e: {  	_ =	swait.ge [sflag:s22], s20  }
0x9f: {  	s3 =	ssub.s32 $0x0, s20;
	[sflag:s22] =	ssyncset.done $0x0  }
0xa0: {  	[sflag:s22] =	ssyncadd.s32 s3;
	_ =	sdelay $0x1  }
0xa1: {  	s23 =	simm.s32 $0x1B8B  }
0xa2: {  	_ =	swait.ge [sflag:s23], $0x1  }
0xa3: {  	[sflag:s23] =	ssyncset.done $0x0  }
0xa4: {  	s25 =	simm.s32 $0x1B8E;
	s24 =	sld [smem:$0x3FFE];
	[sflag:s23] =	ssyncadd.s32 $0xFFFFFFFF  }
0xa5: {  	s26 =	simm.s32 $execute0_lowered;
	[smem:$0x3FD2] =	sst s25  }
0xa6: {  	s4 =	sshll.u32 s26, $0x1;
	_ =	strace $0x80000055;
	[dreg:$0x1] =	wrdreg $0xFFFFFFFF  }
0xa7: {  	s28 =	simm.s32 $_size_execute0_lowered;
	s2 =	sadd.s32 s2, s4;
	[dreg:$0x0] =	wrdreg $0x0  }
0xa8: {  	s4 =	sshll.u32 s28, $0x1;
	[dreg:$0x2] =	wrdreg s2  }
0xa9: {  	[dreg:$0x3] =	wrdreg s4  }
0xaa: {  	[dreg:$0x4] =	wrdreg $0xC0  }
0xab: {  	_ =	task [dreg:s6], $0x5FFFF  }
0xac: {  	[dreg:$0x1] =	wrdreg $0xFFFFFFFF  }
0xad: {  	[dreg:$0x0] =	wrdreg $0x60  }
0xae: {  	[dreg:$0x2] =	wrdreg s24  }
0xaf: {  	[dreg:$0x3] =	wrdreg $0x0  }
0xb0: {  	[dreg:$0x4] =	wrdreg $0x9  }
0xb1: {  	_ =	task.clear_ibuf [dreg:s6], $0x5FFFF;
	_ =	strace $0x90000055  }
0xb2: {  	s29 =	simm.s32 $0x9;
	_ =	strace $0x80000057  }
0xb3: {  	_ =	swait.ge [sflag:s29], $0x1  }
0xb4: {  	[sflag:s29] =	ssyncadd.s32 $0xFFFFFFFF  }
0xb5: {  	_ =	strace $0x90000057  }
0xb6: {  	_ =	sfence  }
0xb7: {  	s30 =	sld [smem:$0x0];
	_ =	sdelay $0x2  }
0xb8: {  	s31 =	sshll.u32 s1, $0xD;
	s1 =	sshrl.u32 s1, $0x2  }
0xb9: {  	s3 =	sand.u32 $0x4000, s31;
	s1 =	sadd.s32 s1, s30  }
0xba: {  	s0 =	sor.u32 s3, s0;
	s1 =	sshll.u32 s1, $0x11  }
0xbb: {  	s0 =	sor.u32 s1, s0  }
0xbc: {  	s0 =	sadd.s32 $0x8F2B, s0  }
0xbd: {  	[sflag:s0] =	ssyncadd.remote.s32 $0x1  }
0xbe: {  	_ =	sfence.sel $0xFFFF  }
0xbf: {  	[dreg:$0x0] =	wrdreg $0xFFFFFFFF;
	(pc) =	sbr.abs _section_cstart, $3  }
0xc0: {  	[dreg:$0x1] =	wrdreg $0xFFFFFFFF  }
0xc1: {  	_ =	task.clear_ibuf [dreg:s6], $0x2FFFF;
	_ =	strace $0x9FFFFFFF  }
0xc2: {  	(tm) =	ssettm $0x7FFFFFFF  }
0xc3: {  	_ =	shalt  }
tec
execute0_lowered:
.L_overlay_start_1:
0x0: {  	(tag) =	ssettag $0x1  }
0x1: {  	s5 =	rddreg [dreg:$0x0]  }
0x2: {  	s2 =	rddreg [dreg:$0x1];
	s1 =	stileid.u32  }
0x3: {  	s0 =	rddreg [dreg:$0x2];
	s6 =	smul.u32 $0x14000, s1  }
0x4: {  	s4 =	srdreg.scid;
	s21 =	smul.u32 $0x50000, s1  }
0x5: {  	s3 =	simm.s32 $0x0;
	s10 =	sand.u32 $0x1, s4;
	s14 =	smul.u32 $0x9C400, s1  }
0x6: {  	[smem:$0x7FF] =	sst s3;
	s11 =	sadd.s32 $0x27B4000, s5;
	s17 =	smul.u32 $0x9C40, s1  }
0x7: {  	s4 =	sadd.s32 $0x40600, s5;
	s23 =	sshll.u32 s1, $0x1;
	s7 =	smul.u32 $0x140000, s10  }
0x8: {  	s25 =	sshll.u32 s1, $0x6;
	_ =	strace $0x80000056;
	s18 =	smul.u32 $0x4E20, s10  }
0x9: {  	s22 =	ssub.s32 $0x2, s10;
	s19 =	smul.u32 $0x4E200, s10;
	s8 =	sshrl.u32 s6, $0x3  }
0xa: {  	s9 =	sshrl.u32 s22, $0x1;
	s14 =	sadd.s32 s14, s11;
	s6 =	sadd.s32 s6, s7  }
0xb: {  	s20 =	sadd.s32 s8, s5;
	s8 =	sshrl.u32 s21, $0x2;
	s13 =	ssub.s32 s22, s9  }
0xc: {  	s30 =	sadd.s32 s18, s17;
	s14 =	sadd.s32 s19, s14;
	s18 =	simm.s32 $0x14000  }
0xd: {  	s19 =	simm.s32 $0x14200;
	s21 =	simm.s32 $0x19200;
	s22 =	simm.s32 $0x1  }
0xe: {  	s6 =	sshrl.u32 s6, $0x3;
	s16 =	sadd.s32 s8, s2;
	s17 =	sadd.s32 $0x1E0, s30  }
0xf: {  	s12 =	sadd.s32 s6, s5;
	s6 =	sor.u32 s10, s23;
	s5 =	sadd.s32 $0x54000, s20  }
0x10: {  	s31 =	sshrl.u32 s17, $0x3;
	s16 =	sshrl.u32 s16, $0x3;
	s17 =	simm.s32 $0x3  }
0x11: {  	s20 =	simm.s32 $0x14100;
	s23 =	simm.s32 $0xA0;
	s24 =	smul.u32 $0x4E20, s6  }
0x12: {  	s26 =	smul.u32 $0x4E200, s6;
	s6 =	sor.u32 $0x1C03, s25;
	s25 =	simm.s32 $0x0  }
.Ltmp0:
0x13: {  	s28 =	sshrl.u32 s24, $0x3;
	s15 =	sadd.s32 $0xA0, s24;
	(pc) =	sbr.rel .LBB2_1-.Ltmp0, $4  }
0x14: {  	s8 =	sadd.s32 s11, s26;
	s24 =	simm.s32 $0x2;
	s29 =	sshrl.u32 s15, $0x3  }
0x15: {  	s7 =	sadd.s32 s4, s28;
	s15 =	sshll.u32 s15, $0x4;
	s9 =	sadd.s32 s4, s29  }
0x16: {  	s10 =	sadd.s32 s11, s15;
	s11 =	sadd.s32 $0x1DF0000, s12;
	s12 =	smax.u32 s13, $0x1  }
0x17: {  	s13 =	sadd.s32 $0x1E00, s14;
	s14 =	sadd.s32 s31, s4;
	s15 =	sadd.s32 $0x140, s30  }
.LBB2_4:
0x18: {  	_ =	swait.ge [sflag:s22], $0xA0  }
0x19: {  	[sflag:s22] =	ssyncset.done $0x0  }
0x1a: {  	[sflag:s22] =	ssyncadd.s32 $0xFFFFFF60  }
0x1b: {  	_ =	swait.ge [sflag:s22], $0x5000  }
0x1c: {  	[sflag:s22] =	ssyncset.done $0x0  }
0x1d: {  	[sflag:s22] =	ssyncadd.s32 $0xFFFFB000  }
0x1e: {  	[spmem:s2] =	stream.indirect.scatter.add.f32 [tilespmem:s19], [sflag:$0x3], $0x80, s18, s23, $0xb8;
	[tilespmem:$0x1E200] =	vst v63  }
0x1f: {  	_ =	swait.ge [sflag:s17], $0x5000  }
0x20: {  	s25 =	sadd.s32 $0x1, s25;
	[sflag:s17] =	ssyncset.done $0x0  }
0x21: {  	p0 =	sne.s32 s25, s12;
	[sflag:s17] =	ssyncadd.s32 $0xFFFFB000  }
.Ltmp1:
0x22: {  	[bflag:$0x0] =	sbarrier.arrive $0xFFFF;
	(pc) =	sbr.rel @!p0 .LBB2_5-.Ltmp1, $4  }
0x23: {  	[hbm:s11], [sflag:s6] =	dma.local [spmem:s16], $0x2800  }
0x24: {  	_ =	swait.ge [sflag:s17], $0x2800  }
0x25: {  	[sflag:s17] =	ssyncset.done $0x0  }
0x26: {  	[sflag:s17] =	ssyncadd.s32 $0xFFFFD800  }
.LBB2_1:
0x27: {  	[spmem:s16], [sflag:s6] =	dma.local [hbm:s5], $0x2800  }
0x28: {  	_ =	swait.ge [sflag:s17], $0x2800  }
0x29: {  	[sflag:s17] =	ssyncset.done $0x0  }
0x2a: {  	[sflag:s17] =	ssyncadd.s32 $0xFFFFD800  }
0x2b: {  	[bflag:$0x0] =	sbarrier.arrive $0xFFFF  }
0x2c: {  	[tilespmem:s18], [sflag:$0x1] =	stream.linear.gather [hbm4b:s7+s3], $0xA0, $0x38;
	[tilespmem:$0x1E200] =	vst v63  }
0x2d: {  	_ = 	snop  }
0x2e: {  	[tilespmem:s19], [sflag:$0x1] =	stream.linear.gather [hbm4b:s8+s3], $0x5000, $0x38;
	[tilespmem:$0x1E200] =	vst v63  }
0x2f: {  	_ = 	snop  }
0x30: {  	[tilespmem:s20], [sflag:$0x2] =	stream.linear.gather [hbm4b:s9+s3], $0xA0, $0x38;
	[tilespmem:$0x1E200] =	vst v63  }
0x31: {  	s26 =	smov.u32 s15;
	s28 =	smov.u32 s13;
	s29 =	simm.s32 $0x0  }
0x32: {  	[tilespmem:s21], [sflag:$0x2] =	stream.linear.gather [hbm4b:s10+s3], $0x5000, $0x38;
	[tilespmem:$0x1E200] =	vst v63  }
.LBB2_2:
0x33: {  	_ =	swait.ge [sflag:s22], $0xA0  }
0x34: {  	[sflag:s22] =	ssyncset.done $0x0  }
0x35: {  	[sflag:s22] =	ssyncadd.s32 $0xFFFFFF60  }
0x36: {  	_ =	swait.ge [sflag:s22], $0x5000  }
0x37: {  	[sflag:s22] =	ssyncset.done $0x0  }
0x38: {  	[sflag:s22] =	ssyncadd.s32 $0xFFFFB000  }
0x39: {  	[spmem:s2] =	stream.indirect.scatter.add.f32 [tilespmem:s19], [sflag:$0x3], $0x80, s18, s23, $0xb8;
	[tilespmem:$0x1E200] =	vst v63  }
0x3a: {  	_ =	swait.ge [sflag:s17], $0x5000  }
0x3b: {  	s30 =	sshrl.u32 s26, $0x3;
	[sflag:s17] =	ssyncset.done $0x0  }
0x3c: {  	s30 =	sadd.s32 s4, s30;
	[sflag:s17] =	ssyncadd.s32 $0xFFFFB000  }
0x3d: {  	[tilespmem:s18], [sflag:$0x1] =	stream.linear.gather [hbm4b:s30+s3], $0xA0, $0x38;
	[tilespmem:$0x1E200] =	vst v63  }
0x3e: {  	s31 =	sadd.s32 $0xFFFFF600, s28  }
0x3f: {  	[tilespmem:s19], [sflag:$0x1] =	stream.linear.gather [hbm4b:s31+s3], $0x5000, $0x38;
	[tilespmem:$0x1E200] =	vst v63  }
0x40: {  	_ =	swait.ge [sflag:s24], $0xA0  }
0x41: {  	[sflag:s24] =	ssyncset.done $0x0  }
0x42: {  	[sflag:s24] =	ssyncadd.s32 $0xFFFFFF60  }
0x43: {  	_ =	swait.ge [sflag:s24], $0x5000  }
0x44: {  	p0 =	seq.s32 s29, $0x988;
	[sflag:s24] =	ssyncset.done $0x0  }
.Ltmp2:
0x45: {  	[sflag:s24] =	ssyncadd.s32 $0xFFFFB000;
	(pc) =	sbr.rel @p0 .LBB2_4-.Ltmp2, $4  }
0x46: {  	[spmem:s2] =	stream.indirect.scatter.add.f32 [tilespmem:s21], [sflag:$0x3], $0x80, s20, s23, $0xb8;
	[tilespmem:$0x1E200] =	vst v63  }
0x47: {  	_ =	swait.ge [sflag:s17], $0x5000  }
0x48: {  	[sflag:s17] =	ssyncset.done $0x0  }
0x49: {  	[sflag:s17] =	ssyncadd.s32 $0xFFFFB000  }
.Ltmp3:
0x4a: {  	s30 =	sadd.s32 s29, s14;
	(pc) =	sbr.rel .LBB2_2-.Ltmp3, $4  }
0x4b: {  	[tilespmem:s20], [sflag:$0x2] =	stream.linear.gather [hbm4b:s30+s3], $0xA0, $0x38;
	[tilespmem:$0x1E200] =	vst v63  }
0x4c: {  	_ = 	snop  }
0x4d: {  	[tilespmem:s21], [sflag:$0x2] =	stream.linear.gather [hbm4b:s28+s3], $0x5000, $0x38;
	[tilespmem:$0x1E200] =	vst v63  }
0x4e: {  	s29 =	sadd.s32 $0x28, s29;
	s26 =	sadd.s32 $0x140, s26;
	s28 =	sadd.s32 $0x1400, s28  }
.LBB2_5:
0x4f: {  	_ =	sfence.sel $0x180000  }
0x50: {  	[bflag:$0x0] =	sbarrier.arrive $0xFFFF  }
0x51: {  	p0 =	sne.s32 s1, $0x0;
	_ =	strace $0x90000056  }
0x52: {  	s0 =	sadd.s32 @!p0 $0x100000, s0;
	[bflag:$0x2] =	sbarrier.arrive $0xFFFF  }
0x53: {  	[sflag:s0] =	ssyncadd.tile.s32 @!p0 $0x1;
	_ =	shalt  }
.Lfunc_end2:
_tile_overlayer_lowered:
.L_overlay_start_2:
0x54: {  	(tag) =	ssettag $0x2  }
0x55: {  	s0 =	rddreg [dreg:$0x0];
	s2 =	stileid.u32  }
0x56: {  	s1 =	rddreg [dreg:$0x1];
	p0 =	sne.s32 s2, $0x0  }
0x57: {  	s3 =	rddreg [dreg:$0x2];
	[bflag:$0x3] =	sbarrier.arrive $0xFFFF;
	s2 =	simm.s32 @!p0 $0x1C03  }
0x58: {  	[timem:s3], [sflag:s2] =	dma.local @!p0 [hbm:s0], s1  }
0x59: {  	s0 =	simm.s32 @!p0 $0x3  }
0x5a: {  	_ =	swait.ge @!p0 [sflag:s0], s1  }
0x5b: {  	s1 =	ssub.s32 @!p0 $0x0, s1;
	[sflag:s0] =	ssyncset.done @!p0 $0x0  }
0x5c: {  	[sflag:s0] =	ssyncadd.s32 @!p0 s1  }
0x5d: {  	[bflag:$0x3] =	sbarrier.arrive $0xFFFF  }
0x5e: {  	_ =	shalt  }

// kernel: kernel.35.cloned.1.call-start
scs
__scs_entry_jumppad:
0x0: {  	(pc) =	sbr.rel $0x88, $3  }
0x1: {  	(tag) =	ssettag $0x0;
	lr =	simm.s32 $0x1  }
0x2: {  	[smem:$0x3F91] =	sst lr;
	_ =	strace $0xD0000000  }
0x3: {  	_ = 	snop  }
0x4: {  	_ = 	snop  }
0x5: {  	_ = 	snop  }
0x6: {  	_ = 	snop  }
0x7: {  	_ = 	snop  }
__scs_overlays_trampoline_lowered:
0x8: {  	[smem:$0x3FA0] =	sst s0  }
0x9: {  	[smem:$0x3FA1] =	sst s1  }
0xa: {  	[smem:$0x3FA2] =	sst s2  }
0xb: {  	[smem:$0x3FA3] =	sst s3  }
0xc: {  	[smem:$0x3FA4] =	sst s4  }
0xd: {  	[smem:$0x3FA5] =	sst s5  }
0xe: {  	[smem:$0x3FA6] =	sst s6  }
0xf: {  	[smem:$0x3FA7] =	sst s7  }
0x10: {  	[smem:$0x3FA8] =	sst s8  }
0x11: {  	[smem:$0x3FA9] =	sst s9;
	s0 =	simm.s32 @!p0 $0x0  }
0x12: {  	s1 =	sld [smem:$0x3F8F];
	s0 =	simm.s32 @p0 $0x1  }
0x13: {  	[smem:$0x3FAA] =	sst s0;
	s0 =	simm.s32 @!p1 $0x0  }
0x14: {  	s2 =	sld [smem:$0x3F8E];
	s0 =	simm.s32 @p1 $0x1  }
0x15: {  	[smem:$0x3FAB] =	sst s0;
	s0 =	simm.s32 @!p2 $0x0  }
0x16: {  	s3 =	sld [smem:$0x3FDB];
	s0 =	simm.s32 @p2 $0x1  }
0x17: {  	s4 =	simm.s32 $0x1BF5;
	[smem:$0x3FAD] =	sst s0  }
0x18: {  	s0 =	sld [smem:$0x3F90];
	_ =	swait.ge [sflag:s4], $0x0  }
0x19: {  	s7 =	sld [smem:$0x3F91]  }
0x1a: {  	s8 =	sadd.s32 $0xFFFFE003, lr  }
0x1b: {  	s9 =	sadd.s32 $0xFFFFFEF7, lr;
	s5 =	simm.s32 $0xFFFFFFFF;
	p2 =	slt.u32 s8, $0xFFFFF086  }
0x1c: {  	p1 =	slt.u32 s9, $0xF7A;
	s5 =	simm.s32 @!p2 $0x0  }
0x1d: {  	s5 =	simm.s32 @p1 $0x1;
	p0 =	seq.s32 s7, s2  }
0x1e: {  	s7 =	smul.u32 @!p0 $0xF7A, s2;
	p2 =	seq.s32 @!p0 s5, $0x0  }
0x1f: {  	s9 =	smul.u32 $0xF7A, s1;
	s8 =	simm.s32 @!p0 $0x1BF5;
	p2 =	por !p2, p0  }
0x20: {  	[sflag:s8] =	ssyncset.s32 @!p0 $0xFFFFF086;
	s6 =	sadd.s32 @!p0 s3, s7;
	s7 =	simm.s32 @!p0 $0x108  }
0x21: {  	s3 =	sadd.s32 s3, s9;
	s6 =	sadd.s32 @!p0 $0x88, s6;
	s7 =	simm.s32 @p2 $0x1082  }
0x22: {  	[simem:s7], [sflag:s8] =	dma.local @!p0 [hbm:s6], $0xF7A  }
0x23: {  	s9 =	sor.u32 $0xD0000000, s2;
	s6 =	simm.s32 $0x108;
	_ =	swait.ge @!p0 [sflag:s8], $0x0  }
0x24: {  	s3 =	sadd.s32 $0x88, s3;
	s6 =	simm.s32 @!p1 $0x1082;
	[sflag:s4] =	ssyncset.s32 $0xFFFFF086  }
0x25: {  	[simem:s6], [sflag:s4] =	dma.local [hbm:s3], $0xF7A  }
0x26: {  	[smem:$0x3F91] =	sst s1;
	(tag) =	ssettag s2;
	_ =	strace s9  }
0x27: {  	s1 =	sld [smem:$0x3FA1]  }
0x28: {  	s2 =	sld [smem:$0x3FA2]  }
0x29: {  	s4 =	sld [smem:$0x3FA4]  }
0x2a: {  	p0 =	seq.s32 s5, $0x0;
	s5 =	sld [smem:$0x3FA5]  }
0x2b: {  	s6 =	sld [smem:$0x3FA6]  }
0x2c: {  	s7 =	sld [smem:$0x3FA7]  }
0x2d: {  	s3 =	simm.s32 $0x108;
	s8 =	sld [smem:$0x3FA8]  }
0x2e: {  	s3 =	simm.s32 @!p0 $0x1082;
	s9 =	sld [smem:$0x3FA9]  }
0x2f: {  	lr =	sadd.s32 s0, s3;
	s0 =	sld [smem:$0x3FA0]  }
0x30: {  	s3 =	sld [smem:$0x3FA3]  }
0x31: {  	[smem:$0x3FAC] =	sst s10  }
0x32: {  	s10 =	sld [smem:$0x3FAA];
	_ =	sdelay $0x3  }
0x33: {  	p0 =	seq.s32 s10, $0x1;
	s10 =	sld [smem:$0x3FAC];
	_ =	sdelay $0x3  }
0x34: {  	[smem:$0x3FAC] =	sst s10  }
0x35: {  	s10 =	sld [smem:$0x3FAB];
	_ =	sdelay $0x3  }
0x36: {  	p1 =	seq.s32 s10, $0x1;
	s10 =	sld [smem:$0x3FAC];
	_ =	sdelay $0x3  }
0x37: {  	[smem:$0x3FAC] =	sst s10  }
0x38: {  	s10 =	sld [smem:$0x3FAD]  }
0x39: {  	_ = 	snop;
	(pc) =	sbr.ind lr, $3  }
0x3a: {  	_ = 	snop  }
0x3b: {  	_ = 	snop  }
0x3c: {  	p2 =	seq.s32 s10, $0x1;
	s10 =	sld [smem:$0x3FAC]  }
0x3d: {  	_ =	shalt  }
0x3e: {  	_ =	shalt  }
0x3f: {  	_ =	shalt  }
0x40: {  	_ =	shalt  }
0x41: {  	_ =	shalt  }
0x42: {  	_ =	shalt  }
0x43: {  	_ =	shalt  }
0x44: {  	_ =	shalt  }
0x45: {  	_ =	shalt  }
0x46: {  	_ =	shalt  }
0x47: {  	_ =	shalt  }
0x48: {  	_ =	shalt  }
0x49: {  	_ =	shalt  }
0x4a: {  	_ =	shalt  }
0x4b: {  	_ =	shalt  }
0x4c: {  	_ =	shalt  }
0x4d: {  	_ =	shalt  }
0x4e: {  	_ =	shalt  }
0x4f: {  	_ =	shalt  }
0x50: {  	_ =	shalt  }
0x51: {  	_ =	shalt  }
0x52: {  	_ =	shalt  }
0x53: {  	_ =	shalt  }
0x54: {  	_ =	shalt  }
0x55: {  	_ =	shalt  }
0x56: {  	_ =	shalt  }
0x57: {  	_ =	shalt  }
0x58: {  	_ =	shalt  }
0x59: {  	_ =	shalt  }
0x5a: {  	_ =	shalt  }
0x5b: {  	_ =	shalt  }
0x5c: {  	_ =	shalt  }
0x5d: {  	_ =	shalt  }
0x5e: {  	_ =	shalt  }
0x5f: {  	_ =	shalt  }
0x60: {  	_ =	shalt  }
0x61: {  	_ =	shalt  }
0x62: {  	_ =	shalt  }
0x63: {  	_ =	shalt  }
0x64: {  	_ =	shalt  }
0x65: {  	_ =	shalt  }
0x66: {  	_ =	shalt  }
0x67: {  	_ =	shalt  }
0x68: {  	_ =	shalt  }
0x69: {  	_ =	shalt  }
0x6a: {  	_ =	shalt  }
0x6b: {  	_ =	shalt  }
0x6c: {  	_ =	shalt  }
0x6d: {  	_ =	shalt  }
0x6e: {  	_ =	shalt  }
0x6f: {  	_ =	shalt  }
0x70: {  	_ =	shalt  }
0x71: {  	_ =	shalt  }
0x72: {  	_ =	shalt  }
0x73: {  	_ =	shalt  }
0x74: {  	_ =	shalt  }
0x75: {  	_ =	shalt  }
0x76: {  	_ =	shalt  }
0x77: {  	_ =	shalt  }
0x78: {  	_ =	shalt  }
0x79: {  	_ =	shalt  }
0x7a: {  	_ =	shalt  }
0x7b: {  	_ =	shalt  }
0x7c: {  	_ =	shalt  }
0x7d: {  	_ =	shalt  }
0x7e: {  	_ =	shalt  }
0x7f: {  	_ =	shalt  }
0x80: {  	_ =	shalt  }
0x81: {  	_ =	shalt  }
0x82: {  	_ =	shalt  }
0x83: {  	_ =	shalt  }
0x84: {  	_ =	shalt  }
0x85: {  	_ =	shalt  }
0x86: {  	_ =	shalt  }
0x87: {  	_ =	shalt  }
.Lfunc_end0:
.L_simem_size_0:
called_computation.6_lowered:
.L_overlay_start_0:
0x88: {  	s2 =	sld [smem:$0x3FD9]  }
0x89: {  	s3 =	sld [smem:$0x3FFE];
	_ =	sdelay $0x1  }
0x8a: {  	s1 =	srdreg.scid  }
0x8b: {  	s0 =	sand.u32 $0x1, s1  }
0x8c: {  	s16 =	sshll.u32 s0, $0xA;
	s2 =	sadd.s32 s3, s2  }
0x8d: {  	s2 =	sadd.s32 s2, s16  }
0x8e: {  	[smem:$0x3FB8] =	sst s2  }
0x8f: {  	_ = 	snop  }
0x90: {  	(tm) =	ssettm $0x1  }
0x91: {  	s17 =	sld [smem:$0x3FFB];
	_ =	sdelay $0x3  }
0x92: {  	_ =	strace s17  }
0x93: {  	s2 =	sld [smem:$0x3FFC];
	_ =	sdelay $0x3  }
0x94: {  	_ =	strace s2  }
0x95: {  	s2 =	sld [smem:$0x3FFD];
	_ =	sdelay $0x3  }
0x96: {  	_ =	strace s2  }
0x97: {  	_ =	strace $0x8FFFFFFF  }
0x98: {  	s18 =	sld [smem:$0x3FDB];
	_ =	sdelay $0x1  }
0x99: {  	s19 =	simm.s32 $_scs_section_size  }
0x9a: {  	s4 =	simm.s32 $_size__tile_overlayer_lowered;
	s5 =	simm.s32 $_tile_overlayer_lowered  }
0x9b: {  	s22 =	simm.s32 $0x1BFF;
	s21 =	sshll.u32 s5, $0x1;
	s2 =	sadd.s32 s19, s18  }
0x9c: {  	s6 =	simm.s32 $0x0;
	s20 =	sshll.u32 s4, $0x1;
	s4 =	sadd.s32 s21, s2  }
0x9d: {  	[timem:s6], [sflag:s22] =	dma.local [hbm:s4], s20  }
0x9e: {  	_ =	swait.ge [sflag:s22], s20  }
0x9f: {  	s3 =	ssub.s32 $0x0, s20;
	[sflag:s22] =	ssyncset.done $0x0  }
0xa0: {  	[sflag:s22] =	ssyncadd.s32 s3;
	_ =	sdelay $0x1  }
0xa1: {  	s23 =	simm.s32 $0x1B8B  }
0xa2: {  	_ =	swait.ge [sflag:s23], $0x1  }
0xa3: {  	[sflag:s23] =	ssyncset.done $0x0  }
0xa4: {  	s25 =	simm.s32 $0x1B8E;
	s24 =	sld [smem:$0x3FFE];
	[sflag:s23] =	ssyncadd.s32 $0xFFFFFFFF  }
0xa5: {  	s26 =	simm.s32 $execute0_lowered;
	[smem:$0x3FD2] =	sst s25  }
0xa6: {  	s4 =	sshll.u32 s26, $0x1;
	_ =	strace $0x80000058;
	[dreg:$0x1] =	wrdreg $0xFFFFFFFF  }
0xa7: {  	s28 =	simm.s32 $_size_execute0_lowered;
	s2 =	sadd.s32 s2, s4;
	[dreg:$0x0] =	wrdreg $0x0  }
0xa8: {  	s4 =	sshll.u32 s28, $0x1;
	[dreg:$0x2] =	wrdreg s2  }
0xa9: {  	[dreg:$0x3] =	wrdreg s4  }
0xaa: {  	[dreg:$0x4] =	wrdreg $0xC0  }
0xab: {  	_ =	task [dreg:s6], $0x5FFFF  }
0xac: {  	[dreg:$0x1] =	wrdreg $0xFFFFFFFF  }
0xad: {  	[dreg:$0x0] =	wrdreg $0x60  }
0xae: {  	[dreg:$0x2] =	wrdreg s24  }
0xaf: {  	[dreg:$0x3] =	wrdreg $0x0  }
0xb0: {  	[dreg:$0x4] =	wrdreg $0x9  }
0xb1: {  	_ =	task.clear_ibuf [dreg:s6], $0x5FFFF;
	_ =	strace $0x90000058  }
0xb2: {  	s29 =	simm.s32 $0x9;
	_ =	strace $0x8000005A  }
0xb3: {  	_ =	swait.ge [sflag:s29], $0x1  }
0xb4: {  	[sflag:s29] =	ssyncadd.s32 $0xFFFFFFFF  }
0xb5: {  	_ =	strace $0x9000005A  }
0xb6: {  	_ =	sfence  }
0xb7: {  	s30 =	sld [smem:$0x0];
	_ =	sdelay $0x2  }
0xb8: {  	s31 =	sshll.u32 s1, $0xD;
	s1 =	sshrl.u32 s1, $0x2  }
0xb9: {  	s3 =	sand.u32 $0x4000, s31;
	s1 =	sadd.s32 s1, s30  }
0xba: {  	s0 =	sor.u32 s3, s0;
	s1 =	sshll.u32 s1, $0x11  }
0xbb: {  	s0 =	sor.u32 s1, s0  }
0xbc: {  	s0 =	sadd.s32 $0x8F2B, s0  }
0xbd: {  	[sflag:s0] =	ssyncadd.remote.s32 $0x1  }
0xbe: {  	_ =	sfence.sel $0xFFFF  }
0xbf: {  	[dreg:$0x0] =	wrdreg $0xFFFFFFFF;
	(pc) =	sbr.abs _section_cstart, $3  }
0xc0: {  	[dreg:$0x1] =	wrdreg $0xFFFFFFFF  }
0xc1: {  	_ =	task.clear_ibuf [dreg:s6], $0x2FFFF;
	_ =	strace $0x9FFFFFFF  }
0xc2: {  	(tm) =	ssettm $0x7FFFFFFF  }
0xc3: {  	_ =	shalt  }
tec
execute0_lowered:
.L_overlay_start_1:
0x0: {  	(tag) =	ssettag $0x1  }
0x1: {  	s0 =	rddreg [dreg:$0x0]  }
0x2: {  	s2 =	rddreg [dreg:$0x1];
	s3 =	simm.s32 $0x0;
	s1 =	srdreg.scid  }
0x3: {  	s17 =	stileid.u32;
	s28 =	simm.s32 $0x1;
	s29 =	simm.s32 $0x4  }
0x4: {  	s30 =	simm.s32 $0x5;
	s31 =	simm.s32 $0x0;
	[smem:$0x7FF] =	sst s3  }
0x5: {  	s1 =	sand.u32 $0x1, s1;
	s4 =	sshll.u32 s17, $0x1;
	s18 =	smul.u32 $0x9C400, s17  }
0x6: {  	s9 =	sadd.s32 $0x2CC00, s0;
	s10 =	sadd.s32 $0x7C000, s0;
	s15 =	smul.u32 $0x9C40, s17  }
0x7: {  	s26 =	sshll.u32 s17, $0x6;
	s7 =	sor.u32 s1, s4;
	s21 =	smul.u32 $0x4E200, s1  }
0x8: {  	_ =	strace $0x80000059;
	s5 =	ssub.s32 $0x2, s1;
	s8 =	smul.u32 $0x4E20, s7  }
0x9: {  	s4 =	sadd.s32 $0x1DF0000, s0;
	s6 =	sshrl.u32 s5, $0x1;
	s13 =	smul.u32 $0x4E200, s7  }
0xa: {  	s22 =	sadd.s32 s18, s10;
	s18 =	sor.u32 $0x1C06, s26;
	s26 =	simm.s32 $0x2  }
0xb: {  	s11 =	ssub.s32 s5, s6;
	s6 =	sadd.s32 $0x1E18000, s0;
	s14 =	sadd.s32 $0xA0, s8  }
0xc: {  	s8 =	sshrl.u32 s8, $0x3;
	s11 =	smax.u32 s11, $0x1;
	s12 =	sshrl.u32 s14, $0x3  }
0xd: {  	s7 =	sadd.s32 s9, s8;
	[dreg:$0x4] =	wrdreg s11;
	s16 =	sadd.s32 s9, s12  }
0xe: {  	s11 =	sadd.s32 s10, s13;
	s19 =	sadd.s32 $0x28, s7;
	[dreg:$0x3] =	wrdreg s16  }
0xf: {  	s0 =	sshll.u32 s14, $0x4;
	s20 =	sadd.s32 $0x3C, s7;
	[dreg:$0x5] =	wrdreg s19  }
0x10: {  	s0 =	sadd.s32 s10, s0;
	s16 =	smul.u32 $0x4E20, s1;
	[dreg:$0x6] =	wrdreg s20  }
0x11: {  	s5 =	smul.u32 $0x280, s17;
	s14 =	sadd.s32 $0x4D800, s11;
	[dreg:$0x7] =	wrdreg s0  }
0x12: {  	s19 =	simm.s32 $0x6;
	s20 =	simm.s32 $0x19200;
	s23 =	sadd.s32 s16, s15  }
0x13: {  	s15 =	sadd.s32 s21, s22;
	s21 =	simm.s32 $0xA0;
	s22 =	simm.s32 $0x14000  }
0x14: {  	s24 =	sadd.s32 $0x320, s23;
	s25 =	sadd.s32 $0x280, s23;
	s23 =	simm.s32 $0x14100  }
0x15: {  	s0 =	sshrl.u32 s24, $0x3;
	s1 =	sshrl.u32 s25, $0x3;
	s24 =	simm.s32 $0x14200  }
0x16: {  	v0 =	vlaneseq.u32;
	s25 =	simm.s32 $0x3;
	s16 =	sadd.s32 s0, s9;
	s17 =	sadd.s32 s1, s9  }
.LBB2_1:
0x17: {  	s0 =	smov.u32 s5;
	s1 =	simm.s32 $0x0  }
.LBB2_2:
0x18: {  	s8 =	smul.u32 $0xA0, s1;
	_ =	sdelay $0x1  }
0x19: {  	s8 =	sadd.s32 s5, s8  }
0x1a: {  	s9 =	sshll.u32 s8, $0x7  }
0x1b: {  	s9 =	sand.u32 $0x3FFFFF80, s9  }
0x1c: {  	s8 =	sshll.u32 s8, $0x4;
	s9 =	sadd.s32 s9, s2  }
0x1d: {  	s10 =	sadd.s32 s4, s8;
	s9 =	sshrl.u32 s9, $0x3  }
0x1e: {  	[spmem:s9], [sflag:s18] =	dma.local [hbm:s10], $0xA00  }
0x1f: {  	_ =	swait.ge [sflag:s19], $0xA00  }
0x20: {  	[sflag:s19] =	ssyncset.done $0x0  }
0x21: {  	s13 =	simm.s32 $0x0;
	s8 =	sadd.s32 s8, s6;
	[sflag:s19] =	ssyncadd.s32 $0xFFFFF600  }
0x22: {  	[tilespmem:s20], [sflag:$0x6] =	stream.linear.gather [hbm4b:s8+s13], $0x5000, $0x38;
	[tilespmem:$0x1E200] =	vst v63  }
0x23: {  	_ =	swait.ge [sflag:s19], $0x5000  }
0x24: {  	s10 =	simm.s32 $0x0;
	[sflag:s19] =	ssyncset.done $0x0  }
0x25: {  	v1 =	vor.u32 s0, v0;
	s9 =	smov.u32 s0;
	s8 =	simm.s32 $0x40;
	[sflag:s19] =	ssyncadd.s32 $0xFFFFB000  }
.LBB2_3:
0x26: {  	p0 =	sne.s32 s8, $0x240  }
0x27: {  	[tilespmem:s10+$0x14000] =	vst v1;
	s9 =	sadd.s32 $0x10, s9;
	s10 =	smov.u32 s8;
	s8 =	sadd.s32 $0x40, s8  }
.Ltmp0:
0x28: {  	(pc) =	sbr.rel @p0 .LBB2_3-.Ltmp0, $2  }
0x29: {  	_ =	sdelay $0x2  }
0x2a: {  	v1 =	vor.u32 s9, v0;
	s10 =	sshra.s32 s10, $0x2  }
0x2b: {  	s1 =	sadd.s32 $0x1, s1  }
0x2c: {  	p0 =	sne.s32 s1, $0x4  }
.Ltmp1:
0x2d: {  	[tilespmem:s10+$0x14000] =	vst v1;
	(pc) =	sbr.rel @p0 .LBB2_2-.Ltmp1, $4  }
0x2e: {  	[spmem:s2] =	stream.indirect.scatter.add.f32 [tilespmem:s20], [sflag:$0x6], $0x80, s22, s21, $0xb8;
	[tilespmem:$0x1E200] =	vst v63  }
0x2f: {  	_ =	swait.ge [sflag:s19], $0x5000  }
0x30: {  	[sflag:s19] =	ssyncset.done $0x0  }
0x31: {  	s0 =	sadd.s32 $0xA0, s0;
	[sflag:s19] =	ssyncadd.s32 $0xFFFFB000  }
0x32: {  	[bflag:$0x0] =	sbarrier.arrive $0xFFFF;
	s0 =	simm.s32 $0x0  }
0x33: {  	[tilespmem:s22], [sflag:$0x1] =	stream.linear.gather [hbm4b:s7+s0], $0xA0, $0x38;
	[tilespmem:$0x1E200] =	vst v63  }
0x34: {  	s8 =	simm.s32 $0x1;
	s1 =	rddreg [dreg:$0x3]  }
0x35: {  	[tilespmem:s23], [sflag:$0x2] =	stream.linear.gather [hbm4b:s1+s0], $0xA0, $0x38;
	[tilespmem:$0x1E200] =	vst v63  }
0x36: {  	_ =	swait.ge [sflag:s8], $0xA0  }
0x37: {  	[sflag:s8] =	ssyncset.done $0x0  }
0x38: {  	[sflag:s8] =	ssyncadd.s32 $0xFFFFFF60  }
0x39: {  	[tilespmem:s24], [sflag:$0x3] =	stream.indirect.gather [spmem:s2], $0x80, s22, s21, $0xb8;
	[tilespmem:$0x1E200] =	vst v63  }
0x3a: {  	_ =	swait.ge [sflag:s25], $0x5000  }
0x3b: {  	[sflag:s25] =	ssyncset.done $0x0  }
0x3c: {  	s9 =	rddreg [dreg:$0x5];
	[sflag:s25] =	ssyncadd.s32 $0xFFFFB000  }
0x3d: {  	[tilespmem:s22], [sflag:$0x1] =	stream.linear.gather [hbm4b:s9+s0], $0xA0, $0x38;
	[tilespmem:$0x1E200] =	vst v63  }
0x3e: {  	_ = 	snop  }
0x3f: {  	[hbm4b:s11+s0] =	stream.linear.scatter [tilespmem:s24], [sflag:$0x4], $0x5000, $0x38;
	[tilespmem:$0x1E200] =	vst v63  }
0x40: {  	_ =	swait.ge [sflag:s26], $0xA0  }
0x41: {  	[sflag:s26] =	ssyncset.done $0x0  }
0x42: {  	[sflag:s26] =	ssyncadd.s32 $0xFFFFFF60  }
0x43: {  	[tilespmem:s20], [sflag:$0x3] =	stream.indirect.gather [spmem:s2], $0x80, s23, s21, $0xb8;
	[tilespmem:$0x1E200] =	vst v63  }
0x44: {  	_ =	swait.ge [sflag:s25], $0x5000  }
0x45: {  	[sflag:s25] =	ssyncset.done $0x0  }
0x46: {  	s10 =	rddreg [dreg:$0x6];
	[sflag:s25] =	ssyncadd.s32 $0xFFFFB000  }
0x47: {  	[tilespmem:s23], [sflag:$0x2] =	stream.linear.gather [hbm4b:s10+s0], $0xA0, $0x38;
	[tilespmem:$0x1E200] =	vst v63  }
0x48: {  	s12 =	rddreg [dreg:$0x7]  }
0x49: {  	[hbm4b:s12+s0] =	stream.linear.scatter [tilespmem:s20], [sflag:$0x5], $0x5000, $0x38;
	[tilespmem:$0x1E200] =	vst v63  }
0x4a: {  	_ =	swait.ge [sflag:s28], $0xA0  }
0x4b: {  	[sflag:s28] =	ssyncset.done $0x0  }
0x4c: {  	[sflag:s28] =	ssyncadd.s32 $0xFFFFFF60  }
0x4d: {  	_ =	swait.ge [sflag:s29], $0x5000  }
0x4e: {  	[sflag:s29] =	ssyncset.done $0x0  }
0x4f: {  	[sflag:s29] =	ssyncadd.s32 $0xFFFFB000  }
0x50: {  	[tilespmem:s24], [sflag:$0x3] =	stream.indirect.gather [spmem:s2], $0x80, s22, s21, $0xb8;
	[tilespmem:$0x1E200] =	vst v63  }
0x51: {  	_ =	swait.ge [sflag:s25], $0x5000  }
0x52: {  	[sflag:s25] =	ssyncset.done $0x0  }
0x53: {  	s8 =	sadd.s32 $0x0, s15;
	[sflag:s25] =	ssyncadd.s32 $0xFFFFB000  }
0x54: {  	[tilespmem:s22], [sflag:$0x1] =	stream.linear.gather [hbm4b:s17+s3], $0xA0, $0x38;
	[tilespmem:$0x1E200] =	vst v63  }
0x55: {  	s13 =	sadd.s32 $0x1400, s8  }
0x56: {  	[hbm4b:s13+s3] =	stream.linear.scatter [tilespmem:s24], [sflag:$0x4], $0x5000, $0x38;
	[tilespmem:$0x1E200] =	vst v63  }
0x57: {  	_ =	swait.ge [sflag:s26], $0xA0  }
0x58: {  	[sflag:s26] =	ssyncset.done $0x0  }
0x59: {  	[sflag:s26] =	ssyncadd.s32 $0xFFFFFF60  }
0x5a: {  	_ =	swait.ge [sflag:s30], $0x5000  }
0x5b: {  	[sflag:s30] =	ssyncset.done $0x0  }
0x5c: {  	[sflag:s30] =	ssyncadd.s32 $0xFFFFB000  }
0x5d: {  	[tilespmem:s20], [sflag:$0x3] =	stream.indirect.gather [spmem:s2], $0x80, s23, s21, $0xb8;
	[tilespmem:$0x1E200] =	vst v63  }
0x5e: {  	p0 =	por $0x0, $0x0;
	_ =	swait.ge [sflag:s25], $0x5000  }
0x5f: {  	s1 =	simm.s32 @!p0 $0x14100;
	s9 =	sadd.s32 $0x28, s16;
	[sflag:s25] =	ssyncset.done $0x0  }
0x60: {  	s10 =	sadd.s32 $0x1E00, s8;
	s0 =	simm.s32 @!p0 $0x0;
	[sflag:s25] =	ssyncadd.s32 $0xFFFFB000  }
0x61: {  	[tilespmem:s1], [sflag:$0x2] =	stream.linear.gather @!p0 [hbm4b:s16+s0], $0xA0, $0x38;
	[tilespmem:$0x1E200] =	vst v63  }
0x62: {  	s8 =	simm.s32 $0x2;
	s0 =	simm.s32 $0x1400;
	s1 =	sadd.s32 $0x28, s17  }
.LBB2_6:
0x63: {  	[hbm4b:s10+s3] =	stream.linear.scatter [tilespmem:s20], [sflag:$0x5], $0x5000, $0x38;
	[tilespmem:$0x1E200] =	vst v63  }
0x64: {  	s10 =	smov.u32 s0;
	s0 =	sadd.s32 $0x1400, s0;
	_ =	swait.ge [sflag:s28], $0xA0  }
0x65: {  	p0 =	sne.s32 s0, $0x4C400;
	[sflag:s28] =	ssyncset.done $0x0  }
0x66: {  	[sflag:s28] =	ssyncadd.s32 $0xFFFFFF60  }
0x67: {  	_ =	swait.ge [sflag:s29], $0x5000  }
0x68: {  	[sflag:s29] =	ssyncset.done $0x0  }
0x69: {  	[sflag:s29] =	ssyncadd.s32 $0xFFFFB000  }
0x6a: {  	[tilespmem:s24], [sflag:$0x3] =	stream.indirect.gather [spmem:s2], $0x80, s22, s21, $0xb8;
	[tilespmem:$0x1E200] =	vst v63  }
0x6b: {  	_ =	swait.ge [sflag:s25], $0x5000  }
0x6c: {  	[sflag:s25] =	ssyncset.done $0x0  }
0x6d: {  	s10 =	sadd.s32 s10, s15;
	[sflag:s25] =	ssyncadd.s32 $0xFFFFB000  }
0x6e: {  	[tilespmem:s22], [sflag:$0x1] =	stream.linear.gather [hbm4b:s1+s3], $0xA0, $0x38;
	[tilespmem:$0x1E200] =	vst v63  }
0x6f: {  	s12 =	sadd.s32 $0x1400, s10  }
0x70: {  	[hbm4b:s12+s3] =	stream.linear.scatter [tilespmem:s24], [sflag:$0x4], $0x5000, $0x38;
	[tilespmem:$0x1E200] =	vst v63  }
0x71: {  	_ =	swait.ge [sflag:s26], $0xA0  }
0x72: {  	[sflag:s26] =	ssyncset.done $0x0  }
0x73: {  	[sflag:s26] =	ssyncadd.s32 $0xFFFFFF60  }
0x74: {  	_ =	swait.ge [sflag:s30], $0x5000  }
0x75: {  	[sflag:s30] =	ssyncset.done $0x0  }
0x76: {  	[sflag:s30] =	ssyncadd.s32 $0xFFFFB000  }
0x77: {  	[tilespmem:s20], [sflag:$0x3] =	stream.indirect.gather [spmem:s2], $0x80, s23, s21, $0xb8;
	[tilespmem:$0x1E200] =	vst v63  }
.Ltmp2:
0x78: {  	_ =	swait.ge [sflag:s25], $0x5000;
	(pc) =	sbr.rel @p0 .LBB2_6-.Ltmp2, $4  }
0x79: {  	p1 =	sgt.u32 s8, $0x3C;
	s1 =	sadd.s32 $0x28, s1;
	[sflag:s25] =	ssyncset.done $0x0  }
0x7a: {  	s13 =	simm.s32 @!p1 $0x14100;
	s12 =	simm.s32 @!p1 $0x0;
	[sflag:s25] =	ssyncadd.s32 $0xFFFFB000  }
0x7b: {  	[tilespmem:s13], [sflag:$0x2] =	stream.linear.gather @!p1 [hbm4b:s9+s12], $0xA0, $0x38;
	[tilespmem:$0x1E200] =	vst v63  }
0x7c: {  	s8 =	sadd.s32 $0x1, s8;
	s10 =	sadd.s32 $0x1E00, s10;
	s9 =	sadd.s32 $0x28, s9  }
0x7d: {  	[hbm4b:s10+s3] =	stream.linear.scatter [tilespmem:s20], [sflag:$0x5], $0x5000, $0x38;
	[tilespmem:$0x1E200] =	vst v63  }
0x7e: {  	_ =	swait.ge [sflag:s28], $0xA0  }
0x7f: {  	[sflag:s28] =	ssyncset.done $0x0  }
0x80: {  	[sflag:s28] =	ssyncadd.s32 $0xFFFFFF60  }
0x81: {  	_ =	swait.ge [sflag:s29], $0x5000  }
0x82: {  	[sflag:s29] =	ssyncset.done $0x0  }
0x83: {  	[sflag:s29] =	ssyncadd.s32 $0xFFFFB000  }
0x84: {  	[tilespmem:s24], [sflag:$0x3] =	stream.indirect.gather [spmem:s2], $0x80, s22, s21, $0xb8;
	[tilespmem:$0x1E200] =	vst v63  }
0x85: {  	_ =	swait.ge [sflag:s25], $0x5000  }
0x86: {  	[sflag:s25] =	ssyncset.done $0x0  }
0x87: {  	[sflag:s25] =	ssyncadd.s32 $0xFFFFB000  }
0x88: {  	[hbm4b:s14+s3] =	stream.linear.scatter [tilespmem:s24], [sflag:$0x4], $0x5000, $0x38;
	[tilespmem:$0x1E200] =	vst v63  }
0x89: {  	_ =	swait.ge [sflag:s29], $0x5000  }
0x8a: {  	[sflag:s29] =	ssyncset.done $0x0  }
0x8b: {  	[sflag:s29] =	ssyncadd.s32 $0xFFFFB000  }
0x8c: {  	_ =	swait.ge [sflag:s30], $0x5000  }
0x8d: {  	s31 =	sadd.s32 $0x1, s31;
	s0 =	rddreg [dreg:$0x4]  }
0x8e: {  	p0 =	sne.s32 s31, s0  }
.Ltmp3:
0x8f: {  	_ = 	snop;
	(pc) =	sbr.rel @p0 .LBB2_1-.Ltmp3, $3  }
0x90: {  	_ =	sdelay $0x1  }
0x91: {  	[sflag:s30] =	ssyncset.done $0x0  }
0x92: {  	[sflag:s30] =	ssyncadd.s32 $0xFFFFB000  }
0x93: {  	_ =	sfence.sel $0x180000  }
0x94: {  	[bflag:$0x0] =	sbarrier.arrive $0xFFFF  }
0x95: {  	_ =	strace $0x90000059  }
0x96: {  	s0 =	stileid.u32;
	[bflag:$0x2] =	sbarrier.arrive $0xFFFF  }
0x97: {  	p0 =	sne.s32 s0, $0x0;
	s0 =	rddreg [dreg:$0x2]  }
0x98: {  	s0 =	sadd.s32 @!p0 $0x100000, s0  }
0x99: {  	[sflag:s0] =	ssyncadd.tile.s32 @!p0 $0x1;
	_ =	shalt  }
.Lfunc_end2:
_tile_overlayer_lowered:
.L_overlay_start_2:
0x9a: {  	(tag) =	ssettag $0x2  }
0x9b: {  	s0 =	rddreg [dreg:$0x0];
	s2 =	stileid.u32  }
0x9c: {  	s1 =	rddreg [dreg:$0x1];
	p0 =	sne.s32 s2, $0x0  }
0x9d: {  	s3 =	rddreg [dreg:$0x2];
	[bflag:$0x3] =	sbarrier.arrive $0xFFFF;
	s2 =	simm.s32 @!p0 $0x1C06  }
0x9e: {  	[timem:s3], [sflag:s2] =	dma.local @!p0 [hbm:s0], s1  }
0x9f: {  	s0 =	simm.s32 @!p0 $0x6  }
0xa0: {  	_ =	swait.ge @!p0 [sflag:s0], s1  }
0xa1: {  	s1 =	ssub.s32 @!p0 $0x0, s1;
	[sflag:s0] =	ssyncset.done @!p0 $0x0  }
0xa2: {  	[sflag:s0] =	ssyncadd.s32 @!p0 s1  }
0xa3: {  	[bflag:$0x3] =	sbarrier.arrive $0xFFFF  }
0xa4: {  	_ =	shalt  }

// kernel: kernel.38.cloned.1.call-start
scs
__scs_entry_jumppad:
0x0: {  	(pc) =	sbr.rel $0x88, $3  }
0x1: {  	(tag) =	ssettag $0x0;
	lr =	simm.s32 $0x1  }
0x2: {  	[smem:$0x3F91] =	sst lr;
	_ =	strace $0xD0000000  }
0x3: {  	_ = 	snop  }
0x4: {  	_ = 	snop  }
0x5: {  	_ = 	snop  }
0x6: {  	_ = 	snop  }
0x7: {  	_ = 	snop  }
__scs_overlays_trampoline_lowered:
0x8: {  	[smem:$0x3FA0] =	sst s0  }
0x9: {  	[smem:$0x3FA1] =	sst s1  }
0xa: {  	[smem:$0x3FA2] =	sst s2  }
0xb: {  	[smem:$0x3FA3] =	sst s3  }
0xc: {  	[smem:$0x3FA4] =	sst s4  }
0xd: {  	[smem:$0x3FA5] =	sst s5  }
0xe: {  	[smem:$0x3FA6] =	sst s6  }
0xf: {  	[smem:$0x3FA7] =	sst s7  }
0x10: {  	[smem:$0x3FA8] =	sst s8  }
0x11: {  	[smem:$0x3FA9] =	sst s9;
	s0 =	simm.s32 @!p0 $0x0  }
0x12: {  	s1 =	sld [smem:$0x3F8F];
	s0 =	simm.s32 @p0 $0x1  }
0x13: {  	[smem:$0x3FAA] =	sst s0;
	s0 =	simm.s32 @!p1 $0x0  }
0x14: {  	s2 =	sld [smem:$0x3F8E];
	s0 =	simm.s32 @p1 $0x1  }
0x15: {  	[smem:$0x3FAB] =	sst s0;
	s0 =	simm.s32 @!p2 $0x0  }
0x16: {  	s3 =	sld [smem:$0x3FDB];
	s0 =	simm.s32 @p2 $0x1  }
0x17: {  	s4 =	simm.s32 $0x1BF5;
	[smem:$0x3FAD] =	sst s0  }
0x18: {  	s0 =	sld [smem:$0x3F90];
	_ =	swait.ge [sflag:s4], $0x0  }
0x19: {  	s7 =	sld [smem:$0x3F91]  }
0x1a: {  	s8 =	sadd.s32 $0xFFFFE003, lr  }
0x1b: {  	s9 =	sadd.s32 $0xFFFFFEF7, lr;
	s5 =	simm.s32 $0xFFFFFFFF;
	p2 =	slt.u32 s8, $0xFFFFF086  }
0x1c: {  	p1 =	slt.u32 s9, $0xF7A;
	s5 =	simm.s32 @!p2 $0x0  }
0x1d: {  	s5 =	simm.s32 @p1 $0x1;
	p0 =	seq.s32 s7, s2  }
0x1e: {  	s7 =	smul.u32 @!p0 $0xF7A, s2;
	p2 =	seq.s32 @!p0 s5, $0x0  }
0x1f: {  	s9 =	smul.u32 $0xF7A, s1;
	s8 =	simm.s32 @!p0 $0x1BF5;
	p2 =	por !p2, p0  }
0x20: {  	[sflag:s8] =	ssyncset.s32 @!p0 $0xFFFFF086;
	s6 =	sadd.s32 @!p0 s3, s7;
	s7 =	simm.s32 @!p0 $0x108  }
0x21: {  	s3 =	sadd.s32 s3, s9;
	s6 =	sadd.s32 @!p0 $0x88, s6;
	s7 =	simm.s32 @p2 $0x1082  }
0x22: {  	[simem:s7], [sflag:s8] =	dma.local @!p0 [hbm:s6], $0xF7A  }
0x23: {  	s9 =	sor.u32 $0xD0000000, s2;
	s6 =	simm.s32 $0x108;
	_ =	swait.ge @!p0 [sflag:s8], $0x0  }
0x24: {  	s3 =	sadd.s32 $0x88, s3;
	s6 =	simm.s32 @!p1 $0x1082;
	[sflag:s4] =	ssyncset.s32 $0xFFFFF086  }
0x25: {  	[simem:s6], [sflag:s4] =	dma.local [hbm:s3], $0xF7A  }
0x26: {  	[smem:$0x3F91] =	sst s1;
	(tag) =	ssettag s2;
	_ =	strace s9  }
0x27: {  	s1 =	sld [smem:$0x3FA1]  }
0x28: {  	s2 =	sld [smem:$0x3FA2]  }
0x29: {  	s4 =	sld [smem:$0x3FA4]  }
0x2a: {  	p0 =	seq.s32 s5, $0x0;
	s5 =	sld [smem:$0x3FA5]  }
0x2b: {  	s6 =	sld [smem:$0x3FA6]  }
0x2c: {  	s7 =	sld [smem:$0x3FA7]  }
0x2d: {  	s3 =	simm.s32 $0x108;
	s8 =	sld [smem:$0x3FA8]  }
0x2e: {  	s3 =	simm.s32 @!p0 $0x1082;
	s9 =	sld [smem:$0x3FA9]  }
0x2f: {  	lr =	sadd.s32 s0, s3;
	s0 =	sld [smem:$0x3FA0]  }
0x30: {  	s3 =	sld [smem:$0x3FA3]  }
0x31: {  	[smem:$0x3FAC] =	sst s10  }
0x32: {  	s10 =	sld [smem:$0x3FAA];
	_ =	sdelay $0x3  }
0x33: {  	p0 =	seq.s32 s10, $0x1;
	s10 =	sld [smem:$0x3FAC];
	_ =	sdelay $0x3  }
0x34: {  	[smem:$0x3FAC] =	sst s10  }
0x35: {  	s10 =	sld [smem:$0x3FAB];
	_ =	sdelay $0x3  }
0x36: {  	p1 =	seq.s32 s10, $0x1;
	s10 =	sld [smem:$0x3FAC];
	_ =	sdelay $0x3  }
0x37: {  	[smem:$0x3FAC] =	sst s10  }
0x38: {  	s10 =	sld [smem:$0x3FAD]  }
0x39: {  	_ = 	snop;
	(pc) =	sbr.ind lr, $3  }
0x3a: {  	_ = 	snop  }
0x3b: {  	_ = 	snop  }
0x3c: {  	p2 =	seq.s32 s10, $0x1;
	s10 =	sld [smem:$0x3FAC]  }
0x3d: {  	_ =	shalt  }
0x3e: {  	_ =	shalt  }
0x3f: {  	_ =	shalt  }
0x40: {  	_ =	shalt  }
0x41: {  	_ =	shalt  }
0x42: {  	_ =	shalt  }
0x43: {  	_ =	shalt  }
0x44: {  	_ =	shalt  }
0x45: {  	_ =	shalt  }
0x46: {  	_ =	shalt  }
0x47: {  	_ =	shalt  }
0x48: {  	_ =	shalt  }
0x49: {  	_ =	shalt  }
0x4a: {  	_ =	shalt  }
0x4b: {  	_ =	shalt  }
0x4c: {  	_ =	shalt  }
0x4d: {  	_ =	shalt  }
0x4e: {  	_ =	shalt  }
0x4f: {  	_ =	shalt  }
0x50: {  	_ =	shalt  }
0x51: {  	_ =	shalt  }
0x52: {  	_ =	shalt  }
0x53: {  	_ =	shalt  }
0x54: {  	_ =	shalt  }
0x55: {  	_ =	shalt  }
0x56: {  	_ =	shalt  }
0x57: {  	_ =	shalt  }
0x58: {  	_ =	shalt  }
0x59: {  	_ =	shalt  }
0x5a: {  	_ =	shalt  }
0x5b: {  	_ =	shalt  }
0x5c: {  	_ =	shalt  }
0x5d: {  	_ =	shalt  }
0x5e: {  	_ =	shalt  }
0x5f: {  	_ =	shalt  }
0x60: {  	_ =	shalt  }
0x61: {  	_ =	shalt  }
0x62: {  	_ =	shalt  }
0x63: {  	_ =	shalt  }
0x64: {  	_ =	shalt  }
0x65: {  	_ =	shalt  }
0x66: {  	_ =	shalt  }
0x67: {  	_ =	shalt  }
0x68: {  	_ =	shalt  }
0x69: {  	_ =	shalt  }
0x6a: {  	_ =	shalt  }
0x6b: {  	_ =	shalt  }
0x6c: {  	_ =	shalt  }
0x6d: {  	_ =	shalt  }
0x6e: {  	_ =	shalt  }
0x6f: {  	_ =	shalt  }
0x70: {  	_ =	shalt  }
0x71: {  	_ =	shalt  }
0x72: {  	_ =	shalt  }
0x73: {  	_ =	shalt  }
0x74: {  	_ =	shalt  }
0x75: {  	_ =	shalt  }
0x76: {  	_ =	shalt  }
0x77: {  	_ =	shalt  }
0x78: {  	_ =	shalt  }
0x79: {  	_ =	shalt  }
0x7a: {  	_ =	shalt  }
0x7b: {  	_ =	shalt  }
0x7c: {  	_ =	shalt  }
0x7d: {  	_ =	shalt  }
0x7e: {  	_ =	shalt  }
0x7f: {  	_ =	shalt  }
0x80: {  	_ =	shalt  }
0x81: {  	_ =	shalt  }
0x82: {  	_ =	shalt  }
0x83: {  	_ =	shalt  }
0x84: {  	_ =	shalt  }
0x85: {  	_ =	shalt  }
0x86: {  	_ =	shalt  }
0x87: {  	_ =	shalt  }
.Lfunc_end0:
.L_simem_size_0:
called_computation.7_lowered:
.L_overlay_start_0:
0x88: {  	s2 =	sld [smem:$0x3FD9]  }
0x89: {  	s3 =	sld [smem:$0x3FFE];
	_ =	sdelay $0x1  }
0x8a: {  	s1 =	srdreg.scid  }
0x8b: {  	s0 =	sand.u32 $0x1, s1  }
0x8c: {  	s16 =	sshll.u32 s0, $0xA;
	s2 =	sadd.s32 s3, s2  }
0x8d: {  	s2 =	sadd.s32 s2, s16  }
0x8e: {  	[smem:$0x3FB8] =	sst s2  }
0x8f: {  	_ = 	snop  }
0x90: {  	(tm) =	ssettm $0x1  }
0x91: {  	s17 =	sld [smem:$0x3FFB];
	_ =	sdelay $0x3  }
0x92: {  	_ =	strace s17  }
0x93: {  	s2 =	sld [smem:$0x3FFC];
	_ =	sdelay $0x3  }
0x94: {  	_ =	strace s2  }
0x95: {  	s2 =	sld [smem:$0x3FFD];
	_ =	sdelay $0x3  }
0x96: {  	_ =	strace s2  }
0x97: {  	_ =	strace $0x8FFFFFFF  }
0x98: {  	s18 =	sld [smem:$0x3FDB];
	_ =	sdelay $0x1  }
0x99: {  	s19 =	simm.s32 $_scs_section_size  }
0x9a: {  	s4 =	simm.s32 $_size__tile_overlayer_lowered;
	s5 =	simm.s32 $_tile_overlayer_lowered  }
0x9b: {  	s22 =	simm.s32 $0x1BFF;
	s21 =	sshll.u32 s5, $0x1;
	s2 =	sadd.s32 s19, s18  }
0x9c: {  	s6 =	simm.s32 $0x0;
	s20 =	sshll.u32 s4, $0x1;
	s4 =	sadd.s32 s21, s2  }
0x9d: {  	[timem:s6], [sflag:s22] =	dma.local [hbm:s4], s20  }
0x9e: {  	_ =	swait.ge [sflag:s22], s20  }
0x9f: {  	s3 =	ssub.s32 $0x0, s20;
	[sflag:s22] =	ssyncset.done $0x0  }
0xa0: {  	[sflag:s22] =	ssyncadd.s32 s3;
	_ =	sdelay $0x1  }
0xa1: {  	s23 =	simm.s32 $0x1B8B  }
0xa2: {  	_ =	swait.ge [sflag:s23], $0x1  }
0xa3: {  	[sflag:s23] =	ssyncset.done $0x0  }
0xa4: {  	s25 =	simm.s32 $0x1B8E;
	s24 =	sld [smem:$0x3FFE];
	[sflag:s23] =	ssyncadd.s32 $0xFFFFFFFF  }
0xa5: {  	s26 =	simm.s32 $execute0_lowered;
	[smem:$0x3FD2] =	sst s25  }
0xa6: {  	s4 =	sshll.u32 s26, $0x1;
	_ =	strace $0x8000005B;
	[dreg:$0x1] =	wrdreg $0xFFFFFFFF  }
0xa7: {  	s28 =	simm.s32 $_size_execute0_lowered;
	s2 =	sadd.s32 s2, s4;
	[dreg:$0x0] =	wrdreg $0x0  }
0xa8: {  	s4 =	sshll.u32 s28, $0x1;
	[dreg:$0x2] =	wrdreg s2  }
0xa9: {  	[dreg:$0x3] =	wrdreg s4  }
0xaa: {  	[dreg:$0x4] =	wrdreg $0xC0  }
0xab: {  	_ =	task [dreg:s6], $0x5FFFF  }
0xac: {  	[dreg:$0x1] =	wrdreg $0xFFFFFFFF  }
0xad: {  	[dreg:$0x0] =	wrdreg $0x60  }
0xae: {  	[dreg:$0x2] =	wrdreg s24  }
0xaf: {  	[dreg:$0x3] =	wrdreg $0x0  }
0xb0: {  	[dreg:$0x4] =	wrdreg $0x9  }
0xb1: {  	_ =	task.clear_ibuf [dreg:s6], $0x5FFFF;
	_ =	strace $0x9000005B  }
0xb2: {  	s29 =	simm.s32 $0x9;
	_ =	strace $0x8000005D  }
0xb3: {  	_ =	swait.ge [sflag:s29], $0x1  }
0xb4: {  	[sflag:s29] =	ssyncadd.s32 $0xFFFFFFFF  }
0xb5: {  	_ =	strace $0x9000005D  }
0xb6: {  	_ =	sfence  }
0xb7: {  	s30 =	sld [smem:$0x0];
	_ =	sdelay $0x2  }
0xb8: {  	s31 =	sshll.u32 s1, $0xD;
	s1 =	sshrl.u32 s1, $0x2  }
0xb9: {  	s3 =	sand.u32 $0x4000, s31;
	s1 =	sadd.s32 s1, s30  }
0xba: {  	s0 =	sor.u32 s3, s0;
	s1 =	sshll.u32 s1, $0x11  }
0xbb: {  	s0 =	sor.u32 s1, s0  }
0xbc: {  	s0 =	sadd.s32 $0x8F2B, s0  }
0xbd: {  	[sflag:s0] =	ssyncadd.remote.s32 $0x1  }
0xbe: {  	_ =	sfence.sel $0xFFFF  }
0xbf: {  	[dreg:$0x0] =	wrdreg $0xFFFFFFFF;
	(pc) =	sbr.abs _section_cstart, $3  }
0xc0: {  	[dreg:$0x1] =	wrdreg $0xFFFFFFFF  }
0xc1: {  	_ =	task.clear_ibuf [dreg:s6], $0x2FFFF;
	_ =	strace $0x9FFFFFFF  }
0xc2: {  	(tm) =	ssettm $0x7FFFFFFF  }
0xc3: {  	_ =	shalt  }
tec
execute0_lowered:
.L_overlay_start_1:
0x0: {  	(tag) =	ssettag $0x1  }
0x1: {  	s5 =	rddreg [dreg:$0x0]  }
0x2: {  	s2 =	rddreg [dreg:$0x1];
	s1 =	stileid.u32  }
0x3: {  	s0 =	rddreg [dreg:$0x2];
	s6 =	smul.u32 $0x14000, s1  }
0x4: {  	s4 =	srdreg.scid;
	s21 =	smul.u32 $0x50000, s1  }
0x5: {  	s3 =	simm.s32 $0x0;
	s10 =	sand.u32 $0x1, s4;
	s14 =	smul.u32 $0x9C400, s1  }
0x6: {  	[smem:$0x7FF] =	sst s3;
	s11 =	sadd.s32 $0x1DF0000, s5;
	s17 =	smul.u32 $0x9C40, s1  }
0x7: {  	s4 =	sadd.s32 $0x40600, s5;
	s23 =	sshll.u32 s1, $0x1;
	s7 =	smul.u32 $0x140000, s10  }
0x8: {  	s25 =	sshll.u32 s1, $0x6;
	_ =	strace $0x8000005C;
	s18 =	smul.u32 $0x4E20, s10  }
0x9: {  	s22 =	ssub.s32 $0x2, s10;
	s19 =	smul.u32 $0x4E200, s10;
	s8 =	sshrl.u32 s6, $0x3  }
0xa: {  	s9 =	sshrl.u32 s22, $0x1;
	s14 =	sadd.s32 s14, s11;
	s6 =	sadd.s32 s6, s7  }
0xb: {  	s20 =	sadd.s32 s8, s5;
	s8 =	sshrl.u32 s21, $0x2;
	s13 =	ssub.s32 s22, s9  }
0xc: {  	s30 =	sadd.s32 s18, s17;
	s14 =	sadd.s32 s19, s14;
	s18 =	simm.s32 $0x14000  }
0xd: {  	s19 =	simm.s32 $0x14200;
	s21 =	simm.s32 $0x19200;
	s22 =	simm.s32 $0x1  }
0xe: {  	s6 =	sshrl.u32 s6, $0x3;
	s16 =	sadd.s32 s8, s2;
	s17 =	sadd.s32 $0x1E0, s30  }
0xf: {  	s12 =	sadd.s32 s6, s5;
	s6 =	sor.u32 s10, s23;
	s5 =	sadd.s32 $0x54000, s20  }
0x10: {  	s31 =	sshrl.u32 s17, $0x3;
	s16 =	sshrl.u32 s16, $0x3;
	s17 =	simm.s32 $0x3  }
0x11: {  	s20 =	simm.s32 $0x14100;
	s23 =	simm.s32 $0xA0;
	s24 =	smul.u32 $0x4E20, s6  }
0x12: {  	s26 =	smul.u32 $0x4E200, s6;
	s6 =	sor.u32 $0x1C03, s25;
	s25 =	simm.s32 $0x0  }
.Ltmp0:
0x13: {  	s28 =	sshrl.u32 s24, $0x3;
	s15 =	sadd.s32 $0xA0, s24;
	(pc) =	sbr.rel .LBB2_1-.Ltmp0, $4  }
0x14: {  	s8 =	sadd.s32 s11, s26;
	s24 =	simm.s32 $0x2;
	s29 =	sshrl.u32 s15, $0x3  }
0x15: {  	s7 =	sadd.s32 s4, s28;
	s15 =	sshll.u32 s15, $0x4;
	s9 =	sadd.s32 s4, s29  }
0x16: {  	s10 =	sadd.s32 s11, s15;
	s11 =	sadd.s32 $0x7C000, s12;
	s12 =	smax.u32 s13, $0x1  }
0x17: {  	s13 =	sadd.s32 $0x1E00, s14;
	s14 =	sadd.s32 s31, s4;
	s15 =	sadd.s32 $0x140, s30  }
.LBB2_4:
0x18: {  	_ =	swait.ge [sflag:s22], $0xA0  }
0x19: {  	[sflag:s22] =	ssyncset.done $0x0  }
0x1a: {  	[sflag:s22] =	ssyncadd.s32 $0xFFFFFF60  }
0x1b: {  	_ =	swait.ge [sflag:s22], $0x5000  }
0x1c: {  	[sflag:s22] =	ssyncset.done $0x0  }
0x1d: {  	[sflag:s22] =	ssyncadd.s32 $0xFFFFB000  }
0x1e: {  	[spmem:s2] =	stream.indirect.scatter.add.f32 [tilespmem:s19], [sflag:$0x3], $0x80, s18, s23, $0xb8;
	[tilespmem:$0x1E200] =	vst v63  }
0x1f: {  	_ =	swait.ge [sflag:s17], $0x5000  }
0x20: {  	s25 =	sadd.s32 $0x1, s25;
	[sflag:s17] =	ssyncset.done $0x0  }
0x21: {  	p0 =	sne.s32 s25, s12;
	[sflag:s17] =	ssyncadd.s32 $0xFFFFB000  }
.Ltmp1:
0x22: {  	[bflag:$0x0] =	sbarrier.arrive $0xFFFF;
	(pc) =	sbr.rel @!p0 .LBB2_5-.Ltmp1, $4  }
0x23: {  	[hbm:s11], [sflag:s6] =	dma.local [spmem:s16], $0x2800  }
0x24: {  	_ =	swait.ge [sflag:s17], $0x2800  }
0x25: {  	[sflag:s17] =	ssyncset.done $0x0  }
0x26: {  	[sflag:s17] =	ssyncadd.s32 $0xFFFFD800  }
.LBB2_1:
0x27: {  	[spmem:s16], [sflag:s6] =	dma.local [hbm:s5], $0x2800  }
0x28: {  	_ =	swait.ge [sflag:s17], $0x2800  }
0x29: {  	[sflag:s17] =	ssyncset.done $0x0  }
0x2a: {  	[sflag:s17] =	ssyncadd.s32 $0xFFFFD800  }
0x2b: {  	[bflag:$0x0] =	sbarrier.arrive $0xFFFF  }
0x2c: {  	[tilespmem:s18], [sflag:$0x1] =	stream.linear.gather [hbm4b:s7+s3], $0xA0, $0x38;
	[tilespmem:$0x1E200] =	vst v63  }
0x2d: {  	_ = 	snop  }
0x2e: {  	[tilespmem:s19], [sflag:$0x1] =	stream.linear.gather [hbm4b:s8+s3], $0x5000, $0x38;
	[tilespmem:$0x1E200] =	vst v63  }
0x2f: {  	_ = 	snop  }
0x30: {  	[tilespmem:s20], [sflag:$0x2] =	stream.linear.gather [hbm4b:s9+s3], $0xA0, $0x38;
	[tilespmem:$0x1E200] =	vst v63  }
0x31: {  	s26 =	smov.u32 s15;
	s28 =	smov.u32 s13;
	s29 =	simm.s32 $0x0  }
0x32: {  	[tilespmem:s21], [sflag:$0x2] =	stream.linear.gather [hbm4b:s10+s3], $0x5000, $0x38;
	[tilespmem:$0x1E200] =	vst v63  }
.LBB2_2:
0x33: {  	_ =	swait.ge [sflag:s22], $0xA0  }
0x34: {  	[sflag:s22] =	ssyncset.done $0x0  }
0x35: {  	[sflag:s22] =	ssyncadd.s32 $0xFFFFFF60  }
0x36: {  	_ =	swait.ge [sflag:s22], $0x5000  }
0x37: {  	[sflag:s22] =	ssyncset.done $0x0  }
0x38: {  	[sflag:s22] =	ssyncadd.s32 $0xFFFFB000  }
0x39: {  	[spmem:s2] =	stream.indirect.scatter.add.f32 [tilespmem:s19], [sflag:$0x3], $0x80, s18, s23, $0xb8;
	[tilespmem:$0x1E200] =	vst v63  }
0x3a: {  	_ =	swait.ge [sflag:s17], $0x5000  }
0x3b: {  	s30 =	sshrl.u32 s26, $0x3;
	[sflag:s17] =	ssyncset.done $0x0  }
0x3c: {  	s30 =	sadd.s32 s4, s30;
	[sflag:s17] =	ssyncadd.s32 $0xFFFFB000  }
0x3d: {  	[tilespmem:s18], [sflag:$0x1] =	stream.linear.gather [hbm4b:s30+s3], $0xA0, $0x38;
	[tilespmem:$0x1E200] =	vst v63  }
0x3e: {  	s31 =	sadd.s32 $0xFFFFF600, s28  }
0x3f: {  	[tilespmem:s19], [sflag:$0x1] =	stream.linear.gather [hbm4b:s31+s3], $0x5000, $0x38;
	[tilespmem:$0x1E200] =	vst v63  }
0x40: {  	_ =	swait.ge [sflag:s24], $0xA0  }
0x41: {  	[sflag:s24] =	ssyncset.done $0x0  }
0x42: {  	[sflag:s24] =	ssyncadd.s32 $0xFFFFFF60  }
0x43: {  	_ =	swait.ge [sflag:s24], $0x5000  }
0x44: {  	p0 =	seq.s32 s29, $0x988;
	[sflag:s24] =	ssyncset.done $0x0  }
.Ltmp2:
0x45: {  	[sflag:s24] =	ssyncadd.s32 $0xFFFFB000;
	(pc) =	sbr.rel @p0 .LBB2_4-.Ltmp2, $4  }
0x46: {  	[spmem:s2] =	stream.indirect.scatter.add.f32 [tilespmem:s21], [sflag:$0x3], $0x80, s20, s23, $0xb8;
	[tilespmem:$0x1E200] =	vst v63  }
0x47: {  	_ =	swait.ge [sflag:s17], $0x5000  }
0x48: {  	[sflag:s17] =	ssyncset.done $0x0  }
0x49: {  	[sflag:s17] =	ssyncadd.s32 $0xFFFFB000  }
.Ltmp3:
0x4a: {  	s30 =	sadd.s32 s29, s14;
	(pc) =	sbr.rel .LBB2_2-.Ltmp3, $4  }
0x4b: {  	[tilespmem:s20], [sflag:$0x2] =	stream.linear.gather [hbm4b:s30+s3], $0xA0, $0x38;
	[tilespmem:$0x1E200] =	vst v63  }
0x4c: {  	_ = 	snop  }
0x4d: {  	[tilespmem:s21], [sflag:$0x2] =	stream.linear.gather [hbm4b:s28+s3], $0x5000, $0x38;
	[tilespmem:$0x1E200] =	vst v63  }
0x4e: {  	s29 =	sadd.s32 $0x28, s29;
	s26 =	sadd.s32 $0x140, s26;
	s28 =	sadd.s32 $0x1400, s28  }
.LBB2_5:
0x4f: {  	_ =	sfence.sel $0x180000  }
0x50: {  	[bflag:$0x0] =	sbarrier.arrive $0xFFFF  }
0x51: {  	p0 =	sne.s32 s1, $0x0;
	_ =	strace $0x9000005C  }
0x52: {  	s0 =	sadd.s32 @!p0 $0x100000, s0;
	[bflag:$0x2] =	sbarrier.arrive $0xFFFF  }
0x53: {  	[sflag:s0] =	ssyncadd.tile.s32 @!p0 $0x1;
	_ =	shalt  }
.Lfunc_end2:
_tile_overlayer_lowered:
.L_overlay_start_2:
0x54: {  	(tag) =	ssettag $0x2  }
0x55: {  	s0 =	rddreg [dreg:$0x0];
	s2 =	stileid.u32  }
0x56: {  	s1 =	rddreg [dreg:$0x1];
	p0 =	sne.s32 s2, $0x0  }
0x57: {  	s3 =	rddreg [dreg:$0x2];
	[bflag:$0x3] =	sbarrier.arrive $0xFFFF;
	s2 =	simm.s32 @!p0 $0x1C03  }
0x58: {  	[timem:s3], [sflag:s2] =	dma.local @!p0 [hbm:s0], s1  }
0x59: {  	s0 =	simm.s32 @!p0 $0x3  }
0x5a: {  	_ =	swait.ge @!p0 [sflag:s0], s1  }
0x5b: {  	s1 =	ssub.s32 @!p0 $0x0, s1;
	[sflag:s0] =	ssyncset.done @!p0 $0x0  }
0x5c: {  	[sflag:s0] =	ssyncadd.s32 @!p0 s1  }
0x5d: {  	[bflag:$0x3] =	sbarrier.arrive $0xFFFF  }
0x5e: {  	_ =	shalt  }

// kernel: kernel.41.cloned.1.call-start
scs
__scs_entry_jumppad:
0x0: {  	(pc) =	sbr.rel $0x88, $3  }
0x1: {  	(tag) =	ssettag $0x0;
	lr =	simm.s32 $0x1  }
0x2: {  	[smem:$0x3F91] =	sst lr;
	_ =	strace $0xD0000000  }
0x3: {  	_ = 	snop  }
0x4: {  	_ = 	snop  }
0x5: {  	_ = 	snop  }
0x6: {  	_ = 	snop  }
0x7: {  	_ = 	snop  }
__scs_overlays_trampoline_lowered:
0x8: {  	[smem:$0x3FA0] =	sst s0  }
0x9: {  	[smem:$0x3FA1] =	sst s1  }
0xa: {  	[smem:$0x3FA2] =	sst s2  }
0xb: {  	[smem:$0x3FA3] =	sst s3  }
0xc: {  	[smem:$0x3FA4] =	sst s4  }
0xd: {  	[smem:$0x3FA5] =	sst s5  }
0xe: {  	[smem:$0x3FA6] =	sst s6  }
0xf: {  	[smem:$0x3FA7] =	sst s7  }
0x10: {  	[smem:$0x3FA8] =	sst s8  }
0x11: {  	[smem:$0x3FA9] =	sst s9;
	s0 =	simm.s32 @!p0 $0x0  }
0x12: {  	s1 =	sld [smem:$0x3F8F];
	s0 =	simm.s32 @p0 $0x1  }
0x13: {  	[smem:$0x3FAA] =	sst s0;
	s0 =	simm.s32 @!p1 $0x0  }
0x14: {  	s2 =	sld [smem:$0x3F8E];
	s0 =	simm.s32 @p1 $0x1  }
0x15: {  	[smem:$0x3FAB] =	sst s0;
	s0 =	simm.s32 @!p2 $0x0  }
0x16: {  	s3 =	sld [smem:$0x3FDB];
	s0 =	simm.s32 @p2 $0x1  }
0x17: {  	s4 =	simm.s32 $0x1BF5;
	[smem:$0x3FAD] =	sst s0  }
0x18: {  	s0 =	sld [smem:$0x3F90];
	_ =	swait.ge [sflag:s4], $0x0  }
0x19: {  	s7 =	sld [smem:$0x3F91]  }
0x1a: {  	s8 =	sadd.s32 $0xFFFFE003, lr  }
0x1b: {  	s9 =	sadd.s32 $0xFFFFFEF7, lr;
	s5 =	simm.s32 $0xFFFFFFFF;
	p2 =	slt.u32 s8, $0xFFFFF086  }
0x1c: {  	p1 =	slt.u32 s9, $0xF7A;
	s5 =	simm.s32 @!p2 $0x0  }
0x1d: {  	s5 =	simm.s32 @p1 $0x1;
	p0 =	seq.s32 s7, s2  }
0x1e: {  	s7 =	smul.u32 @!p0 $0xF7A, s2;
	p2 =	seq.s32 @!p0 s5, $0x0  }
0x1f: {  	s9 =	smul.u32 $0xF7A, s1;
	s8 =	simm.s32 @!p0 $0x1BF5;
	p2 =	por !p2, p0  }
0x20: {  	[sflag:s8] =	ssyncset.s32 @!p0 $0xFFFFF086;
	s6 =	sadd.s32 @!p0 s3, s7;
	s7 =	simm.s32 @!p0 $0x108  }
0x21: {  	s3 =	sadd.s32 s3, s9;
	s6 =	sadd.s32 @!p0 $0x88, s6;
	s7 =	simm.s32 @p2 $0x1082  }
0x22: {  	[simem:s7], [sflag:s8] =	dma.local @!p0 [hbm:s6], $0xF7A  }
0x23: {  	s9 =	sor.u32 $0xD0000000, s2;
	s6 =	simm.s32 $0x108;
	_ =	swait.ge @!p0 [sflag:s8], $0x0  }
0x24: {  	s3 =	sadd.s32 $0x88, s3;
	s6 =	simm.s32 @!p1 $0x1082;
	[sflag:s4] =	ssyncset.s32 $0xFFFFF086  }
0x25: {  	[simem:s6], [sflag:s4] =	dma.local [hbm:s3], $0xF7A  }
0x26: {  	[smem:$0x3F91] =	sst s1;
	(tag) =	ssettag s2;
	_ =	strace s9  }
0x27: {  	s1 =	sld [smem:$0x3FA1]  }
0x28: {  	s2 =	sld [smem:$0x3FA2]  }
0x29: {  	s4 =	sld [smem:$0x3FA4]  }
0x2a: {  	p0 =	seq.s32 s5, $0x0;
	s5 =	sld [smem:$0x3FA5]  }
0x2b: {  	s6 =	sld [smem:$0x3FA6]  }
0x2c: {  	s7 =	sld [smem:$0x3FA7]  }
0x2d: {  	s3 =	simm.s32 $0x108;
	s8 =	sld [smem:$0x3FA8]  }
0x2e: {  	s3 =	simm.s32 @!p0 $0x1082;
	s9 =	sld [smem:$0x3FA9]  }
0x2f: {  	lr =	sadd.s32 s0, s3;
	s0 =	sld [smem:$0x3FA0]  }
0x30: {  	s3 =	sld [smem:$0x3FA3]  }
0x31: {  	[smem:$0x3FAC] =	sst s10  }
0x32: {  	s10 =	sld [smem:$0x3FAA];
	_ =	sdelay $0x3  }
0x33: {  	p0 =	seq.s32 s10, $0x1;
	s10 =	sld [smem:$0x3FAC];
	_ =	sdelay $0x3  }
0x34: {  	[smem:$0x3FAC] =	sst s10  }
0x35: {  	s10 =	sld [smem:$0x3FAB];
	_ =	sdelay $0x3  }
0x36: {  	p1 =	seq.s32 s10, $0x1;
	s10 =	sld [smem:$0x3FAC];
	_ =	sdelay $0x3  }
0x37: {  	[smem:$0x3FAC] =	sst s10  }
0x38: {  	s10 =	sld [smem:$0x3FAD]  }
0x39: {  	_ = 	snop;
	(pc) =	sbr.ind lr, $3  }
0x3a: {  	_ = 	snop  }
0x3b: {  	_ = 	snop  }
0x3c: {  	p2 =	seq.s32 s10, $0x1;
	s10 =	sld [smem:$0x3FAC]  }
0x3d: {  	_ =	shalt  }
0x3e: {  	_ =	shalt  }
0x3f: {  	_ =	shalt  }
0x40: {  	_ =	shalt  }
0x41: {  	_ =	shalt  }
0x42: {  	_ =	shalt  }
0x43: {  	_ =	shalt  }
0x44: {  	_ =	shalt  }
0x45: {  	_ =	shalt  }
0x46: {  	_ =	shalt  }
0x47: {  	_ =	shalt  }
0x48: {  	_ =	shalt  }
0x49: {  	_ =	shalt  }
0x4a: {  	_ =	shalt  }
0x4b: {  	_ =	shalt  }
0x4c: {  	_ =	shalt  }
0x4d: {  	_ =	shalt  }
0x4e: {  	_ =	shalt  }
0x4f: {  	_ =	shalt  }
0x50: {  	_ =	shalt  }
0x51: {  	_ =	shalt  }
0x52: {  	_ =	shalt  }
0x53: {  	_ =	shalt  }
0x54: {  	_ =	shalt  }
0x55: {  	_ =	shalt  }
0x56: {  	_ =	shalt  }
0x57: {  	_ =	shalt  }
0x58: {  	_ =	shalt  }
0x59: {  	_ =	shalt  }
0x5a: {  	_ =	shalt  }
0x5b: {  	_ =	shalt  }
0x5c: {  	_ =	shalt  }
0x5d: {  	_ =	shalt  }
0x5e: {  	_ =	shalt  }
0x5f: {  	_ =	shalt  }
0x60: {  	_ =	shalt  }
0x61: {  	_ =	shalt  }
0x62: {  	_ =	shalt  }
0x63: {  	_ =	shalt  }
0x64: {  	_ =	shalt  }
0x65: {  	_ =	shalt  }
0x66: {  	_ =	shalt  }
0x67: {  	_ =	shalt  }
0x68: {  	_ =	shalt  }
0x69: {  	_ =	shalt  }
0x6a: {  	_ =	shalt  }
0x6b: {  	_ =	shalt  }
0x6c: {  	_ =	shalt  }
0x6d: {  	_ =	shalt  }
0x6e: {  	_ =	shalt  }
0x6f: {  	_ =	shalt  }
0x70: {  	_ =	shalt  }
0x71: {  	_ =	shalt  }
0x72: {  	_ =	shalt  }
0x73: {  	_ =	shalt  }
0x74: {  	_ =	shalt  }
0x75: {  	_ =	shalt  }
0x76: {  	_ =	shalt  }
0x77: {  	_ =	shalt  }
0x78: {  	_ =	shalt  }
0x79: {  	_ =	shalt  }
0x7a: {  	_ =	shalt  }
0x7b: {  	_ =	shalt  }
0x7c: {  	_ =	shalt  }
0x7d: {  	_ =	shalt  }
0x7e: {  	_ =	shalt  }
0x7f: {  	_ =	shalt  }
0x80: {  	_ =	shalt  }
0x81: {  	_ =	shalt  }
0x82: {  	_ =	shalt  }
0x83: {  	_ =	shalt  }
0x84: {  	_ =	shalt  }
0x85: {  	_ =	shalt  }
0x86: {  	_ =	shalt  }
0x87: {  	_ =	shalt  }
.Lfunc_end0:
.L_simem_size_0:
called_computation.8_lowered:
.L_overlay_start_0:
0x88: {  	s2 =	sld [smem:$0x3FD9]  }
0x89: {  	s3 =	sld [smem:$0x3FFE];
	_ =	sdelay $0x1  }
0x8a: {  	s1 =	srdreg.scid  }
0x8b: {  	s0 =	sand.u32 $0x1, s1  }
0x8c: {  	s16 =	sshll.u32 s0, $0xA;
	s2 =	sadd.s32 s3, s2  }
0x8d: {  	s2 =	sadd.s32 s2, s16  }
0x8e: {  	[smem:$0x3FB8] =	sst s2  }
0x8f: {  	_ = 	snop  }
0x90: {  	(tm) =	ssettm $0x1  }
0x91: {  	s17 =	sld [smem:$0x3FFB];
	_ =	sdelay $0x3  }
0x92: {  	_ =	strace s17  }
0x93: {  	s2 =	sld [smem:$0x3FFC];
	_ =	sdelay $0x3  }
0x94: {  	_ =	strace s2  }
0x95: {  	s2 =	sld [smem:$0x3FFD];
	_ =	sdelay $0x3  }
0x96: {  	_ =	strace s2  }
0x97: {  	_ =	strace $0x8FFFFFFF  }
0x98: {  	s18 =	sld [smem:$0x3FDB];
	_ =	sdelay $0x1  }
0x99: {  	s19 =	simm.s32 $_scs_section_size  }
0x9a: {  	s4 =	simm.s32 $_size__tile_overlayer_lowered;
	s5 =	simm.s32 $_tile_overlayer_lowered  }
0x9b: {  	s22 =	simm.s32 $0x1BFF;
	s21 =	sshll.u32 s5, $0x1;
	s2 =	sadd.s32 s19, s18  }
0x9c: {  	s6 =	simm.s32 $0x0;
	s20 =	sshll.u32 s4, $0x1;
	s4 =	sadd.s32 s21, s2  }
0x9d: {  	[timem:s6], [sflag:s22] =	dma.local [hbm:s4], s20  }
0x9e: {  	_ =	swait.ge [sflag:s22], s20  }
0x9f: {  	s3 =	ssub.s32 $0x0, s20;
	[sflag:s22] =	ssyncset.done $0x0  }
0xa0: {  	[sflag:s22] =	ssyncadd.s32 s3;
	_ =	sdelay $0x1  }
0xa1: {  	s23 =	simm.s32 $0x1B8B  }
0xa2: {  	_ =	swait.ge [sflag:s23], $0x1  }
0xa3: {  	[sflag:s23] =	ssyncset.done $0x0  }
0xa4: {  	s25 =	simm.s32 $0x1B8E;
	s24 =	sld [smem:$0x3FFE];
	[sflag:s23] =	ssyncadd.s32 $0xFFFFFFFF  }
0xa5: {  	s26 =	simm.s32 $execute0_lowered;
	[smem:$0x3FD2] =	sst s25  }
0xa6: {  	s4 =	sshll.u32 s26, $0x1;
	_ =	strace $0x8000005E;
	[dreg:$0x1] =	wrdreg $0xFFFFFFFF  }
0xa7: {  	s28 =	simm.s32 $_size_execute0_lowered;
	s2 =	sadd.s32 s2, s4;
	[dreg:$0x0] =	wrdreg $0x0  }
0xa8: {  	s4 =	sshll.u32 s28, $0x1;
	[dreg:$0x2] =	wrdreg s2  }
0xa9: {  	[dreg:$0x3] =	wrdreg s4  }
0xaa: {  	[dreg:$0x4] =	wrdreg $0xC0  }
0xab: {  	_ =	task [dreg:s6], $0x5FFFF  }
0xac: {  	[dreg:$0x1] =	wrdreg $0xFFFFFFFF  }
0xad: {  	[dreg:$0x0] =	wrdreg $0x60  }
0xae: {  	[dreg:$0x2] =	wrdreg s24  }
0xaf: {  	[dreg:$0x3] =	wrdreg $0x0  }
0xb0: {  	[dreg:$0x4] =	wrdreg $0x9  }
0xb1: {  	_ =	task.clear_ibuf [dreg:s6], $0x5FFFF;
	_ =	strace $0x9000005E  }
0xb2: {  	s29 =	simm.s32 $0x9;
	_ =	strace $0x80000060  }
0xb3: {  	_ =	swait.ge [sflag:s29], $0x1  }
0xb4: {  	[sflag:s29] =	ssyncadd.s32 $0xFFFFFFFF  }
0xb5: {  	_ =	strace $0x90000060  }
0xb6: {  	_ =	sfence  }
0xb7: {  	s30 =	sld [smem:$0x0];
	_ =	sdelay $0x2  }
0xb8: {  	s31 =	sshll.u32 s1, $0xD;
	s1 =	sshrl.u32 s1, $0x2  }
0xb9: {  	s3 =	sand.u32 $0x4000, s31;
	s1 =	sadd.s32 s1, s30  }
0xba: {  	s0 =	sor.u32 s3, s0;
	s1 =	sshll.u32 s1, $0x11  }
0xbb: {  	s0 =	sor.u32 s1, s0  }
0xbc: {  	s0 =	sadd.s32 $0x8F2B, s0  }
0xbd: {  	[sflag:s0] =	ssyncadd.remote.s32 $0x1  }
0xbe: {  	_ =	sfence.sel $0xFFFF  }
0xbf: {  	[dreg:$0x0] =	wrdreg $0xFFFFFFFF;
	(pc) =	sbr.abs _section_cstart, $3  }
0xc0: {  	[dreg:$0x1] =	wrdreg $0xFFFFFFFF  }
0xc1: {  	_ =	task.clear_ibuf [dreg:s6], $0x2FFFF;
	_ =	strace $0x9FFFFFFF  }
0xc2: {  	(tm) =	ssettm $0x7FFFFFFF  }
0xc3: {  	_ =	shalt  }
tec
execute0_lowered:
.L_overlay_start_1:
0x0: {  	(tag) =	ssettag $0x1  }
0x1: {  	s19 =	rddreg [dreg:$0x0]  }
0x2: {  	s2 =	rddreg [dreg:$0x1]  }
0x3: {  	s1 =	stileid.u32;
	s0 =	rddreg [dreg:$0x2]  }
0x4: {  	s3 =	simm.s32 $0x0;
	s6 =	srdreg.scid;
	s20 =	smul.u32 $0x1400, s1  }
0x5: {  	[smem:$0x7FF] =	sst s3;
	s4 =	smul.u32 $0x5000, s1;
	s21 =	sand.u32 $0x1, s6  }
0x6: {  	s7 =	sshll.u32 s1, $0x6;
	s8 =	sshll.u32 s1, $0x1;
	s6 =	simm.s32 $0x3  }
0x7: {  	_ =	strace $0x8000005F;
	s5 =	sshrl.u32 s20, $0x3;
	s4 =	sshrl.u32 s4, $0x2  }
0x8: {  	s9 =	sor.u32 s21, s8;
	s5 =	sadd.s32 s5, s19;
	s26 =	sadd.s32 s4, s2  }
0x9: {  	s4 =	sadd.s32 $0x2D200, s5;
	s5 =	sor.u32 $0x1C03, s7;
	s7 =	sshrl.u32 s26, $0x3  }
0xa: {  	[spmem:s7], [sflag:s5] =	dma.local [hbm:s4], $0x280  }
0xb: {  	s14 =	sadd.s32 $0x4C00, s19;
	s10 =	smul.u32 $0x140, s9;
	_ =	swait.ge [sflag:s6], $0x280  }
0xc: {  	s12 =	sadd.s32 $0x2CC00, s19;
	s11 =	smul.u32 $0x1400, s9;
	[sflag:s6] =	ssyncset.done $0x0  }
0xd: {  	s9 =	simm.s32 $0x1400;
	s28 =	sshrl.u32 s10, $0x3;
	[sflag:s6] =	ssyncadd.s32 $0xFFFFFD80  }
0xe: {  	s13 =	sadd.s32 $0xA0, s10;
	s8 =	sadd.s32 s12, s28;
	[bflag:$0x0] =	sbarrier.arrive $0xFFFF  }
0xf: {  	[tilespmem:s9], [sflag:$0x1] =	stream.linear.gather [hbm4b:s8+s3], $0xA0, $0x38;
	[tilespmem:$0xB600] =	vst v63  }
0x10: {  	s10 =	sadd.s32 s14, s11;
	s11 =	simm.s32 $0x1600;
	s15 =	sshrl.u32 s13, $0x3  }
0x11: {  	[tilespmem:s11], [sflag:$0x1] =	stream.linear.gather [hbm4b:s10+s3], $0x5000, $0x38;
	[tilespmem:$0xB600] =	vst v63  }
0x12: {  	s29 =	sshll.u32 s13, $0x4;
	s13 =	simm.s32 $0x1500;
	s12 =	sadd.s32 s12, s15  }
0x13: {  	[tilespmem:s13], [sflag:$0x2] =	stream.linear.gather [hbm4b:s12+s3], $0xA0, $0x38;
	[tilespmem:$0xB600] =	vst v63  }
0x14: {  	s16 =	simm.s32 $0x1;
	s14 =	sadd.s32 s14, s29;
	s15 =	simm.s32 $0x6600  }
0x15: {  	[tilespmem:s15], [sflag:$0x2] =	stream.linear.gather [hbm4b:s14+s3], $0x5000, $0x38;
	[tilespmem:$0xB600] =	vst v63  }
0x16: {  	_ =	swait.ge [sflag:s16], $0xA0  }
0x17: {  	[sflag:s16] =	ssyncset.done $0x0  }
0x18: {  	[sflag:s16] =	ssyncadd.s32 $0xFFFFFF60  }
0x19: {  	_ =	swait.ge [sflag:s16], $0x5000  }
0x1a: {  	[sflag:s16] =	ssyncset.done $0x0  }
0x1b: {  	s17 =	simm.s32 $0xA0;
	[sflag:s16] =	ssyncadd.s32 $0xFFFFB000  }
0x1c: {  	[spmem:s2] =	stream.indirect.scatter.add.f32 [tilespmem:s11], [sflag:$0x3], $0x80, s9, s17, $0xb8;
	[tilespmem:$0xB600] =	vst v63  }
0x1d: {  	_ =	swait.ge [sflag:s6], $0x5000  }
0x1e: {  	[sflag:s6] =	ssyncset.done $0x0  }
0x1f: {  	s18 =	simm.s32 $0x2;
	[sflag:s6] =	ssyncadd.s32 $0xFFFFB000  }
0x20: {  	_ =	swait.ge [sflag:s18], $0xA0  }
0x21: {  	[sflag:s18] =	ssyncset.done $0x0  }
0x22: {  	s22 =	smul.u32 $0x14000, s21;
	[sflag:s18] =	ssyncadd.s32 $0xFFFFFF60  }
0x23: {  	s21 =	ssub.s32 $0x2, s21;
	_ =	swait.ge [sflag:s18], $0x5000  }
0x24: {  	s30 =	sshrl.u32 s21, $0x1;
	s20 =	sadd.s32 s20, s22;
	[sflag:s18] =	ssyncset.done $0x0  }
0x25: {  	s31 =	ssub.s32 s21, s30;
	s20 =	sshrl.u32 s20, $0x3;
	[sflag:s18] =	ssyncadd.s32 $0xFFFFB000  }
0x26: {  	[spmem:s2] =	stream.indirect.scatter.add.f32 [tilespmem:s15], [sflag:$0x3], $0x80, s13, s17, $0xb8;
	[tilespmem:$0xB600] =	vst v63  }
0x27: {  	s19 =	sadd.s32 s20, s19;
	s20 =	smax.u32 s31, $0x1;
	_ =	swait.ge [sflag:s6], $0x5000  }
0x28: {  	p0 =	sne.s32 s20, $0x1;
	[sflag:s6] =	ssyncset.done $0x0  }
.Ltmp0:
0x29: {  	[sflag:s6] =	ssyncadd.s32 $0xFFFFB000;
	(pc) =	sbr.rel @!p0 .LBB2_2-.Ltmp0, $4  }
0x2a: {  	s19 =	sadd.s32 $0x2FA00, s19;
	[bflag:$0x0] =	sbarrier.arrive $0xFFFF  }
0x2b: {  	[hbm:s19], [sflag:s5] =	dma.local [spmem:s7], $0x280  }
0x2c: {  	_ =	swait.ge [sflag:s6], $0x280  }
0x2d: {  	s20 =	sadd.s32 $0xFFFFFFFF, s20;
	[sflag:s6] =	ssyncset.done $0x0  }
.LBB2_1:
0x2e: {  	p0 =	sne.s32 s20, $0x1;
	s20 =	sadd.s32 $0xFFFFFFFF, s20;
	[sflag:s6] =	ssyncadd.s32 $0xFFFFFD80  }
0x2f: {  	[spmem:s7], [sflag:s5] =	dma.local [hbm:s4], $0x280  }
0x30: {  	_ =	swait.ge [sflag:s6], $0x280  }
0x31: {  	[sflag:s6] =	ssyncset.done $0x0  }
0x32: {  	[sflag:s6] =	ssyncadd.s32 $0xFFFFFD80  }
0x33: {  	[bflag:$0x0] =	sbarrier.arrive $0xFFFF  }
0x34: {  	[tilespmem:s9], [sflag:$0x1] =	stream.linear.gather [hbm4b:s8+s3], $0xA0, $0x38;
	[tilespmem:$0xB600] =	vst v63  }
0x35: {  	_ = 	snop  }
0x36: {  	[tilespmem:s11], [sflag:$0x1] =	stream.linear.gather [hbm4b:s10+s3], $0x5000, $0x38;
	[tilespmem:$0xB600] =	vst v63  }
0x37: {  	_ = 	snop  }
0x38: {  	[tilespmem:s13], [sflag:$0x2] =	stream.linear.gather [hbm4b:s12+s3], $0xA0, $0x38;
	[tilespmem:$0xB600] =	vst v63  }
0x39: {  	_ = 	snop  }
0x3a: {  	[tilespmem:s15], [sflag:$0x2] =	stream.linear.gather [hbm4b:s14+s3], $0x5000, $0x38;
	[tilespmem:$0xB600] =	vst v63  }
0x3b: {  	_ =	swait.ge [sflag:s16], $0xA0  }
0x3c: {  	[sflag:s16] =	ssyncset.done $0x0  }
0x3d: {  	[sflag:s16] =	ssyncadd.s32 $0xFFFFFF60  }
0x3e: {  	_ =	swait.ge [sflag:s16], $0x5000  }
0x3f: {  	[sflag:s16] =	ssyncset.done $0x0  }
0x40: {  	[sflag:s16] =	ssyncadd.s32 $0xFFFFB000  }
0x41: {  	[spmem:s2] =	stream.indirect.scatter.add.f32 [tilespmem:s11], [sflag:$0x3], $0x80, s9, s17, $0xb8;
	[tilespmem:$0xB600] =	vst v63  }
0x42: {  	_ =	swait.ge [sflag:s6], $0x5000  }
0x43: {  	[sflag:s6] =	ssyncset.done $0x0  }
0x44: {  	[sflag:s6] =	ssyncadd.s32 $0xFFFFB000  }
0x45: {  	_ =	swait.ge [sflag:s18], $0xA0  }
0x46: {  	[sflag:s18] =	ssyncset.done $0x0  }
0x47: {  	[sflag:s18] =	ssyncadd.s32 $0xFFFFFF60  }
0x48: {  	_ =	swait.ge [sflag:s18], $0x5000  }
0x49: {  	[sflag:s18] =	ssyncset.done $0x0  }
0x4a: {  	[sflag:s18] =	ssyncadd.s32 $0xFFFFB000  }
0x4b: {  	[spmem:s2] =	stream.indirect.scatter.add.f32 [tilespmem:s15], [sflag:$0x3], $0x80, s13, s17, $0xb8;
	[tilespmem:$0xB600] =	vst v63  }
0x4c: {  	_ =	swait.ge [sflag:s6], $0x5000  }
0x4d: {  	[sflag:s6] =	ssyncset.done $0x0  }
.Ltmp1:
0x4e: {  	[sflag:s6] =	ssyncadd.s32 $0xFFFFB000;
	(pc) =	sbr.rel @p0 .LBB2_1-.Ltmp1, $4  }
0x4f: {  	[bflag:$0x0] =	sbarrier.arrive $0xFFFF  }
0x50: {  	[hbm:s19], [sflag:s5] =	dma.local [spmem:s7], $0x280  }
0x51: {  	_ =	swait.ge [sflag:s6], $0x280  }
0x52: {  	[sflag:s6] =	ssyncset.done $0x0  }
.LBB2_2:
0x53: {  	[sflag:s6] =	ssyncadd.s32 $0xFFFFFD80  }
0x54: {  	_ =	sfence.sel $0x180000  }
0x55: {  	[bflag:$0x0] =	sbarrier.arrive $0xFFFF  }
0x56: {  	p0 =	sne.s32 s1, $0x0;
	_ =	strace $0x9000005F  }
0x57: {  	s0 =	sadd.s32 @!p0 $0x100000, s0;
	[bflag:$0x2] =	sbarrier.arrive $0xFFFF  }
0x58: {  	[sflag:s0] =	ssyncadd.tile.s32 @!p0 $0x1;
	_ =	shalt  }
.Lfunc_end2:
_tile_overlayer_lowered:
.L_overlay_start_2:
0x59: {  	(tag) =	ssettag $0x2  }
0x5a: {  	s0 =	rddreg [dreg:$0x0];
	s2 =	stileid.u32  }
0x5b: {  	s1 =	rddreg [dreg:$0x1];
	p0 =	sne.s32 s2, $0x0  }
0x5c: {  	s3 =	rddreg [dreg:$0x2];
	[bflag:$0x3] =	sbarrier.arrive $0xFFFF;
	s2 =	simm.s32 @!p0 $0x1C03  }
0x5d: {  	[timem:s3], [sflag:s2] =	dma.local @!p0 [hbm:s0], s1  }
0x5e: {  	s0 =	simm.s32 @!p0 $0x3  }
0x5f: {  	_ =	swait.ge @!p0 [sflag:s0], s1  }
0x60: {  	s1 =	ssub.s32 @!p0 $0x0, s1;
	[sflag:s0] =	ssyncset.done @!p0 $0x0  }
0x61: {  	[sflag:s0] =	ssyncadd.s32 @!p0 s1  }
0x62: {  	[bflag:$0x3] =	sbarrier.arrive $0xFFFF  }
0x63: {  	_ =	shalt  }

</sc_bundles>
